<compile_context>
chip_gen: v7x
topology: tpu7x:2x2x1
jax: 0.10.2.dev20260603
libtpu: 0.0.44.dev20260713+nightly
codegen_flags: <defaults>
</compile_context>

<pallas_src>
import functools
import jax, jax.numpy as jnp
from jax import lax
from jax.experimental import pallas as pl
from jax.experimental.pallas import tpu as pltpu, tpu_sc as plsc

N = 10000
DEG = 16
C = 128
T = 3
H = 128
COUT = 128
EPS = 0.01

NC = 2
NS = 16
NW = NC * NS
NPAD = 10240
NODES_PW = NPAD // NW
CH = 32
NCHUNK = NODES_PW // CH

EMB_PW = 3 * NPAD // NW
ECH = 240
ENCHUNK = EMB_PW // ECH



@functools.partial(
    pl.kernel,
    out_type=[
        jax.ShapeDtypeStruct((NPAD, 128), jnp.int32),
        jax.ShapeDtypeStruct((NPAD * DEG, 128), jnp.float32),
    ],
    mesh=plsc.VectorSubcoreMesh(core_axis_name="c", subcore_axis_name="s"),
    scratch_types=[
        pltpu.VMEM((CH,), jnp.int32),
        pltpu.VMEM((CH, 128), jnp.int32),
        pltpu.VMEM((CH * DEG,), jnp.int32),
        pltpu.VMEM((CH * DEG, 128), jnp.float32),
        pltpu.SemaphoreType.DMA,
        pltpu.SemaphoreType.DMA,
    ],
)
def _sc_gather(cur_hbm, dst2_hbm, proj_hbm, cand_hbm, g_hbm,
               cur_v, cand_v, candf_v, g_v, sem1, sem2):
    wid = lax.axis_index("s") * NC + lax.axis_index("c")
    row0 = wid * NODES_PW

    @pl.loop(0, NCHUNK)
    def _chunk(k):
        r = row0 + k * CH
        pltpu.sync_copy(cur_hbm.at[pl.ds(r, CH)], cur_v)
        pltpu.async_copy(dst2_hbm.at[cur_v], cand_v, sem1).wait()
        pltpu.sync_copy(cand_v, cand_hbm.at[pl.ds(r, CH)])
        for i in range(CH):
            candf_v[pl.ds(i * DEG, DEG)] = cand_v[i, pl.ds(0, DEG)]
        pltpu.async_copy(proj_hbm.at[candf_v], g_v, sem2).wait()
        pltpu.sync_copy(g_v, g_hbm.at[pl.ds(r * DEG, CH * DEG)])



@functools.partial(
    pl.kernel,
    out_type=jax.ShapeDtypeStruct((3 * NPAD, 128), jnp.float32),
    mesh=plsc.VectorSubcoreMesh(core_axis_name="c", subcore_axis_name="s"),
    scratch_types=[
        pltpu.VMEM((ECH,), jnp.int32),
        pltpu.VMEM((ECH, 128), jnp.float32),
        pltpu.SemaphoreType.DMA,
    ],
)
def _sc_emb_gather(idx_hbm, na_hbm, emb_hbm, idx_v, emb_v, sem):
    wid = lax.axis_index("s") * NC + lax.axis_index("c")
    row0 = wid * EMB_PW

    @pl.loop(0, ENCHUNK)
    def _chunk(k):
        r = row0 + k * ECH
        pltpu.sync_copy(idx_hbm.at[pl.ds(r, ECH)], idx_v)
        pltpu.async_copy(na_hbm.at[idx_v], emb_v, sem).wait()
        pltpu.sync_copy(emb_v, emb_hbm.at[pl.ds(r, ECH)])



def _proj_body(na_ref, w_ref, base_ref, proj_ref):
    a = na_ref[...].astype(jnp.bfloat16)
    for s in range(1 + T):
        ws = w_ref[s].astype(jnp.bfloat16)
        d = jax.lax.dot_general(a, ws, (((1,), (0,)), ((), ())),
                                preferred_element_type=jnp.float32)
        if s == 0:
            base_ref[...] = d
        else:
            proj_ref[s - 1, :, 0:64] = d
            proj_ref[s - 1, :, 64:128] = jnp.zeros_like(d)


def _proj(node_attr, W, block=1000):
    n = node_attr.shape[0]
    base, proj = pl.pallas_call(
        _proj_body,
        grid=(n // block,),
        in_specs=[
            pl.BlockSpec((block, 128), lambda i: (i, 0)),
            pl.BlockSpec((1 + T, 128, 64), lambda i: (0, 0, 0)),
        ],
        out_specs=[
            pl.BlockSpec((block, 64), lambda i: (i, 0)),
            pl.BlockSpec((T, block, 128), lambda i: (0, i, 0)),
        ],
        out_shape=[
            jax.ShapeDtypeStruct((n, 64), jnp.float32),
            jax.ShapeDtypeStruct((T, n, 128), jnp.float32),
        ],
    )(node_attr, W)
    return base, proj



def _step_body(g_ref, base_ref, cand_ref, noise_ref, w2_ref, b2_ref, b1_ref,
               cur_out_ref, base_out_ref):
    base = base_ref[...]
    b1 = b1_ref[...]
    w2b = w2_ref[...].astype(jnp.bfloat16)
    b2 = b2_ref[0, 0]
    cols = []
    for d in range(DEG):
        gd = g_ref[:, d, 0:64]
        pre = (base + gd) + b1
        hid = jnp.maximum(pre, 0.0).astype(jnp.bfloat16)
        col = jax.lax.dot_general(hid, w2b, (((1,), (0,)), ((), ())),
                                  preferred_element_type=jnp.float32)
        cols.append(col + b2)
    logp = jnp.concatenate(cols, axis=1)
    amax = jnp.max(logp, axis=1, keepdims=True)
    amax = jnp.where(jnp.isfinite(amax), amax, 0.0)
    norm = jnp.log(jnp.sum(jnp.exp(logp - amax), axis=1, keepdims=True)) + amax
    p = jnp.exp(logp - norm)
    p = p + noise_ref[...]
    m = jnp.max(p, axis=1, keepdims=True)
    iota = jax.lax.broadcasted_iota(jnp.int32, p.shape, 1)
    idx = jnp.min(jnp.where(p >= m, iota, DEG), axis=1, keepdims=True)
    onehot = iota == idx
    cand16 = cand_ref[...][:, 0:DEG]
    cur = jnp.sum(jnp.where(onehot, cand16, 0), axis=1, keepdims=True)
    cur_out_ref[...] = jnp.broadcast_to(cur, cur_out_ref.shape)
    gsel = jnp.zeros_like(base)
    for d in range(DEG):
        gsel = gsel + jnp.where(idx == d, g_ref[:, d, 0:64], 0.0)
    base_out_ref[...] = base + gsel


def _select_step(g, base, cand, noise, w2, b2, b1, block=1024):
    n = g.shape[0]
    grid = n // block
    cur8, base_new = pl.pallas_call(
        _step_body,
        grid=(grid,),
        in_specs=[
            pl.BlockSpec((block, DEG, 128), lambda i: (i, 0, 0)),
            pl.BlockSpec((block, 64), lambda i: (i, 0)),
            pl.BlockSpec((block, 128), lambda i: (i, 0)),
            pl.BlockSpec((block, DEG), lambda i: (i, 0)),
            pl.BlockSpec((64, 1), lambda i: (0, 0)),
            pl.BlockSpec((1, 1), lambda i: (0, 0)),
            pl.BlockSpec((1, 64), lambda i: (0, 0)),
        ],
        out_specs=[
            pl.BlockSpec((block, 8), lambda i: (i, 0)),
            pl.BlockSpec((block, 64), lambda i: (i, 0)),
        ],
        out_shape=[
            jax.ShapeDtypeStruct((n, 8), jnp.int32),
            jax.ShapeDtypeStruct((n, 64), jnp.float32),
        ],
    )(g, base, cand, noise, w2, b2, b1)
    return cur8[:, 0], base_new



def _gru_body(x0_ref, e_ref, wi_ref, wh_ref, bi_ref, bh_ref, ow_ref, ob_ref,
              out_ref):
    wi = wi_ref[...].astype(jnp.bfloat16)
    wh = wh_ref[...].astype(jnp.bfloat16)
    bi = bi_ref[...]
    bh = bh_ref[...]
    h = jnp.zeros((x0_ref.shape[0], H), jnp.float32)
    for step in range(1 + T):
        x = x0_ref[...] if step == 0 else e_ref[step - 1]
        gi = jax.lax.dot_general(x.astype(jnp.bfloat16), wi,
                                 (((1,), (0,)), ((), ())),
                                 preferred_element_type=jnp.float32) + bi
        gh = jax.lax.dot_general(h.astype(jnp.bfloat16), wh,
                                 (((1,), (0,)), ((), ())),
                                 preferred_element_type=jnp.float32) + bh
        r = jax.nn.sigmoid(gi[:, 0:H] + gh[:, 0:H])
        z = jax.nn.sigmoid(gi[:, H:2 * H] + gh[:, H:2 * H])
        ncand = jnp.tanh(gi[:, 2 * H:3 * H] + r * gh[:, 2 * H:3 * H])
        h = (1.0 - z) * ncand + z * h
    out = jax.lax.dot_general(h.astype(jnp.bfloat16),
                              ow_ref[...].astype(jnp.bfloat16),
                              (((1,), (0,)), ((), ())),
                              preferred_element_type=jnp.float32)
    out_ref[...] = out + ob_ref[...]


def _gru(node_attr, emb3, gru_wi, gru_wh, gru_bi, gru_bh, out_w, out_b,
         block=1000):
    n = node_attr.shape[0]
    return pl.pallas_call(
        _gru_body,
        grid=(n // block,),
        in_specs=[
            pl.BlockSpec((block, C), lambda i: (i, 0)),
            pl.BlockSpec((T, block, C), lambda i: (0, i, 0)),
            pl.BlockSpec((C, 3 * H), lambda i: (0, 0)),
            pl.BlockSpec((H, 3 * H), lambda i: (0, 0)),
            pl.BlockSpec((1, 3 * H), lambda i: (0, 0)),
            pl.BlockSpec((1, 3 * H), lambda i: (0, 0)),
            pl.BlockSpec((H, COUT), lambda i: (0, 0)),
            pl.BlockSpec((1, COUT), lambda i: (0, 0)),
        ],
        out_specs=pl.BlockSpec((block, COUT), lambda i: (i, 0)),
        out_shape=jax.ShapeDtypeStruct((n, COUT), jnp.float32),
    )(node_attr, emb3, gru_wi, gru_wh, gru_bi.reshape(1, 3 * H),
      gru_bh.reshape(1, 3 * H), out_w, out_b.reshape(1, COUT))



def kernel(node_attr, edge_index, slices, mlp_w1, mlp_b1, mlp_w2, mlp_b2,
           gru_wi, gru_wh, gru_bi, gru_bh, out_w, out_b):
    n, c = node_attr.shape
    dst2 = edge_index[1].reshape(n, DEG).astype(jnp.int32)
    dst2p = jnp.pad(dst2, ((0, 0), (0, 128 - DEG)))

    W = mlp_w1.reshape(1 + T, c, 64)
    base0, proj = _proj(node_attr, W)
    base = jnp.concatenate([base0, jnp.zeros((NPAD - n, 64), jnp.float32)], 0)
    nkey = jax.random.key(1234)
    b1r = mlp_b1.reshape(1, 64)
    w2r = mlp_w2.reshape(64, 1)
    b2r = mlp_b2.reshape(1, 1)
    cur = jnp.concatenate([jnp.arange(n, dtype=jnp.int32),
                           jnp.zeros(NPAD - n, jnp.int32)])
    walk_nodes = []
    for ts in range(T):
        cand, gflat = _sc_gather(cur, dst2p, proj[ts])
        g = gflat.reshape(NPAD, DEG, 128)
        noise = EPS * jax.random.normal(jax.random.fold_in(nkey, ts), (n, DEG),
                                        dtype=jnp.float32)
        noise = jnp.concatenate([noise, jnp.zeros((NPAD - n, DEG), jnp.float32)], 0)
        cur, base = _select_step(g, base, cand, noise, w2r, b2r, b1r)
        walk_nodes.append(cur)
    wflat = jnp.concatenate(walk_nodes)
    emb = _sc_emb_gather(wflat, node_attr)
    emb3 = emb.reshape(T, NPAD, C)
    return _gru(node_attr, emb3, gru_wi, gru_wh, gru_bi, gru_bh, out_w, out_b)

# --- scband reference (transcript-rebuilt; emitter-appended) ---
"""Pipeline reference for scband-diff-gcn-46351287058748 (READ-ONLY COPY).

The authoritative reference and input builder live on the scoring server;
editing this copy changes nothing except your own understanding.
"""

import jax, jax.numpy as jnp
import numpy as np

N = 10000
DEG = 16
C = 128
T = 3
H = 128
COUT = 128
EPS = 0.01


def setup_inputs(seed: int = 0):
    key = jax.random.key(seed)
    ks = jax.random.split(key, 8)
    node_attr = jax.random.normal(ks[0], (N, C), dtype=jnp.float32)
    # CSR-style edge list: src sorted, uniform degree DEG per node
    src = jnp.repeat(jnp.arange(N), DEG)
    dst = jax.random.randint(ks[1], (N * DEG,), 0, N)
    edge_index = jnp.stack([src, dst], axis=0)
    # slices[i] = (start_offset, count) into edge_index columns for node i
    slices = jnp.stack([jnp.arange(N) * DEG, jnp.full((N,), DEG, dtype=jnp.int32)], axis=1)
    mlp_w1 = jax.random.normal(ks[2], (C * (1 + T), 64), dtype=jnp.float32) * 0.04
    mlp_b1 = jnp.zeros((64,), dtype=jnp.float32)
    mlp_w2 = jax.random.normal(ks[3], (64, 1), dtype=jnp.float32) * 0.1
    mlp_b2 = jnp.zeros((1,), dtype=jnp.float32)
    gru_wi = jax.random.normal(ks[4], (C, 3 * H), dtype=jnp.float32) * 0.05
    gru_wh = jax.random.normal(ks[5], (H, 3 * H), dtype=jnp.float32) * 0.05
    gru_bi = jnp.zeros((3 * H,), dtype=jnp.float32)
    gru_bh = jnp.zeros((3 * H,), dtype=jnp.float32)
    out_w = jax.random.normal(ks[6], (H, COUT), dtype=jnp.float32) * 0.05
    out_b = jnp.zeros((COUT,), dtype=jnp.float32)
    return {"node_attr": node_attr, "edge_index": edge_index, "slices": slices,
            "mlp_w1": mlp_w1, "mlp_b1": mlp_b1, "mlp_w2": mlp_w2, "mlp_b2": mlp_b2,
            "gru_wi": gru_wi, "gru_wh": gru_wh, "gru_bi": gru_bi, "gru_bh": gru_bh,
            "out_w": out_w, "out_b": out_b}


def _mlp(x, w1, b1, w2, b2):
    h = jnp.maximum(x @ w1 + b1, 0.0)
    return (h @ w2 + b2)[:, 0]


def _forward(node_attr, mlp_w1, mlp_b1, mlp_w2, mlp_b2, gru_wi, gru_wh, gru_bi, gru_bh, out_w, out_b, edge_index, slices):
    n, c = node_attr.shape
    starts = slices[:, 0]
    dst = edge_index[1]
    walks = jnp.arange(n)[:, None]
    walk_embeds = jnp.zeros((n, 1 + T, c), dtype=node_attr.dtype).at[:, 0, :].set(node_attr)
    nkey = jax.random.key(1234)
    for ts in range(T):
        cur = walks[:, -1]
        # slice_cat(adj, adj_slic_t) with uniform degree -> gather candidate neighbors
        cand = dst[starts[cur][:, None] + jnp.arange(DEG)[None, :]]  # [n, DEG]
        v_t = jnp.take(node_attr, cand, axis=0)  # [n, DEG, c]
        # repeat_cat(walk_embeds, counts) -> broadcast each walk DEG times
        we_rep = jnp.broadcast_to(walk_embeds[:, None, :, :], (n, DEG, 1 + T, c))
        we_rep = we_rep.at[:, :, 1 + ts, :].set(v_t)
        flat = we_rep.reshape(n * DEG, (1 + T) * c)
        # diff_mlp is evaluated under torch.no_grad() -> stop_gradient
        logp = jax.lax.stop_gradient(_mlp(flat, mlp_w1, mlp_b1, mlp_w2, mlp_b2)).reshape(n, DEG)
        # scatter_logsumexp over init_vs == per-walk logsumexp (groups of DEG)
        norm = jax.scipy.special.logsumexp(logp, axis=1, keepdims=True)
        p = jnp.exp(logp - norm)
        p = p + EPS * jax.random.normal(jax.random.fold_in(nkey, ts), p.shape, dtype=p.dtype)
        # scatter_max over init_vs == per-walk argmax over candidates
        sel = jnp.argmax(p, axis=1)
        walks_t = jnp.take_along_axis(cand, sel[:, None], axis=1)[:, 0]
        walks = jnp.concatenate([walks, walks_t[:, None]], axis=1)
        walk_embeds = walk_embeds.at[:, 1 + ts, :].set(jnp.take(node_attr, walks_t, axis=0))
    # GRUAggr: 1-layer GRU (hidden=128) over walk sequence, linear readout
    h = jnp.zeros((n, H), dtype=node_attr.dtype)
    for step in range(1 + T):
        x = walk_embeds[:, step, :]
        gi = x @ gru_wi + gru_bi
        gh = h @ gru_wh + gru_bh
        ir, iz, inn = jnp.split(gi, 3, axis=1)
        hr, hz, hn = jnp.split(gh, 3, axis=1)
        r = jax.nn.sigmoid(ir + hr)
        z = jax.nn.sigmoid(iz + hz)
        ncand = jnp.tanh(inn + r * hn)
        h = (1.0 - z) * ncand + z * h
    return h @ out_w + out_b


def reference(node_attr, edge_index, slices, mlp_w1, mlp_b1, mlp_w2, mlp_b2, gru_wi, gru_wh, gru_bi, gru_bh, out_w, out_b):
    return _forward(node_attr, mlp_w1, mlp_b1, mlp_w2, mlp_b2, gru_wi, gru_wh, gru_bi, gru_bh, out_w, out_b, edge_index, slices)

if __name__ == "__main__":
    import jax
    _d = setup_inputs()
    print(jax.jit(kernel)(*tuple(_d.values())))

</pallas_src>

<mosaic_0001>
#map = affine_map<(d0, d1) -> (0)>
#map1 = affine_map<(d0, d1) -> (0, 0)>
module attributes {stable_mosaic.version = 14 : i64} {
  func.func @_sc_gather(%arg0: i32, %arg1: i32, %arg2: memref<10240xi32, #tpu.memory_space<hbm>>, %arg3: memref<10000x128xi32, #tpu.memory_space<hbm>>, %arg4: memref<10000x128xf32, #tpu.memory_space<hbm>>, %arg5: memref<10240x128xi32, #tpu.memory_space<hbm>>, %arg6: memref<163840x128xf32, #tpu.memory_space<hbm>>, %arg7: memref<32xi32, #tpu.memory_space<vmem>>, %arg8: memref<32x128xi32, #tpu.memory_space<vmem>>, %arg9: memref<512xi32, #tpu.memory_space<vmem>>, %arg10: memref<512x128xf32, #tpu.memory_space<vmem>>, %arg11: memref<!tpu.dma_semaphore, #tpu.memory_space<semaphore_mem>>, %arg12: memref<!tpu.dma_semaphore, #tpu.memory_space<semaphore_mem>>) attributes {dimension_semantics = [#tpu.dimension_semantics<core_parallel>, #tpu.dimension_semantics<subcore_parallel>], iteration_bounds = array<i64: 2, 16>, scalar_prefetch = 0 : i64, scratch_operands = 6 : i64, tpu.core_type = #tpu.core_type<sc_vector_subcore>, window_params = [{transform_indices = #map}, {transform_indices = #map1}, {transform_indices = #map1}, {transform_indices = #map1}, {transform_indices = #map1}]} {
    %mul3A = arith.constant 2 : i32
    %mul3A_0 = arith.muli %arg1, %mul3A : i32
    %add3A = arith.addi %mul3A_0, %arg0 : i32
    %mul3A_1 = arith.constant 320 : i32
    %mul3A_2 = arith.muli %add3A, %mul3A_1 : i32
    %scan3A = arith.constant 0 : i32
    %scan3A_3 = arith.constant 10 : i32
    %scan3A_4 = arith.addi %scan3A, %scan3A_3 : i32
    %scan3A_5 = arith.constant 1 : i32
    scf.for %scan3A_7 = %scan3A to %scan3A_4 step %scan3A_5  : i32 {
      %mul3A_8 = arith.constant 1 : i32
      %mul3A_9 = arith.muli %scan3A_7, %mul3A_8 : i32
      %add3A_10 = arith.constant 0 : i32
      %add3A_11 = arith.addi %add3A_10, %mul3A_9 : i32
      %mul3A_12 = arith.constant 32 : i32
      %mul3A_13 = arith.muli %add3A_11, %mul3A_12 : i32
      %add3A_14 = arith.addi %mul3A_2, %mul3A_13 : i32
      "tpu.region"() ({
        %run_scoped3A = tpu.sem_alloc : memref<!tpu.dma_semaphore, #tpu.memory_space<semaphore_mem>>
        %dma_start3A_313 = tpu.memref_slice %arg2[%add3A_14] : memref<10240xi32, #tpu.memory_space<hbm>> -> memref<32xi32, #tpu.memory_space<hbm>>
        %dma_start3A_314 = tpu.memref_slice %arg2[%add3A_14] : memref<10240xi32, #tpu.memory_space<hbm>> -> memref<32xi32, #tpu.memory_space<hbm>>
        tpu.enqueue_dma source(%dma_start3A_314 : memref<32xi32, #tpu.memory_space<hbm>>) target(%arg7 : memref<32xi32, #tpu.memory_space<vmem>>) target_semaphore(%run_scoped3A : memref<!tpu.dma_semaphore, #tpu.memory_space<semaphore_mem>>)
        %dma_wait3A_315 = tpu.memref_slice %arg2[%add3A_14] : memref<10240xi32, #tpu.memory_space<hbm>> -> memref<32xi32, #tpu.memory_space<hbm>>
        %dma_wait3A_316 = tpu.memref_slice %arg2[%add3A_14] : memref<10240xi32, #tpu.memory_space<hbm>> -> memref<32xi32, #tpu.memory_space<hbm>>
        tpu.wait_dma2 semaphore(%run_scoped3A : memref<!tpu.dma_semaphore, #tpu.memory_space<semaphore_mem>>) src(%dma_wait3A_316 : memref<32xi32, #tpu.memory_space<hbm>>) dst(%arg7 : memref<32xi32, #tpu.memory_space<vmem>>)
        tpu.yield
      }) : () -> ()
      %dma_start3A = arith.constant 0 : i32
      %dma_start3A_15 = arith.constant 0 : i32
      %dma_start3A_16 = tpu.memref_slice %arg3[%dma_start3A, %dma_start3A_15] : memref<10000x128xi32, #tpu.memory_space<hbm>> -> memref<10000x128xi32, #tpu.memory_space<hbm>>
      tpu.enqueue_indirect_dma source(%dma_start3A_16 : memref<10000x128xi32, #tpu.memory_space<hbm>>) target(%arg8 : memref<32x128xi32, #tpu.memory_space<vmem>>) offsets(%arg7 : memref<32xi32, #tpu.memory_space<vmem>>) semaphore(%arg11 : memref<!tpu.dma_semaphore, #tpu.memory_space<semaphore_mem>>)
      %dma_wait3A = arith.constant 0 : i32
      %dma_wait3A_17 = arith.constant 0 : i32
      %dma_wait3A_18 = tpu.memref_slice %arg3[%dma_wait3A, %dma_wait3A_17] : memref<10000x128xi32, #tpu.memory_space<hbm>> -> memref<10000x128xi32, #tpu.memory_space<hbm>>
      tpu.wait_indirect_dma semaphore(%arg11 : memref<!tpu.dma_semaphore, #tpu.memory_space<semaphore_mem>>) src(%dma_wait3A_18 : memref<10000x128xi32, #tpu.memory_space<hbm>>) dst(%arg8 : memref<32x128xi32, #tpu.memory_space<vmem>>)
      "tpu.region"() ({
        %run_scoped3A = tpu.sem_alloc : memref<!tpu.dma_semaphore, #tpu.memory_space<semaphore_mem>>
        %dma_start3A_313 = arith.constant 0 : i32
        %dma_start3A_314 = tpu.memref_slice %arg5[%add3A_14, %dma_start3A_313] : memref<10240x128xi32, #tpu.memory_space<hbm>> -> memref<32x128xi32, #tpu.memory_space<hbm>>
        %dma_start3A_315 = arith.constant 0 : i32
        %dma_start3A_316 = tpu.memref_slice %arg5[%add3A_14, %dma_start3A_315] : memref<10240x128xi32, #tpu.memory_space<hbm>> -> memref<32x128xi32, #tpu.memory_space<hbm>>
        tpu.enqueue_dma source(%arg8 : memref<32x128xi32, #tpu.memory_space<vmem>>) target(%dma_start3A_316 : memref<32x128xi32, #tpu.memory_space<hbm>>) target_semaphore(%run_scoped3A : memref<!tpu.dma_semaphore, #tpu.memory_space<semaphore_mem>>)
        %dma_wait3A_317 = arith.constant 0 : i32
        %dma_wait3A_318 = tpu.memref_slice %arg5[%add3A_14, %dma_wait3A_317] : memref<10240x128xi32, #tpu.memory_space<hbm>> -> memref<32x128xi32, #tpu.memory_space<hbm>>
        %dma_wait3A_319 = arith.constant 0 : i32
        %dma_wait3A_320 = tpu.memref_slice %arg5[%add3A_14, %dma_wait3A_319] : memref<10240x128xi32, #tpu.memory_space<hbm>> -> memref<32x128xi32, #tpu.memory_space<hbm>>
        tpu.wait_dma2 semaphore(%run_scoped3A : memref<!tpu.dma_semaphore, #tpu.memory_space<semaphore_mem>>) src(%arg8 : memref<32x128xi32, #tpu.memory_space<vmem>>) dst(%dma_wait3A_320 : memref<32x128xi32, #tpu.memory_space<hbm>>)
        tpu.yield
      }) : () -> ()
      %get3A = arith.constant 0 : i32
      %get3A_19 = arith.index_cast %get3A : i32 to index
      %get3A_20 = arith.constant 0 : index
      %get3A_21 = tpu.vector_load %arg8[%get3A_19, %get3A_20] {strides = array<i32>} : memref<32x128xi32, #tpu.memory_space<vmem>>, vector<1x16xi32>,
      %get3A_22 = vector.shape_cast %get3A_21 : vector<1x16xi32> to vector<16xi32>
      %swap3A = arith.constant 0 : index
      %swap3A_23 = tpu.vector_load %arg9[%swap3A] {strides = array<i32>} : memref<512xi32, #tpu.memory_space<vmem>>, vector<16xi32>,
      %swap3A_24 = vector.shape_cast %swap3A_23 : vector<16xi32> to vector<16xi32>
      %swap3A_25 = vector.shape_cast %get3A_22 : vector<16xi32> to vector<16xi32>
      tpu.vector_store %arg9[%swap3A], %swap3A_25 {strides = array<i32>} : memref<512xi32, #tpu.memory_space<vmem>>, vector<16xi32>,
      %get3A_26 = arith.constant 1 : i32
      %get3A_27 = arith.index_cast %get3A_26 : i32 to index
      %get3A_28 = arith.constant 0 : index
      %get3A_29 = tpu.vector_load %arg8[%get3A_27, %get3A_28] {strides = array<i32>} : memref<32x128xi32, #tpu.memory_space<vmem>>, vector<1x16xi32>,
      %get3A_30 = vector.shape_cast %get3A_29 : vector<1x16xi32> to vector<16xi32>
      %swap3A_31 = arith.constant 16 : index
      %swap3A_32 = tpu.vector_load %arg9[%swap3A_31] {strides = array<i32>} : memref<512xi32, #tpu.memory_space<vmem>>, vector<16xi32>,
      %swap3A_33 = vector.shape_cast %swap3A_32 : vector<16xi32> to vector<16xi32>
      %swap3A_34 = vector.shape_cast %get3A_30 : vector<16xi32> to vector<16xi32>
      tpu.vector_store %arg9[%swap3A_31], %swap3A_34 {strides = array<i32>} : memref<512xi32, #tpu.memory_space<vmem>>, vector<16xi32>,
      %get3A_35 = arith.constant 2 : i32
      %get3A_36 = arith.index_cast %get3A_35 : i32 to index
      %get3A_37 = arith.constant 0 : index
      %get3A_38 = tpu.vector_load %arg8[%get3A_36, %get3A_37] {strides = array<i32>} : memref<32x128xi32, #tpu.memory_space<vmem>>, vector<1x16xi32>,
      %get3A_39 = vector.shape_cast %get3A_38 : vector<1x16xi32> to vector<16xi32>
      %swap3A_40 = arith.constant 32 : index
      %swap3A_41 = tpu.vector_load %arg9[%swap3A_40] {strides = array<i32>} : memref<512xi32, #tpu.memory_space<vmem>>, vector<16xi32>,
      %swap3A_42 = vector.shape_cast %swap3A_41 : vector<16xi32> to vector<16xi32>
      %swap3A_43 = vector.shape_cast %get3A_39 : vector<16xi32> to vector<16xi32>
      tpu.vector_store %arg9[%swap3A_40], %swap3A_43 {strides = array<i32>} : memref<512xi32, #tpu.memory_space<vmem>>, vector<16xi32>,
      %get3A_44 = arith.constant 3 : i32
      %get3A_45 = arith.index_cast %get3A_44 : i32 to index
      %get3A_46 = arith.constant 0 : index
      %get3A_47 = tpu.vector_load %arg8[%get3A_45, %get3A_46] {strides = array<i32>} : memref<32x128xi32, #tpu.memory_space<vmem>>, vector<1x16xi32>,
      %get3A_48 = vector.shape_cast %get3A_47 : vector<1x16xi32> to vector<16xi32>
      %swap3A_49 = arith.constant 48 : index
      %swap3A_50 = tpu.vector_load %arg9[%swap3A_49] {strides = array<i32>} : memref<512xi32, #tpu.memory_space<vmem>>, vector<16xi32>,
      %swap3A_51 = vector.shape_cast %swap3A_50 : vector<16xi32> to vector<16xi32>
      %swap3A_52 = vector.shape_cast %get3A_48 : vector<16xi32> to vector<16xi32>
      tpu.vector_store %arg9[%swap3A_49], %swap3A_52 {strides = array<i32>} : memref<512xi32, #tpu.memory_space<vmem>>, vector<16xi32>,
      %get3A_53 = arith.constant 4 : i32
      %get3A_54 = arith.index_cast %get3A_53 : i32 to index
      %get3A_55 = arith.constant 0 : index
      %get3A_56 = tpu.vector_load %arg8[%get3A_54, %get3A_55] {strides = array<i32>} : memref<32x128xi32, #tpu.memory_space<vmem>>, vector<1x16xi32>,
      %get3A_57 = vector.shape_cast %get3A_56 : vector<1x16xi32> to vector<16xi32>
      %swap3A_58 = arith.constant 64 : index
      %swap3A_59 = tpu.vector_load %arg9[%swap3A_58] {strides = array<i32>} : memref<512xi32, #tpu.memory_space<vmem>>, vector<16xi32>,
      %swap3A_60 = vector.shape_cast %swap3A_59 : vector<16xi32> to vector<16xi32>
      %swap3A_61 = vector.shape_cast %get3A_57 : vector<16xi32> to vector<16xi32>
      tpu.vector_store %arg9[%swap3A_58], %swap3A_61 {strides = array<i32>} : memref<512xi32, #tpu.memory_space<vmem>>, vector<16xi32>,
      %get3A_62 = arith.constant 5 : i32
      %get3A_63 = arith.index_cast %get3A_62 : i32 to index
      %get3A_64 = arith.constant 0 : index
      %get3A_65 = tpu.vector_load %arg8[%get3A_63, %get3A_64] {strides = array<i32>} : memref<32x128xi32, #tpu.memory_space<vmem>>, vector<1x16xi32>,
      %get3A_66 = vector.shape_cast %get3A_65 : vector<1x16xi32> to vector<16xi32>
      %swap3A_67 = arith.constant 80 : index
      %swap3A_68 = tpu.vector_load %arg9[%swap3A_67] {strides = array<i32>} : memref<512xi32, #tpu.memory_space<vmem>>, vector<16xi32>,
      %swap3A_69 = vector.shape_cast %swap3A_68 : vector<16xi32> to vector<16xi32>
      %swap3A_70 = vector.shape_cast %get3A_66 : vector<16xi32> to vector<16xi32>
      tpu.vector_store %arg9[%swap3A_67], %swap3A_70 {strides = array<i32>} : memref<512xi32, #tpu.memory_space<vmem>>, vector<16xi32>,
      %get3A_71 = arith.constant 6 : i32
      %get3A_72 = arith.index_cast %get3A_71 : i32 to index
      %get3A_73 = arith.constant 0 : index
      %get3A_74 = tpu.vector_load %arg8[%get3A_72, %get3A_73] {strides = array<i32>} : memref<32x128xi32, #tpu.memory_space<vmem>>, vector<1x16xi32>,
      %get3A_75 = vector.shape_cast %get3A_74 : vector<1x16xi32> to vector<16xi32>
      %swap3A_76 = arith.constant 96 : index
      %swap3A_77 = tpu.vector_load %arg9[%swap3A_76] {strides = array<i32>} : memref<512xi32, #tpu.memory_space<vmem>>, vector<16xi32>,
      %swap3A_78 = vector.shape_cast %swap3A_77 : vector<16xi32> to vector<16xi32>
      %swap3A_79 = vector.shape_cast %get3A_75 : vector<16xi32> to vector<16xi32>
      tpu.vector_store %arg9[%swap3A_76], %swap3A_79 {strides = array<i32>} : memref<512xi32, #tpu.memory_space<vmem>>, vector<16xi32>,
      %get3A_80 = arith.constant 7 : i32
      %get3A_81 = arith.index_cast %get3A_80 : i32 to index
      %get3A_82 = arith.constant 0 : index
      %get3A_83 = tpu.vector_load %arg8[%get3A_81, %get3A_82] {strides = array<i32>} : memref<32x128xi32, #tpu.memory_space<vmem>>, vector<1x16xi32>,
      %get3A_84 = vector.shape_cast %get3A_83 : vector<1x16xi32> to vector<16xi32>
      %swap3A_85 = arith.constant 112 : index
      %swap3A_86 = tpu.vector_load %arg9[%swap3A_85] {strides = array<i32>} : memref<512xi32, #tpu.memory_space<vmem>>, vector<16xi32>,
      %swap3A_87 = vector.shape_cast %swap3A_86 : vector<16xi32> to vector<16xi32>
      %swap3A_88 = vector.shape_cast %get3A_84 : vector<16xi32> to vector<16xi32>
      tpu.vector_store %arg9[%swap3A_85], %swap3A_88 {strides = array<i32>} : memref<512xi32, #tpu.memory_space<vmem>>, vector<16xi32>,
      %get3A_89 = arith.constant 8 : i32
      %get3A_90 = arith.index_cast %get3A_89 : i32 to index
      %get3A_91 = arith.constant 0 : index
      %get3A_92 = tpu.vector_load %arg8[%get3A_90, %get3A_91] {strides = array<i32>} : memref<32x128xi32, #tpu.memory_space<vmem>>, vector<1x16xi32>,
      %get3A_93 = vector.shape_cast %get3A_92 : vector<1x16xi32> to vector<16xi32>
      %swap3A_94 = arith.constant 128 : index
      %swap3A_95 = tpu.vector_load %arg9[%swap3A_94] {strides = array<i32>} : memref<512xi32, #tpu.memory_space<vmem>>, vector<16xi32>,
      %swap3A_96 = vector.shape_cast %swap3A_95 : vector<16xi32> to vector<16xi32>
      %swap3A_97 = vector.shape_cast %get3A_93 : vector<16xi32> to vector<16xi32>
      tpu.vector_store %arg9[%swap3A_94], %swap3A_97 {strides = array<i32>} : memref<512xi32, #tpu.memory_space<vmem>>, vector<16xi32>,
      %get3A_98 = arith.constant 9 : i32
      %get3A_99 = arith.index_cast %get3A_98 : i32 to index
      %get3A_100 = arith.constant 0 : index
      %get3A_101 = tpu.vector_load %arg8[%get3A_99, %get3A_100] {strides = array<i32>} : memref<32x128xi32, #tpu.memory_space<vmem>>, vector<1x16xi32>,
      %get3A_102 = vector.shape_cast %get3A_101 : vector<1x16xi32> to vector<16xi32>
      %swap3A_103 = arith.constant 144 : index
      %swap3A_104 = tpu.vector_load %arg9[%swap3A_103] {strides = array<i32>} : memref<512xi32, #tpu.memory_space<vmem>>, vector<16xi32>,
      %swap3A_105 = vector.shape_cast %swap3A_104 : vector<16xi32> to vector<16xi32>
      %swap3A_106 = vector.shape_cast %get3A_102 : vector<16xi32> to vector<16xi32>
      tpu.vector_store %arg9[%swap3A_103], %swap3A_106 {strides = array<i32>} : memref<512xi32, #tpu.memory_space<vmem>>, vector<16xi32>,
      %get3A_107 = arith.constant 10 : i32
      %get3A_108 = arith.index_cast %get3A_107 : i32 to index
      %get3A_109 = arith.constant 0 : index
      %get3A_110 = tpu.vector_load %arg8[%get3A_108, %get3A_109] {strides = array<i32>} : memref<32x128xi32, #tpu.memory_space<vmem>>, vector<1x16xi32>,
      %get3A_111 = vector.shape_cast %get3A_110 : vector<1x16xi32> to vector<16xi32>
      %swap3A_112 = arith.constant 160 : index
      %swap3A_113 = tpu.vector_load %arg9[%swap3A_112] {strides = array<i32>} : memref<512xi32, #tpu.memory_space<vmem>>, vector<16xi32>,
      %swap3A_114 = vector.shape_cast %swap3A_113 : vector<16xi32> to vector<16xi32>
      %swap3A_115 = vector.shape_cast %get3A_111 : vector<16xi32> to vector<16xi32>
      tpu.vector_store %arg9[%swap3A_112], %swap3A_115 {strides = array<i32>} : memref<512xi32, #tpu.memory_space<vmem>>, vector<16xi32>,
      %get3A_116 = arith.constant 11 : i32
      %get3A_117 = arith.index_cast %get3A_116 : i32 to index
      %get3A_118 = arith.constant 0 : index
      %get3A_119 = tpu.vector_load %arg8[%get3A_117, %get3A_118] {strides = array<i32>} : memref<32x128xi32, #tpu.memory_space<vmem>>, vector<1x16xi32>,
      %get3A_120 = vector.shape_cast %get3A_119 : vector<1x16xi32> to vector<16xi32>
      %swap3A_121 = arith.constant 176 : index
      %swap3A_122 = tpu.vector_load %arg9[%swap3A_121] {strides = array<i32>} : memref<512xi32, #tpu.memory_space<vmem>>, vector<16xi32>,
      %swap3A_123 = vector.shape_cast %swap3A_122 : vector<16xi32> to vector<16xi32>
      %swap3A_124 = vector.shape_cast %get3A_120 : vector<16xi32> to vector<16xi32>
      tpu.vector_store %arg9[%swap3A_121], %swap3A_124 {strides = array<i32>} : memref<512xi32, #tpu.memory_space<vmem>>, vector<16xi32>,
      %get3A_125 = arith.constant 12 : i32
      %get3A_126 = arith.index_cast %get3A_125 : i32 to index
      %get3A_127 = arith.constant 0 : index
      %get3A_128 = tpu.vector_load %arg8[%get3A_126, %get3A_127] {strides = array<i32>} : memref<32x128xi32, #tpu.memory_space<vmem>>, vector<1x16xi32>,
      %get3A_129 = vector.shape_cast %get3A_128 : vector<1x16xi32> to vector<16xi32>
      %swap3A_130 = arith.constant 192 : index
      %swap3A_131 = tpu.vector_load %arg9[%swap3A_130] {strides = array<i32>} : memref<512xi32, #tpu.memory_space<vmem>>, vector<16xi32>,
      %swap3A_132 = vector.shape_cast %swap3A_131 : vector<16xi32> to vector<16xi32>
      %swap3A_133 = vector.shape_cast %get3A_129 : vector<16xi32> to vector<16xi32>
      tpu.vector_store %arg9[%swap3A_130], %swap3A_133 {strides = array<i32>} : memref<512xi32, #tpu.memory_space<vmem>>, vector<16xi32>,
      %get3A_134 = arith.constant 13 : i32
      %get3A_135 = arith.index_cast %get3A_134 : i32 to index
      %get3A_136 = arith.constant 0 : index
      %get3A_137 = tpu.vector_load %arg8[%get3A_135, %get3A_136] {strides = array<i32>} : memref<32x128xi32, #tpu.memory_space<vmem>>, vector<1x16xi32>,
      %get3A_138 = vector.shape_cast %get3A_137 : vector<1x16xi32> to vector<16xi32>
      %swap3A_139 = arith.constant 208 : index
      %swap3A_140 = tpu.vector_load %arg9[%swap3A_139] {strides = array<i32>} : memref<512xi32, #tpu.memory_space<vmem>>, vector<16xi32>,
      %swap3A_141 = vector.shape_cast %swap3A_140 : vector<16xi32> to vector<16xi32>
      %swap3A_142 = vector.shape_cast %get3A_138 : vector<16xi32> to vector<16xi32>
      tpu.vector_store %arg9[%swap3A_139], %swap3A_142 {strides = array<i32>} : memref<512xi32, #tpu.memory_space<vmem>>, vector<16xi32>,
      %get3A_143 = arith.constant 14 : i32
      %get3A_144 = arith.index_cast %get3A_143 : i32 to index
      %get3A_145 = arith.constant 0 : index
      %get3A_146 = tpu.vector_load %arg8[%get3A_144, %get3A_145] {strides = array<i32>} : memref<32x128xi32, #tpu.memory_space<vmem>>, vector<1x16xi32>,
      %get3A_147 = vector.shape_cast %get3A_146 : vector<1x16xi32> to vector<16xi32>
      %swap3A_148 = arith.constant 224 : index
      %swap3A_149 = tpu.vector_load %arg9[%swap3A_148] {strides = array<i32>} : memref<512xi32, #tpu.memory_space<vmem>>, vector<16xi32>,
      %swap3A_150 = vector.shape_cast %swap3A_149 : vector<16xi32> to vector<16xi32>
      %swap3A_151 = vector.shape_cast %get3A_147 : vector<16xi32> to vector<16xi32>
      tpu.vector_store %arg9[%swap3A_148], %swap3A_151 {strides = array<i32>} : memref<512xi32, #tpu.memory_space<vmem>>, vector<16xi32>,
      %get3A_152 = arith.constant 15 : i32
      %get3A_153 = arith.index_cast %get3A_152 : i32 to index
      %get3A_154 = arith.constant 0 : index
      %get3A_155 = tpu.vector_load %arg8[%get3A_153, %get3A_154] {strides = array<i32>} : memref<32x128xi32, #tpu.memory_space<vmem>>, vector<1x16xi32>,
      %get3A_156 = vector.shape_cast %get3A_155 : vector<1x16xi32> to vector<16xi32>
      %swap3A_157 = arith.constant 240 : index
      %swap3A_158 = tpu.vector_load %arg9[%swap3A_157] {strides = array<i32>} : memref<512xi32, #tpu.memory_space<vmem>>, vector<16xi32>,
      %swap3A_159 = vector.shape_cast %swap3A_158 : vector<16xi32> to vector<16xi32>
      %swap3A_160 = vector.shape_cast %get3A_156 : vector<16xi32> to vector<16xi32>
      tpu.vector_store %arg9[%swap3A_157], %swap3A_160 {strides = array<i32>} : memref<512xi32, #tpu.memory_space<vmem>>, vector<16xi32>,
      %get3A_161 = arith.constant 16 : i32
      %get3A_162 = arith.index_cast %get3A_161 : i32 to index
      %get3A_163 = arith.constant 0 : index
      %get3A_164 = tpu.vector_load %arg8[%get3A_162, %get3A_163] {strides = array<i32>} : memref<32x128xi32, #tpu.memory_space<vmem>>, vector<1x16xi32>,
      %get3A_165 = vector.shape_cast %get3A_164 : vector<1x16xi32> to vector<16xi32>
      %swap3A_166 = arith.constant 256 : index
      %swap3A_167 = tpu.vector_load %arg9[%swap3A_166] {strides = array<i32>} : memref<512xi32, #tpu.memory_space<vmem>>, vector<16xi32>,
      %swap3A_168 = vector.shape_cast %swap3A_167 : vector<16xi32> to vector<16xi32>
      %swap3A_169 = vector.shape_cast %get3A_165 : vector<16xi32> to vector<16xi32>
      tpu.vector_store %arg9[%swap3A_166], %swap3A_169 {strides = array<i32>} : memref<512xi32, #tpu.memory_space<vmem>>, vector<16xi32>,
      %get3A_170 = arith.constant 17 : i32
      %get3A_171 = arith.index_cast %get3A_170 : i32 to index
      %get3A_172 = arith.constant 0 : index
      %get3A_173 = tpu.vector_load %arg8[%get3A_171, %get3A_172] {strides = array<i32>} : memref<32x128xi32, #tpu.memory_space<vmem>>, vector<1x16xi32>,
      %get3A_174 = vector.shape_cast %get3A_173 : vector<1x16xi32> to vector<16xi32>
      %swap3A_175 = arith.constant 272 : index
      %swap3A_176 = tpu.vector_load %arg9[%swap3A_175] {strides = array<i32>} : memref<512xi32, #tpu.memory_space<vmem>>, vector<16xi32>,
      %swap3A_177 = vector.shape_cast %swap3A_176 : vector<16xi32> to vector<16xi32>
      %swap3A_178 = vector.shape_cast %get3A_174 : vector<16xi32> to vector<16xi32>
      tpu.vector_store %arg9[%swap3A_175], %swap3A_178 {strides = array<i32>} : memref<512xi32, #tpu.memory_space<vmem>>, vector<16xi32>,
      %get3A_179 = arith.constant 18 : i32
      %get3A_180 = arith.index_cast %get3A_179 : i32 to index
      %get3A_181 = arith.constant 0 : index
      %get3A_182 = tpu.vector_load %arg8[%get3A_180, %get3A_181] {strides = array<i32>} : memref<32x128xi32, #tpu.memory_space<vmem>>, vector<1x16xi32>,
      %get3A_183 = vector.shape_cast %get3A_182 : vector<1x16xi32> to vector<16xi32>
      %swap3A_184 = arith.constant 288 : index
      %swap3A_185 = tpu.vector_load %arg9[%swap3A_184] {strides = array<i32>} : memref<512xi32, #tpu.memory_space<vmem>>, vector<16xi32>,
      %swap3A_186 = vector.shape_cast %swap3A_185 : vector<16xi32> to vector<16xi32>
      %swap3A_187 = vector.shape_cast %get3A_183 : vector<16xi32> to vector<16xi32>
      tpu.vector_store %arg9[%swap3A_184], %swap3A_187 {strides = array<i32>} : memref<512xi32, #tpu.memory_space<vmem>>, vector<16xi32>,
      %get3A_188 = arith.constant 19 : i32
      %get3A_189 = arith.index_cast %get3A_188 : i32 to index
      %get3A_190 = arith.constant 0 : index
      %get3A_191 = tpu.vector_load %arg8[%get3A_189, %get3A_190] {strides = array<i32>} : memref<32x128xi32, #tpu.memory_space<vmem>>, vector<1x16xi32>,
      %get3A_192 = vector.shape_cast %get3A_191 : vector<1x16xi32> to vector<16xi32>
      %swap3A_193 = arith.constant 304 : index
      %swap3A_194 = tpu.vector_load %arg9[%swap3A_193] {strides = array<i32>} : memref<512xi32, #tpu.memory_space<vmem>>, vector<16xi32>,
      %swap3A_195 = vector.shape_cast %swap3A_194 : vector<16xi32> to vector<16xi32>
      %swap3A_196 = vector.shape_cast %get3A_192 : vector<16xi32> to vector<16xi32>
      tpu.vector_store %arg9[%swap3A_193], %swap3A_196 {strides = array<i32>} : memref<512xi32, #tpu.memory_space<vmem>>, vector<16xi32>,
      %get3A_197 = arith.constant 20 : i32
      %get3A_198 = arith.index_cast %get3A_197 : i32 to index
      %get3A_199 = arith.constant 0 : index
      %get3A_200 = tpu.vector_load %arg8[%get3A_198, %get3A_199] {strides = array<i32>} : memref<32x128xi32, #tpu.memory_space<vmem>>, vector<1x16xi32>,
      %get3A_201 = vector.shape_cast %get3A_200 : vector<1x16xi32> to vector<16xi32>
      %swap3A_202 = arith.constant 320 : index
      %swap3A_203 = tpu.vector_load %arg9[%swap3A_202] {strides = array<i32>} : memref<512xi32, #tpu.memory_space<vmem>>, vector<16xi32>,
      %swap3A_204 = vector.shape_cast %swap3A_203 : vector<16xi32> to vector<16xi32>
      %swap3A_205 = vector.shape_cast %get3A_201 : vector<16xi32> to vector<16xi32>
      tpu.vector_store %arg9[%swap3A_202], %swap3A_205 {strides = array<i32>} : memref<512xi32, #tpu.memory_space<vmem>>, vector<16xi32>,
      %get3A_206 = arith.constant 21 : i32
      %get3A_207 = arith.index_cast %get3A_206 : i32 to index
      %get3A_208 = arith.constant 0 : index
      %get3A_209 = tpu.vector_load %arg8[%get3A_207, %get3A_208] {strides = array<i32>} : memref<32x128xi32, #tpu.memory_space<vmem>>, vector<1x16xi32>,
      %get3A_210 = vector.shape_cast %get3A_209 : vector<1x16xi32> to vector<16xi32>
      %swap3A_211 = arith.constant 336 : index
      %swap3A_212 = tpu.vector_load %arg9[%swap3A_211] {strides = array<i32>} : memref<512xi32, #tpu.memory_space<vmem>>, vector<16xi32>,
      %swap3A_213 = vector.shape_cast %swap3A_212 : vector<16xi32> to vector<16xi32>
      %swap3A_214 = vector.shape_cast %get3A_210 : vector<16xi32> to vector<16xi32>
      tpu.vector_store %arg9[%swap3A_211], %swap3A_214 {strides = array<i32>} : memref<512xi32, #tpu.memory_space<vmem>>, vector<16xi32>,
      %get3A_215 = arith.constant 22 : i32
      %get3A_216 = arith.index_cast %get3A_215 : i32 to index
      %get3A_217 = arith.constant 0 : index
      %get3A_218 = tpu.vector_load %arg8[%get3A_216, %get3A_217] {strides = array<i32>} : memref<32x128xi32, #tpu.memory_space<vmem>>, vector<1x16xi32>,
      %get3A_219 = vector.shape_cast %get3A_218 : vector<1x16xi32> to vector<16xi32>
      %swap3A_220 = arith.constant 352 : index
      %swap3A_221 = tpu.vector_load %arg9[%swap3A_220] {strides = array<i32>} : memref<512xi32, #tpu.memory_space<vmem>>, vector<16xi32>,
      %swap3A_222 = vector.shape_cast %swap3A_221 : vector<16xi32> to vector<16xi32>
      %swap3A_223 = vector.shape_cast %get3A_219 : vector<16xi32> to vector<16xi32>
      tpu.vector_store %arg9[%swap3A_220], %swap3A_223 {strides = array<i32>} : memref<512xi32, #tpu.memory_space<vmem>>, vector<16xi32>,
      %get3A_224 = arith.constant 23 : i32
      %get3A_225 = arith.index_cast %get3A_224 : i32 to index
      %get3A_226 = arith.constant 0 : index
      %get3A_227 = tpu.vector_load %arg8[%get3A_225, %get3A_226] {strides = array<i32>} : memref<32x128xi32, #tpu.memory_space<vmem>>, vector<1x16xi32>,
      %get3A_228 = vector.shape_cast %get3A_227 : vector<1x16xi32> to vector<16xi32>
      %swap3A_229 = arith.constant 368 : index
      %swap3A_230 = tpu.vector_load %arg9[%swap3A_229] {strides = array<i32>} : memref<512xi32, #tpu.memory_space<vmem>>, vector<16xi32>,
      %swap3A_231 = vector.shape_cast %swap3A_230 : vector<16xi32> to vector<16xi32>
      %swap3A_232 = vector.shape_cast %get3A_228 : vector<16xi32> to vector<16xi32>
      tpu.vector_store %arg9[%swap3A_229], %swap3A_232 {strides = array<i32>} : memref<512xi32, #tpu.memory_space<vmem>>, vector<16xi32>,
      %get3A_233 = arith.constant 24 : i32
      %get3A_234 = arith.index_cast %get3A_233 : i32 to index
      %get3A_235 = arith.constant 0 : index
      %get3A_236 = tpu.vector_load %arg8[%get3A_234, %get3A_235] {strides = array<i32>} : memref<32x128xi32, #tpu.memory_space<vmem>>, vector<1x16xi32>,
      %get3A_237 = vector.shape_cast %get3A_236 : vector<1x16xi32> to vector<16xi32>
      %swap3A_238 = arith.constant 384 : index
      %swap3A_239 = tpu.vector_load %arg9[%swap3A_238] {strides = array<i32>} : memref<512xi32, #tpu.memory_space<vmem>>, vector<16xi32>,
      %swap3A_240 = vector.shape_cast %swap3A_239 : vector<16xi32> to vector<16xi32>
      %swap3A_241 = vector.shape_cast %get3A_237 : vector<16xi32> to vector<16xi32>
      tpu.vector_store %arg9[%swap3A_238], %swap3A_241 {strides = array<i32>} : memref<512xi32, #tpu.memory_space<vmem>>, vector<16xi32>,
      %get3A_242 = arith.constant 25 : i32
      %get3A_243 = arith.index_cast %get3A_242 : i32 to index
      %get3A_244 = arith.constant 0 : index
      %get3A_245 = tpu.vector_load %arg8[%get3A_243, %get3A_244] {strides = array<i32>} : memref<32x128xi32, #tpu.memory_space<vmem>>, vector<1x16xi32>,
      %get3A_246 = vector.shape_cast %get3A_245 : vector<1x16xi32> to vector<16xi32>
      %swap3A_247 = arith.constant 400 : index
      %swap3A_248 = tpu.vector_load %arg9[%swap3A_247] {strides = array<i32>} : memref<512xi32, #tpu.memory_space<vmem>>, vector<16xi32>,
      %swap3A_249 = vector.shape_cast %swap3A_248 : vector<16xi32> to vector<16xi32>
      %swap3A_250 = vector.shape_cast %get3A_246 : vector<16xi32> to vector<16xi32>
      tpu.vector_store %arg9[%swap3A_247], %swap3A_250 {strides = array<i32>} : memref<512xi32, #tpu.memory_space<vmem>>, vector<16xi32>,
      %get3A_251 = arith.constant 26 : i32
      %get3A_252 = arith.index_cast %get3A_251 : i32 to index
      %get3A_253 = arith.constant 0 : index
      %get3A_254 = tpu.vector_load %arg8[%get3A_252, %get3A_253] {strides = array<i32>} : memref<32x128xi32, #tpu.memory_space<vmem>>, vector<1x16xi32>,
      %get3A_255 = vector.shape_cast %get3A_254 : vector<1x16xi32> to vector<16xi32>
      %swap3A_256 = arith.constant 416 : index
      %swap3A_257 = tpu.vector_load %arg9[%swap3A_256] {strides = array<i32>} : memref<512xi32, #tpu.memory_space<vmem>>, vector<16xi32>,
      %swap3A_258 = vector.shape_cast %swap3A_257 : vector<16xi32> to vector<16xi32>
      %swap3A_259 = vector.shape_cast %get3A_255 : vector<16xi32> to vector<16xi32>
      tpu.vector_store %arg9[%swap3A_256], %swap3A_259 {strides = array<i32>} : memref<512xi32, #tpu.memory_space<vmem>>, vector<16xi32>,
      %get3A_260 = arith.constant 27 : i32
      %get3A_261 = arith.index_cast %get3A_260 : i32 to index
      %get3A_262 = arith.constant 0 : index
      %get3A_263 = tpu.vector_load %arg8[%get3A_261, %get3A_262] {strides = array<i32>} : memref<32x128xi32, #tpu.memory_space<vmem>>, vector<1x16xi32>,
      %get3A_264 = vector.shape_cast %get3A_263 : vector<1x16xi32> to vector<16xi32>
      %swap3A_265 = arith.constant 432 : index
      %swap3A_266 = tpu.vector_load %arg9[%swap3A_265] {strides = array<i32>} : memref<512xi32, #tpu.memory_space<vmem>>, vector<16xi32>,
      %swap3A_267 = vector.shape_cast %swap3A_266 : vector<16xi32> to vector<16xi32>
      %swap3A_268 = vector.shape_cast %get3A_264 : vector<16xi32> to vector<16xi32>
      tpu.vector_store %arg9[%swap3A_265], %swap3A_268 {strides = array<i32>} : memref<512xi32, #tpu.memory_space<vmem>>, vector<16xi32>,
      %get3A_269 = arith.constant 28 : i32
      %get3A_270 = arith.index_cast %get3A_269 : i32 to index
      %get3A_271 = arith.constant 0 : index
      %get3A_272 = tpu.vector_load %arg8[%get3A_270, %get3A_271] {strides = array<i32>} : memref<32x128xi32, #tpu.memory_space<vmem>>, vector<1x16xi32>,
      %get3A_273 = vector.shape_cast %get3A_272 : vector<1x16xi32> to vector<16xi32>
      %swap3A_274 = arith.constant 448 : index
      %swap3A_275 = tpu.vector_load %arg9[%swap3A_274] {strides = array<i32>} : memref<512xi32, #tpu.memory_space<vmem>>, vector<16xi32>,
      %swap3A_276 = vector.shape_cast %swap3A_275 : vector<16xi32> to vector<16xi32>
      %swap3A_277 = vector.shape_cast %get3A_273 : vector<16xi32> to vector<16xi32>
      tpu.vector_store %arg9[%swap3A_274], %swap3A_277 {strides = array<i32>} : memref<512xi32, #tpu.memory_space<vmem>>, vector<16xi32>,
      %get3A_278 = arith.constant 29 : i32
      %get3A_279 = arith.index_cast %get3A_278 : i32 to index
      %get3A_280 = arith.constant 0 : index
      %get3A_281 = tpu.vector_load %arg8[%get3A_279, %get3A_280] {strides = array<i32>} : memref<32x128xi32, #tpu.memory_space<vmem>>, vector<1x16xi32>,
      %get3A_282 = vector.shape_cast %get3A_281 : vector<1x16xi32> to vector<16xi32>
      %swap3A_283 = arith.constant 464 : index
      %swap3A_284 = tpu.vector_load %arg9[%swap3A_283] {strides = array<i32>} : memref<512xi32, #tpu.memory_space<vmem>>, vector<16xi32>,
      %swap3A_285 = vector.shape_cast %swap3A_284 : vector<16xi32> to vector<16xi32>
      %swap3A_286 = vector.shape_cast %get3A_282 : vector<16xi32> to vector<16xi32>
      tpu.vector_store %arg9[%swap3A_283], %swap3A_286 {strides = array<i32>} : memref<512xi32, #tpu.memory_space<vmem>>, vector<16xi32>,
      %get3A_287 = arith.constant 30 : i32
      %get3A_288 = arith.index_cast %get3A_287 : i32 to index
      %get3A_289 = arith.constant 0 : index
      %get3A_290 = tpu.vector_load %arg8[%get3A_288, %get3A_289] {strides = array<i32>} : memref<32x128xi32, #tpu.memory_space<vmem>>, vector<1x16xi32>,
      %get3A_291 = vector.shape_cast %get3A_290 : vector<1x16xi32> to vector<16xi32>
      %swap3A_292 = arith.constant 480 : index
      %swap3A_293 = tpu.vector_load %arg9[%swap3A_292] {strides = array<i32>} : memref<512xi32, #tpu.memory_space<vmem>>, vector<16xi32>,
      %swap3A_294 = vector.shape_cast %swap3A_293 : vector<16xi32> to vector<16xi32>
      %swap3A_295 = vector.shape_cast %get3A_291 : vector<16xi32> to vector<16xi32>
      tpu.vector_store %arg9[%swap3A_292], %swap3A_295 {strides = array<i32>} : memref<512xi32, #tpu.memory_space<vmem>>, vector<16xi32>,
      %get3A_296 = arith.constant 31 : i32
      %get3A_297 = arith.index_cast %get3A_296 : i32 to index
      %get3A_298 = arith.constant 0 : index
      %get3A_299 = tpu.vector_load %arg8[%get3A_297, %get3A_298] {strides = array<i32>} : memref<32x128xi32, #tpu.memory_space<vmem>>, vector<1x16xi32>,
      %get3A_300 = vector.shape_cast %get3A_299 : vector<1x16xi32> to vector<16xi32>
      %swap3A_301 = arith.constant 496 : index
      %swap3A_302 = tpu.vector_load %arg9[%swap3A_301] {strides = array<i32>} : memref<512xi32, #tpu.memory_space<vmem>>, vector<16xi32>,
      %swap3A_303 = vector.shape_cast %swap3A_302 : vector<16xi32> to vector<16xi32>
      %swap3A_304 = vector.shape_cast %get3A_300 : vector<16xi32> to vector<16xi32>
      tpu.vector_store %arg9[%swap3A_301], %swap3A_304 {strides = array<i32>} : memref<512xi32, #tpu.memory_space<vmem>>, vector<16xi32>,
      %dma_start3A_305 = arith.constant 0 : i32
      %dma_start3A_306 = arith.constant 0 : i32
      %dma_start3A_307 = tpu.memref_slice %arg4[%dma_start3A_305, %dma_start3A_306] : memref<10000x128xf32, #tpu.memory_space<hbm>> -> memref<10000x128xf32, #tpu.memory_space<hbm>>
      tpu.enqueue_indirect_dma source(%dma_start3A_307 : memref<10000x128xf32, #tpu.memory_space<hbm>>) target(%arg10 : memref<512x128xf32, #tpu.memory_space<vmem>>) offsets(%arg9 : memref<512xi32, #tpu.memory_space<vmem>>) semaphore(%arg12 : memref<!tpu.dma_semaphore, #tpu.memory_space<semaphore_mem>>)
      %dma_wait3A_308 = arith.constant 0 : i32
      %dma_wait3A_309 = arith.constant 0 : i32
      %dma_wait3A_310 = tpu.memref_slice %arg4[%dma_wait3A_308, %dma_wait3A_309] : memref<10000x128xf32, #tpu.memory_space<hbm>> -> memref<10000x128xf32, #tpu.memory_space<hbm>>
      tpu.wait_indirect_dma semaphore(%arg12 : memref<!tpu.dma_semaphore, #tpu.memory_space<semaphore_mem>>) src(%dma_wait3A_310 : memref<10000x128xf32, #tpu.memory_space<hbm>>) dst(%arg10 : memref<512x128xf32, #tpu.memory_space<vmem>>)
      %mul3A_311 = arith.constant 16 : i32
      %mul3A_312 = arith.muli %add3A_14, %mul3A_311 : i32
      "tpu.region"() ({
        %run_scoped3A = tpu.sem_alloc : memref<!tpu.dma_semaphore, #tpu.memory_space<semaphore_mem>>
        %dma_start3A_313 = arith.constant 0 : i32
        %dma_start3A_314 = tpu.memref_slice %arg6[%mul3A_312, %dma_start3A_313] : memref<163840x128xf32, #tpu.memory_space<hbm>> -> memref<512x128xf32, #tpu.memory_space<hbm>>
        %dma_start3A_315 = arith.constant 0 : i32
        %dma_start3A_316 = tpu.memref_slice %arg6[%mul3A_312, %dma_start3A_315] : memref<163840x128xf32, #tpu.memory_space<hbm>> -> memref<512x128xf32, #tpu.memory_space<hbm>>
        tpu.enqueue_dma source(%arg10 : memref<512x128xf32, #tpu.memory_space<vmem>>) target(%dma_start3A_316 : memref<512x128xf32, #tpu.memory_space<hbm>>) target_semaphore(%run_scoped3A : memref<!tpu.dma_semaphore, #tpu.memory_space<semaphore_mem>>)
        %dma_wait3A_317 = arith.constant 0 : i32
        %dma_wait3A_318 = tpu.memref_slice %arg6[%mul3A_312, %dma_wait3A_317] : memref<163840x128xf32, #tpu.memory_space<hbm>> -> memref<512x128xf32, #tpu.memory_space<hbm>>
        %dma_wait3A_319 = arith.constant 0 : i32
        %dma_wait3A_320 = tpu.memref_slice %arg6[%mul3A_312, %dma_wait3A_319] : memref<163840x128xf32, #tpu.memory_space<hbm>> -> memref<512x128xf32, #tpu.memory_space<hbm>>
        tpu.wait_dma2 semaphore(%run_scoped3A : memref<!tpu.dma_semaphore, #tpu.memory_space<semaphore_mem>>) src(%arg10 : memref<512x128xf32, #tpu.memory_space<vmem>>) dst(%dma_wait3A_320 : memref<512x128xf32, #tpu.memory_space<hbm>>)
        tpu.yield
      }) : () -> ()
    }
    %scan3A_6 = arith.constant 10 : i32
    return
  }
}

#map = affine_map<(d0, d1) -> (0)>
#map1 = affine_map<(d0, d1) -> (0, 0)>
module attributes {stable_mosaic.version = 14 : i64} {
  func.func @_sc_emb_gather(%arg0: i32, %arg1: i32, %arg2: memref<30720xi32, #tpu.memory_space<hbm>>, %arg3: memref<10000x128xf32, #tpu.memory_space<hbm>>, %arg4: memref<30720x128xf32, #tpu.memory_space<hbm>>, %arg5: memref<240xi32, #tpu.memory_space<vmem>>, %arg6: memref<240x128xf32, #tpu.memory_space<vmem>>, %arg7: memref<!tpu.dma_semaphore, #tpu.memory_space<semaphore_mem>>) attributes {dimension_semantics = [#tpu.dimension_semantics<core_parallel>, #tpu.dimension_semantics<subcore_parallel>], iteration_bounds = array<i64: 2, 16>, scalar_prefetch = 0 : i64, scratch_operands = 3 : i64, tpu.core_type = #tpu.core_type<sc_vector_subcore>, window_params = [{transform_indices = #map}, {transform_indices = #map1}, {transform_indices = #map1}]} {
    %mul3A = arith.constant 2 : i32
    %mul3A_0 = arith.muli %arg1, %mul3A : i32
    %add3A = arith.addi %mul3A_0, %arg0 : i32
    %mul3A_1 = arith.constant 960 : i32
    %mul3A_2 = arith.muli %add3A, %mul3A_1 : i32
    %scan3A = arith.constant 0 : i32
    %scan3A_3 = arith.constant 4 : i32
    %scan3A_4 = arith.addi %scan3A, %scan3A_3 : i32
    %scan3A_5 = arith.constant 1 : i32
    scf.for %scan3A_7 = %scan3A to %scan3A_4 step %scan3A_5  : i32 {
      %mul3A_8 = arith.constant 1 : i32
      %mul3A_9 = arith.muli %scan3A_7, %mul3A_8 : i32
      %add3A_10 = arith.constant 0 : i32
      %add3A_11 = arith.addi %add3A_10, %mul3A_9 : i32
      %mul3A_12 = arith.constant 240 : i32
      %mul3A_13 = arith.muli %add3A_11, %mul3A_12 : i32
      %add3A_14 = arith.addi %mul3A_2, %mul3A_13 : i32
      "tpu.region"() ({
        %run_scoped3A = tpu.sem_alloc : memref<!tpu.dma_semaphore, #tpu.memory_space<semaphore_mem>>
        %dma_start3A_19 = tpu.memref_slice %arg2[%add3A_14] : memref<30720xi32, #tpu.memory_space<hbm>> -> memref<240xi32, #tpu.memory_space<hbm>>
        %dma_start3A_20 = tpu.memref_slice %arg2[%add3A_14] : memref<30720xi32, #tpu.memory_space<hbm>> -> memref<240xi32, #tpu.memory_space<hbm>>
        tpu.enqueue_dma source(%dma_start3A_20 : memref<240xi32, #tpu.memory_space<hbm>>) target(%arg5 : memref<240xi32, #tpu.memory_space<vmem>>) target_semaphore(%run_scoped3A : memref<!tpu.dma_semaphore, #tpu.memory_space<semaphore_mem>>)
        %dma_wait3A_21 = tpu.memref_slice %arg2[%add3A_14] : memref<30720xi32, #tpu.memory_space<hbm>> -> memref<240xi32, #tpu.memory_space<hbm>>
        %dma_wait3A_22 = tpu.memref_slice %arg2[%add3A_14] : memref<30720xi32, #tpu.memory_space<hbm>> -> memref<240xi32, #tpu.memory_space<hbm>>
        tpu.wait_dma2 semaphore(%run_scoped3A : memref<!tpu.dma_semaphore, #tpu.memory_space<semaphore_mem>>) src(%dma_wait3A_22 : memref<240xi32, #tpu.memory_space<hbm>>) dst(%arg5 : memref<240xi32, #tpu.memory_space<vmem>>)
        tpu.yield
      }) : () -> ()
      %dma_start3A = arith.constant 0 : i32
      %dma_start3A_15 = arith.constant 0 : i32
      %dma_start3A_16 = tpu.memref_slice %arg3[%dma_start3A, %dma_start3A_15] : memref<10000x128xf32, #tpu.memory_space<hbm>> -> memref<10000x128xf32, #tpu.memory_space<hbm>>
      tpu.enqueue_indirect_dma source(%dma_start3A_16 : memref<10000x128xf32, #tpu.memory_space<hbm>>) target(%arg6 : memref<240x128xf32, #tpu.memory_space<vmem>>) offsets(%arg5 : memref<240xi32, #tpu.memory_space<vmem>>) semaphore(%arg7 : memref<!tpu.dma_semaphore, #tpu.memory_space<semaphore_mem>>)
      %dma_wait3A = arith.constant 0 : i32
      %dma_wait3A_17 = arith.constant 0 : i32
      %dma_wait3A_18 = tpu.memref_slice %arg3[%dma_wait3A, %dma_wait3A_17] : memref<10000x128xf32, #tpu.memory_space<hbm>> -> memref<10000x128xf32, #tpu.memory_space<hbm>>
      tpu.wait_indirect_dma semaphore(%arg7 : memref<!tpu.dma_semaphore, #tpu.memory_space<semaphore_mem>>) src(%dma_wait3A_18 : memref<10000x128xf32, #tpu.memory_space<hbm>>) dst(%arg6 : memref<240x128xf32, #tpu.memory_space<vmem>>)
      "tpu.region"() ({
        %run_scoped3A = tpu.sem_alloc : memref<!tpu.dma_semaphore, #tpu.memory_space<semaphore_mem>>
        %dma_start3A_19 = arith.constant 0 : i32
        %dma_start3A_20 = tpu.memref_slice %arg4[%add3A_14, %dma_start3A_19] : memref<30720x128xf32, #tpu.memory_space<hbm>> -> memref<240x128xf32, #tpu.memory_space<hbm>>
        %dma_start3A_21 = arith.constant 0 : i32
        %dma_start3A_22 = tpu.memref_slice %arg4[%add3A_14, %dma_start3A_21] : memref<30720x128xf32, #tpu.memory_space<hbm>> -> memref<240x128xf32, #tpu.memory_space<hbm>>
        tpu.enqueue_dma source(%arg6 : memref<240x128xf32, #tpu.memory_space<vmem>>) target(%dma_start3A_22 : memref<240x128xf32, #tpu.memory_space<hbm>>) target_semaphore(%run_scoped3A : memref<!tpu.dma_semaphore, #tpu.memory_space<semaphore_mem>>)
        %dma_wait3A_23 = arith.constant 0 : i32
        %dma_wait3A_24 = tpu.memref_slice %arg4[%add3A_14, %dma_wait3A_23] : memref<30720x128xf32, #tpu.memory_space<hbm>> -> memref<240x128xf32, #tpu.memory_space<hbm>>
        %dma_wait3A_25 = arith.constant 0 : i32
        %dma_wait3A_26 = tpu.memref_slice %arg4[%add3A_14, %dma_wait3A_25] : memref<30720x128xf32, #tpu.memory_space<hbm>> -> memref<240x128xf32, #tpu.memory_space<hbm>>
        tpu.wait_dma2 semaphore(%run_scoped3A : memref<!tpu.dma_semaphore, #tpu.memory_space<semaphore_mem>>) src(%arg6 : memref<240x128xf32, #tpu.memory_space<vmem>>) dst(%dma_wait3A_26 : memref<240x128xf32, #tpu.memory_space<hbm>>)
        tpu.yield
      }) : () -> ()
    }
    %scan3A_6 = arith.constant 4 : i32
    return
  }
}

#map = affine_map<(d0, d1) -> (0)>
#map1 = affine_map<(d0, d1) -> (0, 0)>
module attributes {stable_mosaic.version = 14 : i64} {
  func.func @_sc_gather(%arg0: i32, %arg1: i32, %arg2: memref<10240xi32, #tpu.memory_space<hbm>>, %arg3: memref<10000x128xi32, #tpu.memory_space<hbm>>, %arg4: memref<10000x128xf32, #tpu.memory_space<hbm>>, %arg5: memref<10240x128xi32, #tpu.memory_space<hbm>>, %arg6: memref<163840x128xf32, #tpu.memory_space<hbm>>, %arg7: memref<32xi32, #tpu.memory_space<vmem>>, %arg8: memref<32x128xi32, #tpu.memory_space<vmem>>, %arg9: memref<512xi32, #tpu.memory_space<vmem>>, %arg10: memref<512x128xf32, #tpu.memory_space<vmem>>, %arg11: memref<!tpu.dma_semaphore, #tpu.memory_space<semaphore_mem>>, %arg12: memref<!tpu.dma_semaphore, #tpu.memory_space<semaphore_mem>>) attributes {dimension_semantics = [#tpu.dimension_semantics<core_parallel>, #tpu.dimension_semantics<subcore_parallel>], iteration_bounds = array<i64: 2, 16>, scalar_prefetch = 0 : i64, scratch_operands = 6 : i64, tpu.core_type = #tpu.core_type<sc_vector_subcore>, window_params = [{transform_indices = #map}, {transform_indices = #map1}, {transform_indices = #map1}, {transform_indices = #map1}, {transform_indices = #map1}]} {
    %mul3A = arith.constant 2 : i32
    %mul3A_0 = arith.muli %arg1, %mul3A : i32
    %add3A = arith.addi %mul3A_0, %arg0 : i32
    %mul3A_1 = arith.constant 320 : i32
    %mul3A_2 = arith.muli %add3A, %mul3A_1 : i32
    %scan3A = arith.constant 0 : i32
    %scan3A_3 = arith.constant 10 : i32
    %scan3A_4 = arith.addi %scan3A, %scan3A_3 : i32
    %scan3A_5 = arith.constant 1 : i32
    scf.for %scan3A_7 = %scan3A to %scan3A_4 step %scan3A_5  : i32 {
      %mul3A_8 = arith.constant 1 : i32
      %mul3A_9 = arith.muli %scan3A_7, %mul3A_8 : i32
      %add3A_10 = arith.constant 0 : i32
      %add3A_11 = arith.addi %add3A_10, %mul3A_9 : i32
      %mul3A_12 = arith.constant 32 : i32
      %mul3A_13 = arith.muli %add3A_11, %mul3A_12 : i32
      %add3A_14 = arith.addi %mul3A_2, %mul3A_13 : i32
      "tpu.region"() ({
        %run_scoped3A = tpu.sem_alloc : memref<!tpu.dma_semaphore, #tpu.memory_space<semaphore_mem>>
        %dma_start3A_313 = tpu.memref_slice %arg2[%add3A_14] : memref<10240xi32, #tpu.memory_space<hbm>> -> memref<32xi32, #tpu.memory_space<hbm>>
        %dma_start3A_314 = tpu.memref_slice %arg2[%add3A_14] : memref<10240xi32, #tpu.memory_space<hbm>> -> memref<32xi32, #tpu.memory_space<hbm>>
        tpu.enqueue_dma source(%dma_start3A_314 : memref<32xi32, #tpu.memory_space<hbm>>) target(%arg7 : memref<32xi32, #tpu.memory_space<vmem>>) target_semaphore(%run_scoped3A : memref<!tpu.dma_semaphore, #tpu.memory_space<semaphore_mem>>)
        %dma_wait3A_315 = tpu.memref_slice %arg2[%add3A_14] : memref<10240xi32, #tpu.memory_space<hbm>> -> memref<32xi32, #tpu.memory_space<hbm>>
        %dma_wait3A_316 = tpu.memref_slice %arg2[%add3A_14] : memref<10240xi32, #tpu.memory_space<hbm>> -> memref<32xi32, #tpu.memory_space<hbm>>
        tpu.wait_dma2 semaphore(%run_scoped3A : memref<!tpu.dma_semaphore, #tpu.memory_space<semaphore_mem>>) src(%dma_wait3A_316 : memref<32xi32, #tpu.memory_space<hbm>>) dst(%arg7 : memref<32xi32, #tpu.memory_space<vmem>>)
        tpu.yield
      }) : () -> ()
      %dma_start3A = arith.constant 0 : i32
      %dma_start3A_15 = arith.constant 0 : i32
      %dma_start3A_16 = tpu.memref_slice %arg3[%dma_start3A, %dma_start3A_15] : memref<10000x128xi32, #tpu.memory_space<hbm>> -> memref<10000x128xi32, #tpu.memory_space<hbm>>
      tpu.enqueue_indirect_dma source(%dma_start3A_16 : memref<10000x128xi32, #tpu.memory_space<hbm>>) target(%arg8 : memref<32x128xi32, #tpu.memory_space<vmem>>) offsets(%arg7 : memref<32xi32, #tpu.memory_space<vmem>>) semaphore(%arg11 : memref<!tpu.dma_semaphore, #tpu.memory_space<semaphore_mem>>)
      %dma_wait3A = arith.constant 0 : i32
      %dma_wait3A_17 = arith.constant 0 : i32
      %dma_wait3A_18 = tpu.memref_slice %arg3[%dma_wait3A, %dma_wait3A_17] : memref<10000x128xi32, #tpu.memory_space<hbm>> -> memref<10000x128xi32, #tpu.memory_space<hbm>>
      tpu.wait_indirect_dma semaphore(%arg11 : memref<!tpu.dma_semaphore, #tpu.memory_space<semaphore_mem>>) src(%dma_wait3A_18 : memref<10000x128xi32, #tpu.memory_space<hbm>>) dst(%arg8 : memref<32x128xi32, #tpu.memory_space<vmem>>)
      "tpu.region"() ({
        %run_scoped3A = tpu.sem_alloc : memref<!tpu.dma_semaphore, #tpu.memory_space<semaphore_mem>>
        %dma_start3A_313 = arith.constant 0 : i32
        %dma_start3A_314 = tpu.memref_slice %arg5[%add3A_14, %dma_start3A_313] : memref<10240x128xi32, #tpu.memory_space<hbm>> -> memref<32x128xi32, #tpu.memory_space<hbm>>
        %dma_start3A_315 = arith.constant 0 : i32
        %dma_start3A_316 = tpu.memref_slice %arg5[%add3A_14, %dma_start3A_315] : memref<10240x128xi32, #tpu.memory_space<hbm>> -> memref<32x128xi32, #tpu.memory_space<hbm>>
        tpu.enqueue_dma source(%arg8 : memref<32x128xi32, #tpu.memory_space<vmem>>) target(%dma_start3A_316 : memref<32x128xi32, #tpu.memory_space<hbm>>) target_semaphore(%run_scoped3A : memref<!tpu.dma_semaphore, #tpu.memory_space<semaphore_mem>>)
        %dma_wait3A_317 = arith.constant 0 : i32
        %dma_wait3A_318 = tpu.memref_slice %arg5[%add3A_14, %dma_wait3A_317] : memref<10240x128xi32, #tpu.memory_space<hbm>> -> memref<32x128xi32, #tpu.memory_space<hbm>>
        %dma_wait3A_319 = arith.constant 0 : i32
        %dma_wait3A_320 = tpu.memref_slice %arg5[%add3A_14, %dma_wait3A_319] : memref<10240x128xi32, #tpu.memory_space<hbm>> -> memref<32x128xi32, #tpu.memory_space<hbm>>
        tpu.wait_dma2 semaphore(%run_scoped3A : memref<!tpu.dma_semaphore, #tpu.memory_space<semaphore_mem>>) src(%arg8 : memref<32x128xi32, #tpu.memory_space<vmem>>) dst(%dma_wait3A_320 : memref<32x128xi32, #tpu.memory_space<hbm>>)
        tpu.yield
      }) : () -> ()
      %get3A = arith.constant 0 : i32
      %get3A_19 = arith.index_cast %get3A : i32 to index
      %get3A_20 = arith.constant 0 : index
      %get3A_21 = tpu.vector_load %arg8[%get3A_19, %get3A_20] {strides = array<i32>} : memref<32x128xi32, #tpu.memory_space<vmem>>, vector<1x16xi32>,
      %get3A_22 = vector.shape_cast %get3A_21 : vector<1x16xi32> to vector<16xi32>
      %swap3A = arith.constant 0 : index
      %swap3A_23 = tpu.vector_load %arg9[%swap3A] {strides = array<i32>} : memref<512xi32, #tpu.memory_space<vmem>>, vector<16xi32>,
      %swap3A_24 = vector.shape_cast %swap3A_23 : vector<16xi32> to vector<16xi32>
      %swap3A_25 = vector.shape_cast %get3A_22 : vector<16xi32> to vector<16xi32>
      tpu.vector_store %arg9[%swap3A], %swap3A_25 {strides = array<i32>} : memref<512xi32, #tpu.memory_space<vmem>>, vector<16xi32>,
      %get3A_26 = arith.constant 1 : i32
      %get3A_27 = arith.index_cast %get3A_26 : i32 to index
      %get3A_28 = arith.constant 0 : index
      %get3A_29 = tpu.vector_load %arg8[%get3A_27, %get3A_28] {strides = array<i32>} : memref<32x128xi32, #tpu.memory_space<vmem>>, vector<1x16xi32>,
      %get3A_30 = vector.shape_cast %get3A_29 : vector<1x16xi32> to vector<16xi32>
      %swap3A_31 = arith.constant 16 : index
      %swap3A_32 = tpu.vector_load %arg9[%swap3A_31] {strides = array<i32>} : memref<512xi32, #tpu.memory_space<vmem>>, vector<16xi32>,
      %swap3A_33 = vector.shape_cast %swap3A_32 : vector<16xi32> to vector<16xi32>
      %swap3A_34 = vector.shape_cast %get3A_30 : vector<16xi32> to vector<16xi32>
      tpu.vector_store %arg9[%swap3A_31], %swap3A_34 {strides = array<i32>} : memref<512xi32, #tpu.memory_space<vmem>>, vector<16xi32>,
      %get3A_35 = arith.constant 2 : i32
      %get3A_36 = arith.index_cast %get3A_35 : i32 to index
      %get3A_37 = arith.constant 0 : index
      %get3A_38 = tpu.vector_load %arg8[%get3A_36, %get3A_37] {strides = array<i32>} : memref<32x128xi32, #tpu.memory_space<vmem>>, vector<1x16xi32>,
      %get3A_39 = vector.shape_cast %get3A_38 : vector<1x16xi32> to vector<16xi32>
      %swap3A_40 = arith.constant 32 : index
      %swap3A_41 = tpu.vector_load %arg9[%swap3A_40] {strides = array<i32>} : memref<512xi32, #tpu.memory_space<vmem>>, vector<16xi32>,
      %swap3A_42 = vector.shape_cast %swap3A_41 : vector<16xi32> to vector<16xi32>
      %swap3A_43 = vector.shape_cast %get3A_39 : vector<16xi32> to vector<16xi32>
      tpu.vector_store %arg9[%swap3A_40], %swap3A_43 {strides = array<i32>} : memref<512xi32, #tpu.memory_space<vmem>>, vector<16xi32>,
      %get3A_44 = arith.constant 3 : i32
      %get3A_45 = arith.index_cast %get3A_44 : i32 to index
      %get3A_46 = arith.constant 0 : index
      %get3A_47 = tpu.vector_load %arg8[%get3A_45, %get3A_46] {strides = array<i32>} : memref<32x128xi32, #tpu.memory_space<vmem>>, vector<1x16xi32>,
      %get3A_48 = vector.shape_cast %get3A_47 : vector<1x16xi32> to vector<16xi32>
      %swap3A_49 = arith.constant 48 : index
      %swap3A_50 = tpu.vector_load %arg9[%swap3A_49] {strides = array<i32>} : memref<512xi32, #tpu.memory_space<vmem>>, vector<16xi32>,
      %swap3A_51 = vector.shape_cast %swap3A_50 : vector<16xi32> to vector<16xi32>
      %swap3A_52 = vector.shape_cast %get3A_48 : vector<16xi32> to vector<16xi32>
      tpu.vector_store %arg9[%swap3A_49], %swap3A_52 {strides = array<i32>} : memref<512xi32, #tpu.memory_space<vmem>>, vector<16xi32>,
      %get3A_53 = arith.constant 4 : i32
      %get3A_54 = arith.index_cast %get3A_53 : i32 to index
      %get3A_55 = arith.constant 0 : index
      %get3A_56 = tpu.vector_load %arg8[%get3A_54, %get3A_55] {strides = array<i32>} : memref<32x128xi32, #tpu.memory_space<vmem>>, vector<1x16xi32>,
      %get3A_57 = vector.shape_cast %get3A_56 : vector<1x16xi32> to vector<16xi32>
      %swap3A_58 = arith.constant 64 : index
      %swap3A_59 = tpu.vector_load %arg9[%swap3A_58] {strides = array<i32>} : memref<512xi32, #tpu.memory_space<vmem>>, vector<16xi32>,
      %swap3A_60 = vector.shape_cast %swap3A_59 : vector<16xi32> to vector<16xi32>
      %swap3A_61 = vector.shape_cast %get3A_57 : vector<16xi32> to vector<16xi32>
      tpu.vector_store %arg9[%swap3A_58], %swap3A_61 {strides = array<i32>} : memref<512xi32, #tpu.memory_space<vmem>>, vector<16xi32>,
      %get3A_62 = arith.constant 5 : i32
      %get3A_63 = arith.index_cast %get3A_62 : i32 to index
      %get3A_64 = arith.constant 0 : index
      %get3A_65 = tpu.vector_load %arg8[%get3A_63, %get3A_64] {strides = array<i32>} : memref<32x128xi32, #tpu.memory_space<vmem>>, vector<1x16xi32>,
      %get3A_66 = vector.shape_cast %get3A_65 : vector<1x16xi32> to vector<16xi32>
      %swap3A_67 = arith.constant 80 : index
      %swap3A_68 = tpu.vector_load %arg9[%swap3A_67] {strides = array<i32>} : memref<512xi32, #tpu.memory_space<vmem>>, vector<16xi32>,
      %swap3A_69 = vector.shape_cast %swap3A_68 : vector<16xi32> to vector<16xi32>
      %swap3A_70 = vector.shape_cast %get3A_66 : vector<16xi32> to vector<16xi32>
      tpu.vector_store %arg9[%swap3A_67], %swap3A_70 {strides = array<i32>} : memref<512xi32, #tpu.memory_space<vmem>>, vector<16xi32>,
      %get3A_71 = arith.constant 6 : i32
      %get3A_72 = arith.index_cast %get3A_71 : i32 to index
      %get3A_73 = arith.constant 0 : index
      %get3A_74 = tpu.vector_load %arg8[%get3A_72, %get3A_73] {strides = array<i32>} : memref<32x128xi32, #tpu.memory_space<vmem>>, vector<1x16xi32>,
      %get3A_75 = vector.shape_cast %get3A_74 : vector<1x16xi32> to vector<16xi32>
      %swap3A_76 = arith.constant 96 : index
      %swap3A_77 = tpu.vector_load %arg9[%swap3A_76] {strides = array<i32>} : memref<512xi32, #tpu.memory_space<vmem>>, vector<16xi32>,
      %swap3A_78 = vector.shape_cast %swap3A_77 : vector<16xi32> to vector<16xi32>
      %swap3A_79 = vector.shape_cast %get3A_75 : vector<16xi32> to vector<16xi32>
      tpu.vector_store %arg9[%swap3A_76], %swap3A_79 {strides = array<i32>} : memref<512xi32, #tpu.memory_space<vmem>>, vector<16xi32>,
      %get3A_80 = arith.constant 7 : i32
      %get3A_81 = arith.index_cast %get3A_80 : i32 to index
      %get3A_82 = arith.constant 0 : index
      %get3A_83 = tpu.vector_load %arg8[%get3A_81, %get3A_82] {strides = array<i32>} : memref<32x128xi32, #tpu.memory_space<vmem>>, vector<1x16xi32>,
      %get3A_84 = vector.shape_cast %get3A_83 : vector<1x16xi32> to vector<16xi32>
      %swap3A_85 = arith.constant 112 : index
      %swap3A_86 = tpu.vector_load %arg9[%swap3A_85] {strides = array<i32>} : memref<512xi32, #tpu.memory_space<vmem>>, vector<16xi32>,
      %swap3A_87 = vector.shape_cast %swap3A_86 : vector<16xi32> to vector<16xi32>
      %swap3A_88 = vector.shape_cast %get3A_84 : vector<16xi32> to vector<16xi32>
      tpu.vector_store %arg9[%swap3A_85], %swap3A_88 {strides = array<i32>} : memref<512xi32, #tpu.memory_space<vmem>>, vector<16xi32>,
      %get3A_89 = arith.constant 8 : i32
      %get3A_90 = arith.index_cast %get3A_89 : i32 to index
      %get3A_91 = arith.constant 0 : index
      %get3A_92 = tpu.vector_load %arg8[%get3A_90, %get3A_91] {strides = array<i32>} : memref<32x128xi32, #tpu.memory_space<vmem>>, vector<1x16xi32>,
      %get3A_93 = vector.shape_cast %get3A_92 : vector<1x16xi32> to vector<16xi32>
      %swap3A_94 = arith.constant 128 : index
      %swap3A_95 = tpu.vector_load %arg9[%swap3A_94] {strides = array<i32>} : memref<512xi32, #tpu.memory_space<vmem>>, vector<16xi32>,
      %swap3A_96 = vector.shape_cast %swap3A_95 : vector<16xi32> to vector<16xi32>
      %swap3A_97 = vector.shape_cast %get3A_93 : vector<16xi32> to vector<16xi32>
      tpu.vector_store %arg9[%swap3A_94], %swap3A_97 {strides = array<i32>} : memref<512xi32, #tpu.memory_space<vmem>>, vector<16xi32>,
      %get3A_98 = arith.constant 9 : i32
      %get3A_99 = arith.index_cast %get3A_98 : i32 to index
      %get3A_100 = arith.constant 0 : index
      %get3A_101 = tpu.vector_load %arg8[%get3A_99, %get3A_100] {strides = array<i32>} : memref<32x128xi32, #tpu.memory_space<vmem>>, vector<1x16xi32>,
      %get3A_102 = vector.shape_cast %get3A_101 : vector<1x16xi32> to vector<16xi32>
      %swap3A_103 = arith.constant 144 : index
      %swap3A_104 = tpu.vector_load %arg9[%swap3A_103] {strides = array<i32>} : memref<512xi32, #tpu.memory_space<vmem>>, vector<16xi32>,
      %swap3A_105 = vector.shape_cast %swap3A_104 : vector<16xi32> to vector<16xi32>
      %swap3A_106 = vector.shape_cast %get3A_102 : vector<16xi32> to vector<16xi32>
      tpu.vector_store %arg9[%swap3A_103], %swap3A_106 {strides = array<i32>} : memref<512xi32, #tpu.memory_space<vmem>>, vector<16xi32>,
      %get3A_107 = arith.constant 10 : i32
      %get3A_108 = arith.index_cast %get3A_107 : i32 to index
      %get3A_109 = arith.constant 0 : index
      %get3A_110 = tpu.vector_load %arg8[%get3A_108, %get3A_109] {strides = array<i32>} : memref<32x128xi32, #tpu.memory_space<vmem>>, vector<1x16xi32>,
      %get3A_111 = vector.shape_cast %get3A_110 : vector<1x16xi32> to vector<16xi32>
      %swap3A_112 = arith.constant 160 : index
      %swap3A_113 = tpu.vector_load %arg9[%swap3A_112] {strides = array<i32>} : memref<512xi32, #tpu.memory_space<vmem>>, vector<16xi32>,
      %swap3A_114 = vector.shape_cast %swap3A_113 : vector<16xi32> to vector<16xi32>
      %swap3A_115 = vector.shape_cast %get3A_111 : vector<16xi32> to vector<16xi32>
      tpu.vector_store %arg9[%swap3A_112], %swap3A_115 {strides = array<i32>} : memref<512xi32, #tpu.memory_space<vmem>>, vector<16xi32>,
      %get3A_116 = arith.constant 11 : i32
      %get3A_117 = arith.index_cast %get3A_116 : i32 to index
      %get3A_118 = arith.constant 0 : index
      %get3A_119 = tpu.vector_load %arg8[%get3A_117, %get3A_118] {strides = array<i32>} : memref<32x128xi32, #tpu.memory_space<vmem>>, vector<1x16xi32>,
      %get3A_120 = vector.shape_cast %get3A_119 : vector<1x16xi32> to vector<16xi32>
      %swap3A_121 = arith.constant 176 : index
      %swap3A_122 = tpu.vector_load %arg9[%swap3A_121] {strides = array<i32>} : memref<512xi32, #tpu.memory_space<vmem>>, vector<16xi32>,
      %swap3A_123 = vector.shape_cast %swap3A_122 : vector<16xi32> to vector<16xi32>
      %swap3A_124 = vector.shape_cast %get3A_120 : vector<16xi32> to vector<16xi32>
      tpu.vector_store %arg9[%swap3A_121], %swap3A_124 {strides = array<i32>} : memref<512xi32, #tpu.memory_space<vmem>>, vector<16xi32>,
      %get3A_125 = arith.constant 12 : i32
      %get3A_126 = arith.index_cast %get3A_125 : i32 to index
      %get3A_127 = arith.constant 0 : index
      %get3A_128 = tpu.vector_load %arg8[%get3A_126, %get3A_127] {strides = array<i32>} : memref<32x128xi32, #tpu.memory_space<vmem>>, vector<1x16xi32>,
      %get3A_129 = vector.shape_cast %get3A_128 : vector<1x16xi32> to vector<16xi32>
      %swap3A_130 = arith.constant 192 : index
      %swap3A_131 = tpu.vector_load %arg9[%swap3A_130] {strides = array<i32>} : memref<512xi32, #tpu.memory_space<vmem>>, vector<16xi32>,
      %swap3A_132 = vector.shape_cast %swap3A_131 : vector<16xi32> to vector<16xi32>
      %swap3A_133 = vector.shape_cast %get3A_129 : vector<16xi32> to vector<16xi32>
      tpu.vector_store %arg9[%swap3A_130], %swap3A_133 {strides = array<i32>} : memref<512xi32, #tpu.memory_space<vmem>>, vector<16xi32>,
      %get3A_134 = arith.constant 13 : i32
      %get3A_135 = arith.index_cast %get3A_134 : i32 to index
      %get3A_136 = arith.constant 0 : index
      %get3A_137 = tpu.vector_load %arg8[%get3A_135, %get3A_136] {strides = array<i32>} : memref<32x128xi32, #tpu.memory_space<vmem>>, vector<1x16xi32>,
      %get3A_138 = vector.shape_cast %get3A_137 : vector<1x16xi32> to vector<16xi32>
      %swap3A_139 = arith.constant 208 : index
      %swap3A_140 = tpu.vector_load %arg9[%swap3A_139] {strides = array<i32>} : memref<512xi32, #tpu.memory_space<vmem>>, vector<16xi32>,
      %swap3A_141 = vector.shape_cast %swap3A_140 : vector<16xi32> to vector<16xi32>
      %swap3A_142 = vector.shape_cast %get3A_138 : vector<16xi32> to vector<16xi32>
      tpu.vector_store %arg9[%swap3A_139], %swap3A_142 {strides = array<i32>} : memref<512xi32, #tpu.memory_space<vmem>>, vector<16xi32>,
      %get3A_143 = arith.constant 14 : i32
      %get3A_144 = arith.index_cast %get3A_143 : i32 to index
      %get3A_145 = arith.constant 0 : index
      %get3A_146 = tpu.vector_load %arg8[%get3A_144, %get3A_145] {strides = array<i32>} : memref<32x128xi32, #tpu.memory_space<vmem>>, vector<1x16xi32>,
      %get3A_147 = vector.shape_cast %get3A_146 : vector<1x16xi32> to vector<16xi32>
      %swap3A_148 = arith.constant 224 : index
      %swap3A_149 = tpu.vector_load %arg9[%swap3A_148] {strides = array<i32>} : memref<512xi32, #tpu.memory_space<vmem>>, vector<16xi32>,
      %swap3A_150 = vector.shape_cast %swap3A_149 : vector<16xi32> to vector<16xi32>
      %swap3A_151 = vector.shape_cast %get3A_147 : vector<16xi32> to vector<16xi32>
      tpu.vector_store %arg9[%swap3A_148], %swap3A_151 {strides = array<i32>} : memref<512xi32, #tpu.memory_space<vmem>>, vector<16xi32>,
      %get3A_152 = arith.constant 15 : i32
      %get3A_153 = arith.index_cast %get3A_152 : i32 to index
      %get3A_154 = arith.constant 0 : index
      %get3A_155 = tpu.vector_load %arg8[%get3A_153, %get3A_154] {strides = array<i32>} : memref<32x128xi32, #tpu.memory_space<vmem>>, vector<1x16xi32>,
      %get3A_156 = vector.shape_cast %get3A_155 : vector<1x16xi32> to vector<16xi32>
      %swap3A_157 = arith.constant 240 : index
      %swap3A_158 = tpu.vector_load %arg9[%swap3A_157] {strides = array<i32>} : memref<512xi32, #tpu.memory_space<vmem>>, vector<16xi32>,
      %swap3A_159 = vector.shape_cast %swap3A_158 : vector<16xi32> to vector<16xi32>
      %swap3A_160 = vector.shape_cast %get3A_156 : vector<16xi32> to vector<16xi32>
      tpu.vector_store %arg9[%swap3A_157], %swap3A_160 {strides = array<i32>} : memref<512xi32, #tpu.memory_space<vmem>>, vector<16xi32>,
      %get3A_161 = arith.constant 16 : i32
      %get3A_162 = arith.index_cast %get3A_161 : i32 to index
      %get3A_163 = arith.constant 0 : index
      %get3A_164 = tpu.vector_load %arg8[%get3A_162, %get3A_163] {strides = array<i32>} : memref<32x128xi32, #tpu.memory_space<vmem>>, vector<1x16xi32>,
      %get3A_165 = vector.shape_cast %get3A_164 : vector<1x16xi32> to vector<16xi32>
      %swap3A_166 = arith.constant 256 : index
      %swap3A_167 = tpu.vector_load %arg9[%swap3A_166] {strides = array<i32>} : memref<512xi32, #tpu.memory_space<vmem>>, vector<16xi32>,
      %swap3A_168 = vector.shape_cast %swap3A_167 : vector<16xi32> to vector<16xi32>
      %swap3A_169 = vector.shape_cast %get3A_165 : vector<16xi32> to vector<16xi32>
      tpu.vector_store %arg9[%swap3A_166], %swap3A_169 {strides = array<i32>} : memref<512xi32, #tpu.memory_space<vmem>>, vector<16xi32>,
      %get3A_170 = arith.constant 17 : i32
      %get3A_171 = arith.index_cast %get3A_170 : i32 to index
      %get3A_172 = arith.constant 0 : index
      %get3A_173 = tpu.vector_load %arg8[%get3A_171, %get3A_172] {strides = array<i32>} : memref<32x128xi32, #tpu.memory_space<vmem>>, vector<1x16xi32>,
      %get3A_174 = vector.shape_cast %get3A_173 : vector<1x16xi32> to vector<16xi32>
      %swap3A_175 = arith.constant 272 : index
      %swap3A_176 = tpu.vector_load %arg9[%swap3A_175] {strides = array<i32>} : memref<512xi32, #tpu.memory_space<vmem>>, vector<16xi32>,
      %swap3A_177 = vector.shape_cast %swap3A_176 : vector<16xi32> to vector<16xi32>
      %swap3A_178 = vector.shape_cast %get3A_174 : vector<16xi32> to vector<16xi32>
      tpu.vector_store %arg9[%swap3A_175], %swap3A_178 {strides = array<i32>} : memref<512xi32, #tpu.memory_space<vmem>>, vector<16xi32>,
      %get3A_179 = arith.constant 18 : i32
      %get3A_180 = arith.index_cast %get3A_179 : i32 to index
      %get3A_181 = arith.constant 0 : index
      %get3A_182 = tpu.vector_load %arg8[%get3A_180, %get3A_181] {strides = array<i32>} : memref<32x128xi32, #tpu.memory_space<vmem>>, vector<1x16xi32>,
      %get3A_183 = vector.shape_cast %get3A_182 : vector<1x16xi32> to vector<16xi32>
      %swap3A_184 = arith.constant 288 : index
      %swap3A_185 = tpu.vector_load %arg9[%swap3A_184] {strides = array<i32>} : memref<512xi32, #tpu.memory_space<vmem>>, vector<16xi32>,
      %swap3A_186 = vector.shape_cast %swap3A_185 : vector<16xi32> to vector<16xi32>
      %swap3A_187 = vector.shape_cast %get3A_183 : vector<16xi32> to vector<16xi32>
      tpu.vector_store %arg9[%swap3A_184], %swap3A_187 {strides = array<i32>} : memref<512xi32, #tpu.memory_space<vmem>>, vector<16xi32>,
      %get3A_188 = arith.constant 19 : i32
      %get3A_189 = arith.index_cast %get3A_188 : i32 to index
      %get3A_190 = arith.constant 0 : index
      %get3A_191 = tpu.vector_load %arg8[%get3A_189, %get3A_190] {strides = array<i32>} : memref<32x128xi32, #tpu.memory_space<vmem>>, vector<1x16xi32>,
      %get3A_192 = vector.shape_cast %get3A_191 : vector<1x16xi32> to vector<16xi32>
      %swap3A_193 = arith.constant 304 : index
      %swap3A_194 = tpu.vector_load %arg9[%swap3A_193] {strides = array<i32>} : memref<512xi32, #tpu.memory_space<vmem>>, vector<16xi32>,
      %swap3A_195 = vector.shape_cast %swap3A_194 : vector<16xi32> to vector<16xi32>
      %swap3A_196 = vector.shape_cast %get3A_192 : vector<16xi32> to vector<16xi32>
      tpu.vector_store %arg9[%swap3A_193], %swap3A_196 {strides = array<i32>} : memref<512xi32, #tpu.memory_space<vmem>>, vector<16xi32>,
      %get3A_197 = arith.constant 20 : i32
      %get3A_198 = arith.index_cast %get3A_197 : i32 to index
      %get3A_199 = arith.constant 0 : index
      %get3A_200 = tpu.vector_load %arg8[%get3A_198, %get3A_199] {strides = array<i32>} : memref<32x128xi32, #tpu.memory_space<vmem>>, vector<1x16xi32>,
      %get3A_201 = vector.shape_cast %get3A_200 : vector<1x16xi32> to vector<16xi32>
      %swap3A_202 = arith.constant 320 : index
      %swap3A_203 = tpu.vector_load %arg9[%swap3A_202] {strides = array<i32>} : memref<512xi32, #tpu.memory_space<vmem>>, vector<16xi32>,
      %swap3A_204 = vector.shape_cast %swap3A_203 : vector<16xi32> to vector<16xi32>
      %swap3A_205 = vector.shape_cast %get3A_201 : vector<16xi32> to vector<16xi32>
      tpu.vector_store %arg9[%swap3A_202], %swap3A_205 {strides = array<i32>} : memref<512xi32, #tpu.memory_space<vmem>>, vector<16xi32>,
      %get3A_206 = arith.constant 21 : i32
      %get3A_207 = arith.index_cast %get3A_206 : i32 to index
      %get3A_208 = arith.constant 0 : index
      %get3A_209 = tpu.vector_load %arg8[%get3A_207, %get3A_208] {strides = array<i32>} : memref<32x128xi32, #tpu.memory_space<vmem>>, vector<1x16xi32>,
      %get3A_210 = vector.shape_cast %get3A_209 : vector<1x16xi32> to vector<16xi32>
      %swap3A_211 = arith.constant 336 : index
      %swap3A_212 = tpu.vector_load %arg9[%swap3A_211] {strides = array<i32>} : memref<512xi32, #tpu.memory_space<vmem>>, vector<16xi32>,
      %swap3A_213 = vector.shape_cast %swap3A_212 : vector<16xi32> to vector<16xi32>
      %swap3A_214 = vector.shape_cast %get3A_210 : vector<16xi32> to vector<16xi32>
      tpu.vector_store %arg9[%swap3A_211], %swap3A_214 {strides = array<i32>} : memref<512xi32, #tpu.memory_space<vmem>>, vector<16xi32>,
      %get3A_215 = arith.constant 22 : i32
      %get3A_216 = arith.index_cast %get3A_215 : i32 to index
      %get3A_217 = arith.constant 0 : index
      %get3A_218 = tpu.vector_load %arg8[%get3A_216, %get3A_217] {strides = array<i32>} : memref<32x128xi32, #tpu.memory_space<vmem>>, vector<1x16xi32>,
      %get3A_219 = vector.shape_cast %get3A_218 : vector<1x16xi32> to vector<16xi32>
      %swap3A_220 = arith.constant 352 : index
      %swap3A_221 = tpu.vector_load %arg9[%swap3A_220] {strides = array<i32>} : memref<512xi32, #tpu.memory_space<vmem>>, vector<16xi32>,
      %swap3A_222 = vector.shape_cast %swap3A_221 : vector<16xi32> to vector<16xi32>
      %swap3A_223 = vector.shape_cast %get3A_219 : vector<16xi32> to vector<16xi32>
      tpu.vector_store %arg9[%swap3A_220], %swap3A_223 {strides = array<i32>} : memref<512xi32, #tpu.memory_space<vmem>>, vector<16xi32>,
      %get3A_224 = arith.constant 23 : i32
      %get3A_225 = arith.index_cast %get3A_224 : i32 to index
      %get3A_226 = arith.constant 0 : index
      %get3A_227 = tpu.vector_load %arg8[%get3A_225, %get3A_226] {strides = array<i32>} : memref<32x128xi32, #tpu.memory_space<vmem>>, vector<1x16xi32>,
      %get3A_228 = vector.shape_cast %get3A_227 : vector<1x16xi32> to vector<16xi32>
      %swap3A_229 = arith.constant 368 : index
      %swap3A_230 = tpu.vector_load %arg9[%swap3A_229] {strides = array<i32>} : memref<512xi32, #tpu.memory_space<vmem>>, vector<16xi32>,
      %swap3A_231 = vector.shape_cast %swap3A_230 : vector<16xi32> to vector<16xi32>
      %swap3A_232 = vector.shape_cast %get3A_228 : vector<16xi32> to vector<16xi32>
      tpu.vector_store %arg9[%swap3A_229], %swap3A_232 {strides = array<i32>} : memref<512xi32, #tpu.memory_space<vmem>>, vector<16xi32>,
      %get3A_233 = arith.constant 24 : i32
      %get3A_234 = arith.index_cast %get3A_233 : i32 to index
      %get3A_235 = arith.constant 0 : index
      %get3A_236 = tpu.vector_load %arg8[%get3A_234, %get3A_235] {strides = array<i32>} : memref<32x128xi32, #tpu.memory_space<vmem>>, vector<1x16xi32>,
      %get3A_237 = vector.shape_cast %get3A_236 : vector<1x16xi32> to vector<16xi32>
      %swap3A_238 = arith.constant 384 : index
      %swap3A_239 = tpu.vector_load %arg9[%swap3A_238] {strides = array<i32>} : memref<512xi32, #tpu.memory_space<vmem>>, vector<16xi32>,
      %swap3A_240 = vector.shape_cast %swap3A_239 : vector<16xi32> to vector<16xi32>
      %swap3A_241 = vector.shape_cast %get3A_237 : vector<16xi32> to vector<16xi32>
      tpu.vector_store %arg9[%swap3A_238], %swap3A_241 {strides = array<i32>} : memref<512xi32, #tpu.memory_space<vmem>>, vector<16xi32>,
      %get3A_242 = arith.constant 25 : i32
      %get3A_243 = arith.index_cast %get3A_242 : i32 to index
      %get3A_244 = arith.constant 0 : index
      %get3A_245 = tpu.vector_load %arg8[%get3A_243, %get3A_244] {strides = array<i32>} : memref<32x128xi32, #tpu.memory_space<vmem>>, vector<1x16xi32>,
      %get3A_246 = vector.shape_cast %get3A_245 : vector<1x16xi32> to vector<16xi32>
      %swap3A_247 = arith.constant 400 : index
      %swap3A_248 = tpu.vector_load %arg9[%swap3A_247] {strides = array<i32>} : memref<512xi32, #tpu.memory_space<vmem>>, vector<16xi32>,
      %swap3A_249 = vector.shape_cast %swap3A_248 : vector<16xi32> to vector<16xi32>
      %swap3A_250 = vector.shape_cast %get3A_246 : vector<16xi32> to vector<16xi32>
      tpu.vector_store %arg9[%swap3A_247], %swap3A_250 {strides = array<i32>} : memref<512xi32, #tpu.memory_space<vmem>>, vector<16xi32>,
      %get3A_251 = arith.constant 26 : i32
      %get3A_252 = arith.index_cast %get3A_251 : i32 to index
      %get3A_253 = arith.constant 0 : index
      %get3A_254 = tpu.vector_load %arg8[%get3A_252, %get3A_253] {strides = array<i32>} : memref<32x128xi32, #tpu.memory_space<vmem>>, vector<1x16xi32>,
      %get3A_255 = vector.shape_cast %get3A_254 : vector<1x16xi32> to vector<16xi32>
      %swap3A_256 = arith.constant 416 : index
      %swap3A_257 = tpu.vector_load %arg9[%swap3A_256] {strides = array<i32>} : memref<512xi32, #tpu.memory_space<vmem>>, vector<16xi32>,
      %swap3A_258 = vector.shape_cast %swap3A_257 : vector<16xi32> to vector<16xi32>
      %swap3A_259 = vector.shape_cast %get3A_255 : vector<16xi32> to vector<16xi32>
      tpu.vector_store %arg9[%swap3A_256], %swap3A_259 {strides = array<i32>} : memref<512xi32, #tpu.memory_space<vmem>>, vector<16xi32>,
      %get3A_260 = arith.constant 27 : i32
      %get3A_261 = arith.index_cast %get3A_260 : i32 to index
      %get3A_262 = arith.constant 0 : index
      %get3A_263 = tpu.vector_load %arg8[%get3A_261, %get3A_262] {strides = array<i32>} : memref<32x128xi32, #tpu.memory_space<vmem>>, vector<1x16xi32>,
      %get3A_264 = vector.shape_cast %get3A_263 : vector<1x16xi32> to vector<16xi32>
      %swap3A_265 = arith.constant 432 : index
      %swap3A_266 = tpu.vector_load %arg9[%swap3A_265] {strides = array<i32>} : memref<512xi32, #tpu.memory_space<vmem>>, vector<16xi32>,
      %swap3A_267 = vector.shape_cast %swap3A_266 : vector<16xi32> to vector<16xi32>
      %swap3A_268 = vector.shape_cast %get3A_264 : vector<16xi32> to vector<16xi32>
      tpu.vector_store %arg9[%swap3A_265], %swap3A_268 {strides = array<i32>} : memref<512xi32, #tpu.memory_space<vmem>>, vector<16xi32>,
      %get3A_269 = arith.constant 28 : i32
      %get3A_270 = arith.index_cast %get3A_269 : i32 to index
      %get3A_271 = arith.constant 0 : index
      %get3A_272 = tpu.vector_load %arg8[%get3A_270, %get3A_271] {strides = array<i32>} : memref<32x128xi32, #tpu.memory_space<vmem>>, vector<1x16xi32>,
      %get3A_273 = vector.shape_cast %get3A_272 : vector<1x16xi32> to vector<16xi32>
      %swap3A_274 = arith.constant 448 : index
      %swap3A_275 = tpu.vector_load %arg9[%swap3A_274] {strides = array<i32>} : memref<512xi32, #tpu.memory_space<vmem>>, vector<16xi32>,
      %swap3A_276 = vector.shape_cast %swap3A_275 : vector<16xi32> to vector<16xi32>
      %swap3A_277 = vector.shape_cast %get3A_273 : vector<16xi32> to vector<16xi32>
      tpu.vector_store %arg9[%swap3A_274], %swap3A_277 {strides = array<i32>} : memref<512xi32, #tpu.memory_space<vmem>>, vector<16xi32>,
      %get3A_278 = arith.constant 29 : i32
      %get3A_279 = arith.index_cast %get3A_278 : i32 to index
      %get3A_280 = arith.constant 0 : index
      %get3A_281 = tpu.vector_load %arg8[%get3A_279, %get3A_280] {strides = array<i32>} : memref<32x128xi32, #tpu.memory_space<vmem>>, vector<1x16xi32>,
      %get3A_282 = vector.shape_cast %get3A_281 : vector<1x16xi32> to vector<16xi32>
      %swap3A_283 = arith.constant 464 : index
      %swap3A_284 = tpu.vector_load %arg9[%swap3A_283] {strides = array<i32>} : memref<512xi32, #tpu.memory_space<vmem>>, vector<16xi32>,
      %swap3A_285 = vector.shape_cast %swap3A_284 : vector<16xi32> to vector<16xi32>
      %swap3A_286 = vector.shape_cast %get3A_282 : vector<16xi32> to vector<16xi32>
      tpu.vector_store %arg9[%swap3A_283], %swap3A_286 {strides = array<i32>} : memref<512xi32, #tpu.memory_space<vmem>>, vector<16xi32>,
      %get3A_287 = arith.constant 30 : i32
      %get3A_288 = arith.index_cast %get3A_287 : i32 to index
      %get3A_289 = arith.constant 0 : index
      %get3A_290 = tpu.vector_load %arg8[%get3A_288, %get3A_289] {strides = array<i32>} : memref<32x128xi32, #tpu.memory_space<vmem>>, vector<1x16xi32>,
      %get3A_291 = vector.shape_cast %get3A_290 : vector<1x16xi32> to vector<16xi32>
      %swap3A_292 = arith.constant 480 : index
      %swap3A_293 = tpu.vector_load %arg9[%swap3A_292] {strides = array<i32>} : memref<512xi32, #tpu.memory_space<vmem>>, vector<16xi32>,
      %swap3A_294 = vector.shape_cast %swap3A_293 : vector<16xi32> to vector<16xi32>
      %swap3A_295 = vector.shape_cast %get3A_291 : vector<16xi32> to vector<16xi32>
      tpu.vector_store %arg9[%swap3A_292], %swap3A_295 {strides = array<i32>} : memref<512xi32, #tpu.memory_space<vmem>>, vector<16xi32>,
      %get3A_296 = arith.constant 31 : i32
      %get3A_297 = arith.index_cast %get3A_296 : i32 to index
      %get3A_298 = arith.constant 0 : index
      %get3A_299 = tpu.vector_load %arg8[%get3A_297, %get3A_298] {strides = array<i32>} : memref<32x128xi32, #tpu.memory_space<vmem>>, vector<1x16xi32>,
      %get3A_300 = vector.shape_cast %get3A_299 : vector<1x16xi32> to vector<16xi32>
      %swap3A_301 = arith.constant 496 : index
      %swap3A_302 = tpu.vector_load %arg9[%swap3A_301] {strides = array<i32>} : memref<512xi32, #tpu.memory_space<vmem>>, vector<16xi32>,
      %swap3A_303 = vector.shape_cast %swap3A_302 : vector<16xi32> to vector<16xi32>
      %swap3A_304 = vector.shape_cast %get3A_300 : vector<16xi32> to vector<16xi32>
      tpu.vector_store %arg9[%swap3A_301], %swap3A_304 {strides = array<i32>} : memref<512xi32, #tpu.memory_space<vmem>>, vector<16xi32>,
      %dma_start3A_305 = arith.constant 0 : i32
      %dma_start3A_306 = arith.constant 0 : i32
      %dma_start3A_307 = tpu.memref_slice %arg4[%dma_start3A_305, %dma_start3A_306] : memref<10000x128xf32, #tpu.memory_space<hbm>> -> memref<10000x128xf32, #tpu.memory_space<hbm>>
      tpu.enqueue_indirect_dma source(%dma_start3A_307 : memref<10000x128xf32, #tpu.memory_space<hbm>>) target(%arg10 : memref<512x128xf32, #tpu.memory_space<vmem>>) offsets(%arg9 : memref<512xi32, #tpu.memory_space<vmem>>) semaphore(%arg12 : memref<!tpu.dma_semaphore, #tpu.memory_space<semaphore_mem>>)
      %dma_wait3A_308 = arith.constant 0 : i32
      %dma_wait3A_309 = arith.constant 0 : i32
      %dma_wait3A_310 = tpu.memref_slice %arg4[%dma_wait3A_308, %dma_wait3A_309] : memref<10000x128xf32, #tpu.memory_space<hbm>> -> memref<10000x128xf32, #tpu.memory_space<hbm>>
      tpu.wait_indirect_dma semaphore(%arg12 : memref<!tpu.dma_semaphore, #tpu.memory_space<semaphore_mem>>) src(%dma_wait3A_310 : memref<10000x128xf32, #tpu.memory_space<hbm>>) dst(%arg10 : memref<512x128xf32, #tpu.memory_space<vmem>>)
      %mul3A_311 = arith.constant 16 : i32
      %mul3A_312 = arith.muli %add3A_14, %mul3A_311 : i32
      "tpu.region"() ({
        %run_scoped3A = tpu.sem_alloc : memref<!tpu.dma_semaphore, #tpu.memory_space<semaphore_mem>>
        %dma_start3A_313 = arith.constant 0 : i32
        %dma_start3A_314 = tpu.memref_slice %arg6[%mul3A_312, %dma_start3A_313] : memref<163840x128xf32, #tpu.memory_space<hbm>> -> memref<512x128xf32, #tpu.memory_space<hbm>>
        %dma_start3A_315 = arith.constant 0 : i32
        %dma_start3A_316 = tpu.memref_slice %arg6[%mul3A_312, %dma_start3A_315] : memref<163840x128xf32, #tpu.memory_space<hbm>> -> memref<512x128xf32, #tpu.memory_space<hbm>>
        tpu.enqueue_dma source(%arg10 : memref<512x128xf32, #tpu.memory_space<vmem>>) target(%dma_start3A_316 : memref<512x128xf32, #tpu.memory_space<hbm>>) target_semaphore(%run_scoped3A : memref<!tpu.dma_semaphore, #tpu.memory_space<semaphore_mem>>)
        %dma_wait3A_317 = arith.constant 0 : i32
        %dma_wait3A_318 = tpu.memref_slice %arg6[%mul3A_312, %dma_wait3A_317] : memref<163840x128xf32, #tpu.memory_space<hbm>> -> memref<512x128xf32, #tpu.memory_space<hbm>>
        %dma_wait3A_319 = arith.constant 0 : i32
        %dma_wait3A_320 = tpu.memref_slice %arg6[%mul3A_312, %dma_wait3A_319] : memref<163840x128xf32, #tpu.memory_space<hbm>> -> memref<512x128xf32, #tpu.memory_space<hbm>>
        tpu.wait_dma2 semaphore(%run_scoped3A : memref<!tpu.dma_semaphore, #tpu.memory_space<semaphore_mem>>) src(%arg10 : memref<512x128xf32, #tpu.memory_space<vmem>>) dst(%dma_wait3A_320 : memref<512x128xf32, #tpu.memory_space<hbm>>)
        tpu.yield
      }) : () -> ()
    }
    %scan3A_6 = arith.constant 10 : i32
    return
  }
}

#map = affine_map<(d0, d1) -> (0)>
#map1 = affine_map<(d0, d1) -> (0, 0)>
module attributes {stable_mosaic.version = 14 : i64} {
  func.func @_sc_gather(%arg0: i32, %arg1: i32, %arg2: memref<10240xi32, #tpu.memory_space<hbm>>, %arg3: memref<10000x128xi32, #tpu.memory_space<hbm>>, %arg4: memref<10000x128xf32, #tpu.memory_space<hbm>>, %arg5: memref<10240x128xi32, #tpu.memory_space<hbm>>, %arg6: memref<163840x128xf32, #tpu.memory_space<hbm>>, %arg7: memref<32xi32, #tpu.memory_space<vmem>>, %arg8: memref<32x128xi32, #tpu.memory_space<vmem>>, %arg9: memref<512xi32, #tpu.memory_space<vmem>>, %arg10: memref<512x128xf32, #tpu.memory_space<vmem>>, %arg11: memref<!tpu.dma_semaphore, #tpu.memory_space<semaphore_mem>>, %arg12: memref<!tpu.dma_semaphore, #tpu.memory_space<semaphore_mem>>) attributes {dimension_semantics = [#tpu.dimension_semantics<core_parallel>, #tpu.dimension_semantics<subcore_parallel>], iteration_bounds = array<i64: 2, 16>, scalar_prefetch = 0 : i64, scratch_operands = 6 : i64, tpu.core_type = #tpu.core_type<sc_vector_subcore>, window_params = [{transform_indices = #map}, {transform_indices = #map1}, {transform_indices = #map1}, {transform_indices = #map1}, {transform_indices = #map1}]} {
    %mul3A = arith.constant 2 : i32
    %mul3A_0 = arith.muli %arg1, %mul3A : i32
    %add3A = arith.addi %mul3A_0, %arg0 : i32
    %mul3A_1 = arith.constant 320 : i32
    %mul3A_2 = arith.muli %add3A, %mul3A_1 : i32
    %scan3A = arith.constant 0 : i32
    %scan3A_3 = arith.constant 10 : i32
    %scan3A_4 = arith.addi %scan3A, %scan3A_3 : i32
    %scan3A_5 = arith.constant 1 : i32
    scf.for %scan3A_7 = %scan3A to %scan3A_4 step %scan3A_5  : i32 {
      %mul3A_8 = arith.constant 1 : i32
      %mul3A_9 = arith.muli %scan3A_7, %mul3A_8 : i32
      %add3A_10 = arith.constant 0 : i32
      %add3A_11 = arith.addi %add3A_10, %mul3A_9 : i32
      %mul3A_12 = arith.constant 32 : i32
      %mul3A_13 = arith.muli %add3A_11, %mul3A_12 : i32
      %add3A_14 = arith.addi %mul3A_2, %mul3A_13 : i32
      "tpu.region"() ({
        %run_scoped3A = tpu.sem_alloc : memref<!tpu.dma_semaphore, #tpu.memory_space<semaphore_mem>>
        %dma_start3A_313 = tpu.memref_slice %arg2[%add3A_14] : memref<10240xi32, #tpu.memory_space<hbm>> -> memref<32xi32, #tpu.memory_space<hbm>>
        %dma_start3A_314 = tpu.memref_slice %arg2[%add3A_14] : memref<10240xi32, #tpu.memory_space<hbm>> -> memref<32xi32, #tpu.memory_space<hbm>>
        tpu.enqueue_dma source(%dma_start3A_314 : memref<32xi32, #tpu.memory_space<hbm>>) target(%arg7 : memref<32xi32, #tpu.memory_space<vmem>>) target_semaphore(%run_scoped3A : memref<!tpu.dma_semaphore, #tpu.memory_space<semaphore_mem>>)
        %dma_wait3A_315 = tpu.memref_slice %arg2[%add3A_14] : memref<10240xi32, #tpu.memory_space<hbm>> -> memref<32xi32, #tpu.memory_space<hbm>>
        %dma_wait3A_316 = tpu.memref_slice %arg2[%add3A_14] : memref<10240xi32, #tpu.memory_space<hbm>> -> memref<32xi32, #tpu.memory_space<hbm>>
        tpu.wait_dma2 semaphore(%run_scoped3A : memref<!tpu.dma_semaphore, #tpu.memory_space<semaphore_mem>>) src(%dma_wait3A_316 : memref<32xi32, #tpu.memory_space<hbm>>) dst(%arg7 : memref<32xi32, #tpu.memory_space<vmem>>)
        tpu.yield
      }) : () -> ()
      %dma_start3A = arith.constant 0 : i32
      %dma_start3A_15 = arith.constant 0 : i32
      %dma_start3A_16 = tpu.memref_slice %arg3[%dma_start3A, %dma_start3A_15] : memref<10000x128xi32, #tpu.memory_space<hbm>> -> memref<10000x128xi32, #tpu.memory_space<hbm>>
      tpu.enqueue_indirect_dma source(%dma_start3A_16 : memref<10000x128xi32, #tpu.memory_space<hbm>>) target(%arg8 : memref<32x128xi32, #tpu.memory_space<vmem>>) offsets(%arg7 : memref<32xi32, #tpu.memory_space<vmem>>) semaphore(%arg11 : memref<!tpu.dma_semaphore, #tpu.memory_space<semaphore_mem>>)
      %dma_wait3A = arith.constant 0 : i32
      %dma_wait3A_17 = arith.constant 0 : i32
      %dma_wait3A_18 = tpu.memref_slice %arg3[%dma_wait3A, %dma_wait3A_17] : memref<10000x128xi32, #tpu.memory_space<hbm>> -> memref<10000x128xi32, #tpu.memory_space<hbm>>
      tpu.wait_indirect_dma semaphore(%arg11 : memref<!tpu.dma_semaphore, #tpu.memory_space<semaphore_mem>>) src(%dma_wait3A_18 : memref<10000x128xi32, #tpu.memory_space<hbm>>) dst(%arg8 : memref<32x128xi32, #tpu.memory_space<vmem>>)
      "tpu.region"() ({
        %run_scoped3A = tpu.sem_alloc : memref<!tpu.dma_semaphore, #tpu.memory_space<semaphore_mem>>
        %dma_start3A_313 = arith.constant 0 : i32
        %dma_start3A_314 = tpu.memref_slice %arg5[%add3A_14, %dma_start3A_313] : memref<10240x128xi32, #tpu.memory_space<hbm>> -> memref<32x128xi32, #tpu.memory_space<hbm>>
        %dma_start3A_315 = arith.constant 0 : i32
        %dma_start3A_316 = tpu.memref_slice %arg5[%add3A_14, %dma_start3A_315] : memref<10240x128xi32, #tpu.memory_space<hbm>> -> memref<32x128xi32, #tpu.memory_space<hbm>>
        tpu.enqueue_dma source(%arg8 : memref<32x128xi32, #tpu.memory_space<vmem>>) target(%dma_start3A_316 : memref<32x128xi32, #tpu.memory_space<hbm>>) target_semaphore(%run_scoped3A : memref<!tpu.dma_semaphore, #tpu.memory_space<semaphore_mem>>)
        %dma_wait3A_317 = arith.constant 0 : i32
        %dma_wait3A_318 = tpu.memref_slice %arg5[%add3A_14, %dma_wait3A_317] : memref<10240x128xi32, #tpu.memory_space<hbm>> -> memref<32x128xi32, #tpu.memory_space<hbm>>
        %dma_wait3A_319 = arith.constant 0 : i32
        %dma_wait3A_320 = tpu.memref_slice %arg5[%add3A_14, %dma_wait3A_319] : memref<10240x128xi32, #tpu.memory_space<hbm>> -> memref<32x128xi32, #tpu.memory_space<hbm>>
        tpu.wait_dma2 semaphore(%run_scoped3A : memref<!tpu.dma_semaphore, #tpu.memory_space<semaphore_mem>>) src(%arg8 : memref<32x128xi32, #tpu.memory_space<vmem>>) dst(%dma_wait3A_320 : memref<32x128xi32, #tpu.memory_space<hbm>>)
        tpu.yield
      }) : () -> ()
      %get3A = arith.constant 0 : i32
      %get3A_19 = arith.index_cast %get3A : i32 to index
      %get3A_20 = arith.constant 0 : index
      %get3A_21 = tpu.vector_load %arg8[%get3A_19, %get3A_20] {strides = array<i32>} : memref<32x128xi32, #tpu.memory_space<vmem>>, vector<1x16xi32>,
      %get3A_22 = vector.shape_cast %get3A_21 : vector<1x16xi32> to vector<16xi32>
      %swap3A = arith.constant 0 : index
      %swap3A_23 = tpu.vector_load %arg9[%swap3A] {strides = array<i32>} : memref<512xi32, #tpu.memory_space<vmem>>, vector<16xi32>,
      %swap3A_24 = vector.shape_cast %swap3A_23 : vector<16xi32> to vector<16xi32>
      %swap3A_25 = vector.shape_cast %get3A_22 : vector<16xi32> to vector<16xi32>
      tpu.vector_store %arg9[%swap3A], %swap3A_25 {strides = array<i32>} : memref<512xi32, #tpu.memory_space<vmem>>, vector<16xi32>,
      %get3A_26 = arith.constant 1 : i32
      %get3A_27 = arith.index_cast %get3A_26 : i32 to index
      %get3A_28 = arith.constant 0 : index
      %get3A_29 = tpu.vector_load %arg8[%get3A_27, %get3A_28] {strides = array<i32>} : memref<32x128xi32, #tpu.memory_space<vmem>>, vector<1x16xi32>,
      %get3A_30 = vector.shape_cast %get3A_29 : vector<1x16xi32> to vector<16xi32>
      %swap3A_31 = arith.constant 16 : index
      %swap3A_32 = tpu.vector_load %arg9[%swap3A_31] {strides = array<i32>} : memref<512xi32, #tpu.memory_space<vmem>>, vector<16xi32>,
      %swap3A_33 = vector.shape_cast %swap3A_32 : vector<16xi32> to vector<16xi32>
      %swap3A_34 = vector.shape_cast %get3A_30 : vector<16xi32> to vector<16xi32>
      tpu.vector_store %arg9[%swap3A_31], %swap3A_34 {strides = array<i32>} : memref<512xi32, #tpu.memory_space<vmem>>, vector<16xi32>,
      %get3A_35 = arith.constant 2 : i32
      %get3A_36 = arith.index_cast %get3A_35 : i32 to index
      %get3A_37 = arith.constant 0 : index
      %get3A_38 = tpu.vector_load %arg8[%get3A_36, %get3A_37] {strides = array<i32>} : memref<32x128xi32, #tpu.memory_space<vmem>>, vector<1x16xi32>,
      %get3A_39 = vector.shape_cast %get3A_38 : vector<1x16xi32> to vector<16xi32>
      %swap3A_40 = arith.constant 32 : index
      %swap3A_41 = tpu.vector_load %arg9[%swap3A_40] {strides = array<i32>} : memref<512xi32, #tpu.memory_space<vmem>>, vector<16xi32>,
      %swap3A_42 = vector.shape_cast %swap3A_41 : vector<16xi32> to vector<16xi32>
      %swap3A_43 = vector.shape_cast %get3A_39 : vector<16xi32> to vector<16xi32>
      tpu.vector_store %arg9[%swap3A_40], %swap3A_43 {strides = array<i32>} : memref<512xi32, #tpu.memory_space<vmem>>, vector<16xi32>,
      %get3A_44 = arith.constant 3 : i32
      %get3A_45 = arith.index_cast %get3A_44 : i32 to index
      %get3A_46 = arith.constant 0 : index
      %get3A_47 = tpu.vector_load %arg8[%get3A_45, %get3A_46] {strides = array<i32>} : memref<32x128xi32, #tpu.memory_space<vmem>>, vector<1x16xi32>,
      %get3A_48 = vector.shape_cast %get3A_47 : vector<1x16xi32> to vector<16xi32>
      %swap3A_49 = arith.constant 48 : index
      %swap3A_50 = tpu.vector_load %arg9[%swap3A_49] {strides = array<i32>} : memref<512xi32, #tpu.memory_space<vmem>>, vector<16xi32>,
      %swap3A_51 = vector.shape_cast %swap3A_50 : vector<16xi32> to vector<16xi32>
      %swap3A_52 = vector.shape_cast %get3A_48 : vector<16xi32> to vector<16xi32>
      tpu.vector_store %arg9[%swap3A_49], %swap3A_52 {strides = array<i32>} : memref<512xi32, #tpu.memory_space<vmem>>, vector<16xi32>,
      %get3A_53 = arith.constant 4 : i32
      %get3A_54 = arith.index_cast %get3A_53 : i32 to index
      %get3A_55 = arith.constant 0 : index
      %get3A_56 = tpu.vector_load %arg8[%get3A_54, %get3A_55] {strides = array<i32>} : memref<32x128xi32, #tpu.memory_space<vmem>>, vector<1x16xi32>,
      %get3A_57 = vector.shape_cast %get3A_56 : vector<1x16xi32> to vector<16xi32>
      %swap3A_58 = arith.constant 64 : index
      %swap3A_59 = tpu.vector_load %arg9[%swap3A_58] {strides = array<i32>} : memref<512xi32, #tpu.memory_space<vmem>>, vector<16xi32>,
      %swap3A_60 = vector.shape_cast %swap3A_59 : vector<16xi32> to vector<16xi32>
      %swap3A_61 = vector.shape_cast %get3A_57 : vector<16xi32> to vector<16xi32>
      tpu.vector_store %arg9[%swap3A_58], %swap3A_61 {strides = array<i32>} : memref<512xi32, #tpu.memory_space<vmem>>, vector<16xi32>,
      %get3A_62 = arith.constant 5 : i32
      %get3A_63 = arith.index_cast %get3A_62 : i32 to index
      %get3A_64 = arith.constant 0 : index
      %get3A_65 = tpu.vector_load %arg8[%get3A_63, %get3A_64] {strides = array<i32>} : memref<32x128xi32, #tpu.memory_space<vmem>>, vector<1x16xi32>,
      %get3A_66 = vector.shape_cast %get3A_65 : vector<1x16xi32> to vector<16xi32>
      %swap3A_67 = arith.constant 80 : index
      %swap3A_68 = tpu.vector_load %arg9[%swap3A_67] {strides = array<i32>} : memref<512xi32, #tpu.memory_space<vmem>>, vector<16xi32>,
      %swap3A_69 = vector.shape_cast %swap3A_68 : vector<16xi32> to vector<16xi32>
      %swap3A_70 = vector.shape_cast %get3A_66 : vector<16xi32> to vector<16xi32>
      tpu.vector_store %arg9[%swap3A_67], %swap3A_70 {strides = array<i32>} : memref<512xi32, #tpu.memory_space<vmem>>, vector<16xi32>,
      %get3A_71 = arith.constant 6 : i32
      %get3A_72 = arith.index_cast %get3A_71 : i32 to index
      %get3A_73 = arith.constant 0 : index
      %get3A_74 = tpu.vector_load %arg8[%get3A_72, %get3A_73] {strides = array<i32>} : memref<32x128xi32, #tpu.memory_space<vmem>>, vector<1x16xi32>,
      %get3A_75 = vector.shape_cast %get3A_74 : vector<1x16xi32> to vector<16xi32>
      %swap3A_76 = arith.constant 96 : index
      %swap3A_77 = tpu.vector_load %arg9[%swap3A_76] {strides = array<i32>} : memref<512xi32, #tpu.memory_space<vmem>>, vector<16xi32>,
      %swap3A_78 = vector.shape_cast %swap3A_77 : vector<16xi32> to vector<16xi32>
      %swap3A_79 = vector.shape_cast %get3A_75 : vector<16xi32> to vector<16xi32>
      tpu.vector_store %arg9[%swap3A_76], %swap3A_79 {strides = array<i32>} : memref<512xi32, #tpu.memory_space<vmem>>, vector<16xi32>,
      %get3A_80 = arith.constant 7 : i32
      %get3A_81 = arith.index_cast %get3A_80 : i32 to index
      %get3A_82 = arith.constant 0 : index
      %get3A_83 = tpu.vector_load %arg8[%get3A_81, %get3A_82] {strides = array<i32>} : memref<32x128xi32, #tpu.memory_space<vmem>>, vector<1x16xi32>,
      %get3A_84 = vector.shape_cast %get3A_83 : vector<1x16xi32> to vector<16xi32>
      %swap3A_85 = arith.constant 112 : index
      %swap3A_86 = tpu.vector_load %arg9[%swap3A_85] {strides = array<i32>} : memref<512xi32, #tpu.memory_space<vmem>>, vector<16xi32>,
      %swap3A_87 = vector.shape_cast %swap3A_86 : vector<16xi32> to vector<16xi32>
      %swap3A_88 = vector.shape_cast %get3A_84 : vector<16xi32> to vector<16xi32>
      tpu.vector_store %arg9[%swap3A_85], %swap3A_88 {strides = array<i32>} : memref<512xi32, #tpu.memory_space<vmem>>, vector<16xi32>,
      %get3A_89 = arith.constant 8 : i32
      %get3A_90 = arith.index_cast %get3A_89 : i32 to index
      %get3A_91 = arith.constant 0 : index
      %get3A_92 = tpu.vector_load %arg8[%get3A_90, %get3A_91] {strides = array<i32>} : memref<32x128xi32, #tpu.memory_space<vmem>>, vector<1x16xi32>,
      %get3A_93 = vector.shape_cast %get3A_92 : vector<1x16xi32> to vector<16xi32>
      %swap3A_94 = arith.constant 128 : index
      %swap3A_95 = tpu.vector_load %arg9[%swap3A_94] {strides = array<i32>} : memref<512xi32, #tpu.memory_space<vmem>>, vector<16xi32>,
      %swap3A_96 = vector.shape_cast %swap3A_95 : vector<16xi32> to vector<16xi32>
      %swap3A_97 = vector.shape_cast %get3A_93 : vector<16xi32> to vector<16xi32>
      tpu.vector_store %arg9[%swap3A_94], %swap3A_97 {strides = array<i32>} : memref<512xi32, #tpu.memory_space<vmem>>, vector<16xi32>,
      %get3A_98 = arith.constant 9 : i32
      %get3A_99 = arith.index_cast %get3A_98 : i32 to index
      %get3A_100 = arith.constant 0 : index
      %get3A_101 = tpu.vector_load %arg8[%get3A_99, %get3A_100] {strides = array<i32>} : memref<32x128xi32, #tpu.memory_space<vmem>>, vector<1x16xi32>,
      %get3A_102 = vector.shape_cast %get3A_101 : vector<1x16xi32> to vector<16xi32>
      %swap3A_103 = arith.constant 144 : index
      %swap3A_104 = tpu.vector_load %arg9[%swap3A_103] {strides = array<i32>} : memref<512xi32, #tpu.memory_space<vmem>>, vector<16xi32>,
      %swap3A_105 = vector.shape_cast %swap3A_104 : vector<16xi32> to vector<16xi32>
      %swap3A_106 = vector.shape_cast %get3A_102 : vector<16xi32> to vector<16xi32>
      tpu.vector_store %arg9[%swap3A_103], %swap3A_106 {strides = array<i32>} : memref<512xi32, #tpu.memory_space<vmem>>, vector<16xi32>,
      %get3A_107 = arith.constant 10 : i32
      %get3A_108 = arith.index_cast %get3A_107 : i32 to index
      %get3A_109 = arith.constant 0 : index
      %get3A_110 = tpu.vector_load %arg8[%get3A_108, %get3A_109] {strides = array<i32>} : memref<32x128xi32, #tpu.memory_space<vmem>>, vector<1x16xi32>,
      %get3A_111 = vector.shape_cast %get3A_110 : vector<1x16xi32> to vector<16xi32>
      %swap3A_112 = arith.constant 160 : index
      %swap3A_113 = tpu.vector_load %arg9[%swap3A_112] {strides = array<i32>} : memref<512xi32, #tpu.memory_space<vmem>>, vector<16xi32>,
      %swap3A_114 = vector.shape_cast %swap3A_113 : vector<16xi32> to vector<16xi32>
      %swap3A_115 = vector.shape_cast %get3A_111 : vector<16xi32> to vector<16xi32>
      tpu.vector_store %arg9[%swap3A_112], %swap3A_115 {strides = array<i32>} : memref<512xi32, #tpu.memory_space<vmem>>, vector<16xi32>,
      %get3A_116 = arith.constant 11 : i32
      %get3A_117 = arith.index_cast %get3A_116 : i32 to index
      %get3A_118 = arith.constant 0 : index
      %get3A_119 = tpu.vector_load %arg8[%get3A_117, %get3A_118] {strides = array<i32>} : memref<32x128xi32, #tpu.memory_space<vmem>>, vector<1x16xi32>,
      %get3A_120 = vector.shape_cast %get3A_119 : vector<1x16xi32> to vector<16xi32>
      %swap3A_121 = arith.constant 176 : index
      %swap3A_122 = tpu.vector_load %arg9[%swap3A_121] {strides = array<i32>} : memref<512xi32, #tpu.memory_space<vmem>>, vector<16xi32>,
      %swap3A_123 = vector.shape_cast %swap3A_122 : vector<16xi32> to vector<16xi32>
      %swap3A_124 = vector.shape_cast %get3A_120 : vector<16xi32> to vector<16xi32>
      tpu.vector_store %arg9[%swap3A_121], %swap3A_124 {strides = array<i32>} : memref<512xi32, #tpu.memory_space<vmem>>, vector<16xi32>,
      %get3A_125 = arith.constant 12 : i32
      %get3A_126 = arith.index_cast %get3A_125 : i32 to index
      %get3A_127 = arith.constant 0 : index
      %get3A_128 = tpu.vector_load %arg8[%get3A_126, %get3A_127] {strides = array<i32>} : memref<32x128xi32, #tpu.memory_space<vmem>>, vector<1x16xi32>,
      %get3A_129 = vector.shape_cast %get3A_128 : vector<1x16xi32> to vector<16xi32>
      %swap3A_130 = arith.constant 192 : index
      %swap3A_131 = tpu.vector_load %arg9[%swap3A_130] {strides = array<i32>} : memref<512xi32, #tpu.memory_space<vmem>>, vector<16xi32>,
      %swap3A_132 = vector.shape_cast %swap3A_131 : vector<16xi32> to vector<16xi32>
      %swap3A_133 = vector.shape_cast %get3A_129 : vector<16xi32> to vector<16xi32>
      tpu.vector_store %arg9[%swap3A_130], %swap3A_133 {strides = array<i32>} : memref<512xi32, #tpu.memory_space<vmem>>, vector<16xi32>,
      %get3A_134 = arith.constant 13 : i32
      %get3A_135 = arith.index_cast %get3A_134 : i32 to index
      %get3A_136 = arith.constant 0 : index
      %get3A_137 = tpu.vector_load %arg8[%get3A_135, %get3A_136] {strides = array<i32>} : memref<32x128xi32, #tpu.memory_space<vmem>>, vector<1x16xi32>,
      %get3A_138 = vector.shape_cast %get3A_137 : vector<1x16xi32> to vector<16xi32>
      %swap3A_139 = arith.constant 208 : index
      %swap3A_140 = tpu.vector_load %arg9[%swap3A_139] {strides = array<i32>} : memref<512xi32, #tpu.memory_space<vmem>>, vector<16xi32>,
      %swap3A_141 = vector.shape_cast %swap3A_140 : vector<16xi32> to vector<16xi32>
      %swap3A_142 = vector.shape_cast %get3A_138 : vector<16xi32> to vector<16xi32>
      tpu.vector_store %arg9[%swap3A_139], %swap3A_142 {strides = array<i32>} : memref<512xi32, #tpu.memory_space<vmem>>, vector<16xi32>,
      %get3A_143 = arith.constant 14 : i32
      %get3A_144 = arith.index_cast %get3A_143 : i32 to index
      %get3A_145 = arith.constant 0 : index
      %get3A_146 = tpu.vector_load %arg8[%get3A_144, %get3A_145] {strides = array<i32>} : memref<32x128xi32, #tpu.memory_space<vmem>>, vector<1x16xi32>,
      %get3A_147 = vector.shape_cast %get3A_146 : vector<1x16xi32> to vector<16xi32>
      %swap3A_148 = arith.constant 224 : index
      %swap3A_149 = tpu.vector_load %arg9[%swap3A_148] {strides = array<i32>} : memref<512xi32, #tpu.memory_space<vmem>>, vector<16xi32>,
      %swap3A_150 = vector.shape_cast %swap3A_149 : vector<16xi32> to vector<16xi32>
      %swap3A_151 = vector.shape_cast %get3A_147 : vector<16xi32> to vector<16xi32>
      tpu.vector_store %arg9[%swap3A_148], %swap3A_151 {strides = array<i32>} : memref<512xi32, #tpu.memory_space<vmem>>, vector<16xi32>,
      %get3A_152 = arith.constant 15 : i32
      %get3A_153 = arith.index_cast %get3A_152 : i32 to index
      %get3A_154 = arith.constant 0 : index
      %get3A_155 = tpu.vector_load %arg8[%get3A_153, %get3A_154] {strides = array<i32>} : memref<32x128xi32, #tpu.memory_space<vmem>>, vector<1x16xi32>,
      %get3A_156 = vector.shape_cast %get3A_155 : vector<1x16xi32> to vector<16xi32>
      %swap3A_157 = arith.constant 240 : index
      %swap3A_158 = tpu.vector_load %arg9[%swap3A_157] {strides = array<i32>} : memref<512xi32, #tpu.memory_space<vmem>>, vector<16xi32>,
      %swap3A_159 = vector.shape_cast %swap3A_158 : vector<16xi32> to vector<16xi32>
      %swap3A_160 = vector.shape_cast %get3A_156 : vector<16xi32> to vector<16xi32>
      tpu.vector_store %arg9[%swap3A_157], %swap3A_160 {strides = array<i32>} : memref<512xi32, #tpu.memory_space<vmem>>, vector<16xi32>,
      %get3A_161 = arith.constant 16 : i32
      %get3A_162 = arith.index_cast %get3A_161 : i32 to index
      %get3A_163 = arith.constant 0 : index
      %get3A_164 = tpu.vector_load %arg8[%get3A_162, %get3A_163] {strides = array<i32>} : memref<32x128xi32, #tpu.memory_space<vmem>>, vector<1x16xi32>,
      %get3A_165 = vector.shape_cast %get3A_164 : vector<1x16xi32> to vector<16xi32>
      %swap3A_166 = arith.constant 256 : index
      %swap3A_167 = tpu.vector_load %arg9[%swap3A_166] {strides = array<i32>} : memref<512xi32, #tpu.memory_space<vmem>>, vector<16xi32>,
      %swap3A_168 = vector.shape_cast %swap3A_167 : vector<16xi32> to vector<16xi32>
      %swap3A_169 = vector.shape_cast %get3A_165 : vector<16xi32> to vector<16xi32>
      tpu.vector_store %arg9[%swap3A_166], %swap3A_169 {strides = array<i32>} : memref<512xi32, #tpu.memory_space<vmem>>, vector<16xi32>,
      %get3A_170 = arith.constant 17 : i32
      %get3A_171 = arith.index_cast %get3A_170 : i32 to index
      %get3A_172 = arith.constant 0 : index
      %get3A_173 = tpu.vector_load %arg8[%get3A_171, %get3A_172] {strides = array<i32>} : memref<32x128xi32, #tpu.memory_space<vmem>>, vector<1x16xi32>,
      %get3A_174 = vector.shape_cast %get3A_173 : vector<1x16xi32> to vector<16xi32>
      %swap3A_175 = arith.constant 272 : index
      %swap3A_176 = tpu.vector_load %arg9[%swap3A_175] {strides = array<i32>} : memref<512xi32, #tpu.memory_space<vmem>>, vector<16xi32>,
      %swap3A_177 = vector.shape_cast %swap3A_176 : vector<16xi32> to vector<16xi32>
      %swap3A_178 = vector.shape_cast %get3A_174 : vector<16xi32> to vector<16xi32>
      tpu.vector_store %arg9[%swap3A_175], %swap3A_178 {strides = array<i32>} : memref<512xi32, #tpu.memory_space<vmem>>, vector<16xi32>,
      %get3A_179 = arith.constant 18 : i32
      %get3A_180 = arith.index_cast %get3A_179 : i32 to index
      %get3A_181 = arith.constant 0 : index
      %get3A_182 = tpu.vector_load %arg8[%get3A_180, %get3A_181] {strides = array<i32>} : memref<32x128xi32, #tpu.memory_space<vmem>>, vector<1x16xi32>,
      %get3A_183 = vector.shape_cast %get3A_182 : vector<1x16xi32> to vector<16xi32>
      %swap3A_184 = arith.constant 288 : index
      %swap3A_185 = tpu.vector_load %arg9[%swap3A_184] {strides = array<i32>} : memref<512xi32, #tpu.memory_space<vmem>>, vector<16xi32>,
      %swap3A_186 = vector.shape_cast %swap3A_185 : vector<16xi32> to vector<16xi32>
      %swap3A_187 = vector.shape_cast %get3A_183 : vector<16xi32> to vector<16xi32>
      tpu.vector_store %arg9[%swap3A_184], %swap3A_187 {strides = array<i32>} : memref<512xi32, #tpu.memory_space<vmem>>, vector<16xi32>,
      %get3A_188 = arith.constant 19 : i32
      %get3A_189 = arith.index_cast %get3A_188 : i32 to index
      %get3A_190 = arith.constant 0 : index
      %get3A_191 = tpu.vector_load %arg8[%get3A_189, %get3A_190] {strides = array<i32>} : memref<32x128xi32, #tpu.memory_space<vmem>>, vector<1x16xi32>,
      %get3A_192 = vector.shape_cast %get3A_191 : vector<1x16xi32> to vector<16xi32>
      %swap3A_193 = arith.constant 304 : index
      %swap3A_194 = tpu.vector_load %arg9[%swap3A_193] {strides = array<i32>} : memref<512xi32, #tpu.memory_space<vmem>>, vector<16xi32>,
      %swap3A_195 = vector.shape_cast %swap3A_194 : vector<16xi32> to vector<16xi32>
      %swap3A_196 = vector.shape_cast %get3A_192 : vector<16xi32> to vector<16xi32>
      tpu.vector_store %arg9[%swap3A_193], %swap3A_196 {strides = array<i32>} : memref<512xi32, #tpu.memory_space<vmem>>, vector<16xi32>,
      %get3A_197 = arith.constant 20 : i32
      %get3A_198 = arith.index_cast %get3A_197 : i32 to index
      %get3A_199 = arith.constant 0 : index
      %get3A_200 = tpu.vector_load %arg8[%get3A_198, %get3A_199] {strides = array<i32>} : memref<32x128xi32, #tpu.memory_space<vmem>>, vector<1x16xi32>,
      %get3A_201 = vector.shape_cast %get3A_200 : vector<1x16xi32> to vector<16xi32>
      %swap3A_202 = arith.constant 320 : index
      %swap3A_203 = tpu.vector_load %arg9[%swap3A_202] {strides = array<i32>} : memref<512xi32, #tpu.memory_space<vmem>>, vector<16xi32>,
      %swap3A_204 = vector.shape_cast %swap3A_203 : vector<16xi32> to vector<16xi32>
      %swap3A_205 = vector.shape_cast %get3A_201 : vector<16xi32> to vector<16xi32>
      tpu.vector_store %arg9[%swap3A_202], %swap3A_205 {strides = array<i32>} : memref<512xi32, #tpu.memory_space<vmem>>, vector<16xi32>,
      %get3A_206 = arith.constant 21 : i32
      %get3A_207 = arith.index_cast %get3A_206 : i32 to index
      %get3A_208 = arith.constant 0 : index
      %get3A_209 = tpu.vector_load %arg8[%get3A_207, %get3A_208] {strides = array<i32>} : memref<32x128xi32, #tpu.memory_space<vmem>>, vector<1x16xi32>,
      %get3A_210 = vector.shape_cast %get3A_209 : vector<1x16xi32> to vector<16xi32>
      %swap3A_211 = arith.constant 336 : index
      %swap3A_212 = tpu.vector_load %arg9[%swap3A_211] {strides = array<i32>} : memref<512xi32, #tpu.memory_space<vmem>>, vector<16xi32>,
      %swap3A_213 = vector.shape_cast %swap3A_212 : vector<16xi32> to vector<16xi32>
      %swap3A_214 = vector.shape_cast %get3A_210 : vector<16xi32> to vector<16xi32>
      tpu.vector_store %arg9[%swap3A_211], %swap3A_214 {strides = array<i32>} : memref<512xi32, #tpu.memory_space<vmem>>, vector<16xi32>,
      %get3A_215 = arith.constant 22 : i32
      %get3A_216 = arith.index_cast %get3A_215 : i32 to index
      %get3A_217 = arith.constant 0 : index
      %get3A_218 = tpu.vector_load %arg8[%get3A_216, %get3A_217] {strides = array<i32>} : memref<32x128xi32, #tpu.memory_space<vmem>>, vector<1x16xi32>,
      %get3A_219 = vector.shape_cast %get3A_218 : vector<1x16xi32> to vector<16xi32>
      %swap3A_220 = arith.constant 352 : index
      %swap3A_221 = tpu.vector_load %arg9[%swap3A_220] {strides = array<i32>} : memref<512xi32, #tpu.memory_space<vmem>>, vector<16xi32>,
      %swap3A_222 = vector.shape_cast %swap3A_221 : vector<16xi32> to vector<16xi32>
      %swap3A_223 = vector.shape_cast %get3A_219 : vector<16xi32> to vector<16xi32>
      tpu.vector_store %arg9[%swap3A_220], %swap3A_223 {strides = array<i32>} : memref<512xi32, #tpu.memory_space<vmem>>, vector<16xi32>,
      %get3A_224 = arith.constant 23 : i32
      %get3A_225 = arith.index_cast %get3A_224 : i32 to index
      %get3A_226 = arith.constant 0 : index
      %get3A_227 = tpu.vector_load %arg8[%get3A_225, %get3A_226] {strides = array<i32>} : memref<32x128xi32, #tpu.memory_space<vmem>>, vector<1x16xi32>,
      %get3A_228 = vector.shape_cast %get3A_227 : vector<1x16xi32> to vector<16xi32>
      %swap3A_229 = arith.constant 368 : index
      %swap3A_230 = tpu.vector_load %arg9[%swap3A_229] {strides = array<i32>} : memref<512xi32, #tpu.memory_space<vmem>>, vector<16xi32>,
      %swap3A_231 = vector.shape_cast %swap3A_230 : vector<16xi32> to vector<16xi32>
      %swap3A_232 = vector.shape_cast %get3A_228 : vector<16xi32> to vector<16xi32>
      tpu.vector_store %arg9[%swap3A_229], %swap3A_232 {strides = array<i32>} : memref<512xi32, #tpu.memory_space<vmem>>, vector<16xi32>,
      %get3A_233 = arith.constant 24 : i32
      %get3A_234 = arith.index_cast %get3A_233 : i32 to index
      %get3A_235 = arith.constant 0 : index
      %get3A_236 = tpu.vector_load %arg8[%get3A_234, %get3A_235] {strides = array<i32>} : memref<32x128xi32, #tpu.memory_space<vmem>>, vector<1x16xi32>,
      %get3A_237 = vector.shape_cast %get3A_236 : vector<1x16xi32> to vector<16xi32>
      %swap3A_238 = arith.constant 384 : index
      %swap3A_239 = tpu.vector_load %arg9[%swap3A_238] {strides = array<i32>} : memref<512xi32, #tpu.memory_space<vmem>>, vector<16xi32>,
      %swap3A_240 = vector.shape_cast %swap3A_239 : vector<16xi32> to vector<16xi32>
      %swap3A_241 = vector.shape_cast %get3A_237 : vector<16xi32> to vector<16xi32>
      tpu.vector_store %arg9[%swap3A_238], %swap3A_241 {strides = array<i32>} : memref<512xi32, #tpu.memory_space<vmem>>, vector<16xi32>,
      %get3A_242 = arith.constant 25 : i32
      %get3A_243 = arith.index_cast %get3A_242 : i32 to index
      %get3A_244 = arith.constant 0 : index
      %get3A_245 = tpu.vector_load %arg8[%get3A_243, %get3A_244] {strides = array<i32>} : memref<32x128xi32, #tpu.memory_space<vmem>>, vector<1x16xi32>,
      %get3A_246 = vector.shape_cast %get3A_245 : vector<1x16xi32> to vector<16xi32>
      %swap3A_247 = arith.constant 400 : index
      %swap3A_248 = tpu.vector_load %arg9[%swap3A_247] {strides = array<i32>} : memref<512xi32, #tpu.memory_space<vmem>>, vector<16xi32>,
      %swap3A_249 = vector.shape_cast %swap3A_248 : vector<16xi32> to vector<16xi32>
      %swap3A_250 = vector.shape_cast %get3A_246 : vector<16xi32> to vector<16xi32>
      tpu.vector_store %arg9[%swap3A_247], %swap3A_250 {strides = array<i32>} : memref<512xi32, #tpu.memory_space<vmem>>, vector<16xi32>,
      %get3A_251 = arith.constant 26 : i32
      %get3A_252 = arith.index_cast %get3A_251 : i32 to index
      %get3A_253 = arith.constant 0 : index
      %get3A_254 = tpu.vector_load %arg8[%get3A_252, %get3A_253] {strides = array<i32>} : memref<32x128xi32, #tpu.memory_space<vmem>>, vector<1x16xi32>,
      %get3A_255 = vector.shape_cast %get3A_254 : vector<1x16xi32> to vector<16xi32>
      %swap3A_256 = arith.constant 416 : index
      %swap3A_257 = tpu.vector_load %arg9[%swap3A_256] {strides = array<i32>} : memref<512xi32, #tpu.memory_space<vmem>>, vector<16xi32>,
      %swap3A_258 = vector.shape_cast %swap3A_257 : vector<16xi32> to vector<16xi32>
      %swap3A_259 = vector.shape_cast %get3A_255 : vector<16xi32> to vector<16xi32>
      tpu.vector_store %arg9[%swap3A_256], %swap3A_259 {strides = array<i32>} : memref<512xi32, #tpu.memory_space<vmem>>, vector<16xi32>,
      %get3A_260 = arith.constant 27 : i32
      %get3A_261 = arith.index_cast %get3A_260 : i32 to index
      %get3A_262 = arith.constant 0 : index
      %get3A_263 = tpu.vector_load %arg8[%get3A_261, %get3A_262] {strides = array<i32>} : memref<32x128xi32, #tpu.memory_space<vmem>>, vector<1x16xi32>,
      %get3A_264 = vector.shape_cast %get3A_263 : vector<1x16xi32> to vector<16xi32>
      %swap3A_265 = arith.constant 432 : index
      %swap3A_266 = tpu.vector_load %arg9[%swap3A_265] {strides = array<i32>} : memref<512xi32, #tpu.memory_space<vmem>>, vector<16xi32>,
      %swap3A_267 = vector.shape_cast %swap3A_266 : vector<16xi32> to vector<16xi32>
      %swap3A_268 = vector.shape_cast %get3A_264 : vector<16xi32> to vector<16xi32>
      tpu.vector_store %arg9[%swap3A_265], %swap3A_268 {strides = array<i32>} : memref<512xi32, #tpu.memory_space<vmem>>, vector<16xi32>,
      %get3A_269 = arith.constant 28 : i32
      %get3A_270 = arith.index_cast %get3A_269 : i32 to index
      %get3A_271 = arith.constant 0 : index
      %get3A_272 = tpu.vector_load %arg8[%get3A_270, %get3A_271] {strides = array<i32>} : memref<32x128xi32, #tpu.memory_space<vmem>>, vector<1x16xi32>,
      %get3A_273 = vector.shape_cast %get3A_272 : vector<1x16xi32> to vector<16xi32>
      %swap3A_274 = arith.constant 448 : index
      %swap3A_275 = tpu.vector_load %arg9[%swap3A_274] {strides = array<i32>} : memref<512xi32, #tpu.memory_space<vmem>>, vector<16xi32>,
      %swap3A_276 = vector.shape_cast %swap3A_275 : vector<16xi32> to vector<16xi32>
      %swap3A_277 = vector.shape_cast %get3A_273 : vector<16xi32> to vector<16xi32>
      tpu.vector_store %arg9[%swap3A_274], %swap3A_277 {strides = array<i32>} : memref<512xi32, #tpu.memory_space<vmem>>, vector<16xi32>,
      %get3A_278 = arith.constant 29 : i32
      %get3A_279 = arith.index_cast %get3A_278 : i32 to index
      %get3A_280 = arith.constant 0 : index
      %get3A_281 = tpu.vector_load %arg8[%get3A_279, %get3A_280] {strides = array<i32>} : memref<32x128xi32, #tpu.memory_space<vmem>>, vector<1x16xi32>,
      %get3A_282 = vector.shape_cast %get3A_281 : vector<1x16xi32> to vector<16xi32>
      %swap3A_283 = arith.constant 464 : index
      %swap3A_284 = tpu.vector_load %arg9[%swap3A_283] {strides = array<i32>} : memref<512xi32, #tpu.memory_space<vmem>>, vector<16xi32>,
      %swap3A_285 = vector.shape_cast %swap3A_284 : vector<16xi32> to vector<16xi32>
      %swap3A_286 = vector.shape_cast %get3A_282 : vector<16xi32> to vector<16xi32>
      tpu.vector_store %arg9[%swap3A_283], %swap3A_286 {strides = array<i32>} : memref<512xi32, #tpu.memory_space<vmem>>, vector<16xi32>,
      %get3A_287 = arith.constant 30 : i32
      %get3A_288 = arith.index_cast %get3A_287 : i32 to index
      %get3A_289 = arith.constant 0 : index
      %get3A_290 = tpu.vector_load %arg8[%get3A_288, %get3A_289] {strides = array<i32>} : memref<32x128xi32, #tpu.memory_space<vmem>>, vector<1x16xi32>,
      %get3A_291 = vector.shape_cast %get3A_290 : vector<1x16xi32> to vector<16xi32>
      %swap3A_292 = arith.constant 480 : index
      %swap3A_293 = tpu.vector_load %arg9[%swap3A_292] {strides = array<i32>} : memref<512xi32, #tpu.memory_space<vmem>>, vector<16xi32>,
      %swap3A_294 = vector.shape_cast %swap3A_293 : vector<16xi32> to vector<16xi32>
      %swap3A_295 = vector.shape_cast %get3A_291 : vector<16xi32> to vector<16xi32>
      tpu.vector_store %arg9[%swap3A_292], %swap3A_295 {strides = array<i32>} : memref<512xi32, #tpu.memory_space<vmem>>, vector<16xi32>,
      %get3A_296 = arith.constant 31 : i32
      %get3A_297 = arith.index_cast %get3A_296 : i32 to index
      %get3A_298 = arith.constant 0 : index
      %get3A_299 = tpu.vector_load %arg8[%get3A_297, %get3A_298] {strides = array<i32>} : memref<32x128xi32, #tpu.memory_space<vmem>>, vector<1x16xi32>,
      %get3A_300 = vector.shape_cast %get3A_299 : vector<1x16xi32> to vector<16xi32>
      %swap3A_301 = arith.constant 496 : index
      %swap3A_302 = tpu.vector_load %arg9[%swap3A_301] {strides = array<i32>} : memref<512xi32, #tpu.memory_space<vmem>>, vector<16xi32>,
      %swap3A_303 = vector.shape_cast %swap3A_302 : vector<16xi32> to vector<16xi32>
      %swap3A_304 = vector.shape_cast %get3A_300 : vector<16xi32> to vector<16xi32>
      tpu.vector_store %arg9[%swap3A_301], %swap3A_304 {strides = array<i32>} : memref<512xi32, #tpu.memory_space<vmem>>, vector<16xi32>,
      %dma_start3A_305 = arith.constant 0 : i32
      %dma_start3A_306 = arith.constant 0 : i32
      %dma_start3A_307 = tpu.memref_slice %arg4[%dma_start3A_305, %dma_start3A_306] : memref<10000x128xf32, #tpu.memory_space<hbm>> -> memref<10000x128xf32, #tpu.memory_space<hbm>>
      tpu.enqueue_indirect_dma source(%dma_start3A_307 : memref<10000x128xf32, #tpu.memory_space<hbm>>) target(%arg10 : memref<512x128xf32, #tpu.memory_space<vmem>>) offsets(%arg9 : memref<512xi32, #tpu.memory_space<vmem>>) semaphore(%arg12 : memref<!tpu.dma_semaphore, #tpu.memory_space<semaphore_mem>>)
      %dma_wait3A_308 = arith.constant 0 : i32
      %dma_wait3A_309 = arith.constant 0 : i32
      %dma_wait3A_310 = tpu.memref_slice %arg4[%dma_wait3A_308, %dma_wait3A_309] : memref<10000x128xf32, #tpu.memory_space<hbm>> -> memref<10000x128xf32, #tpu.memory_space<hbm>>
      tpu.wait_indirect_dma semaphore(%arg12 : memref<!tpu.dma_semaphore, #tpu.memory_space<semaphore_mem>>) src(%dma_wait3A_310 : memref<10000x128xf32, #tpu.memory_space<hbm>>) dst(%arg10 : memref<512x128xf32, #tpu.memory_space<vmem>>)
      %mul3A_311 = arith.constant 16 : i32
      %mul3A_312 = arith.muli %add3A_14, %mul3A_311 : i32
      "tpu.region"() ({
        %run_scoped3A = tpu.sem_alloc : memref<!tpu.dma_semaphore, #tpu.memory_space<semaphore_mem>>
        %dma_start3A_313 = arith.constant 0 : i32
        %dma_start3A_314 = tpu.memref_slice %arg6[%mul3A_312, %dma_start3A_313] : memref<163840x128xf32, #tpu.memory_space<hbm>> -> memref<512x128xf32, #tpu.memory_space<hbm>>
        %dma_start3A_315 = arith.constant 0 : i32
        %dma_start3A_316 = tpu.memref_slice %arg6[%mul3A_312, %dma_start3A_315] : memref<163840x128xf32, #tpu.memory_space<hbm>> -> memref<512x128xf32, #tpu.memory_space<hbm>>
        tpu.enqueue_dma source(%arg10 : memref<512x128xf32, #tpu.memory_space<vmem>>) target(%dma_start3A_316 : memref<512x128xf32, #tpu.memory_space<hbm>>) target_semaphore(%run_scoped3A : memref<!tpu.dma_semaphore, #tpu.memory_space<semaphore_mem>>)
        %dma_wait3A_317 = arith.constant 0 : i32
        %dma_wait3A_318 = tpu.memref_slice %arg6[%mul3A_312, %dma_wait3A_317] : memref<163840x128xf32, #tpu.memory_space<hbm>> -> memref<512x128xf32, #tpu.memory_space<hbm>>
        %dma_wait3A_319 = arith.constant 0 : i32
        %dma_wait3A_320 = tpu.memref_slice %arg6[%mul3A_312, %dma_wait3A_319] : memref<163840x128xf32, #tpu.memory_space<hbm>> -> memref<512x128xf32, #tpu.memory_space<hbm>>
        tpu.wait_dma2 semaphore(%run_scoped3A : memref<!tpu.dma_semaphore, #tpu.memory_space<semaphore_mem>>) src(%arg10 : memref<512x128xf32, #tpu.memory_space<vmem>>) dst(%dma_wait3A_320 : memref<512x128xf32, #tpu.memory_space<hbm>>)
        tpu.yield
      }) : () -> ()
    }
    %scan3A_6 = arith.constant 10 : i32
    return
  }
}

module attributes {stable_mosaic.version = 14 : i64} {
  func.func @_proj_body(%arg0: i32, %arg1: memref<1000x128xf32, #tpu.memory_space<vmem>>, %arg2: memref<4x128x64xf32, #tpu.memory_space<vmem>>, %arg3: memref<1000x64xf32, #tpu.memory_space<vmem>>, %arg4: memref<3x1000x128xf32, #tpu.memory_space<vmem>>) attributes {dimension_semantics = [#tpu.dimension_semantics<arbitrary>], iteration_bounds = array<i64: 10>, scalar_prefetch = 0 : i64, scratch_operands = 0 : i64, tpu.core_type = #tpu.core_type<tc>, window_params = [{transform_indices = @transform_0, window_bounds = array<i64: 1000, 128>}, {pipeline_mode = #tpu.pipeline_mode<synchronous>, transform_indices = @transform_1, window_bounds = array<i64: 4, 128, 64>}, {transform_indices = @transform_2, window_bounds = array<i64: 1000, 64>}, {transform_indices = @transform_3, window_bounds = array<i64: 3, 1000, 128>}]} {
    %get3A = arith.constant 0 : index
    %get3A_0 = arith.constant 0 : index
    %get3A_1 = vector.load %arg1[%get3A, %get3A_0] : memref<1000x128xf32, #tpu.memory_space<vmem>>, vector<1000x128xf32>
    %convert_element_type3A = arith.truncf %get3A_1 : vector<1000x128xf32> to vector<1000x128xbf16>
    %get3A_2 = arith.constant 0 : index
    %get3A_3 = arith.constant 0 : index
    %get3A_4 = arith.constant 0 : index
    %get3A_5 = vector.load %arg2[%get3A_2, %get3A_3, %get3A_4] : memref<4x128x64xf32, #tpu.memory_space<vmem>>, vector<1x128x64xf32>
    %get3A_6 = vector.shape_cast %get3A_5 : vector<1x128x64xf32> to vector<128x64xf32>
    %convert_element_type3A_7 = arith.truncf %get3A_6 : vector<128x64xf32> to vector<128x64xbf16>
    %dot_general3A = arith.constant dense<0.000000e+00> : vector<1000x64xf32>
    %dot_general3A_8 = tpu.matmul %convert_element_type3A, %convert_element_type3A_7, %dot_general3A {dimension_numbers = #tpu.dot_dimension_numbers<[1], [0], [0], [1], [0, 0, 1, 1], [], []>, transpose_lhs_hint = false} : vector<1000x128xbf16>, vector<128x64xbf16>, vector<1000x64xf32> -> vector<1000x64xf32>
    %swap3A = arith.constant 0 : index
    %swap3A_9 = arith.constant 0 : index
    %swap3A_10 = vector.load %arg3[%swap3A, %swap3A_9] : memref<1000x64xf32, #tpu.memory_space<vmem>>, vector<1000x64xf32>
    tpu.vector_store %arg3[%swap3A, %swap3A_9], %dot_general3A_8 {strides = array<i32>} : memref<1000x64xf32, #tpu.memory_space<vmem>>, vector<1000x64xf32>,
    %get3A_11 = arith.constant 1 : index
    %get3A_12 = arith.constant 0 : index
    %get3A_13 = arith.constant 0 : index
    %get3A_14 = vector.load %arg2[%get3A_11, %get3A_12, %get3A_13] : memref<4x128x64xf32, #tpu.memory_space<vmem>>, vector<1x128x64xf32>
    %get3A_15 = vector.shape_cast %get3A_14 : vector<1x128x64xf32> to vector<128x64xf32>
    %convert_element_type3A_16 = arith.truncf %get3A_15 : vector<128x64xf32> to vector<128x64xbf16>
    %dot_general3A_17 = arith.constant dense<0.000000e+00> : vector<1000x64xf32>
    %dot_general3A_18 = tpu.matmul %convert_element_type3A, %convert_element_type3A_16, %dot_general3A_17 {dimension_numbers = #tpu.dot_dimension_numbers<[1], [0], [0], [1], [0, 0, 1, 1], [], []>, transpose_lhs_hint = false} : vector<1000x128xbf16>, vector<128x64xbf16>, vector<1000x64xf32> -> vector<1000x64xf32>
    %swap3A_19 = arith.constant 0 : index
    %swap3A_20 = arith.constant 0 : index
    %swap3A_21 = arith.constant 0 : index
    %swap3A_22 = vector.load %arg4[%swap3A_19, %swap3A_20, %swap3A_21] : memref<3x1000x128xf32, #tpu.memory_space<vmem>>, vector<1x1000x64xf32>
    %swap3A_23 = vector.shape_cast %swap3A_22 : vector<1x1000x64xf32> to vector<1000x64xf32>
    %swap3A_24 = vector.shape_cast %dot_general3A_18 : vector<1000x64xf32> to vector<1x1000x64xf32>
    tpu.vector_store %arg4[%swap3A_19, %swap3A_20, %swap3A_21], %swap3A_24 {strides = array<i32>} : memref<3x1000x128xf32, #tpu.memory_space<vmem>>, vector<1x1000x64xf32>,
    %broadcast_in_dim3A = arith.constant 0.000000e+00 : f32
    %broadcast_in_dim3A_25 = vector.broadcast %broadcast_in_dim3A : f32 to vector<1000x64xf32>
    %swap3A_26 = arith.constant 0 : index
    %swap3A_27 = arith.constant 0 : index
    %swap3A_28 = arith.constant 64 : index
    %swap3A_29 = vector.load %arg4[%swap3A_26, %swap3A_27, %swap3A_28] : memref<3x1000x128xf32, #tpu.memory_space<vmem>>, vector<1x1000x64xf32>
    %swap3A_30 = vector.shape_cast %swap3A_29 : vector<1x1000x64xf32> to vector<1000x64xf32>
    %swap3A_31 = vector.shape_cast %broadcast_in_dim3A_25 : vector<1000x64xf32> to vector<1x1000x64xf32>
    tpu.vector_store %arg4[%swap3A_26, %swap3A_27, %swap3A_28], %swap3A_31 {strides = array<i32>} : memref<3x1000x128xf32, #tpu.memory_space<vmem>>, vector<1x1000x64xf32>,
    %get3A_32 = arith.constant 2 : index
    %get3A_33 = arith.constant 0 : index
    %get3A_34 = arith.constant 0 : index
    %get3A_35 = vector.load %arg2[%get3A_32, %get3A_33, %get3A_34] : memref<4x128x64xf32, #tpu.memory_space<vmem>>, vector<1x128x64xf32>
    %get3A_36 = vector.shape_cast %get3A_35 : vector<1x128x64xf32> to vector<128x64xf32>
    %convert_element_type3A_37 = arith.truncf %get3A_36 : vector<128x64xf32> to vector<128x64xbf16>
    %dot_general3A_38 = arith.constant dense<0.000000e+00> : vector<1000x64xf32>
    %dot_general3A_39 = tpu.matmul %convert_element_type3A, %convert_element_type3A_37, %dot_general3A_38 {dimension_numbers = #tpu.dot_dimension_numbers<[1], [0], [0], [1], [0, 0, 1, 1], [], []>, transpose_lhs_hint = false} : vector<1000x128xbf16>, vector<128x64xbf16>, vector<1000x64xf32> -> vector<1000x64xf32>
    %swap3A_40 = arith.constant 1 : index
    %swap3A_41 = arith.constant 0 : index
    %swap3A_42 = arith.constant 0 : index
    %swap3A_43 = vector.load %arg4[%swap3A_40, %swap3A_41, %swap3A_42] : memref<3x1000x128xf32, #tpu.memory_space<vmem>>, vector<1x1000x64xf32>
    %swap3A_44 = vector.shape_cast %swap3A_43 : vector<1x1000x64xf32> to vector<1000x64xf32>
    %swap3A_45 = vector.shape_cast %dot_general3A_39 : vector<1000x64xf32> to vector<1x1000x64xf32>
    tpu.vector_store %arg4[%swap3A_40, %swap3A_41, %swap3A_42], %swap3A_45 {strides = array<i32>} : memref<3x1000x128xf32, #tpu.memory_space<vmem>>, vector<1x1000x64xf32>,
    %broadcast_in_dim3A_46 = arith.constant 0.000000e+00 : f32
    %broadcast_in_dim3A_47 = vector.broadcast %broadcast_in_dim3A_46 : f32 to vector<1000x64xf32>
    %swap3A_48 = arith.constant 1 : index
    %swap3A_49 = arith.constant 0 : index
    %swap3A_50 = arith.constant 64 : index
    %swap3A_51 = vector.load %arg4[%swap3A_48, %swap3A_49, %swap3A_50] : memref<3x1000x128xf32, #tpu.memory_space<vmem>>, vector<1x1000x64xf32>
    %swap3A_52 = vector.shape_cast %swap3A_51 : vector<1x1000x64xf32> to vector<1000x64xf32>
    %swap3A_53 = vector.shape_cast %broadcast_in_dim3A_47 : vector<1000x64xf32> to vector<1x1000x64xf32>
    tpu.vector_store %arg4[%swap3A_48, %swap3A_49, %swap3A_50], %swap3A_53 {strides = array<i32>} : memref<3x1000x128xf32, #tpu.memory_space<vmem>>, vector<1x1000x64xf32>,
    %get3A_54 = arith.constant 3 : index
    %get3A_55 = arith.constant 0 : index
    %get3A_56 = arith.constant 0 : index
    %get3A_57 = vector.load %arg2[%get3A_54, %get3A_55, %get3A_56] : memref<4x128x64xf32, #tpu.memory_space<vmem>>, vector<1x128x64xf32>
    %get3A_58 = vector.shape_cast %get3A_57 : vector<1x128x64xf32> to vector<128x64xf32>
    %convert_element_type3A_59 = arith.truncf %get3A_58 : vector<128x64xf32> to vector<128x64xbf16>
    %dot_general3A_60 = arith.constant dense<0.000000e+00> : vector<1000x64xf32>
    %dot_general3A_61 = tpu.matmul %convert_element_type3A, %convert_element_type3A_59, %dot_general3A_60 {dimension_numbers = #tpu.dot_dimension_numbers<[1], [0], [0], [1], [0, 0, 1, 1], [], []>, transpose_lhs_hint = false} : vector<1000x128xbf16>, vector<128x64xbf16>, vector<1000x64xf32> -> vector<1000x64xf32>
    %swap3A_62 = arith.constant 2 : index
    %swap3A_63 = arith.constant 0 : index
    %swap3A_64 = arith.constant 0 : index
    %swap3A_65 = vector.load %arg4[%swap3A_62, %swap3A_63, %swap3A_64] : memref<3x1000x128xf32, #tpu.memory_space<vmem>>, vector<1x1000x64xf32>
    %swap3A_66 = vector.shape_cast %swap3A_65 : vector<1x1000x64xf32> to vector<1000x64xf32>
    %swap3A_67 = vector.shape_cast %dot_general3A_61 : vector<1000x64xf32> to vector<1x1000x64xf32>
    tpu.vector_store %arg4[%swap3A_62, %swap3A_63, %swap3A_64], %swap3A_67 {strides = array<i32>} : memref<3x1000x128xf32, #tpu.memory_space<vmem>>, vector<1x1000x64xf32>,
    %broadcast_in_dim3A_68 = arith.constant 0.000000e+00 : f32
    %broadcast_in_dim3A_69 = vector.broadcast %broadcast_in_dim3A_68 : f32 to vector<1000x64xf32>
    %swap3A_70 = arith.constant 2 : index
    %swap3A_71 = arith.constant 0 : index
    %swap3A_72 = arith.constant 64 : index
    %swap3A_73 = vector.load %arg4[%swap3A_70, %swap3A_71, %swap3A_72] : memref<3x1000x128xf32, #tpu.memory_space<vmem>>, vector<1x1000x64xf32>
    %swap3A_74 = vector.shape_cast %swap3A_73 : vector<1x1000x64xf32> to vector<1000x64xf32>
    %swap3A_75 = vector.shape_cast %broadcast_in_dim3A_69 : vector<1000x64xf32> to vector<1x1000x64xf32>
    tpu.vector_store %arg4[%swap3A_70, %swap3A_71, %swap3A_72], %swap3A_75 {strides = array<i32>} : memref<3x1000x128xf32, #tpu.memory_space<vmem>>, vector<1x1000x64xf32>,
    return
  }
  func.func @transform_0(%arg0: i32) -> (i32, i32) {
    %c0_i32 = arith.constant 0 : i32
    %c0_i32_0 = arith.constant 0 : i32
    return %arg0, %c0_i32 : i32, i32
  }
  func.func @transform_1(%arg0: i32) -> (i32, i32, i32) {
    %c0_i32 = arith.constant 0 : i32
    %c0_i32_0 = arith.constant 0 : i32
    %c0_i32_1 = arith.constant 0 : i32
    %c0_i32_2 = arith.constant 0 : i32
    return %c0_i32, %c0_i32_0, %c0_i32_1 : i32, i32, i32
  }
  func.func @transform_2(%arg0: i32) -> (i32, i32) {
    %c0_i32 = arith.constant 0 : i32
    %c0_i32_0 = arith.constant 0 : i32
    return %arg0, %c0_i32 : i32, i32
  }
  func.func @transform_3(%arg0: i32) -> (i32, i32, i32) {
    %c0_i32 = arith.constant 0 : i32
    %c0_i32_0 = arith.constant 0 : i32
    %c0_i32_1 = arith.constant 0 : i32
    return %c0_i32, %arg0, %c0_i32_0 : i32, i32, i32
  }
}

module attributes {stable_mosaic.version = 14 : i64} {
  func.func @_step_body(%arg0: i32, %arg1: memref<1024x16x128xf32, #tpu.memory_space<vmem>>, %arg2: memref<1024x64xf32, #tpu.memory_space<vmem>>, %arg3: memref<1024x128xi32, #tpu.memory_space<vmem>>, %arg4: memref<1024x16xf32, #tpu.memory_space<vmem>>, %arg5: memref<64x1xf32, #tpu.memory_space<vmem>>, %arg6: memref<1x1xf32, #tpu.memory_space<vmem>>, %arg7: memref<1x64xf32, #tpu.memory_space<vmem>>, %arg8: memref<1024x8xi32, #tpu.memory_space<vmem>>, %arg9: memref<1024x64xf32, #tpu.memory_space<vmem>>) attributes {dimension_semantics = [#tpu.dimension_semantics<arbitrary>], iteration_bounds = array<i64: 10>, scalar_prefetch = 0 : i64, scratch_operands = 0 : i64, tpu.core_type = #tpu.core_type<tc>, window_params = [{transform_indices = @transform_0, window_bounds = array<i64: 1024, 16, 128>}, {transform_indices = @transform_1, window_bounds = array<i64: 1024, 64>}, {transform_indices = @transform_2, window_bounds = array<i64: 1024, 128>}, {transform_indices = @transform_3, window_bounds = array<i64: 1024, 16>}, {pipeline_mode = #tpu.pipeline_mode<synchronous>, transform_indices = @transform_4, window_bounds = array<i64: 64, 1>}, {pipeline_mode = #tpu.pipeline_mode<synchronous>, transform_indices = @transform_5, window_bounds = array<i64: 1, 1>}, {pipeline_mode = #tpu.pipeline_mode<synchronous>, transform_indices = @transform_6, window_bounds = array<i64: 1, 64>}, {transform_indices = @transform_7, window_bounds = array<i64: 1024, 8>}, {transform_indices = @transform_8, window_bounds = array<i64: 1024, 64>}]} {
    %get3A = arith.constant 0 : index
    %get3A_0 = arith.constant 0 : index
    %get3A_1 = vector.load %arg2[%get3A, %get3A_0] : memref<1024x64xf32, #tpu.memory_space<vmem>>, vector<1024x64xf32>
    %get3A_2 = arith.constant 0 : index
    %get3A_3 = arith.constant 0 : index
    %get3A_4 = vector.load %arg7[%get3A_2, %get3A_3] : memref<1x64xf32, #tpu.memory_space<vmem>>, vector<1x64xf32>
    %get3A_5 = arith.constant 0 : index
    %get3A_6 = arith.constant 0 : index
    %get3A_7 = vector.load %arg5[%get3A_5, %get3A_6] : memref<64x1xf32, #tpu.memory_space<vmem>>, vector<64x1xf32>
    %convert_element_type3A = arith.truncf %get3A_7 : vector<64x1xf32> to vector<64x1xbf16>
    %get3A_8 = arith.constant 0 : index
    %get3A_9 = arith.constant 0 : index
    %get3A_10 = vector.load %arg6[%get3A_8, %get3A_9] : memref<1x1xf32, #tpu.memory_space<vmem>>, vector<1x1xf32>
    %get3A_11 = vector.extract %get3A_10[0, 0] : f32 from vector<1x1xf32>
    %get3A_12 = arith.constant 0 : index
    %get3A_13 = arith.constant 0 : index
    %get3A_14 = arith.constant 0 : index
    %get3A_15 = vector.load %arg1[%get3A_12, %get3A_13, %get3A_14] : memref<1024x16x128xf32, #tpu.memory_space<vmem>>, vector<1024x1x64xf32>
    %get3A_16 = vector.shape_cast %get3A_15 : vector<1024x1x64xf32> to vector<1024x64xf32>
    %add3A = arith.addf %get3A_1, %get3A_16 : vector<1024x64xf32>
    %add3A_17 = vector.broadcast %get3A_4 : vector<1x64xf32> to vector<1024x64xf32>
    %add3A_18 = arith.addf %add3A, %add3A_17 : vector<1024x64xf32>
    %max3A = arith.constant 0.000000e+00 : f32
    %max3A_19 = vector.broadcast %max3A : f32 to vector<1024x64xf32>
    %max3A_20 = arith.maximumf %add3A_18, %max3A_19 : vector<1024x64xf32>
    %convert_element_type3A_21 = arith.truncf %max3A_20 : vector<1024x64xf32> to vector<1024x64xbf16>
    %dot_general3A = arith.constant dense<0.000000e+00> : vector<1024x1xf32>
    %dot_general3A_22 = tpu.matmul %convert_element_type3A_21, %convert_element_type3A, %dot_general3A {dimension_numbers = #tpu.dot_dimension_numbers<[1], [0], [0], [1], [0, 0, 1, 1], [], []>, transpose_lhs_hint = false} : vector<1024x64xbf16>, vector<64x1xbf16>, vector<1024x1xf32> -> vector<1024x1xf32>
    %add3A_23 = vector.broadcast %get3A_11 : f32 to vector<1024x1xf32>
    %add3A_24 = arith.addf %dot_general3A_22, %add3A_23 : vector<1024x1xf32>
    %get3A_25 = arith.constant 0 : index
    %get3A_26 = arith.constant 1 : index
    %get3A_27 = arith.constant 0 : index
    %get3A_28 = vector.load %arg1[%get3A_25, %get3A_26, %get3A_27] : memref<1024x16x128xf32, #tpu.memory_space<vmem>>, vector<1024x1x64xf32>
    %get3A_29 = vector.shape_cast %get3A_28 : vector<1024x1x64xf32> to vector<1024x64xf32>
    %add3A_30 = arith.addf %get3A_1, %get3A_29 : vector<1024x64xf32>
    %add3A_31 = vector.broadcast %get3A_4 : vector<1x64xf32> to vector<1024x64xf32>
    %add3A_32 = arith.addf %add3A_30, %add3A_31 : vector<1024x64xf32>
    %max3A_33 = arith.constant 0.000000e+00 : f32
    %max3A_34 = vector.broadcast %max3A_33 : f32 to vector<1024x64xf32>
    %max3A_35 = arith.maximumf %add3A_32, %max3A_34 : vector<1024x64xf32>
    %convert_element_type3A_36 = arith.truncf %max3A_35 : vector<1024x64xf32> to vector<1024x64xbf16>
    %dot_general3A_37 = arith.constant dense<0.000000e+00> : vector<1024x1xf32>
    %dot_general3A_38 = tpu.matmul %convert_element_type3A_36, %convert_element_type3A, %dot_general3A_37 {dimension_numbers = #tpu.dot_dimension_numbers<[1], [0], [0], [1], [0, 0, 1, 1], [], []>, transpose_lhs_hint = false} : vector<1024x64xbf16>, vector<64x1xbf16>, vector<1024x1xf32> -> vector<1024x1xf32>
    %add3A_39 = vector.broadcast %get3A_11 : f32 to vector<1024x1xf32>
    %add3A_40 = arith.addf %dot_general3A_38, %add3A_39 : vector<1024x1xf32>
    %get3A_41 = arith.constant 0 : index
    %get3A_42 = arith.constant 2 : index
    %get3A_43 = arith.constant 0 : index
    %get3A_44 = vector.load %arg1[%get3A_41, %get3A_42, %get3A_43] : memref<1024x16x128xf32, #tpu.memory_space<vmem>>, vector<1024x1x64xf32>
    %get3A_45 = vector.shape_cast %get3A_44 : vector<1024x1x64xf32> to vector<1024x64xf32>
    %add3A_46 = arith.addf %get3A_1, %get3A_45 : vector<1024x64xf32>
    %add3A_47 = vector.broadcast %get3A_4 : vector<1x64xf32> to vector<1024x64xf32>
    %add3A_48 = arith.addf %add3A_46, %add3A_47 : vector<1024x64xf32>
    %max3A_49 = arith.constant 0.000000e+00 : f32
    %max3A_50 = vector.broadcast %max3A_49 : f32 to vector<1024x64xf32>
    %max3A_51 = arith.maximumf %add3A_48, %max3A_50 : vector<1024x64xf32>
    %convert_element_type3A_52 = arith.truncf %max3A_51 : vector<1024x64xf32> to vector<1024x64xbf16>
    %dot_general3A_53 = arith.constant dense<0.000000e+00> : vector<1024x1xf32>
    %dot_general3A_54 = tpu.matmul %convert_element_type3A_52, %convert_element_type3A, %dot_general3A_53 {dimension_numbers = #tpu.dot_dimension_numbers<[1], [0], [0], [1], [0, 0, 1, 1], [], []>, transpose_lhs_hint = false} : vector<1024x64xbf16>, vector<64x1xbf16>, vector<1024x1xf32> -> vector<1024x1xf32>
    %add3A_55 = vector.broadcast %get3A_11 : f32 to vector<1024x1xf32>
    %add3A_56 = arith.addf %dot_general3A_54, %add3A_55 : vector<1024x1xf32>
    %get3A_57 = arith.constant 0 : index
    %get3A_58 = arith.constant 3 : index
    %get3A_59 = arith.constant 0 : index
    %get3A_60 = vector.load %arg1[%get3A_57, %get3A_58, %get3A_59] : memref<1024x16x128xf32, #tpu.memory_space<vmem>>, vector<1024x1x64xf32>
    %get3A_61 = vector.shape_cast %get3A_60 : vector<1024x1x64xf32> to vector<1024x64xf32>
    %add3A_62 = arith.addf %get3A_1, %get3A_61 : vector<1024x64xf32>
    %add3A_63 = vector.broadcast %get3A_4 : vector<1x64xf32> to vector<1024x64xf32>
    %add3A_64 = arith.addf %add3A_62, %add3A_63 : vector<1024x64xf32>
    %max3A_65 = arith.constant 0.000000e+00 : f32
    %max3A_66 = vector.broadcast %max3A_65 : f32 to vector<1024x64xf32>
    %max3A_67 = arith.maximumf %add3A_64, %max3A_66 : vector<1024x64xf32>
    %convert_element_type3A_68 = arith.truncf %max3A_67 : vector<1024x64xf32> to vector<1024x64xbf16>
    %dot_general3A_69 = arith.constant dense<0.000000e+00> : vector<1024x1xf32>
    %dot_general3A_70 = tpu.matmul %convert_element_type3A_68, %convert_element_type3A, %dot_general3A_69 {dimension_numbers = #tpu.dot_dimension_numbers<[1], [0], [0], [1], [0, 0, 1, 1], [], []>, transpose_lhs_hint = false} : vector<1024x64xbf16>, vector<64x1xbf16>, vector<1024x1xf32> -> vector<1024x1xf32>
    %add3A_71 = vector.broadcast %get3A_11 : f32 to vector<1024x1xf32>
    %add3A_72 = arith.addf %dot_general3A_70, %add3A_71 : vector<1024x1xf32>
    %get3A_73 = arith.constant 0 : index
    %get3A_74 = arith.constant 4 : index
    %get3A_75 = arith.constant 0 : index
    %get3A_76 = vector.load %arg1[%get3A_73, %get3A_74, %get3A_75] : memref<1024x16x128xf32, #tpu.memory_space<vmem>>, vector<1024x1x64xf32>
    %get3A_77 = vector.shape_cast %get3A_76 : vector<1024x1x64xf32> to vector<1024x64xf32>
    %add3A_78 = arith.addf %get3A_1, %get3A_77 : vector<1024x64xf32>
    %add3A_79 = vector.broadcast %get3A_4 : vector<1x64xf32> to vector<1024x64xf32>
    %add3A_80 = arith.addf %add3A_78, %add3A_79 : vector<1024x64xf32>
    %max3A_81 = arith.constant 0.000000e+00 : f32
    %max3A_82 = vector.broadcast %max3A_81 : f32 to vector<1024x64xf32>
    %max3A_83 = arith.maximumf %add3A_80, %max3A_82 : vector<1024x64xf32>
    %convert_element_type3A_84 = arith.truncf %max3A_83 : vector<1024x64xf32> to vector<1024x64xbf16>
    %dot_general3A_85 = arith.constant dense<0.000000e+00> : vector<1024x1xf32>
    %dot_general3A_86 = tpu.matmul %convert_element_type3A_84, %convert_element_type3A, %dot_general3A_85 {dimension_numbers = #tpu.dot_dimension_numbers<[1], [0], [0], [1], [0, 0, 1, 1], [], []>, transpose_lhs_hint = false} : vector<1024x64xbf16>, vector<64x1xbf16>, vector<1024x1xf32> -> vector<1024x1xf32>
    %add3A_87 = vector.broadcast %get3A_11 : f32 to vector<1024x1xf32>
    %add3A_88 = arith.addf %dot_general3A_86, %add3A_87 : vector<1024x1xf32>
    %get3A_89 = arith.constant 0 : index
    %get3A_90 = arith.constant 5 : index
    %get3A_91 = arith.constant 0 : index
    %get3A_92 = vector.load %arg1[%get3A_89, %get3A_90, %get3A_91] : memref<1024x16x128xf32, #tpu.memory_space<vmem>>, vector<1024x1x64xf32>
    %get3A_93 = vector.shape_cast %get3A_92 : vector<1024x1x64xf32> to vector<1024x64xf32>
    %add3A_94 = arith.addf %get3A_1, %get3A_93 : vector<1024x64xf32>
    %add3A_95 = vector.broadcast %get3A_4 : vector<1x64xf32> to vector<1024x64xf32>
    %add3A_96 = arith.addf %add3A_94, %add3A_95 : vector<1024x64xf32>
    %max3A_97 = arith.constant 0.000000e+00 : f32
    %max3A_98 = vector.broadcast %max3A_97 : f32 to vector<1024x64xf32>
    %max3A_99 = arith.maximumf %add3A_96, %max3A_98 : vector<1024x64xf32>
    %convert_element_type3A_100 = arith.truncf %max3A_99 : vector<1024x64xf32> to vector<1024x64xbf16>
    %dot_general3A_101 = arith.constant dense<0.000000e+00> : vector<1024x1xf32>
    %dot_general3A_102 = tpu.matmul %convert_element_type3A_100, %convert_element_type3A, %dot_general3A_101 {dimension_numbers = #tpu.dot_dimension_numbers<[1], [0], [0], [1], [0, 0, 1, 1], [], []>, transpose_lhs_hint = false} : vector<1024x64xbf16>, vector<64x1xbf16>, vector<1024x1xf32> -> vector<1024x1xf32>
    %add3A_103 = vector.broadcast %get3A_11 : f32 to vector<1024x1xf32>
    %add3A_104 = arith.addf %dot_general3A_102, %add3A_103 : vector<1024x1xf32>
    %get3A_105 = arith.constant 0 : index
    %get3A_106 = arith.constant 6 : index
    %get3A_107 = arith.constant 0 : index
    %get3A_108 = vector.load %arg1[%get3A_105, %get3A_106, %get3A_107] : memref<1024x16x128xf32, #tpu.memory_space<vmem>>, vector<1024x1x64xf32>
    %get3A_109 = vector.shape_cast %get3A_108 : vector<1024x1x64xf32> to vector<1024x64xf32>
    %add3A_110 = arith.addf %get3A_1, %get3A_109 : vector<1024x64xf32>
    %add3A_111 = vector.broadcast %get3A_4 : vector<1x64xf32> to vector<1024x64xf32>
    %add3A_112 = arith.addf %add3A_110, %add3A_111 : vector<1024x64xf32>
    %max3A_113 = arith.constant 0.000000e+00 : f32
    %max3A_114 = vector.broadcast %max3A_113 : f32 to vector<1024x64xf32>
    %max3A_115 = arith.maximumf %add3A_112, %max3A_114 : vector<1024x64xf32>
    %convert_element_type3A_116 = arith.truncf %max3A_115 : vector<1024x64xf32> to vector<1024x64xbf16>
    %dot_general3A_117 = arith.constant dense<0.000000e+00> : vector<1024x1xf32>
    %dot_general3A_118 = tpu.matmul %convert_element_type3A_116, %convert_element_type3A, %dot_general3A_117 {dimension_numbers = #tpu.dot_dimension_numbers<[1], [0], [0], [1], [0, 0, 1, 1], [], []>, transpose_lhs_hint = false} : vector<1024x64xbf16>, vector<64x1xbf16>, vector<1024x1xf32> -> vector<1024x1xf32>
    %add3A_119 = vector.broadcast %get3A_11 : f32 to vector<1024x1xf32>
    %add3A_120 = arith.addf %dot_general3A_118, %add3A_119 : vector<1024x1xf32>
    %get3A_121 = arith.constant 0 : index
    %get3A_122 = arith.constant 7 : index
    %get3A_123 = arith.constant 0 : index
    %get3A_124 = vector.load %arg1[%get3A_121, %get3A_122, %get3A_123] : memref<1024x16x128xf32, #tpu.memory_space<vmem>>, vector<1024x1x64xf32>
    %get3A_125 = vector.shape_cast %get3A_124 : vector<1024x1x64xf32> to vector<1024x64xf32>
    %add3A_126 = arith.addf %get3A_1, %get3A_125 : vector<1024x64xf32>
    %add3A_127 = vector.broadcast %get3A_4 : vector<1x64xf32> to vector<1024x64xf32>
    %add3A_128 = arith.addf %add3A_126, %add3A_127 : vector<1024x64xf32>
    %max3A_129 = arith.constant 0.000000e+00 : f32
    %max3A_130 = vector.broadcast %max3A_129 : f32 to vector<1024x64xf32>
    %max3A_131 = arith.maximumf %add3A_128, %max3A_130 : vector<1024x64xf32>
    %convert_element_type3A_132 = arith.truncf %max3A_131 : vector<1024x64xf32> to vector<1024x64xbf16>
    %dot_general3A_133 = arith.constant dense<0.000000e+00> : vector<1024x1xf32>
    %dot_general3A_134 = tpu.matmul %convert_element_type3A_132, %convert_element_type3A, %dot_general3A_133 {dimension_numbers = #tpu.dot_dimension_numbers<[1], [0], [0], [1], [0, 0, 1, 1], [], []>, transpose_lhs_hint = false} : vector<1024x64xbf16>, vector<64x1xbf16>, vector<1024x1xf32> -> vector<1024x1xf32>
    %add3A_135 = vector.broadcast %get3A_11 : f32 to vector<1024x1xf32>
    %add3A_136 = arith.addf %dot_general3A_134, %add3A_135 : vector<1024x1xf32>
    %get3A_137 = arith.constant 0 : index
    %get3A_138 = arith.constant 8 : index
    %get3A_139 = arith.constant 0 : index
    %get3A_140 = vector.load %arg1[%get3A_137, %get3A_138, %get3A_139] : memref<1024x16x128xf32, #tpu.memory_space<vmem>>, vector<1024x1x64xf32>
    %get3A_141 = vector.shape_cast %get3A_140 : vector<1024x1x64xf32> to vector<1024x64xf32>
    %add3A_142 = arith.addf %get3A_1, %get3A_141 : vector<1024x64xf32>
    %add3A_143 = vector.broadcast %get3A_4 : vector<1x64xf32> to vector<1024x64xf32>
    %add3A_144 = arith.addf %add3A_142, %add3A_143 : vector<1024x64xf32>
    %max3A_145 = arith.constant 0.000000e+00 : f32
    %max3A_146 = vector.broadcast %max3A_145 : f32 to vector<1024x64xf32>
    %max3A_147 = arith.maximumf %add3A_144, %max3A_146 : vector<1024x64xf32>
    %convert_element_type3A_148 = arith.truncf %max3A_147 : vector<1024x64xf32> to vector<1024x64xbf16>
    %dot_general3A_149 = arith.constant dense<0.000000e+00> : vector<1024x1xf32>
    %dot_general3A_150 = tpu.matmul %convert_element_type3A_148, %convert_element_type3A, %dot_general3A_149 {dimension_numbers = #tpu.dot_dimension_numbers<[1], [0], [0], [1], [0, 0, 1, 1], [], []>, transpose_lhs_hint = false} : vector<1024x64xbf16>, vector<64x1xbf16>, vector<1024x1xf32> -> vector<1024x1xf32>
    %add3A_151 = vector.broadcast %get3A_11 : f32 to vector<1024x1xf32>
    %add3A_152 = arith.addf %dot_general3A_150, %add3A_151 : vector<1024x1xf32>
    %get3A_153 = arith.constant 0 : index
    %get3A_154 = arith.constant 9 : index
    %get3A_155 = arith.constant 0 : index
    %get3A_156 = vector.load %arg1[%get3A_153, %get3A_154, %get3A_155] : memref<1024x16x128xf32, #tpu.memory_space<vmem>>, vector<1024x1x64xf32>
    %get3A_157 = vector.shape_cast %get3A_156 : vector<1024x1x64xf32> to vector<1024x64xf32>
    %add3A_158 = arith.addf %get3A_1, %get3A_157 : vector<1024x64xf32>
    %add3A_159 = vector.broadcast %get3A_4 : vector<1x64xf32> to vector<1024x64xf32>
    %add3A_160 = arith.addf %add3A_158, %add3A_159 : vector<1024x64xf32>
    %max3A_161 = arith.constant 0.000000e+00 : f32
    %max3A_162 = vector.broadcast %max3A_161 : f32 to vector<1024x64xf32>
    %max3A_163 = arith.maximumf %add3A_160, %max3A_162 : vector<1024x64xf32>
    %convert_element_type3A_164 = arith.truncf %max3A_163 : vector<1024x64xf32> to vector<1024x64xbf16>
    %dot_general3A_165 = arith.constant dense<0.000000e+00> : vector<1024x1xf32>
    %dot_general3A_166 = tpu.matmul %convert_element_type3A_164, %convert_element_type3A, %dot_general3A_165 {dimension_numbers = #tpu.dot_dimension_numbers<[1], [0], [0], [1], [0, 0, 1, 1], [], []>, transpose_lhs_hint = false} : vector<1024x64xbf16>, vector<64x1xbf16>, vector<1024x1xf32> -> vector<1024x1xf32>
    %add3A_167 = vector.broadcast %get3A_11 : f32 to vector<1024x1xf32>
    %add3A_168 = arith.addf %dot_general3A_166, %add3A_167 : vector<1024x1xf32>
    %get3A_169 = arith.constant 0 : index
    %get3A_170 = arith.constant 10 : index
    %get3A_171 = arith.constant 0 : index
    %get3A_172 = vector.load %arg1[%get3A_169, %get3A_170, %get3A_171] : memref<1024x16x128xf32, #tpu.memory_space<vmem>>, vector<1024x1x64xf32>
    %get3A_173 = vector.shape_cast %get3A_172 : vector<1024x1x64xf32> to vector<1024x64xf32>
    %add3A_174 = arith.addf %get3A_1, %get3A_173 : vector<1024x64xf32>
    %add3A_175 = vector.broadcast %get3A_4 : vector<1x64xf32> to vector<1024x64xf32>
    %add3A_176 = arith.addf %add3A_174, %add3A_175 : vector<1024x64xf32>
    %max3A_177 = arith.constant 0.000000e+00 : f32
    %max3A_178 = vector.broadcast %max3A_177 : f32 to vector<1024x64xf32>
    %max3A_179 = arith.maximumf %add3A_176, %max3A_178 : vector<1024x64xf32>
    %convert_element_type3A_180 = arith.truncf %max3A_179 : vector<1024x64xf32> to vector<1024x64xbf16>
    %dot_general3A_181 = arith.constant dense<0.000000e+00> : vector<1024x1xf32>
    %dot_general3A_182 = tpu.matmul %convert_element_type3A_180, %convert_element_type3A, %dot_general3A_181 {dimension_numbers = #tpu.dot_dimension_numbers<[1], [0], [0], [1], [0, 0, 1, 1], [], []>, transpose_lhs_hint = false} : vector<1024x64xbf16>, vector<64x1xbf16>, vector<1024x1xf32> -> vector<1024x1xf32>
    %add3A_183 = vector.broadcast %get3A_11 : f32 to vector<1024x1xf32>
    %add3A_184 = arith.addf %dot_general3A_182, %add3A_183 : vector<1024x1xf32>
    %get3A_185 = arith.constant 0 : index
    %get3A_186 = arith.constant 11 : index
    %get3A_187 = arith.constant 0 : index
    %get3A_188 = vector.load %arg1[%get3A_185, %get3A_186, %get3A_187] : memref<1024x16x128xf32, #tpu.memory_space<vmem>>, vector<1024x1x64xf32>
    %get3A_189 = vector.shape_cast %get3A_188 : vector<1024x1x64xf32> to vector<1024x64xf32>
    %add3A_190 = arith.addf %get3A_1, %get3A_189 : vector<1024x64xf32>
    %add3A_191 = vector.broadcast %get3A_4 : vector<1x64xf32> to vector<1024x64xf32>
    %add3A_192 = arith.addf %add3A_190, %add3A_191 : vector<1024x64xf32>
    %max3A_193 = arith.constant 0.000000e+00 : f32
    %max3A_194 = vector.broadcast %max3A_193 : f32 to vector<1024x64xf32>
    %max3A_195 = arith.maximumf %add3A_192, %max3A_194 : vector<1024x64xf32>
    %convert_element_type3A_196 = arith.truncf %max3A_195 : vector<1024x64xf32> to vector<1024x64xbf16>
    %dot_general3A_197 = arith.constant dense<0.000000e+00> : vector<1024x1xf32>
    %dot_general3A_198 = tpu.matmul %convert_element_type3A_196, %convert_element_type3A, %dot_general3A_197 {dimension_numbers = #tpu.dot_dimension_numbers<[1], [0], [0], [1], [0, 0, 1, 1], [], []>, transpose_lhs_hint = false} : vector<1024x64xbf16>, vector<64x1xbf16>, vector<1024x1xf32> -> vector<1024x1xf32>
    %add3A_199 = vector.broadcast %get3A_11 : f32 to vector<1024x1xf32>
    %add3A_200 = arith.addf %dot_general3A_198, %add3A_199 : vector<1024x1xf32>
    %get3A_201 = arith.constant 0 : index
    %get3A_202 = arith.constant 12 : index
    %get3A_203 = arith.constant 0 : index
    %get3A_204 = vector.load %arg1[%get3A_201, %get3A_202, %get3A_203] : memref<1024x16x128xf32, #tpu.memory_space<vmem>>, vector<1024x1x64xf32>
    %get3A_205 = vector.shape_cast %get3A_204 : vector<1024x1x64xf32> to vector<1024x64xf32>
    %add3A_206 = arith.addf %get3A_1, %get3A_205 : vector<1024x64xf32>
    %add3A_207 = vector.broadcast %get3A_4 : vector<1x64xf32> to vector<1024x64xf32>
    %add3A_208 = arith.addf %add3A_206, %add3A_207 : vector<1024x64xf32>
    %max3A_209 = arith.constant 0.000000e+00 : f32
    %max3A_210 = vector.broadcast %max3A_209 : f32 to vector<1024x64xf32>
    %max3A_211 = arith.maximumf %add3A_208, %max3A_210 : vector<1024x64xf32>
    %convert_element_type3A_212 = arith.truncf %max3A_211 : vector<1024x64xf32> to vector<1024x64xbf16>
    %dot_general3A_213 = arith.constant dense<0.000000e+00> : vector<1024x1xf32>
    %dot_general3A_214 = tpu.matmul %convert_element_type3A_212, %convert_element_type3A, %dot_general3A_213 {dimension_numbers = #tpu.dot_dimension_numbers<[1], [0], [0], [1], [0, 0, 1, 1], [], []>, transpose_lhs_hint = false} : vector<1024x64xbf16>, vector<64x1xbf16>, vector<1024x1xf32> -> vector<1024x1xf32>
    %add3A_215 = vector.broadcast %get3A_11 : f32 to vector<1024x1xf32>
    %add3A_216 = arith.addf %dot_general3A_214, %add3A_215 : vector<1024x1xf32>
    %get3A_217 = arith.constant 0 : index
    %get3A_218 = arith.constant 13 : index
    %get3A_219 = arith.constant 0 : index
    %get3A_220 = vector.load %arg1[%get3A_217, %get3A_218, %get3A_219] : memref<1024x16x128xf32, #tpu.memory_space<vmem>>, vector<1024x1x64xf32>
    %get3A_221 = vector.shape_cast %get3A_220 : vector<1024x1x64xf32> to vector<1024x64xf32>
    %add3A_222 = arith.addf %get3A_1, %get3A_221 : vector<1024x64xf32>
    %add3A_223 = vector.broadcast %get3A_4 : vector<1x64xf32> to vector<1024x64xf32>
    %add3A_224 = arith.addf %add3A_222, %add3A_223 : vector<1024x64xf32>
    %max3A_225 = arith.constant 0.000000e+00 : f32
    %max3A_226 = vector.broadcast %max3A_225 : f32 to vector<1024x64xf32>
    %max3A_227 = arith.maximumf %add3A_224, %max3A_226 : vector<1024x64xf32>
    %convert_element_type3A_228 = arith.truncf %max3A_227 : vector<1024x64xf32> to vector<1024x64xbf16>
    %dot_general3A_229 = arith.constant dense<0.000000e+00> : vector<1024x1xf32>
    %dot_general3A_230 = tpu.matmul %convert_element_type3A_228, %convert_element_type3A, %dot_general3A_229 {dimension_numbers = #tpu.dot_dimension_numbers<[1], [0], [0], [1], [0, 0, 1, 1], [], []>, transpose_lhs_hint = false} : vector<1024x64xbf16>, vector<64x1xbf16>, vector<1024x1xf32> -> vector<1024x1xf32>
    %add3A_231 = vector.broadcast %get3A_11 : f32 to vector<1024x1xf32>
    %add3A_232 = arith.addf %dot_general3A_230, %add3A_231 : vector<1024x1xf32>
    %get3A_233 = arith.constant 0 : index
    %get3A_234 = arith.constant 14 : index
    %get3A_235 = arith.constant 0 : index
    %get3A_236 = vector.load %arg1[%get3A_233, %get3A_234, %get3A_235] : memref<1024x16x128xf32, #tpu.memory_space<vmem>>, vector<1024x1x64xf32>
    %get3A_237 = vector.shape_cast %get3A_236 : vector<1024x1x64xf32> to vector<1024x64xf32>
    %add3A_238 = arith.addf %get3A_1, %get3A_237 : vector<1024x64xf32>
    %add3A_239 = vector.broadcast %get3A_4 : vector<1x64xf32> to vector<1024x64xf32>
    %add3A_240 = arith.addf %add3A_238, %add3A_239 : vector<1024x64xf32>
    %max3A_241 = arith.constant 0.000000e+00 : f32
    %max3A_242 = vector.broadcast %max3A_241 : f32 to vector<1024x64xf32>
    %max3A_243 = arith.maximumf %add3A_240, %max3A_242 : vector<1024x64xf32>
    %convert_element_type3A_244 = arith.truncf %max3A_243 : vector<1024x64xf32> to vector<1024x64xbf16>
    %dot_general3A_245 = arith.constant dense<0.000000e+00> : vector<1024x1xf32>
    %dot_general3A_246 = tpu.matmul %convert_element_type3A_244, %convert_element_type3A, %dot_general3A_245 {dimension_numbers = #tpu.dot_dimension_numbers<[1], [0], [0], [1], [0, 0, 1, 1], [], []>, transpose_lhs_hint = false} : vector<1024x64xbf16>, vector<64x1xbf16>, vector<1024x1xf32> -> vector<1024x1xf32>
    %add3A_247 = vector.broadcast %get3A_11 : f32 to vector<1024x1xf32>
    %add3A_248 = arith.addf %dot_general3A_246, %add3A_247 : vector<1024x1xf32>
    %get3A_249 = arith.constant 0 : index
    %get3A_250 = arith.constant 15 : index
    %get3A_251 = arith.constant 0 : index
    %get3A_252 = vector.load %arg1[%get3A_249, %get3A_250, %get3A_251] : memref<1024x16x128xf32, #tpu.memory_space<vmem>>, vector<1024x1x64xf32>
    %get3A_253 = vector.shape_cast %get3A_252 : vector<1024x1x64xf32> to vector<1024x64xf32>
    %add3A_254 = arith.addf %get3A_1, %get3A_253 : vector<1024x64xf32>
    %add3A_255 = vector.broadcast %get3A_4 : vector<1x64xf32> to vector<1024x64xf32>
    %add3A_256 = arith.addf %add3A_254, %add3A_255 : vector<1024x64xf32>
    %max3A_257 = arith.constant 0.000000e+00 : f32
    %max3A_258 = vector.broadcast %max3A_257 : f32 to vector<1024x64xf32>
    %max3A_259 = arith.maximumf %add3A_256, %max3A_258 : vector<1024x64xf32>
    %convert_element_type3A_260 = arith.truncf %max3A_259 : vector<1024x64xf32> to vector<1024x64xbf16>
    %dot_general3A_261 = arith.constant dense<0.000000e+00> : vector<1024x1xf32>
    %dot_general3A_262 = tpu.matmul %convert_element_type3A_260, %convert_element_type3A, %dot_general3A_261 {dimension_numbers = #tpu.dot_dimension_numbers<[1], [0], [0], [1], [0, 0, 1, 1], [], []>, transpose_lhs_hint = false} : vector<1024x64xbf16>, vector<64x1xbf16>, vector<1024x1xf32> -> vector<1024x1xf32>
    %add3A_263 = vector.broadcast %get3A_11 : f32 to vector<1024x1xf32>
    %add3A_264 = arith.addf %dot_general3A_262, %add3A_263 : vector<1024x1xf32>
    %concatenate3A = tpu.concatenate %add3A_24, %add3A_40, %add3A_56, %add3A_72, %add3A_88, %add3A_104, %add3A_120, %add3A_136, %add3A_152, %add3A_168, %add3A_184, %add3A_200, %add3A_216, %add3A_232, %add3A_248, %add3A_264 in 1 : vector<1024x1xf32>, vector<1024x1xf32>, vector<1024x1xf32>, vector<1024x1xf32>, vector<1024x1xf32>, vector<1024x1xf32>, vector<1024x1xf32>, vector<1024x1xf32>, vector<1024x1xf32>, vector<1024x1xf32>, vector<1024x1xf32>, vector<1024x1xf32>, vector<1024x1xf32>, vector<1024x1xf32>, vector<1024x1xf32>, vector<1024x1xf32> -> vector<1024x16xf32>
    %reduce_max3A = arith.constant dense<0xFF800000> : vector<1024xf32>
    %reduce_max3A_265 = vector.multi_reduction <maximumf>, %concatenate3A, %reduce_max3A [1] : vector<1024x16xf32> to vector<1024xf32>
    %broadcast_in_dim3A = vector.shape_cast %reduce_max3A_265 : vector<1024xf32> to vector<1024x1xf32>
    %is_finite3A = tpu.weird %broadcast_in_dim3A : vector<1024x1xf32> -> vector<1024x1xi1>
    %is_finite3A_266 = arith.constant dense<true> : vector<1024x1xi1>
    %is_finite3A_267 = arith.xori %is_finite3A, %is_finite3A_266 : vector<1024x1xi1>
    %jit3A = arith.constant 0.000000e+00 : f32
    %broadcast_in_dim3A_268 = vector.broadcast %jit3A : f32 to vector<1024x1xf32>
    %select_n3A = arith.select %is_finite3A_267, %broadcast_in_dim3A, %broadcast_in_dim3A_268 : vector<1024x1xi1>, vector<1024x1xf32>
    %sub3A = vector.broadcast %select_n3A : vector<1024x1xf32> to vector<1024x16xf32>
    %sub3A_269 = arith.subf %concatenate3A, %sub3A : vector<1024x16xf32>
    %exp3A = math.exp %sub3A_269 : vector<1024x16xf32>
    %reduce_sum3A = arith.constant dense<0.000000e+00> : vector<1024xf32>
    %reduce_sum3A_270 = vector.multi_reduction <add>, %exp3A, %reduce_sum3A [1] : vector<1024x16xf32> to vector<1024xf32>
    %broadcast_in_dim3A_271 = vector.shape_cast %reduce_sum3A_270 : vector<1024xf32> to vector<1024x1xf32>
    %log3A = math.log %broadcast_in_dim3A_271 : vector<1024x1xf32>
    %add3A_272 = arith.addf %log3A, %select_n3A : vector<1024x1xf32>
    %sub3A_273 = vector.broadcast %add3A_272 : vector<1024x1xf32> to vector<1024x16xf32>
    %sub3A_274 = arith.subf %concatenate3A, %sub3A_273 : vector<1024x16xf32>
    %exp3A_275 = math.exp %sub3A_274 : vector<1024x16xf32>
    %get3A_276 = arith.constant 0 : index
    %get3A_277 = arith.constant 0 : index
    %get3A_278 = vector.load %arg4[%get3A_276, %get3A_277] : memref<1024x16xf32, #tpu.memory_space<vmem>>, vector<1024x16xf32>
    %add3A_279 = arith.addf %exp3A_275, %get3A_278 : vector<1024x16xf32>
    %reduce_max3A_280 = arith.constant dense<0xFF800000> : vector<1024xf32>
    %reduce_max3A_281 = vector.multi_reduction <maximumf>, %add3A_279, %reduce_max3A_280 [1] : vector<1024x16xf32> to vector<1024xf32>
    %broadcast_in_dim3A_282 = vector.shape_cast %reduce_max3A_281 : vector<1024xf32> to vector<1024x1xf32>
    %iota3A = tpu.iota {dimensions = array<i32: 1>} : vector<1024x16xi32>
    %ge3A = vector.broadcast %broadcast_in_dim3A_282 : vector<1024x1xf32> to vector<1024x16xf32>
    %ge3A_283 = arith.cmpf oge, %add3A_279, %ge3A : vector<1024x16xf32>
    %jit3A_284 = arith.constant 16 : i32
    %broadcast_in_dim3A_285 = vector.broadcast %jit3A_284 : i32 to vector<1024x16xi32>
    %select_n3A_286 = arith.select %ge3A_283, %iota3A, %broadcast_in_dim3A_285 : vector<1024x16xi1>, vector<1024x16xi32>
    %reduce_min3A = arith.constant dense<2147483647> : vector<1024xi32>
    %reduce_min3A_287 = vector.multi_reduction <minsi>, %select_n3A_286, %reduce_min3A [1] : vector<1024x16xi32> to vector<1024xi32>
    %broadcast_in_dim3A_288 = vector.shape_cast %reduce_min3A_287 : vector<1024xi32> to vector<1024x1xi32>
    %eq3A = vector.broadcast %broadcast_in_dim3A_288 : vector<1024x1xi32> to vector<1024x16xi32>
    %eq3A_289 = arith.cmpi eq, %iota3A, %eq3A : vector<1024x16xi32>
    %get3A_290 = arith.constant 0 : index
    %get3A_291 = arith.constant 0 : index
    %get3A_292 = vector.load %arg3[%get3A_290, %get3A_291] : memref<1024x128xi32, #tpu.memory_space<vmem>>, vector<1024x128xi32>
    %slice3A = vector.extract_strided_slice %get3A_292 {offsets = [0, 0], sizes = [1024, 16], strides = [1, 1]} : vector<1024x128xi32> to vector<1024x16xi32>
    %jit3A_293 = arith.constant 0 : i32
    %broadcast_in_dim3A_294 = vector.broadcast %jit3A_293 : i32 to vector<1024x16xi32>
    %select_n3A_295 = arith.select %eq3A_289, %slice3A, %broadcast_in_dim3A_294 : vector<1024x16xi1>, vector<1024x16xi32>
    %reduce_sum3A_296 = arith.constant dense<0> : vector<1024xi32>
    %reduce_sum3A_297 = vector.multi_reduction <add>, %select_n3A_295, %reduce_sum3A_296 [1] : vector<1024x16xi32> to vector<1024xi32>
    %broadcast_in_dim3A_298 = vector.shape_cast %reduce_sum3A_297 : vector<1024xi32> to vector<1024x1xi32>
    %broadcast_in_dim3A_299 = vector.shape_cast %broadcast_in_dim3A_298 : vector<1024x1xi32> to vector<1024x1xi32>
    %broadcast_in_dim3A_300 = vector.broadcast %broadcast_in_dim3A_299 : vector<1024x1xi32> to vector<1024x8xi32>
    %swap3A = arith.constant 0 : index
    %swap3A_301 = arith.constant 0 : index
    %swap3A_302 = vector.load %arg8[%swap3A, %swap3A_301] : memref<1024x8xi32, #tpu.memory_space<vmem>>, vector<1024x8xi32>
    tpu.vector_store %arg8[%swap3A, %swap3A_301], %broadcast_in_dim3A_300 {strides = array<i32>} : memref<1024x8xi32, #tpu.memory_space<vmem>>, vector<1024x8xi32>,
    %broadcast_in_dim3A_303 = arith.constant 0.000000e+00 : f32
    %broadcast_in_dim3A_304 = vector.broadcast %broadcast_in_dim3A_303 : f32 to vector<1024x64xf32>
    %eq3A_305 = arith.constant 0 : i32
    %eq3A_306 = vector.broadcast %eq3A_305 : i32 to vector<1024x1xi32>
    %eq3A_307 = arith.cmpi eq, %broadcast_in_dim3A_288, %eq3A_306 : vector<1024x1xi32>
    %get3A_308 = arith.constant 0 : index
    %get3A_309 = arith.constant 0 : index
    %get3A_310 = arith.constant 0 : index
    %get3A_311 = vector.load %arg1[%get3A_308, %get3A_309, %get3A_310] : memref<1024x16x128xf32, #tpu.memory_space<vmem>>, vector<1024x1x64xf32>
    %get3A_312 = vector.shape_cast %get3A_311 : vector<1024x1x64xf32> to vector<1024x64xf32>
    %jit3A_313 = arith.constant 0.000000e+00 : f32
    %broadcast_in_dim3A_314 = vector.shape_cast %eq3A_307 : vector<1024x1xi1> to vector<1024x1xi1>
    %broadcast_in_dim3A_315 = vector.broadcast %broadcast_in_dim3A_314 : vector<1024x1xi1> to vector<1024x64xi1>
    %broadcast_in_dim3A_316 = vector.broadcast %jit3A_313 : f32 to vector<1024x64xf32>
    %select_n3A_317 = arith.select %broadcast_in_dim3A_315, %get3A_312, %broadcast_in_dim3A_316 : vector<1024x64xi1>, vector<1024x64xf32>
    %add3A_318 = arith.addf %broadcast_in_dim3A_304, %select_n3A_317 : vector<1024x64xf32>
    %eq3A_319 = arith.constant 1 : i32
    %eq3A_320 = vector.broadcast %eq3A_319 : i32 to vector<1024x1xi32>
    %eq3A_321 = arith.cmpi eq, %broadcast_in_dim3A_288, %eq3A_320 : vector<1024x1xi32>
    %get3A_322 = arith.constant 0 : index
    %get3A_323 = arith.constant 1 : index
    %get3A_324 = arith.constant 0 : index
    %get3A_325 = vector.load %arg1[%get3A_322, %get3A_323, %get3A_324] : memref<1024x16x128xf32, #tpu.memory_space<vmem>>, vector<1024x1x64xf32>
    %get3A_326 = vector.shape_cast %get3A_325 : vector<1024x1x64xf32> to vector<1024x64xf32>
    %jit3A_327 = arith.constant 0.000000e+00 : f32
    %broadcast_in_dim3A_328 = vector.shape_cast %eq3A_321 : vector<1024x1xi1> to vector<1024x1xi1>
    %broadcast_in_dim3A_329 = vector.broadcast %broadcast_in_dim3A_328 : vector<1024x1xi1> to vector<1024x64xi1>
    %broadcast_in_dim3A_330 = vector.broadcast %jit3A_327 : f32 to vector<1024x64xf32>
    %select_n3A_331 = arith.select %broadcast_in_dim3A_329, %get3A_326, %broadcast_in_dim3A_330 : vector<1024x64xi1>, vector<1024x64xf32>
    %add3A_332 = arith.addf %add3A_318, %select_n3A_331 : vector<1024x64xf32>
    %eq3A_333 = arith.constant 2 : i32
    %eq3A_334 = vector.broadcast %eq3A_333 : i32 to vector<1024x1xi32>
    %eq3A_335 = arith.cmpi eq, %broadcast_in_dim3A_288, %eq3A_334 : vector<1024x1xi32>
    %get3A_336 = arith.constant 0 : index
    %get3A_337 = arith.constant 2 : index
    %get3A_338 = arith.constant 0 : index
    %get3A_339 = vector.load %arg1[%get3A_336, %get3A_337, %get3A_338] : memref<1024x16x128xf32, #tpu.memory_space<vmem>>, vector<1024x1x64xf32>
    %get3A_340 = vector.shape_cast %get3A_339 : vector<1024x1x64xf32> to vector<1024x64xf32>
    %jit3A_341 = arith.constant 0.000000e+00 : f32
    %broadcast_in_dim3A_342 = vector.shape_cast %eq3A_335 : vector<1024x1xi1> to vector<1024x1xi1>
    %broadcast_in_dim3A_343 = vector.broadcast %broadcast_in_dim3A_342 : vector<1024x1xi1> to vector<1024x64xi1>
    %broadcast_in_dim3A_344 = vector.broadcast %jit3A_341 : f32 to vector<1024x64xf32>
    %select_n3A_345 = arith.select %broadcast_in_dim3A_343, %get3A_340, %broadcast_in_dim3A_344 : vector<1024x64xi1>, vector<1024x64xf32>
    %add3A_346 = arith.addf %add3A_332, %select_n3A_345 : vector<1024x64xf32>
    %eq3A_347 = arith.constant 3 : i32
    %eq3A_348 = vector.broadcast %eq3A_347 : i32 to vector<1024x1xi32>
    %eq3A_349 = arith.cmpi eq, %broadcast_in_dim3A_288, %eq3A_348 : vector<1024x1xi32>
    %get3A_350 = arith.constant 0 : index
    %get3A_351 = arith.constant 3 : index
    %get3A_352 = arith.constant 0 : index
    %get3A_353 = vector.load %arg1[%get3A_350, %get3A_351, %get3A_352] : memref<1024x16x128xf32, #tpu.memory_space<vmem>>, vector<1024x1x64xf32>
    %get3A_354 = vector.shape_cast %get3A_353 : vector<1024x1x64xf32> to vector<1024x64xf32>
    %jit3A_355 = arith.constant 0.000000e+00 : f32
    %broadcast_in_dim3A_356 = vector.shape_cast %eq3A_349 : vector<1024x1xi1> to vector<1024x1xi1>
    %broadcast_in_dim3A_357 = vector.broadcast %broadcast_in_dim3A_356 : vector<1024x1xi1> to vector<1024x64xi1>
    %broadcast_in_dim3A_358 = vector.broadcast %jit3A_355 : f32 to vector<1024x64xf32>
    %select_n3A_359 = arith.select %broadcast_in_dim3A_357, %get3A_354, %broadcast_in_dim3A_358 : vector<1024x64xi1>, vector<1024x64xf32>
    %add3A_360 = arith.addf %add3A_346, %select_n3A_359 : vector<1024x64xf32>
    %eq3A_361 = arith.constant 4 : i32
    %eq3A_362 = vector.broadcast %eq3A_361 : i32 to vector<1024x1xi32>
    %eq3A_363 = arith.cmpi eq, %broadcast_in_dim3A_288, %eq3A_362 : vector<1024x1xi32>
    %get3A_364 = arith.constant 0 : index
    %get3A_365 = arith.constant 4 : index
    %get3A_366 = arith.constant 0 : index
    %get3A_367 = vector.load %arg1[%get3A_364, %get3A_365, %get3A_366] : memref<1024x16x128xf32, #tpu.memory_space<vmem>>, vector<1024x1x64xf32>
    %get3A_368 = vector.shape_cast %get3A_367 : vector<1024x1x64xf32> to vector<1024x64xf32>
    %jit3A_369 = arith.constant 0.000000e+00 : f32
    %broadcast_in_dim3A_370 = vector.shape_cast %eq3A_363 : vector<1024x1xi1> to vector<1024x1xi1>
    %broadcast_in_dim3A_371 = vector.broadcast %broadcast_in_dim3A_370 : vector<1024x1xi1> to vector<1024x64xi1>
    %broadcast_in_dim3A_372 = vector.broadcast %jit3A_369 : f32 to vector<1024x64xf32>
    %select_n3A_373 = arith.select %broadcast_in_dim3A_371, %get3A_368, %broadcast_in_dim3A_372 : vector<1024x64xi1>, vector<1024x64xf32>
    %add3A_374 = arith.addf %add3A_360, %select_n3A_373 : vector<1024x64xf32>
    %eq3A_375 = arith.constant 5 : i32
    %eq3A_376 = vector.broadcast %eq3A_375 : i32 to vector<1024x1xi32>
    %eq3A_377 = arith.cmpi eq, %broadcast_in_dim3A_288, %eq3A_376 : vector<1024x1xi32>
    %get3A_378 = arith.constant 0 : index
    %get3A_379 = arith.constant 5 : index
    %get3A_380 = arith.constant 0 : index
    %get3A_381 = vector.load %arg1[%get3A_378, %get3A_379, %get3A_380] : memref<1024x16x128xf32, #tpu.memory_space<vmem>>, vector<1024x1x64xf32>
    %get3A_382 = vector.shape_cast %get3A_381 : vector<1024x1x64xf32> to vector<1024x64xf32>
    %jit3A_383 = arith.constant 0.000000e+00 : f32
    %broadcast_in_dim3A_384 = vector.shape_cast %eq3A_377 : vector<1024x1xi1> to vector<1024x1xi1>
    %broadcast_in_dim3A_385 = vector.broadcast %broadcast_in_dim3A_384 : vector<1024x1xi1> to vector<1024x64xi1>
    %broadcast_in_dim3A_386 = vector.broadcast %jit3A_383 : f32 to vector<1024x64xf32>
    %select_n3A_387 = arith.select %broadcast_in_dim3A_385, %get3A_382, %broadcast_in_dim3A_386 : vector<1024x64xi1>, vector<1024x64xf32>
    %add3A_388 = arith.addf %add3A_374, %select_n3A_387 : vector<1024x64xf32>
    %eq3A_389 = arith.constant 6 : i32
    %eq3A_390 = vector.broadcast %eq3A_389 : i32 to vector<1024x1xi32>
    %eq3A_391 = arith.cmpi eq, %broadcast_in_dim3A_288, %eq3A_390 : vector<1024x1xi32>
    %get3A_392 = arith.constant 0 : index
    %get3A_393 = arith.constant 6 : index
    %get3A_394 = arith.constant 0 : index
    %get3A_395 = vector.load %arg1[%get3A_392, %get3A_393, %get3A_394] : memref<1024x16x128xf32, #tpu.memory_space<vmem>>, vector<1024x1x64xf32>
    %get3A_396 = vector.shape_cast %get3A_395 : vector<1024x1x64xf32> to vector<1024x64xf32>
    %jit3A_397 = arith.constant 0.000000e+00 : f32
    %broadcast_in_dim3A_398 = vector.shape_cast %eq3A_391 : vector<1024x1xi1> to vector<1024x1xi1>
    %broadcast_in_dim3A_399 = vector.broadcast %broadcast_in_dim3A_398 : vector<1024x1xi1> to vector<1024x64xi1>
    %broadcast_in_dim3A_400 = vector.broadcast %jit3A_397 : f32 to vector<1024x64xf32>
    %select_n3A_401 = arith.select %broadcast_in_dim3A_399, %get3A_396, %broadcast_in_dim3A_400 : vector<1024x64xi1>, vector<1024x64xf32>
    %add3A_402 = arith.addf %add3A_388, %select_n3A_401 : vector<1024x64xf32>
    %eq3A_403 = arith.constant 7 : i32
    %eq3A_404 = vector.broadcast %eq3A_403 : i32 to vector<1024x1xi32>
    %eq3A_405 = arith.cmpi eq, %broadcast_in_dim3A_288, %eq3A_404 : vector<1024x1xi32>
    %get3A_406 = arith.constant 0 : index
    %get3A_407 = arith.constant 7 : index
    %get3A_408 = arith.constant 0 : index
    %get3A_409 = vector.load %arg1[%get3A_406, %get3A_407, %get3A_408] : memref<1024x16x128xf32, #tpu.memory_space<vmem>>, vector<1024x1x64xf32>
    %get3A_410 = vector.shape_cast %get3A_409 : vector<1024x1x64xf32> to vector<1024x64xf32>
    %jit3A_411 = arith.constant 0.000000e+00 : f32
    %broadcast_in_dim3A_412 = vector.shape_cast %eq3A_405 : vector<1024x1xi1> to vector<1024x1xi1>
    %broadcast_in_dim3A_413 = vector.broadcast %broadcast_in_dim3A_412 : vector<1024x1xi1> to vector<1024x64xi1>
    %broadcast_in_dim3A_414 = vector.broadcast %jit3A_411 : f32 to vector<1024x64xf32>
    %select_n3A_415 = arith.select %broadcast_in_dim3A_413, %get3A_410, %broadcast_in_dim3A_414 : vector<1024x64xi1>, vector<1024x64xf32>
    %add3A_416 = arith.addf %add3A_402, %select_n3A_415 : vector<1024x64xf32>
    %eq3A_417 = arith.constant 8 : i32
    %eq3A_418 = vector.broadcast %eq3A_417 : i32 to vector<1024x1xi32>
    %eq3A_419 = arith.cmpi eq, %broadcast_in_dim3A_288, %eq3A_418 : vector<1024x1xi32>
    %get3A_420 = arith.constant 0 : index
    %get3A_421 = arith.constant 8 : index
    %get3A_422 = arith.constant 0 : index
    %get3A_423 = vector.load %arg1[%get3A_420, %get3A_421, %get3A_422] : memref<1024x16x128xf32, #tpu.memory_space<vmem>>, vector<1024x1x64xf32>
    %get3A_424 = vector.shape_cast %get3A_423 : vector<1024x1x64xf32> to vector<1024x64xf32>
    %jit3A_425 = arith.constant 0.000000e+00 : f32
    %broadcast_in_dim3A_426 = vector.shape_cast %eq3A_419 : vector<1024x1xi1> to vector<1024x1xi1>
    %broadcast_in_dim3A_427 = vector.broadcast %broadcast_in_dim3A_426 : vector<1024x1xi1> to vector<1024x64xi1>
    %broadcast_in_dim3A_428 = vector.broadcast %jit3A_425 : f32 to vector<1024x64xf32>
    %select_n3A_429 = arith.select %broadcast_in_dim3A_427, %get3A_424, %broadcast_in_dim3A_428 : vector<1024x64xi1>, vector<1024x64xf32>
    %add3A_430 = arith.addf %add3A_416, %select_n3A_429 : vector<1024x64xf32>
    %eq3A_431 = arith.constant 9 : i32
    %eq3A_432 = vector.broadcast %eq3A_431 : i32 to vector<1024x1xi32>
    %eq3A_433 = arith.cmpi eq, %broadcast_in_dim3A_288, %eq3A_432 : vector<1024x1xi32>
    %get3A_434 = arith.constant 0 : index
    %get3A_435 = arith.constant 9 : index
    %get3A_436 = arith.constant 0 : index
    %get3A_437 = vector.load %arg1[%get3A_434, %get3A_435, %get3A_436] : memref<1024x16x128xf32, #tpu.memory_space<vmem>>, vector<1024x1x64xf32>
    %get3A_438 = vector.shape_cast %get3A_437 : vector<1024x1x64xf32> to vector<1024x64xf32>
    %jit3A_439 = arith.constant 0.000000e+00 : f32
    %broadcast_in_dim3A_440 = vector.shape_cast %eq3A_433 : vector<1024x1xi1> to vector<1024x1xi1>
    %broadcast_in_dim3A_441 = vector.broadcast %broadcast_in_dim3A_440 : vector<1024x1xi1> to vector<1024x64xi1>
    %broadcast_in_dim3A_442 = vector.broadcast %jit3A_439 : f32 to vector<1024x64xf32>
    %select_n3A_443 = arith.select %broadcast_in_dim3A_441, %get3A_438, %broadcast_in_dim3A_442 : vector<1024x64xi1>, vector<1024x64xf32>
    %add3A_444 = arith.addf %add3A_430, %select_n3A_443 : vector<1024x64xf32>
    %eq3A_445 = arith.constant 10 : i32
    %eq3A_446 = vector.broadcast %eq3A_445 : i32 to vector<1024x1xi32>
    %eq3A_447 = arith.cmpi eq, %broadcast_in_dim3A_288, %eq3A_446 : vector<1024x1xi32>
    %get3A_448 = arith.constant 0 : index
    %get3A_449 = arith.constant 10 : index
    %get3A_450 = arith.constant 0 : index
    %get3A_451 = vector.load %arg1[%get3A_448, %get3A_449, %get3A_450] : memref<1024x16x128xf32, #tpu.memory_space<vmem>>, vector<1024x1x64xf32>
    %get3A_452 = vector.shape_cast %get3A_451 : vector<1024x1x64xf32> to vector<1024x64xf32>
    %jit3A_453 = arith.constant 0.000000e+00 : f32
    %broadcast_in_dim3A_454 = vector.shape_cast %eq3A_447 : vector<1024x1xi1> to vector<1024x1xi1>
    %broadcast_in_dim3A_455 = vector.broadcast %broadcast_in_dim3A_454 : vector<1024x1xi1> to vector<1024x64xi1>
    %broadcast_in_dim3A_456 = vector.broadcast %jit3A_453 : f32 to vector<1024x64xf32>
    %select_n3A_457 = arith.select %broadcast_in_dim3A_455, %get3A_452, %broadcast_in_dim3A_456 : vector<1024x64xi1>, vector<1024x64xf32>
    %add3A_458 = arith.addf %add3A_444, %select_n3A_457 : vector<1024x64xf32>
    %eq3A_459 = arith.constant 11 : i32
    %eq3A_460 = vector.broadcast %eq3A_459 : i32 to vector<1024x1xi32>
    %eq3A_461 = arith.cmpi eq, %broadcast_in_dim3A_288, %eq3A_460 : vector<1024x1xi32>
    %get3A_462 = arith.constant 0 : index
    %get3A_463 = arith.constant 11 : index
    %get3A_464 = arith.constant 0 : index
    %get3A_465 = vector.load %arg1[%get3A_462, %get3A_463, %get3A_464] : memref<1024x16x128xf32, #tpu.memory_space<vmem>>, vector<1024x1x64xf32>
    %get3A_466 = vector.shape_cast %get3A_465 : vector<1024x1x64xf32> to vector<1024x64xf32>
    %jit3A_467 = arith.constant 0.000000e+00 : f32
    %broadcast_in_dim3A_468 = vector.shape_cast %eq3A_461 : vector<1024x1xi1> to vector<1024x1xi1>
    %broadcast_in_dim3A_469 = vector.broadcast %broadcast_in_dim3A_468 : vector<1024x1xi1> to vector<1024x64xi1>
    %broadcast_in_dim3A_470 = vector.broadcast %jit3A_467 : f32 to vector<1024x64xf32>
    %select_n3A_471 = arith.select %broadcast_in_dim3A_469, %get3A_466, %broadcast_in_dim3A_470 : vector<1024x64xi1>, vector<1024x64xf32>
    %add3A_472 = arith.addf %add3A_458, %select_n3A_471 : vector<1024x64xf32>
    %eq3A_473 = arith.constant 12 : i32
    %eq3A_474 = vector.broadcast %eq3A_473 : i32 to vector<1024x1xi32>
    %eq3A_475 = arith.cmpi eq, %broadcast_in_dim3A_288, %eq3A_474 : vector<1024x1xi32>
    %get3A_476 = arith.constant 0 : index
    %get3A_477 = arith.constant 12 : index
    %get3A_478 = arith.constant 0 : index
    %get3A_479 = vector.load %arg1[%get3A_476, %get3A_477, %get3A_478] : memref<1024x16x128xf32, #tpu.memory_space<vmem>>, vector<1024x1x64xf32>
    %get3A_480 = vector.shape_cast %get3A_479 : vector<1024x1x64xf32> to vector<1024x64xf32>
    %jit3A_481 = arith.constant 0.000000e+00 : f32
    %broadcast_in_dim3A_482 = vector.shape_cast %eq3A_475 : vector<1024x1xi1> to vector<1024x1xi1>
    %broadcast_in_dim3A_483 = vector.broadcast %broadcast_in_dim3A_482 : vector<1024x1xi1> to vector<1024x64xi1>
    %broadcast_in_dim3A_484 = vector.broadcast %jit3A_481 : f32 to vector<1024x64xf32>
    %select_n3A_485 = arith.select %broadcast_in_dim3A_483, %get3A_480, %broadcast_in_dim3A_484 : vector<1024x64xi1>, vector<1024x64xf32>
    %add3A_486 = arith.addf %add3A_472, %select_n3A_485 : vector<1024x64xf32>
    %eq3A_487 = arith.constant 13 : i32
    %eq3A_488 = vector.broadcast %eq3A_487 : i32 to vector<1024x1xi32>
    %eq3A_489 = arith.cmpi eq, %broadcast_in_dim3A_288, %eq3A_488 : vector<1024x1xi32>
    %get3A_490 = arith.constant 0 : index
    %get3A_491 = arith.constant 13 : index
    %get3A_492 = arith.constant 0 : index
    %get3A_493 = vector.load %arg1[%get3A_490, %get3A_491, %get3A_492] : memref<1024x16x128xf32, #tpu.memory_space<vmem>>, vector<1024x1x64xf32>
    %get3A_494 = vector.shape_cast %get3A_493 : vector<1024x1x64xf32> to vector<1024x64xf32>
    %jit3A_495 = arith.constant 0.000000e+00 : f32
    %broadcast_in_dim3A_496 = vector.shape_cast %eq3A_489 : vector<1024x1xi1> to vector<1024x1xi1>
    %broadcast_in_dim3A_497 = vector.broadcast %broadcast_in_dim3A_496 : vector<1024x1xi1> to vector<1024x64xi1>
    %broadcast_in_dim3A_498 = vector.broadcast %jit3A_495 : f32 to vector<1024x64xf32>
    %select_n3A_499 = arith.select %broadcast_in_dim3A_497, %get3A_494, %broadcast_in_dim3A_498 : vector<1024x64xi1>, vector<1024x64xf32>
    %add3A_500 = arith.addf %add3A_486, %select_n3A_499 : vector<1024x64xf32>
    %eq3A_501 = arith.constant 14 : i32
    %eq3A_502 = vector.broadcast %eq3A_501 : i32 to vector<1024x1xi32>
    %eq3A_503 = arith.cmpi eq, %broadcast_in_dim3A_288, %eq3A_502 : vector<1024x1xi32>
    %get3A_504 = arith.constant 0 : index
    %get3A_505 = arith.constant 14 : index
    %get3A_506 = arith.constant 0 : index
    %get3A_507 = vector.load %arg1[%get3A_504, %get3A_505, %get3A_506] : memref<1024x16x128xf32, #tpu.memory_space<vmem>>, vector<1024x1x64xf32>
    %get3A_508 = vector.shape_cast %get3A_507 : vector<1024x1x64xf32> to vector<1024x64xf32>
    %jit3A_509 = arith.constant 0.000000e+00 : f32
    %broadcast_in_dim3A_510 = vector.shape_cast %eq3A_503 : vector<1024x1xi1> to vector<1024x1xi1>
    %broadcast_in_dim3A_511 = vector.broadcast %broadcast_in_dim3A_510 : vector<1024x1xi1> to vector<1024x64xi1>
    %broadcast_in_dim3A_512 = vector.broadcast %jit3A_509 : f32 to vector<1024x64xf32>
    %select_n3A_513 = arith.select %broadcast_in_dim3A_511, %get3A_508, %broadcast_in_dim3A_512 : vector<1024x64xi1>, vector<1024x64xf32>
    %add3A_514 = arith.addf %add3A_500, %select_n3A_513 : vector<1024x64xf32>
    %eq3A_515 = arith.constant 15 : i32
    %eq3A_516 = vector.broadcast %eq3A_515 : i32 to vector<1024x1xi32>
    %eq3A_517 = arith.cmpi eq, %broadcast_in_dim3A_288, %eq3A_516 : vector<1024x1xi32>
    %get3A_518 = arith.constant 0 : index
    %get3A_519 = arith.constant 15 : index
    %get3A_520 = arith.constant 0 : index
    %get3A_521 = vector.load %arg1[%get3A_518, %get3A_519, %get3A_520] : memref<1024x16x128xf32, #tpu.memory_space<vmem>>, vector<1024x1x64xf32>
    %get3A_522 = vector.shape_cast %get3A_521 : vector<1024x1x64xf32> to vector<1024x64xf32>
    %jit3A_523 = arith.constant 0.000000e+00 : f32
    %broadcast_in_dim3A_524 = vector.shape_cast %eq3A_517 : vector<1024x1xi1> to vector<1024x1xi1>
    %broadcast_in_dim3A_525 = vector.broadcast %broadcast_in_dim3A_524 : vector<1024x1xi1> to vector<1024x64xi1>
    %broadcast_in_dim3A_526 = vector.broadcast %jit3A_523 : f32 to vector<1024x64xf32>
    %select_n3A_527 = arith.select %broadcast_in_dim3A_525, %get3A_522, %broadcast_in_dim3A_526 : vector<1024x64xi1>, vector<1024x64xf32>
    %add3A_528 = arith.addf %add3A_514, %select_n3A_527 : vector<1024x64xf32>
    %add3A_529 = arith.addf %get3A_1, %add3A_528 : vector<1024x64xf32>
    %swap3A_530 = arith.constant 0 : index
    %swap3A_531 = arith.constant 0 : index
    %swap3A_532 = vector.load %arg9[%swap3A_530, %swap3A_531] : memref<1024x64xf32, #tpu.memory_space<vmem>>, vector<1024x64xf32>
    tpu.vector_store %arg9[%swap3A_530, %swap3A_531], %add3A_529 {strides = array<i32>} : memref<1024x64xf32, #tpu.memory_space<vmem>>, vector<1024x64xf32>,
    return
  }
  func.func @transform_0(%arg0: i32) -> (i32, i32, i32) {
    %c0_i32 = arith.constant 0 : i32
    %c0_i32_0 = arith.constant 0 : i32
    %c0_i32_1 = arith.constant 0 : i32
    return %arg0, %c0_i32, %c0_i32_0 : i32, i32, i32
  }
  func.func @transform_1(%arg0: i32) -> (i32, i32) {
    %c0_i32 = arith.constant 0 : i32
    %c0_i32_0 = arith.constant 0 : i32
    return %arg0, %c0_i32 : i32, i32
  }
  func.func @transform_2(%arg0: i32) -> (i32, i32) {
    %c0_i32 = arith.constant 0 : i32
    %c0_i32_0 = arith.constant 0 : i32
    return %arg0, %c0_i32 : i32, i32
  }
  func.func @transform_3(%arg0: i32) -> (i32, i32) {
    %c0_i32 = arith.constant 0 : i32
    %c0_i32_0 = arith.constant 0 : i32
    return %arg0, %c0_i32 : i32, i32
  }
  func.func @transform_4(%arg0: i32) -> (i32, i32) {
    %c0_i32 = arith.constant 0 : i32
    %c0_i32_0 = arith.constant 0 : i32
    %c0_i32_1 = arith.constant 0 : i32
    return %c0_i32, %c0_i32_0 : i32, i32
  }
  func.func @transform_5(%arg0: i32) -> (i32, i32) {
    %c0_i32 = arith.constant 0 : i32
    %c0_i32_0 = arith.constant 0 : i32
    %c0_i32_1 = arith.constant 0 : i32
    return %c0_i32, %c0_i32_0 : i32, i32
  }
  func.func @transform_6(%arg0: i32) -> (i32, i32) {
    %c0_i32 = arith.constant 0 : i32
    %c0_i32_0 = arith.constant 0 : i32
    %c0_i32_1 = arith.constant 0 : i32
    return %c0_i32, %c0_i32_0 : i32, i32
  }
  func.func @transform_7(%arg0: i32) -> (i32, i32) {
    %c0_i32 = arith.constant 0 : i32
    %c0_i32_0 = arith.constant 0 : i32
    return %arg0, %c0_i32 : i32, i32
  }
  func.func @transform_8(%arg0: i32) -> (i32, i32) {
    %c0_i32 = arith.constant 0 : i32
    %c0_i32_0 = arith.constant 0 : i32
    return %arg0, %c0_i32 : i32, i32
  }
}

module attributes {stable_mosaic.version = 14 : i64} {
  func.func @_step_body(%arg0: i32, %arg1: memref<1024x16x128xf32, #tpu.memory_space<vmem>>, %arg2: memref<1024x64xf32, #tpu.memory_space<vmem>>, %arg3: memref<1024x128xi32, #tpu.memory_space<vmem>>, %arg4: memref<1024x16xf32, #tpu.memory_space<vmem>>, %arg5: memref<64x1xf32, #tpu.memory_space<vmem>>, %arg6: memref<1x1xf32, #tpu.memory_space<vmem>>, %arg7: memref<1x64xf32, #tpu.memory_space<vmem>>, %arg8: memref<1024x8xi32, #tpu.memory_space<vmem>>, %arg9: memref<1024x64xf32, #tpu.memory_space<vmem>>) attributes {dimension_semantics = [#tpu.dimension_semantics<arbitrary>], iteration_bounds = array<i64: 10>, scalar_prefetch = 0 : i64, scratch_operands = 0 : i64, tpu.core_type = #tpu.core_type<tc>, window_params = [{transform_indices = @transform_0, window_bounds = array<i64: 1024, 16, 128>}, {transform_indices = @transform_1, window_bounds = array<i64: 1024, 64>}, {transform_indices = @transform_2, window_bounds = array<i64: 1024, 128>}, {transform_indices = @transform_3, window_bounds = array<i64: 1024, 16>}, {pipeline_mode = #tpu.pipeline_mode<synchronous>, transform_indices = @transform_4, window_bounds = array<i64: 64, 1>}, {pipeline_mode = #tpu.pipeline_mode<synchronous>, transform_indices = @transform_5, window_bounds = array<i64: 1, 1>}, {pipeline_mode = #tpu.pipeline_mode<synchronous>, transform_indices = @transform_6, window_bounds = array<i64: 1, 64>}, {transform_indices = @transform_7, window_bounds = array<i64: 1024, 8>}, {transform_indices = @transform_8, window_bounds = array<i64: 1024, 64>}]} {
    %get3A = arith.constant 0 : index
    %get3A_0 = arith.constant 0 : index
    %get3A_1 = vector.load %arg2[%get3A, %get3A_0] : memref<1024x64xf32, #tpu.memory_space<vmem>>, vector<1024x64xf32>
    %get3A_2 = arith.constant 0 : index
    %get3A_3 = arith.constant 0 : index
    %get3A_4 = vector.load %arg7[%get3A_2, %get3A_3] : memref<1x64xf32, #tpu.memory_space<vmem>>, vector<1x64xf32>
    %get3A_5 = arith.constant 0 : index
    %get3A_6 = arith.constant 0 : index
    %get3A_7 = vector.load %arg5[%get3A_5, %get3A_6] : memref<64x1xf32, #tpu.memory_space<vmem>>, vector<64x1xf32>
    %convert_element_type3A = arith.truncf %get3A_7 : vector<64x1xf32> to vector<64x1xbf16>
    %get3A_8 = arith.constant 0 : index
    %get3A_9 = arith.constant 0 : index
    %get3A_10 = vector.load %arg6[%get3A_8, %get3A_9] : memref<1x1xf32, #tpu.memory_space<vmem>>, vector<1x1xf32>
    %get3A_11 = vector.extract %get3A_10[0, 0] : f32 from vector<1x1xf32>
    %get3A_12 = arith.constant 0 : index
    %get3A_13 = arith.constant 0 : index
    %get3A_14 = arith.constant 0 : index
    %get3A_15 = vector.load %arg1[%get3A_12, %get3A_13, %get3A_14] : memref<1024x16x128xf32, #tpu.memory_space<vmem>>, vector<1024x1x64xf32>
    %get3A_16 = vector.shape_cast %get3A_15 : vector<1024x1x64xf32> to vector<1024x64xf32>
    %add3A = arith.addf %get3A_1, %get3A_16 : vector<1024x64xf32>
    %add3A_17 = vector.broadcast %get3A_4 : vector<1x64xf32> to vector<1024x64xf32>
    %add3A_18 = arith.addf %add3A, %add3A_17 : vector<1024x64xf32>
    %max3A = arith.constant 0.000000e+00 : f32
    %max3A_19 = vector.broadcast %max3A : f32 to vector<1024x64xf32>
    %max3A_20 = arith.maximumf %add3A_18, %max3A_19 : vector<1024x64xf32>
    %convert_element_type3A_21 = arith.truncf %max3A_20 : vector<1024x64xf32> to vector<1024x64xbf16>
    %dot_general3A = arith.constant dense<0.000000e+00> : vector<1024x1xf32>
    %dot_general3A_22 = tpu.matmul %convert_element_type3A_21, %convert_element_type3A, %dot_general3A {dimension_numbers = #tpu.dot_dimension_numbers<[1], [0], [0], [1], [0, 0, 1, 1], [], []>, transpose_lhs_hint = false} : vector<1024x64xbf16>, vector<64x1xbf16>, vector<1024x1xf32> -> vector<1024x1xf32>
    %add3A_23 = vector.broadcast %get3A_11 : f32 to vector<1024x1xf32>
    %add3A_24 = arith.addf %dot_general3A_22, %add3A_23 : vector<1024x1xf32>
    %get3A_25 = arith.constant 0 : index
    %get3A_26 = arith.constant 1 : index
    %get3A_27 = arith.constant 0 : index
    %get3A_28 = vector.load %arg1[%get3A_25, %get3A_26, %get3A_27] : memref<1024x16x128xf32, #tpu.memory_space<vmem>>, vector<1024x1x64xf32>
    %get3A_29 = vector.shape_cast %get3A_28 : vector<1024x1x64xf32> to vector<1024x64xf32>
    %add3A_30 = arith.addf %get3A_1, %get3A_29 : vector<1024x64xf32>
    %add3A_31 = vector.broadcast %get3A_4 : vector<1x64xf32> to vector<1024x64xf32>
    %add3A_32 = arith.addf %add3A_30, %add3A_31 : vector<1024x64xf32>
    %max3A_33 = arith.constant 0.000000e+00 : f32
    %max3A_34 = vector.broadcast %max3A_33 : f32 to vector<1024x64xf32>
    %max3A_35 = arith.maximumf %add3A_32, %max3A_34 : vector<1024x64xf32>
    %convert_element_type3A_36 = arith.truncf %max3A_35 : vector<1024x64xf32> to vector<1024x64xbf16>
    %dot_general3A_37 = arith.constant dense<0.000000e+00> : vector<1024x1xf32>
    %dot_general3A_38 = tpu.matmul %convert_element_type3A_36, %convert_element_type3A, %dot_general3A_37 {dimension_numbers = #tpu.dot_dimension_numbers<[1], [0], [0], [1], [0, 0, 1, 1], [], []>, transpose_lhs_hint = false} : vector<1024x64xbf16>, vector<64x1xbf16>, vector<1024x1xf32> -> vector<1024x1xf32>
    %add3A_39 = vector.broadcast %get3A_11 : f32 to vector<1024x1xf32>
    %add3A_40 = arith.addf %dot_general3A_38, %add3A_39 : vector<1024x1xf32>
    %get3A_41 = arith.constant 0 : index
    %get3A_42 = arith.constant 2 : index
    %get3A_43 = arith.constant 0 : index
    %get3A_44 = vector.load %arg1[%get3A_41, %get3A_42, %get3A_43] : memref<1024x16x128xf32, #tpu.memory_space<vmem>>, vector<1024x1x64xf32>
    %get3A_45 = vector.shape_cast %get3A_44 : vector<1024x1x64xf32> to vector<1024x64xf32>
    %add3A_46 = arith.addf %get3A_1, %get3A_45 : vector<1024x64xf32>
    %add3A_47 = vector.broadcast %get3A_4 : vector<1x64xf32> to vector<1024x64xf32>
    %add3A_48 = arith.addf %add3A_46, %add3A_47 : vector<1024x64xf32>
    %max3A_49 = arith.constant 0.000000e+00 : f32
    %max3A_50 = vector.broadcast %max3A_49 : f32 to vector<1024x64xf32>
    %max3A_51 = arith.maximumf %add3A_48, %max3A_50 : vector<1024x64xf32>
    %convert_element_type3A_52 = arith.truncf %max3A_51 : vector<1024x64xf32> to vector<1024x64xbf16>
    %dot_general3A_53 = arith.constant dense<0.000000e+00> : vector<1024x1xf32>
    %dot_general3A_54 = tpu.matmul %convert_element_type3A_52, %convert_element_type3A, %dot_general3A_53 {dimension_numbers = #tpu.dot_dimension_numbers<[1], [0], [0], [1], [0, 0, 1, 1], [], []>, transpose_lhs_hint = false} : vector<1024x64xbf16>, vector<64x1xbf16>, vector<1024x1xf32> -> vector<1024x1xf32>
    %add3A_55 = vector.broadcast %get3A_11 : f32 to vector<1024x1xf32>
    %add3A_56 = arith.addf %dot_general3A_54, %add3A_55 : vector<1024x1xf32>
    %get3A_57 = arith.constant 0 : index
    %get3A_58 = arith.constant 3 : index
    %get3A_59 = arith.constant 0 : index
    %get3A_60 = vector.load %arg1[%get3A_57, %get3A_58, %get3A_59] : memref<1024x16x128xf32, #tpu.memory_space<vmem>>, vector<1024x1x64xf32>
    %get3A_61 = vector.shape_cast %get3A_60 : vector<1024x1x64xf32> to vector<1024x64xf32>
    %add3A_62 = arith.addf %get3A_1, %get3A_61 : vector<1024x64xf32>
    %add3A_63 = vector.broadcast %get3A_4 : vector<1x64xf32> to vector<1024x64xf32>
    %add3A_64 = arith.addf %add3A_62, %add3A_63 : vector<1024x64xf32>
    %max3A_65 = arith.constant 0.000000e+00 : f32
    %max3A_66 = vector.broadcast %max3A_65 : f32 to vector<1024x64xf32>
    %max3A_67 = arith.maximumf %add3A_64, %max3A_66 : vector<1024x64xf32>
    %convert_element_type3A_68 = arith.truncf %max3A_67 : vector<1024x64xf32> to vector<1024x64xbf16>
    %dot_general3A_69 = arith.constant dense<0.000000e+00> : vector<1024x1xf32>
    %dot_general3A_70 = tpu.matmul %convert_element_type3A_68, %convert_element_type3A, %dot_general3A_69 {dimension_numbers = #tpu.dot_dimension_numbers<[1], [0], [0], [1], [0, 0, 1, 1], [], []>, transpose_lhs_hint = false} : vector<1024x64xbf16>, vector<64x1xbf16>, vector<1024x1xf32> -> vector<1024x1xf32>
    %add3A_71 = vector.broadcast %get3A_11 : f32 to vector<1024x1xf32>
    %add3A_72 = arith.addf %dot_general3A_70, %add3A_71 : vector<1024x1xf32>
    %get3A_73 = arith.constant 0 : index
    %get3A_74 = arith.constant 4 : index
    %get3A_75 = arith.constant 0 : index
    %get3A_76 = vector.load %arg1[%get3A_73, %get3A_74, %get3A_75] : memref<1024x16x128xf32, #tpu.memory_space<vmem>>, vector<1024x1x64xf32>
    %get3A_77 = vector.shape_cast %get3A_76 : vector<1024x1x64xf32> to vector<1024x64xf32>
    %add3A_78 = arith.addf %get3A_1, %get3A_77 : vector<1024x64xf32>
    %add3A_79 = vector.broadcast %get3A_4 : vector<1x64xf32> to vector<1024x64xf32>
    %add3A_80 = arith.addf %add3A_78, %add3A_79 : vector<1024x64xf32>
    %max3A_81 = arith.constant 0.000000e+00 : f32
    %max3A_82 = vector.broadcast %max3A_81 : f32 to vector<1024x64xf32>
    %max3A_83 = arith.maximumf %add3A_80, %max3A_82 : vector<1024x64xf32>
    %convert_element_type3A_84 = arith.truncf %max3A_83 : vector<1024x64xf32> to vector<1024x64xbf16>
    %dot_general3A_85 = arith.constant dense<0.000000e+00> : vector<1024x1xf32>
    %dot_general3A_86 = tpu.matmul %convert_element_type3A_84, %convert_element_type3A, %dot_general3A_85 {dimension_numbers = #tpu.dot_dimension_numbers<[1], [0], [0], [1], [0, 0, 1, 1], [], []>, transpose_lhs_hint = false} : vector<1024x64xbf16>, vector<64x1xbf16>, vector<1024x1xf32> -> vector<1024x1xf32>
    %add3A_87 = vector.broadcast %get3A_11 : f32 to vector<1024x1xf32>
    %add3A_88 = arith.addf %dot_general3A_86, %add3A_87 : vector<1024x1xf32>
    %get3A_89 = arith.constant 0 : index
    %get3A_90 = arith.constant 5 : index
    %get3A_91 = arith.constant 0 : index
    %get3A_92 = vector.load %arg1[%get3A_89, %get3A_90, %get3A_91] : memref<1024x16x128xf32, #tpu.memory_space<vmem>>, vector<1024x1x64xf32>
    %get3A_93 = vector.shape_cast %get3A_92 : vector<1024x1x64xf32> to vector<1024x64xf32>
    %add3A_94 = arith.addf %get3A_1, %get3A_93 : vector<1024x64xf32>
    %add3A_95 = vector.broadcast %get3A_4 : vector<1x64xf32> to vector<1024x64xf32>
    %add3A_96 = arith.addf %add3A_94, %add3A_95 : vector<1024x64xf32>
    %max3A_97 = arith.constant 0.000000e+00 : f32
    %max3A_98 = vector.broadcast %max3A_97 : f32 to vector<1024x64xf32>
    %max3A_99 = arith.maximumf %add3A_96, %max3A_98 : vector<1024x64xf32>
    %convert_element_type3A_100 = arith.truncf %max3A_99 : vector<1024x64xf32> to vector<1024x64xbf16>
    %dot_general3A_101 = arith.constant dense<0.000000e+00> : vector<1024x1xf32>
    %dot_general3A_102 = tpu.matmul %convert_element_type3A_100, %convert_element_type3A, %dot_general3A_101 {dimension_numbers = #tpu.dot_dimension_numbers<[1], [0], [0], [1], [0, 0, 1, 1], [], []>, transpose_lhs_hint = false} : vector<1024x64xbf16>, vector<64x1xbf16>, vector<1024x1xf32> -> vector<1024x1xf32>
    %add3A_103 = vector.broadcast %get3A_11 : f32 to vector<1024x1xf32>
    %add3A_104 = arith.addf %dot_general3A_102, %add3A_103 : vector<1024x1xf32>
    %get3A_105 = arith.constant 0 : index
    %get3A_106 = arith.constant 6 : index
    %get3A_107 = arith.constant 0 : index
    %get3A_108 = vector.load %arg1[%get3A_105, %get3A_106, %get3A_107] : memref<1024x16x128xf32, #tpu.memory_space<vmem>>, vector<1024x1x64xf32>
    %get3A_109 = vector.shape_cast %get3A_108 : vector<1024x1x64xf32> to vector<1024x64xf32>
    %add3A_110 = arith.addf %get3A_1, %get3A_109 : vector<1024x64xf32>
    %add3A_111 = vector.broadcast %get3A_4 : vector<1x64xf32> to vector<1024x64xf32>
    %add3A_112 = arith.addf %add3A_110, %add3A_111 : vector<1024x64xf32>
    %max3A_113 = arith.constant 0.000000e+00 : f32
    %max3A_114 = vector.broadcast %max3A_113 : f32 to vector<1024x64xf32>
    %max3A_115 = arith.maximumf %add3A_112, %max3A_114 : vector<1024x64xf32>
    %convert_element_type3A_116 = arith.truncf %max3A_115 : vector<1024x64xf32> to vector<1024x64xbf16>
    %dot_general3A_117 = arith.constant dense<0.000000e+00> : vector<1024x1xf32>
    %dot_general3A_118 = tpu.matmul %convert_element_type3A_116, %convert_element_type3A, %dot_general3A_117 {dimension_numbers = #tpu.dot_dimension_numbers<[1], [0], [0], [1], [0, 0, 1, 1], [], []>, transpose_lhs_hint = false} : vector<1024x64xbf16>, vector<64x1xbf16>, vector<1024x1xf32> -> vector<1024x1xf32>
    %add3A_119 = vector.broadcast %get3A_11 : f32 to vector<1024x1xf32>
    %add3A_120 = arith.addf %dot_general3A_118, %add3A_119 : vector<1024x1xf32>
    %get3A_121 = arith.constant 0 : index
    %get3A_122 = arith.constant 7 : index
    %get3A_123 = arith.constant 0 : index
    %get3A_124 = vector.load %arg1[%get3A_121, %get3A_122, %get3A_123] : memref<1024x16x128xf32, #tpu.memory_space<vmem>>, vector<1024x1x64xf32>
    %get3A_125 = vector.shape_cast %get3A_124 : vector<1024x1x64xf32> to vector<1024x64xf32>
    %add3A_126 = arith.addf %get3A_1, %get3A_125 : vector<1024x64xf32>
    %add3A_127 = vector.broadcast %get3A_4 : vector<1x64xf32> to vector<1024x64xf32>
    %add3A_128 = arith.addf %add3A_126, %add3A_127 : vector<1024x64xf32>
    %max3A_129 = arith.constant 0.000000e+00 : f32
    %max3A_130 = vector.broadcast %max3A_129 : f32 to vector<1024x64xf32>
    %max3A_131 = arith.maximumf %add3A_128, %max3A_130 : vector<1024x64xf32>
    %convert_element_type3A_132 = arith.truncf %max3A_131 : vector<1024x64xf32> to vector<1024x64xbf16>
    %dot_general3A_133 = arith.constant dense<0.000000e+00> : vector<1024x1xf32>
    %dot_general3A_134 = tpu.matmul %convert_element_type3A_132, %convert_element_type3A, %dot_general3A_133 {dimension_numbers = #tpu.dot_dimension_numbers<[1], [0], [0], [1], [0, 0, 1, 1], [], []>, transpose_lhs_hint = false} : vector<1024x64xbf16>, vector<64x1xbf16>, vector<1024x1xf32> -> vector<1024x1xf32>
    %add3A_135 = vector.broadcast %get3A_11 : f32 to vector<1024x1xf32>
    %add3A_136 = arith.addf %dot_general3A_134, %add3A_135 : vector<1024x1xf32>
    %get3A_137 = arith.constant 0 : index
    %get3A_138 = arith.constant 8 : index
    %get3A_139 = arith.constant 0 : index
    %get3A_140 = vector.load %arg1[%get3A_137, %get3A_138, %get3A_139] : memref<1024x16x128xf32, #tpu.memory_space<vmem>>, vector<1024x1x64xf32>
    %get3A_141 = vector.shape_cast %get3A_140 : vector<1024x1x64xf32> to vector<1024x64xf32>
    %add3A_142 = arith.addf %get3A_1, %get3A_141 : vector<1024x64xf32>
    %add3A_143 = vector.broadcast %get3A_4 : vector<1x64xf32> to vector<1024x64xf32>
    %add3A_144 = arith.addf %add3A_142, %add3A_143 : vector<1024x64xf32>
    %max3A_145 = arith.constant 0.000000e+00 : f32
    %max3A_146 = vector.broadcast %max3A_145 : f32 to vector<1024x64xf32>
    %max3A_147 = arith.maximumf %add3A_144, %max3A_146 : vector<1024x64xf32>
    %convert_element_type3A_148 = arith.truncf %max3A_147 : vector<1024x64xf32> to vector<1024x64xbf16>
    %dot_general3A_149 = arith.constant dense<0.000000e+00> : vector<1024x1xf32>
    %dot_general3A_150 = tpu.matmul %convert_element_type3A_148, %convert_element_type3A, %dot_general3A_149 {dimension_numbers = #tpu.dot_dimension_numbers<[1], [0], [0], [1], [0, 0, 1, 1], [], []>, transpose_lhs_hint = false} : vector<1024x64xbf16>, vector<64x1xbf16>, vector<1024x1xf32> -> vector<1024x1xf32>
    %add3A_151 = vector.broadcast %get3A_11 : f32 to vector<1024x1xf32>
    %add3A_152 = arith.addf %dot_general3A_150, %add3A_151 : vector<1024x1xf32>
    %get3A_153 = arith.constant 0 : index
    %get3A_154 = arith.constant 9 : index
    %get3A_155 = arith.constant 0 : index
    %get3A_156 = vector.load %arg1[%get3A_153, %get3A_154, %get3A_155] : memref<1024x16x128xf32, #tpu.memory_space<vmem>>, vector<1024x1x64xf32>
    %get3A_157 = vector.shape_cast %get3A_156 : vector<1024x1x64xf32> to vector<1024x64xf32>
    %add3A_158 = arith.addf %get3A_1, %get3A_157 : vector<1024x64xf32>
    %add3A_159 = vector.broadcast %get3A_4 : vector<1x64xf32> to vector<1024x64xf32>
    %add3A_160 = arith.addf %add3A_158, %add3A_159 : vector<1024x64xf32>
    %max3A_161 = arith.constant 0.000000e+00 : f32
    %max3A_162 = vector.broadcast %max3A_161 : f32 to vector<1024x64xf32>
    %max3A_163 = arith.maximumf %add3A_160, %max3A_162 : vector<1024x64xf32>
    %convert_element_type3A_164 = arith.truncf %max3A_163 : vector<1024x64xf32> to vector<1024x64xbf16>
    %dot_general3A_165 = arith.constant dense<0.000000e+00> : vector<1024x1xf32>
    %dot_general3A_166 = tpu.matmul %convert_element_type3A_164, %convert_element_type3A, %dot_general3A_165 {dimension_numbers = #tpu.dot_dimension_numbers<[1], [0], [0], [1], [0, 0, 1, 1], [], []>, transpose_lhs_hint = false} : vector<1024x64xbf16>, vector<64x1xbf16>, vector<1024x1xf32> -> vector<1024x1xf32>
    %add3A_167 = vector.broadcast %get3A_11 : f32 to vector<1024x1xf32>
    %add3A_168 = arith.addf %dot_general3A_166, %add3A_167 : vector<1024x1xf32>
    %get3A_169 = arith.constant 0 : index
    %get3A_170 = arith.constant 10 : index
    %get3A_171 = arith.constant 0 : index
    %get3A_172 = vector.load %arg1[%get3A_169, %get3A_170, %get3A_171] : memref<1024x16x128xf32, #tpu.memory_space<vmem>>, vector<1024x1x64xf32>
    %get3A_173 = vector.shape_cast %get3A_172 : vector<1024x1x64xf32> to vector<1024x64xf32>
    %add3A_174 = arith.addf %get3A_1, %get3A_173 : vector<1024x64xf32>
    %add3A_175 = vector.broadcast %get3A_4 : vector<1x64xf32> to vector<1024x64xf32>
    %add3A_176 = arith.addf %add3A_174, %add3A_175 : vector<1024x64xf32>
    %max3A_177 = arith.constant 0.000000e+00 : f32
    %max3A_178 = vector.broadcast %max3A_177 : f32 to vector<1024x64xf32>
    %max3A_179 = arith.maximumf %add3A_176, %max3A_178 : vector<1024x64xf32>
    %convert_element_type3A_180 = arith.truncf %max3A_179 : vector<1024x64xf32> to vector<1024x64xbf16>
    %dot_general3A_181 = arith.constant dense<0.000000e+00> : vector<1024x1xf32>
    %dot_general3A_182 = tpu.matmul %convert_element_type3A_180, %convert_element_type3A, %dot_general3A_181 {dimension_numbers = #tpu.dot_dimension_numbers<[1], [0], [0], [1], [0, 0, 1, 1], [], []>, transpose_lhs_hint = false} : vector<1024x64xbf16>, vector<64x1xbf16>, vector<1024x1xf32> -> vector<1024x1xf32>
    %add3A_183 = vector.broadcast %get3A_11 : f32 to vector<1024x1xf32>
    %add3A_184 = arith.addf %dot_general3A_182, %add3A_183 : vector<1024x1xf32>
    %get3A_185 = arith.constant 0 : index
    %get3A_186 = arith.constant 11 : index
    %get3A_187 = arith.constant 0 : index
    %get3A_188 = vector.load %arg1[%get3A_185, %get3A_186, %get3A_187] : memref<1024x16x128xf32, #tpu.memory_space<vmem>>, vector<1024x1x64xf32>
    %get3A_189 = vector.shape_cast %get3A_188 : vector<1024x1x64xf32> to vector<1024x64xf32>
    %add3A_190 = arith.addf %get3A_1, %get3A_189 : vector<1024x64xf32>
    %add3A_191 = vector.broadcast %get3A_4 : vector<1x64xf32> to vector<1024x64xf32>
    %add3A_192 = arith.addf %add3A_190, %add3A_191 : vector<1024x64xf32>
    %max3A_193 = arith.constant 0.000000e+00 : f32
    %max3A_194 = vector.broadcast %max3A_193 : f32 to vector<1024x64xf32>
    %max3A_195 = arith.maximumf %add3A_192, %max3A_194 : vector<1024x64xf32>
    %convert_element_type3A_196 = arith.truncf %max3A_195 : vector<1024x64xf32> to vector<1024x64xbf16>
    %dot_general3A_197 = arith.constant dense<0.000000e+00> : vector<1024x1xf32>
    %dot_general3A_198 = tpu.matmul %convert_element_type3A_196, %convert_element_type3A, %dot_general3A_197 {dimension_numbers = #tpu.dot_dimension_numbers<[1], [0], [0], [1], [0, 0, 1, 1], [], []>, transpose_lhs_hint = false} : vector<1024x64xbf16>, vector<64x1xbf16>, vector<1024x1xf32> -> vector<1024x1xf32>
    %add3A_199 = vector.broadcast %get3A_11 : f32 to vector<1024x1xf32>
    %add3A_200 = arith.addf %dot_general3A_198, %add3A_199 : vector<1024x1xf32>
    %get3A_201 = arith.constant 0 : index
    %get3A_202 = arith.constant 12 : index
    %get3A_203 = arith.constant 0 : index
    %get3A_204 = vector.load %arg1[%get3A_201, %get3A_202, %get3A_203] : memref<1024x16x128xf32, #tpu.memory_space<vmem>>, vector<1024x1x64xf32>
    %get3A_205 = vector.shape_cast %get3A_204 : vector<1024x1x64xf32> to vector<1024x64xf32>
    %add3A_206 = arith.addf %get3A_1, %get3A_205 : vector<1024x64xf32>
    %add3A_207 = vector.broadcast %get3A_4 : vector<1x64xf32> to vector<1024x64xf32>
    %add3A_208 = arith.addf %add3A_206, %add3A_207 : vector<1024x64xf32>
    %max3A_209 = arith.constant 0.000000e+00 : f32
    %max3A_210 = vector.broadcast %max3A_209 : f32 to vector<1024x64xf32>
    %max3A_211 = arith.maximumf %add3A_208, %max3A_210 : vector<1024x64xf32>
    %convert_element_type3A_212 = arith.truncf %max3A_211 : vector<1024x64xf32> to vector<1024x64xbf16>
    %dot_general3A_213 = arith.constant dense<0.000000e+00> : vector<1024x1xf32>
    %dot_general3A_214 = tpu.matmul %convert_element_type3A_212, %convert_element_type3A, %dot_general3A_213 {dimension_numbers = #tpu.dot_dimension_numbers<[1], [0], [0], [1], [0, 0, 1, 1], [], []>, transpose_lhs_hint = false} : vector<1024x64xbf16>, vector<64x1xbf16>, vector<1024x1xf32> -> vector<1024x1xf32>
    %add3A_215 = vector.broadcast %get3A_11 : f32 to vector<1024x1xf32>
    %add3A_216 = arith.addf %dot_general3A_214, %add3A_215 : vector<1024x1xf32>
    %get3A_217 = arith.constant 0 : index
    %get3A_218 = arith.constant 13 : index
    %get3A_219 = arith.constant 0 : index
    %get3A_220 = vector.load %arg1[%get3A_217, %get3A_218, %get3A_219] : memref<1024x16x128xf32, #tpu.memory_space<vmem>>, vector<1024x1x64xf32>
    %get3A_221 = vector.shape_cast %get3A_220 : vector<1024x1x64xf32> to vector<1024x64xf32>
    %add3A_222 = arith.addf %get3A_1, %get3A_221 : vector<1024x64xf32>
    %add3A_223 = vector.broadcast %get3A_4 : vector<1x64xf32> to vector<1024x64xf32>
    %add3A_224 = arith.addf %add3A_222, %add3A_223 : vector<1024x64xf32>
    %max3A_225 = arith.constant 0.000000e+00 : f32
    %max3A_226 = vector.broadcast %max3A_225 : f32 to vector<1024x64xf32>
    %max3A_227 = arith.maximumf %add3A_224, %max3A_226 : vector<1024x64xf32>
    %convert_element_type3A_228 = arith.truncf %max3A_227 : vector<1024x64xf32> to vector<1024x64xbf16>
    %dot_general3A_229 = arith.constant dense<0.000000e+00> : vector<1024x1xf32>
    %dot_general3A_230 = tpu.matmul %convert_element_type3A_228, %convert_element_type3A, %dot_general3A_229 {dimension_numbers = #tpu.dot_dimension_numbers<[1], [0], [0], [1], [0, 0, 1, 1], [], []>, transpose_lhs_hint = false} : vector<1024x64xbf16>, vector<64x1xbf16>, vector<1024x1xf32> -> vector<1024x1xf32>
    %add3A_231 = vector.broadcast %get3A_11 : f32 to vector<1024x1xf32>
    %add3A_232 = arith.addf %dot_general3A_230, %add3A_231 : vector<1024x1xf32>
    %get3A_233 = arith.constant 0 : index
    %get3A_234 = arith.constant 14 : index
    %get3A_235 = arith.constant 0 : index
    %get3A_236 = vector.load %arg1[%get3A_233, %get3A_234, %get3A_235] : memref<1024x16x128xf32, #tpu.memory_space<vmem>>, vector<1024x1x64xf32>
    %get3A_237 = vector.shape_cast %get3A_236 : vector<1024x1x64xf32> to vector<1024x64xf32>
    %add3A_238 = arith.addf %get3A_1, %get3A_237 : vector<1024x64xf32>
    %add3A_239 = vector.broadcast %get3A_4 : vector<1x64xf32> to vector<1024x64xf32>
    %add3A_240 = arith.addf %add3A_238, %add3A_239 : vector<1024x64xf32>
    %max3A_241 = arith.constant 0.000000e+00 : f32
    %max3A_242 = vector.broadcast %max3A_241 : f32 to vector<1024x64xf32>
    %max3A_243 = arith.maximumf %add3A_240, %max3A_242 : vector<1024x64xf32>
    %convert_element_type3A_244 = arith.truncf %max3A_243 : vector<1024x64xf32> to vector<1024x64xbf16>
    %dot_general3A_245 = arith.constant dense<0.000000e+00> : vector<1024x1xf32>
    %dot_general3A_246 = tpu.matmul %convert_element_type3A_244, %convert_element_type3A, %dot_general3A_245 {dimension_numbers = #tpu.dot_dimension_numbers<[1], [0], [0], [1], [0, 0, 1, 1], [], []>, transpose_lhs_hint = false} : vector<1024x64xbf16>, vector<64x1xbf16>, vector<1024x1xf32> -> vector<1024x1xf32>
    %add3A_247 = vector.broadcast %get3A_11 : f32 to vector<1024x1xf32>
    %add3A_248 = arith.addf %dot_general3A_246, %add3A_247 : vector<1024x1xf32>
    %get3A_249 = arith.constant 0 : index
    %get3A_250 = arith.constant 15 : index
    %get3A_251 = arith.constant 0 : index
    %get3A_252 = vector.load %arg1[%get3A_249, %get3A_250, %get3A_251] : memref<1024x16x128xf32, #tpu.memory_space<vmem>>, vector<1024x1x64xf32>
    %get3A_253 = vector.shape_cast %get3A_252 : vector<1024x1x64xf32> to vector<1024x64xf32>
    %add3A_254 = arith.addf %get3A_1, %get3A_253 : vector<1024x64xf32>
    %add3A_255 = vector.broadcast %get3A_4 : vector<1x64xf32> to vector<1024x64xf32>
    %add3A_256 = arith.addf %add3A_254, %add3A_255 : vector<1024x64xf32>
    %max3A_257 = arith.constant 0.000000e+00 : f32
    %max3A_258 = vector.broadcast %max3A_257 : f32 to vector<1024x64xf32>
    %max3A_259 = arith.maximumf %add3A_256, %max3A_258 : vector<1024x64xf32>
    %convert_element_type3A_260 = arith.truncf %max3A_259 : vector<1024x64xf32> to vector<1024x64xbf16>
    %dot_general3A_261 = arith.constant dense<0.000000e+00> : vector<1024x1xf32>
    %dot_general3A_262 = tpu.matmul %convert_element_type3A_260, %convert_element_type3A, %dot_general3A_261 {dimension_numbers = #tpu.dot_dimension_numbers<[1], [0], [0], [1], [0, 0, 1, 1], [], []>, transpose_lhs_hint = false} : vector<1024x64xbf16>, vector<64x1xbf16>, vector<1024x1xf32> -> vector<1024x1xf32>
    %add3A_263 = vector.broadcast %get3A_11 : f32 to vector<1024x1xf32>
    %add3A_264 = arith.addf %dot_general3A_262, %add3A_263 : vector<1024x1xf32>
    %concatenate3A = tpu.concatenate %add3A_24, %add3A_40, %add3A_56, %add3A_72, %add3A_88, %add3A_104, %add3A_120, %add3A_136, %add3A_152, %add3A_168, %add3A_184, %add3A_200, %add3A_216, %add3A_232, %add3A_248, %add3A_264 in 1 : vector<1024x1xf32>, vector<1024x1xf32>, vector<1024x1xf32>, vector<1024x1xf32>, vector<1024x1xf32>, vector<1024x1xf32>, vector<1024x1xf32>, vector<1024x1xf32>, vector<1024x1xf32>, vector<1024x1xf32>, vector<1024x1xf32>, vector<1024x1xf32>, vector<1024x1xf32>, vector<1024x1xf32>, vector<1024x1xf32>, vector<1024x1xf32> -> vector<1024x16xf32>
    %reduce_max3A = arith.constant dense<0xFF800000> : vector<1024xf32>
    %reduce_max3A_265 = vector.multi_reduction <maximumf>, %concatenate3A, %reduce_max3A [1] : vector<1024x16xf32> to vector<1024xf32>
    %broadcast_in_dim3A = vector.shape_cast %reduce_max3A_265 : vector<1024xf32> to vector<1024x1xf32>
    %is_finite3A = tpu.weird %broadcast_in_dim3A : vector<1024x1xf32> -> vector<1024x1xi1>
    %is_finite3A_266 = arith.constant dense<true> : vector<1024x1xi1>
    %is_finite3A_267 = arith.xori %is_finite3A, %is_finite3A_266 : vector<1024x1xi1>
    %jit3A = arith.constant 0.000000e+00 : f32
    %broadcast_in_dim3A_268 = vector.broadcast %jit3A : f32 to vector<1024x1xf32>
    %select_n3A = arith.select %is_finite3A_267, %broadcast_in_dim3A, %broadcast_in_dim3A_268 : vector<1024x1xi1>, vector<1024x1xf32>
    %sub3A = vector.broadcast %select_n3A : vector<1024x1xf32> to vector<1024x16xf32>
    %sub3A_269 = arith.subf %concatenate3A, %sub3A : vector<1024x16xf32>
    %exp3A = math.exp %sub3A_269 : vector<1024x16xf32>
    %reduce_sum3A = arith.constant dense<0.000000e+00> : vector<1024xf32>
    %reduce_sum3A_270 = vector.multi_reduction <add>, %exp3A, %reduce_sum3A [1] : vector<1024x16xf32> to vector<1024xf32>
    %broadcast_in_dim3A_271 = vector.shape_cast %reduce_sum3A_270 : vector<1024xf32> to vector<1024x1xf32>
    %log3A = math.log %broadcast_in_dim3A_271 : vector<1024x1xf32>
    %add3A_272 = arith.addf %log3A, %select_n3A : vector<1024x1xf32>
    %sub3A_273 = vector.broadcast %add3A_272 : vector<1024x1xf32> to vector<1024x16xf32>
    %sub3A_274 = arith.subf %concatenate3A, %sub3A_273 : vector<1024x16xf32>
    %exp3A_275 = math.exp %sub3A_274 : vector<1024x16xf32>
    %get3A_276 = arith.constant 0 : index
    %get3A_277 = arith.constant 0 : index
    %get3A_278 = vector.load %arg4[%get3A_276, %get3A_277] : memref<1024x16xf32, #tpu.memory_space<vmem>>, vector<1024x16xf32>
    %add3A_279 = arith.addf %exp3A_275, %get3A_278 : vector<1024x16xf32>
    %reduce_max3A_280 = arith.constant dense<0xFF800000> : vector<1024xf32>
    %reduce_max3A_281 = vector.multi_reduction <maximumf>, %add3A_279, %reduce_max3A_280 [1] : vector<1024x16xf32> to vector<1024xf32>
    %broadcast_in_dim3A_282 = vector.shape_cast %reduce_max3A_281 : vector<1024xf32> to vector<1024x1xf32>
    %iota3A = tpu.iota {dimensions = array<i32: 1>} : vector<1024x16xi32>
    %ge3A = vector.broadcast %broadcast_in_dim3A_282 : vector<1024x1xf32> to vector<1024x16xf32>
    %ge3A_283 = arith.cmpf oge, %add3A_279, %ge3A : vector<1024x16xf32>
    %jit3A_284 = arith.constant 16 : i32
    %broadcast_in_dim3A_285 = vector.broadcast %jit3A_284 : i32 to vector<1024x16xi32>
    %select_n3A_286 = arith.select %ge3A_283, %iota3A, %broadcast_in_dim3A_285 : vector<1024x16xi1>, vector<1024x16xi32>
    %reduce_min3A = arith.constant dense<2147483647> : vector<1024xi32>
    %reduce_min3A_287 = vector.multi_reduction <minsi>, %select_n3A_286, %reduce_min3A [1] : vector<1024x16xi32> to vector<1024xi32>
    %broadcast_in_dim3A_288 = vector.shape_cast %reduce_min3A_287 : vector<1024xi32> to vector<1024x1xi32>
    %eq3A = vector.broadcast %broadcast_in_dim3A_288 : vector<1024x1xi32> to vector<1024x16xi32>
    %eq3A_289 = arith.cmpi eq, %iota3A, %eq3A : vector<1024x16xi32>
    %get3A_290 = arith.constant 0 : index
    %get3A_291 = arith.constant 0 : index
    %get3A_292 = vector.load %arg3[%get3A_290, %get3A_291] : memref<1024x128xi32, #tpu.memory_space<vmem>>, vector<1024x128xi32>
    %slice3A = vector.extract_strided_slice %get3A_292 {offsets = [0, 0], sizes = [1024, 16], strides = [1, 1]} : vector<1024x128xi32> to vector<1024x16xi32>
    %jit3A_293 = arith.constant 0 : i32
    %broadcast_in_dim3A_294 = vector.broadcast %jit3A_293 : i32 to vector<1024x16xi32>
    %select_n3A_295 = arith.select %eq3A_289, %slice3A, %broadcast_in_dim3A_294 : vector<1024x16xi1>, vector<1024x16xi32>
    %reduce_sum3A_296 = arith.constant dense<0> : vector<1024xi32>
    %reduce_sum3A_297 = vector.multi_reduction <add>, %select_n3A_295, %reduce_sum3A_296 [1] : vector<1024x16xi32> to vector<1024xi32>
    %broadcast_in_dim3A_298 = vector.shape_cast %reduce_sum3A_297 : vector<1024xi32> to vector<1024x1xi32>
    %broadcast_in_dim3A_299 = vector.shape_cast %broadcast_in_dim3A_298 : vector<1024x1xi32> to vector<1024x1xi32>
    %broadcast_in_dim3A_300 = vector.broadcast %broadcast_in_dim3A_299 : vector<1024x1xi32> to vector<1024x8xi32>
    %swap3A = arith.constant 0 : index
    %swap3A_301 = arith.constant 0 : index
    %swap3A_302 = vector.load %arg8[%swap3A, %swap3A_301] : memref<1024x8xi32, #tpu.memory_space<vmem>>, vector<1024x8xi32>
    tpu.vector_store %arg8[%swap3A, %swap3A_301], %broadcast_in_dim3A_300 {strides = array<i32>} : memref<1024x8xi32, #tpu.memory_space<vmem>>, vector<1024x8xi32>,
    %broadcast_in_dim3A_303 = arith.constant 0.000000e+00 : f32
    %broadcast_in_dim3A_304 = vector.broadcast %broadcast_in_dim3A_303 : f32 to vector<1024x64xf32>
    %eq3A_305 = arith.constant 0 : i32
    %eq3A_306 = vector.broadcast %eq3A_305 : i32 to vector<1024x1xi32>
    %eq3A_307 = arith.cmpi eq, %broadcast_in_dim3A_288, %eq3A_306 : vector<1024x1xi32>
    %get3A_308 = arith.constant 0 : index
    %get3A_309 = arith.constant 0 : index
    %get3A_310 = arith.constant 0 : index
    %get3A_311 = vector.load %arg1[%get3A_308, %get3A_309, %get3A_310] : memref<1024x16x128xf32, #tpu.memory_space<vmem>>, vector<1024x1x64xf32>
    %get3A_312 = vector.shape_cast %get3A_311 : vector<1024x1x64xf32> to vector<1024x64xf32>
    %jit3A_313 = arith.constant 0.000000e+00 : f32
    %broadcast_in_dim3A_314 = vector.shape_cast %eq3A_307 : vector<1024x1xi1> to vector<1024x1xi1>
    %broadcast_in_dim3A_315 = vector.broadcast %broadcast_in_dim3A_314 : vector<1024x1xi1> to vector<1024x64xi1>
    %broadcast_in_dim3A_316 = vector.broadcast %jit3A_313 : f32 to vector<1024x64xf32>
    %select_n3A_317 = arith.select %broadcast_in_dim3A_315, %get3A_312, %broadcast_in_dim3A_316 : vector<1024x64xi1>, vector<1024x64xf32>
    %add3A_318 = arith.addf %broadcast_in_dim3A_304, %select_n3A_317 : vector<1024x64xf32>
    %eq3A_319 = arith.constant 1 : i32
    %eq3A_320 = vector.broadcast %eq3A_319 : i32 to vector<1024x1xi32>
    %eq3A_321 = arith.cmpi eq, %broadcast_in_dim3A_288, %eq3A_320 : vector<1024x1xi32>
    %get3A_322 = arith.constant 0 : index
    %get3A_323 = arith.constant 1 : index
    %get3A_324 = arith.constant 0 : index
    %get3A_325 = vector.load %arg1[%get3A_322, %get3A_323, %get3A_324] : memref<1024x16x128xf32, #tpu.memory_space<vmem>>, vector<1024x1x64xf32>
    %get3A_326 = vector.shape_cast %get3A_325 : vector<1024x1x64xf32> to vector<1024x64xf32>
    %jit3A_327 = arith.constant 0.000000e+00 : f32
    %broadcast_in_dim3A_328 = vector.shape_cast %eq3A_321 : vector<1024x1xi1> to vector<1024x1xi1>
    %broadcast_in_dim3A_329 = vector.broadcast %broadcast_in_dim3A_328 : vector<1024x1xi1> to vector<1024x64xi1>
    %broadcast_in_dim3A_330 = vector.broadcast %jit3A_327 : f32 to vector<1024x64xf32>
    %select_n3A_331 = arith.select %broadcast_in_dim3A_329, %get3A_326, %broadcast_in_dim3A_330 : vector<1024x64xi1>, vector<1024x64xf32>
    %add3A_332 = arith.addf %add3A_318, %select_n3A_331 : vector<1024x64xf32>
    %eq3A_333 = arith.constant 2 : i32
    %eq3A_334 = vector.broadcast %eq3A_333 : i32 to vector<1024x1xi32>
    %eq3A_335 = arith.cmpi eq, %broadcast_in_dim3A_288, %eq3A_334 : vector<1024x1xi32>
    %get3A_336 = arith.constant 0 : index
    %get3A_337 = arith.constant 2 : index
    %get3A_338 = arith.constant 0 : index
    %get3A_339 = vector.load %arg1[%get3A_336, %get3A_337, %get3A_338] : memref<1024x16x128xf32, #tpu.memory_space<vmem>>, vector<1024x1x64xf32>
    %get3A_340 = vector.shape_cast %get3A_339 : vector<1024x1x64xf32> to vector<1024x64xf32>
    %jit3A_341 = arith.constant 0.000000e+00 : f32
    %broadcast_in_dim3A_342 = vector.shape_cast %eq3A_335 : vector<1024x1xi1> to vector<1024x1xi1>
    %broadcast_in_dim3A_343 = vector.broadcast %broadcast_in_dim3A_342 : vector<1024x1xi1> to vector<1024x64xi1>
    %broadcast_in_dim3A_344 = vector.broadcast %jit3A_341 : f32 to vector<1024x64xf32>
    %select_n3A_345 = arith.select %broadcast_in_dim3A_343, %get3A_340, %broadcast_in_dim3A_344 : vector<1024x64xi1>, vector<1024x64xf32>
    %add3A_346 = arith.addf %add3A_332, %select_n3A_345 : vector<1024x64xf32>
    %eq3A_347 = arith.constant 3 : i32
    %eq3A_348 = vector.broadcast %eq3A_347 : i32 to vector<1024x1xi32>
    %eq3A_349 = arith.cmpi eq, %broadcast_in_dim3A_288, %eq3A_348 : vector<1024x1xi32>
    %get3A_350 = arith.constant 0 : index
    %get3A_351 = arith.constant 3 : index
    %get3A_352 = arith.constant 0 : index
    %get3A_353 = vector.load %arg1[%get3A_350, %get3A_351, %get3A_352] : memref<1024x16x128xf32, #tpu.memory_space<vmem>>, vector<1024x1x64xf32>
    %get3A_354 = vector.shape_cast %get3A_353 : vector<1024x1x64xf32> to vector<1024x64xf32>
    %jit3A_355 = arith.constant 0.000000e+00 : f32
    %broadcast_in_dim3A_356 = vector.shape_cast %eq3A_349 : vector<1024x1xi1> to vector<1024x1xi1>
    %broadcast_in_dim3A_357 = vector.broadcast %broadcast_in_dim3A_356 : vector<1024x1xi1> to vector<1024x64xi1>
    %broadcast_in_dim3A_358 = vector.broadcast %jit3A_355 : f32 to vector<1024x64xf32>
    %select_n3A_359 = arith.select %broadcast_in_dim3A_357, %get3A_354, %broadcast_in_dim3A_358 : vector<1024x64xi1>, vector<1024x64xf32>
    %add3A_360 = arith.addf %add3A_346, %select_n3A_359 : vector<1024x64xf32>
    %eq3A_361 = arith.constant 4 : i32
    %eq3A_362 = vector.broadcast %eq3A_361 : i32 to vector<1024x1xi32>
    %eq3A_363 = arith.cmpi eq, %broadcast_in_dim3A_288, %eq3A_362 : vector<1024x1xi32>
    %get3A_364 = arith.constant 0 : index
    %get3A_365 = arith.constant 4 : index
    %get3A_366 = arith.constant 0 : index
    %get3A_367 = vector.load %arg1[%get3A_364, %get3A_365, %get3A_366] : memref<1024x16x128xf32, #tpu.memory_space<vmem>>, vector<1024x1x64xf32>
    %get3A_368 = vector.shape_cast %get3A_367 : vector<1024x1x64xf32> to vector<1024x64xf32>
    %jit3A_369 = arith.constant 0.000000e+00 : f32
    %broadcast_in_dim3A_370 = vector.shape_cast %eq3A_363 : vector<1024x1xi1> to vector<1024x1xi1>
    %broadcast_in_dim3A_371 = vector.broadcast %broadcast_in_dim3A_370 : vector<1024x1xi1> to vector<1024x64xi1>
    %broadcast_in_dim3A_372 = vector.broadcast %jit3A_369 : f32 to vector<1024x64xf32>
    %select_n3A_373 = arith.select %broadcast_in_dim3A_371, %get3A_368, %broadcast_in_dim3A_372 : vector<1024x64xi1>, vector<1024x64xf32>
    %add3A_374 = arith.addf %add3A_360, %select_n3A_373 : vector<1024x64xf32>
    %eq3A_375 = arith.constant 5 : i32
    %eq3A_376 = vector.broadcast %eq3A_375 : i32 to vector<1024x1xi32>
    %eq3A_377 = arith.cmpi eq, %broadcast_in_dim3A_288, %eq3A_376 : vector<1024x1xi32>
    %get3A_378 = arith.constant 0 : index
    %get3A_379 = arith.constant 5 : index
    %get3A_380 = arith.constant 0 : index
    %get3A_381 = vector.load %arg1[%get3A_378, %get3A_379, %get3A_380] : memref<1024x16x128xf32, #tpu.memory_space<vmem>>, vector<1024x1x64xf32>
    %get3A_382 = vector.shape_cast %get3A_381 : vector<1024x1x64xf32> to vector<1024x64xf32>
    %jit3A_383 = arith.constant 0.000000e+00 : f32
    %broadcast_in_dim3A_384 = vector.shape_cast %eq3A_377 : vector<1024x1xi1> to vector<1024x1xi1>
    %broadcast_in_dim3A_385 = vector.broadcast %broadcast_in_dim3A_384 : vector<1024x1xi1> to vector<1024x64xi1>
    %broadcast_in_dim3A_386 = vector.broadcast %jit3A_383 : f32 to vector<1024x64xf32>
    %select_n3A_387 = arith.select %broadcast_in_dim3A_385, %get3A_382, %broadcast_in_dim3A_386 : vector<1024x64xi1>, vector<1024x64xf32>
    %add3A_388 = arith.addf %add3A_374, %select_n3A_387 : vector<1024x64xf32>
    %eq3A_389 = arith.constant 6 : i32
    %eq3A_390 = vector.broadcast %eq3A_389 : i32 to vector<1024x1xi32>
    %eq3A_391 = arith.cmpi eq, %broadcast_in_dim3A_288, %eq3A_390 : vector<1024x1xi32>
    %get3A_392 = arith.constant 0 : index
    %get3A_393 = arith.constant 6 : index
    %get3A_394 = arith.constant 0 : index
    %get3A_395 = vector.load %arg1[%get3A_392, %get3A_393, %get3A_394] : memref<1024x16x128xf32, #tpu.memory_space<vmem>>, vector<1024x1x64xf32>
    %get3A_396 = vector.shape_cast %get3A_395 : vector<1024x1x64xf32> to vector<1024x64xf32>
    %jit3A_397 = arith.constant 0.000000e+00 : f32
    %broadcast_in_dim3A_398 = vector.shape_cast %eq3A_391 : vector<1024x1xi1> to vector<1024x1xi1>
    %broadcast_in_dim3A_399 = vector.broadcast %broadcast_in_dim3A_398 : vector<1024x1xi1> to vector<1024x64xi1>
    %broadcast_in_dim3A_400 = vector.broadcast %jit3A_397 : f32 to vector<1024x64xf32>
    %select_n3A_401 = arith.select %broadcast_in_dim3A_399, %get3A_396, %broadcast_in_dim3A_400 : vector<1024x64xi1>, vector<1024x64xf32>
    %add3A_402 = arith.addf %add3A_388, %select_n3A_401 : vector<1024x64xf32>
    %eq3A_403 = arith.constant 7 : i32
    %eq3A_404 = vector.broadcast %eq3A_403 : i32 to vector<1024x1xi32>
    %eq3A_405 = arith.cmpi eq, %broadcast_in_dim3A_288, %eq3A_404 : vector<1024x1xi32>
    %get3A_406 = arith.constant 0 : index
    %get3A_407 = arith.constant 7 : index
    %get3A_408 = arith.constant 0 : index
    %get3A_409 = vector.load %arg1[%get3A_406, %get3A_407, %get3A_408] : memref<1024x16x128xf32, #tpu.memory_space<vmem>>, vector<1024x1x64xf32>
    %get3A_410 = vector.shape_cast %get3A_409 : vector<1024x1x64xf32> to vector<1024x64xf32>
    %jit3A_411 = arith.constant 0.000000e+00 : f32
    %broadcast_in_dim3A_412 = vector.shape_cast %eq3A_405 : vector<1024x1xi1> to vector<1024x1xi1>
    %broadcast_in_dim3A_413 = vector.broadcast %broadcast_in_dim3A_412 : vector<1024x1xi1> to vector<1024x64xi1>
    %broadcast_in_dim3A_414 = vector.broadcast %jit3A_411 : f32 to vector<1024x64xf32>
    %select_n3A_415 = arith.select %broadcast_in_dim3A_413, %get3A_410, %broadcast_in_dim3A_414 : vector<1024x64xi1>, vector<1024x64xf32>
    %add3A_416 = arith.addf %add3A_402, %select_n3A_415 : vector<1024x64xf32>
    %eq3A_417 = arith.constant 8 : i32
    %eq3A_418 = vector.broadcast %eq3A_417 : i32 to vector<1024x1xi32>
    %eq3A_419 = arith.cmpi eq, %broadcast_in_dim3A_288, %eq3A_418 : vector<1024x1xi32>
    %get3A_420 = arith.constant 0 : index
    %get3A_421 = arith.constant 8 : index
    %get3A_422 = arith.constant 0 : index
    %get3A_423 = vector.load %arg1[%get3A_420, %get3A_421, %get3A_422] : memref<1024x16x128xf32, #tpu.memory_space<vmem>>, vector<1024x1x64xf32>
    %get3A_424 = vector.shape_cast %get3A_423 : vector<1024x1x64xf32> to vector<1024x64xf32>
    %jit3A_425 = arith.constant 0.000000e+00 : f32
    %broadcast_in_dim3A_426 = vector.shape_cast %eq3A_419 : vector<1024x1xi1> to vector<1024x1xi1>
    %broadcast_in_dim3A_427 = vector.broadcast %broadcast_in_dim3A_426 : vector<1024x1xi1> to vector<1024x64xi1>
    %broadcast_in_dim3A_428 = vector.broadcast %jit3A_425 : f32 to vector<1024x64xf32>
    %select_n3A_429 = arith.select %broadcast_in_dim3A_427, %get3A_424, %broadcast_in_dim3A_428 : vector<1024x64xi1>, vector<1024x64xf32>
    %add3A_430 = arith.addf %add3A_416, %select_n3A_429 : vector<1024x64xf32>
    %eq3A_431 = arith.constant 9 : i32
    %eq3A_432 = vector.broadcast %eq3A_431 : i32 to vector<1024x1xi32>
    %eq3A_433 = arith.cmpi eq, %broadcast_in_dim3A_288, %eq3A_432 : vector<1024x1xi32>
    %get3A_434 = arith.constant 0 : index
    %get3A_435 = arith.constant 9 : index
    %get3A_436 = arith.constant 0 : index
    %get3A_437 = vector.load %arg1[%get3A_434, %get3A_435, %get3A_436] : memref<1024x16x128xf32, #tpu.memory_space<vmem>>, vector<1024x1x64xf32>
    %get3A_438 = vector.shape_cast %get3A_437 : vector<1024x1x64xf32> to vector<1024x64xf32>
    %jit3A_439 = arith.constant 0.000000e+00 : f32
    %broadcast_in_dim3A_440 = vector.shape_cast %eq3A_433 : vector<1024x1xi1> to vector<1024x1xi1>
    %broadcast_in_dim3A_441 = vector.broadcast %broadcast_in_dim3A_440 : vector<1024x1xi1> to vector<1024x64xi1>
    %broadcast_in_dim3A_442 = vector.broadcast %jit3A_439 : f32 to vector<1024x64xf32>
    %select_n3A_443 = arith.select %broadcast_in_dim3A_441, %get3A_438, %broadcast_in_dim3A_442 : vector<1024x64xi1>, vector<1024x64xf32>
    %add3A_444 = arith.addf %add3A_430, %select_n3A_443 : vector<1024x64xf32>
    %eq3A_445 = arith.constant 10 : i32
    %eq3A_446 = vector.broadcast %eq3A_445 : i32 to vector<1024x1xi32>
    %eq3A_447 = arith.cmpi eq, %broadcast_in_dim3A_288, %eq3A_446 : vector<1024x1xi32>
    %get3A_448 = arith.constant 0 : index
    %get3A_449 = arith.constant 10 : index
    %get3A_450 = arith.constant 0 : index
    %get3A_451 = vector.load %arg1[%get3A_448, %get3A_449, %get3A_450] : memref<1024x16x128xf32, #tpu.memory_space<vmem>>, vector<1024x1x64xf32>
    %get3A_452 = vector.shape_cast %get3A_451 : vector<1024x1x64xf32> to vector<1024x64xf32>
    %jit3A_453 = arith.constant 0.000000e+00 : f32
    %broadcast_in_dim3A_454 = vector.shape_cast %eq3A_447 : vector<1024x1xi1> to vector<1024x1xi1>
    %broadcast_in_dim3A_455 = vector.broadcast %broadcast_in_dim3A_454 : vector<1024x1xi1> to vector<1024x64xi1>
    %broadcast_in_dim3A_456 = vector.broadcast %jit3A_453 : f32 to vector<1024x64xf32>
    %select_n3A_457 = arith.select %broadcast_in_dim3A_455, %get3A_452, %broadcast_in_dim3A_456 : vector<1024x64xi1>, vector<1024x64xf32>
    %add3A_458 = arith.addf %add3A_444, %select_n3A_457 : vector<1024x64xf32>
    %eq3A_459 = arith.constant 11 : i32
    %eq3A_460 = vector.broadcast %eq3A_459 : i32 to vector<1024x1xi32>
    %eq3A_461 = arith.cmpi eq, %broadcast_in_dim3A_288, %eq3A_460 : vector<1024x1xi32>
    %get3A_462 = arith.constant 0 : index
    %get3A_463 = arith.constant 11 : index
    %get3A_464 = arith.constant 0 : index
    %get3A_465 = vector.load %arg1[%get3A_462, %get3A_463, %get3A_464] : memref<1024x16x128xf32, #tpu.memory_space<vmem>>, vector<1024x1x64xf32>
    %get3A_466 = vector.shape_cast %get3A_465 : vector<1024x1x64xf32> to vector<1024x64xf32>
    %jit3A_467 = arith.constant 0.000000e+00 : f32
    %broadcast_in_dim3A_468 = vector.shape_cast %eq3A_461 : vector<1024x1xi1> to vector<1024x1xi1>
    %broadcast_in_dim3A_469 = vector.broadcast %broadcast_in_dim3A_468 : vector<1024x1xi1> to vector<1024x64xi1>
    %broadcast_in_dim3A_470 = vector.broadcast %jit3A_467 : f32 to vector<1024x64xf32>
    %select_n3A_471 = arith.select %broadcast_in_dim3A_469, %get3A_466, %broadcast_in_dim3A_470 : vector<1024x64xi1>, vector<1024x64xf32>
    %add3A_472 = arith.addf %add3A_458, %select_n3A_471 : vector<1024x64xf32>
    %eq3A_473 = arith.constant 12 : i32
    %eq3A_474 = vector.broadcast %eq3A_473 : i32 to vector<1024x1xi32>
    %eq3A_475 = arith.cmpi eq, %broadcast_in_dim3A_288, %eq3A_474 : vector<1024x1xi32>
    %get3A_476 = arith.constant 0 : index
    %get3A_477 = arith.constant 12 : index
    %get3A_478 = arith.constant 0 : index
    %get3A_479 = vector.load %arg1[%get3A_476, %get3A_477, %get3A_478] : memref<1024x16x128xf32, #tpu.memory_space<vmem>>, vector<1024x1x64xf32>
    %get3A_480 = vector.shape_cast %get3A_479 : vector<1024x1x64xf32> to vector<1024x64xf32>
    %jit3A_481 = arith.constant 0.000000e+00 : f32
    %broadcast_in_dim3A_482 = vector.shape_cast %eq3A_475 : vector<1024x1xi1> to vector<1024x1xi1>
    %broadcast_in_dim3A_483 = vector.broadcast %broadcast_in_dim3A_482 : vector<1024x1xi1> to vector<1024x64xi1>
    %broadcast_in_dim3A_484 = vector.broadcast %jit3A_481 : f32 to vector<1024x64xf32>
    %select_n3A_485 = arith.select %broadcast_in_dim3A_483, %get3A_480, %broadcast_in_dim3A_484 : vector<1024x64xi1>, vector<1024x64xf32>
    %add3A_486 = arith.addf %add3A_472, %select_n3A_485 : vector<1024x64xf32>
    %eq3A_487 = arith.constant 13 : i32
    %eq3A_488 = vector.broadcast %eq3A_487 : i32 to vector<1024x1xi32>
    %eq3A_489 = arith.cmpi eq, %broadcast_in_dim3A_288, %eq3A_488 : vector<1024x1xi32>
    %get3A_490 = arith.constant 0 : index
    %get3A_491 = arith.constant 13 : index
    %get3A_492 = arith.constant 0 : index
    %get3A_493 = vector.load %arg1[%get3A_490, %get3A_491, %get3A_492] : memref<1024x16x128xf32, #tpu.memory_space<vmem>>, vector<1024x1x64xf32>
    %get3A_494 = vector.shape_cast %get3A_493 : vector<1024x1x64xf32> to vector<1024x64xf32>
    %jit3A_495 = arith.constant 0.000000e+00 : f32
    %broadcast_in_dim3A_496 = vector.shape_cast %eq3A_489 : vector<1024x1xi1> to vector<1024x1xi1>
    %broadcast_in_dim3A_497 = vector.broadcast %broadcast_in_dim3A_496 : vector<1024x1xi1> to vector<1024x64xi1>
    %broadcast_in_dim3A_498 = vector.broadcast %jit3A_495 : f32 to vector<1024x64xf32>
    %select_n3A_499 = arith.select %broadcast_in_dim3A_497, %get3A_494, %broadcast_in_dim3A_498 : vector<1024x64xi1>, vector<1024x64xf32>
    %add3A_500 = arith.addf %add3A_486, %select_n3A_499 : vector<1024x64xf32>
    %eq3A_501 = arith.constant 14 : i32
    %eq3A_502 = vector.broadcast %eq3A_501 : i32 to vector<1024x1xi32>
    %eq3A_503 = arith.cmpi eq, %broadcast_in_dim3A_288, %eq3A_502 : vector<1024x1xi32>
    %get3A_504 = arith.constant 0 : index
    %get3A_505 = arith.constant 14 : index
    %get3A_506 = arith.constant 0 : index
    %get3A_507 = vector.load %arg1[%get3A_504, %get3A_505, %get3A_506] : memref<1024x16x128xf32, #tpu.memory_space<vmem>>, vector<1024x1x64xf32>
    %get3A_508 = vector.shape_cast %get3A_507 : vector<1024x1x64xf32> to vector<1024x64xf32>
    %jit3A_509 = arith.constant 0.000000e+00 : f32
    %broadcast_in_dim3A_510 = vector.shape_cast %eq3A_503 : vector<1024x1xi1> to vector<1024x1xi1>
    %broadcast_in_dim3A_511 = vector.broadcast %broadcast_in_dim3A_510 : vector<1024x1xi1> to vector<1024x64xi1>
    %broadcast_in_dim3A_512 = vector.broadcast %jit3A_509 : f32 to vector<1024x64xf32>
    %select_n3A_513 = arith.select %broadcast_in_dim3A_511, %get3A_508, %broadcast_in_dim3A_512 : vector<1024x64xi1>, vector<1024x64xf32>
    %add3A_514 = arith.addf %add3A_500, %select_n3A_513 : vector<1024x64xf32>
    %eq3A_515 = arith.constant 15 : i32
    %eq3A_516 = vector.broadcast %eq3A_515 : i32 to vector<1024x1xi32>
    %eq3A_517 = arith.cmpi eq, %broadcast_in_dim3A_288, %eq3A_516 : vector<1024x1xi32>
    %get3A_518 = arith.constant 0 : index
    %get3A_519 = arith.constant 15 : index
    %get3A_520 = arith.constant 0 : index
    %get3A_521 = vector.load %arg1[%get3A_518, %get3A_519, %get3A_520] : memref<1024x16x128xf32, #tpu.memory_space<vmem>>, vector<1024x1x64xf32>
    %get3A_522 = vector.shape_cast %get3A_521 : vector<1024x1x64xf32> to vector<1024x64xf32>
    %jit3A_523 = arith.constant 0.000000e+00 : f32
    %broadcast_in_dim3A_524 = vector.shape_cast %eq3A_517 : vector<1024x1xi1> to vector<1024x1xi1>
    %broadcast_in_dim3A_525 = vector.broadcast %broadcast_in_dim3A_524 : vector<1024x1xi1> to vector<1024x64xi1>
    %broadcast_in_dim3A_526 = vector.broadcast %jit3A_523 : f32 to vector<1024x64xf32>
    %select_n3A_527 = arith.select %broadcast_in_dim3A_525, %get3A_522, %broadcast_in_dim3A_526 : vector<1024x64xi1>, vector<1024x64xf32>
    %add3A_528 = arith.addf %add3A_514, %select_n3A_527 : vector<1024x64xf32>
    %add3A_529 = arith.addf %get3A_1, %add3A_528 : vector<1024x64xf32>
    %swap3A_530 = arith.constant 0 : index
    %swap3A_531 = arith.constant 0 : index
    %swap3A_532 = vector.load %arg9[%swap3A_530, %swap3A_531] : memref<1024x64xf32, #tpu.memory_space<vmem>>, vector<1024x64xf32>
    tpu.vector_store %arg9[%swap3A_530, %swap3A_531], %add3A_529 {strides = array<i32>} : memref<1024x64xf32, #tpu.memory_space<vmem>>, vector<1024x64xf32>,
    return
  }
  func.func @transform_0(%arg0: i32) -> (i32, i32, i32) {
    %c0_i32 = arith.constant 0 : i32
    %c0_i32_0 = arith.constant 0 : i32
    %c0_i32_1 = arith.constant 0 : i32
    return %arg0, %c0_i32, %c0_i32_0 : i32, i32, i32
  }
  func.func @transform_1(%arg0: i32) -> (i32, i32) {
    %c0_i32 = arith.constant 0 : i32
    %c0_i32_0 = arith.constant 0 : i32
    return %arg0, %c0_i32 : i32, i32
  }
  func.func @transform_2(%arg0: i32) -> (i32, i32) {
    %c0_i32 = arith.constant 0 : i32
    %c0_i32_0 = arith.constant 0 : i32
    return %arg0, %c0_i32 : i32, i32
  }
  func.func @transform_3(%arg0: i32) -> (i32, i32) {
    %c0_i32 = arith.constant 0 : i32
    %c0_i32_0 = arith.constant 0 : i32
    return %arg0, %c0_i32 : i32, i32
  }
  func.func @transform_4(%arg0: i32) -> (i32, i32) {
    %c0_i32 = arith.constant 0 : i32
    %c0_i32_0 = arith.constant 0 : i32
    %c0_i32_1 = arith.constant 0 : i32
    return %c0_i32, %c0_i32_0 : i32, i32
  }
  func.func @transform_5(%arg0: i32) -> (i32, i32) {
    %c0_i32 = arith.constant 0 : i32
    %c0_i32_0 = arith.constant 0 : i32
    %c0_i32_1 = arith.constant 0 : i32
    return %c0_i32, %c0_i32_0 : i32, i32
  }
  func.func @transform_6(%arg0: i32) -> (i32, i32) {
    %c0_i32 = arith.constant 0 : i32
    %c0_i32_0 = arith.constant 0 : i32
    %c0_i32_1 = arith.constant 0 : i32
    return %c0_i32, %c0_i32_0 : i32, i32
  }
  func.func @transform_7(%arg0: i32) -> (i32, i32) {
    %c0_i32 = arith.constant 0 : i32
    %c0_i32_0 = arith.constant 0 : i32
    return %arg0, %c0_i32 : i32, i32
  }
  func.func @transform_8(%arg0: i32) -> (i32, i32) {
    %c0_i32 = arith.constant 0 : i32
    %c0_i32_0 = arith.constant 0 : i32
    return %arg0, %c0_i32 : i32, i32
  }
}

module attributes {stable_mosaic.version = 14 : i64} {
  func.func @_gru_body(%arg0: i32, %arg1: memref<1000x128xf32, #tpu.memory_space<vmem>>, %arg2: memref<3x1000x128xf32, #tpu.memory_space<vmem>>, %arg3: memref<128x384xf32, #tpu.memory_space<vmem>>, %arg4: memref<128x384xf32, #tpu.memory_space<vmem>>, %arg5: memref<1x384xf32, #tpu.memory_space<vmem>>, %arg6: memref<1x384xf32, #tpu.memory_space<vmem>>, %arg7: memref<128x128xf32, #tpu.memory_space<vmem>>, %arg8: memref<1x128xf32, #tpu.memory_space<vmem>>, %arg9: memref<1000x128xf32, #tpu.memory_space<vmem>>) attributes {dimension_semantics = [#tpu.dimension_semantics<arbitrary>], iteration_bounds = array<i64: 10>, scalar_prefetch = 0 : i64, scratch_operands = 0 : i64, tpu.core_type = #tpu.core_type<tc>, window_params = [{transform_indices = @transform_0, window_bounds = array<i64: 1000, 128>}, {transform_indices = @transform_1, window_bounds = array<i64: 3, 1000, 128>}, {pipeline_mode = #tpu.pipeline_mode<synchronous>, transform_indices = @transform_2, window_bounds = array<i64: 128, 384>}, {pipeline_mode = #tpu.pipeline_mode<synchronous>, transform_indices = @transform_3, window_bounds = array<i64: 128, 384>}, {pipeline_mode = #tpu.pipeline_mode<synchronous>, transform_indices = @transform_4, window_bounds = array<i64: 1, 384>}, {pipeline_mode = #tpu.pipeline_mode<synchronous>, transform_indices = @transform_5, window_bounds = array<i64: 1, 384>}, {pipeline_mode = #tpu.pipeline_mode<synchronous>, transform_indices = @transform_6, window_bounds = array<i64: 128, 128>}, {pipeline_mode = #tpu.pipeline_mode<synchronous>, transform_indices = @transform_7, window_bounds = array<i64: 1, 128>}, {transform_indices = @transform_8, window_bounds = array<i64: 1000, 128>}]} {
    %get3A = arith.constant 0 : index
    %get3A_0 = arith.constant 0 : index
    %get3A_1 = vector.load %arg3[%get3A, %get3A_0] : memref<128x384xf32, #tpu.memory_space<vmem>>, vector<128x384xf32>
    %convert_element_type3A = arith.truncf %get3A_1 : vector<128x384xf32> to vector<128x384xbf16>
    %get3A_2 = arith.constant 0 : index
    %get3A_3 = arith.constant 0 : index
    %get3A_4 = vector.load %arg4[%get3A_2, %get3A_3] : memref<128x384xf32, #tpu.memory_space<vmem>>, vector<128x384xf32>
    %convert_element_type3A_5 = arith.truncf %get3A_4 : vector<128x384xf32> to vector<128x384xbf16>
    %get3A_6 = arith.constant 0 : index
    %get3A_7 = arith.constant 0 : index
    %get3A_8 = vector.load %arg5[%get3A_6, %get3A_7] : memref<1x384xf32, #tpu.memory_space<vmem>>, vector<1x384xf32>
    %get3A_9 = arith.constant 0 : index
    %get3A_10 = arith.constant 0 : index
    %get3A_11 = vector.load %arg6[%get3A_9, %get3A_10] : memref<1x384xf32, #tpu.memory_space<vmem>>, vector<1x384xf32>
    %broadcast_in_dim3A = arith.constant 0.000000e+00 : f32
    %broadcast_in_dim3A_12 = vector.broadcast %broadcast_in_dim3A : f32 to vector<1000x128xf32>
    %get3A_13 = arith.constant 0 : index
    %get3A_14 = arith.constant 0 : index
    %get3A_15 = vector.load %arg1[%get3A_13, %get3A_14] : memref<1000x128xf32, #tpu.memory_space<vmem>>, vector<1000x128xf32>
    %convert_element_type3A_16 = arith.truncf %get3A_15 : vector<1000x128xf32> to vector<1000x128xbf16>
    %dot_general3A = arith.constant dense<0.000000e+00> : vector<1000x384xf32>
    %dot_general3A_17 = tpu.matmul %convert_element_type3A_16, %convert_element_type3A, %dot_general3A {dimension_numbers = #tpu.dot_dimension_numbers<[1], [0], [0], [1], [0, 0, 1, 1], [], []>, transpose_lhs_hint = false} : vector<1000x128xbf16>, vector<128x384xbf16>, vector<1000x384xf32> -> vector<1000x384xf32>
    %add3A = vector.broadcast %get3A_8 : vector<1x384xf32> to vector<1000x384xf32>
    %add3A_18 = arith.addf %dot_general3A_17, %add3A : vector<1000x384xf32>
    %convert_element_type3A_19 = arith.truncf %broadcast_in_dim3A_12 : vector<1000x128xf32> to vector<1000x128xbf16>
    %dot_general3A_20 = arith.constant dense<0.000000e+00> : vector<1000x384xf32>
    %dot_general3A_21 = tpu.matmul %convert_element_type3A_19, %convert_element_type3A_5, %dot_general3A_20 {dimension_numbers = #tpu.dot_dimension_numbers<[1], [0], [0], [1], [0, 0, 1, 1], [], []>, transpose_lhs_hint = false} : vector<1000x128xbf16>, vector<128x384xbf16>, vector<1000x384xf32> -> vector<1000x384xf32>
    %add3A_22 = vector.broadcast %get3A_11 : vector<1x384xf32> to vector<1000x384xf32>
    %add3A_23 = arith.addf %dot_general3A_21, %add3A_22 : vector<1000x384xf32>
    %slice3A = vector.extract_strided_slice %add3A_18 {offsets = [0, 0], sizes = [1000, 128], strides = [1, 1]} : vector<1000x384xf32> to vector<1000x128xf32>
    %slice3A_24 = vector.extract_strided_slice %add3A_23 {offsets = [0, 0], sizes = [1000, 128], strides = [1, 1]} : vector<1000x384xf32> to vector<1000x128xf32>
    %add3A_25 = arith.addf %slice3A, %slice3A_24 : vector<1000x128xf32>
    %logistic3A = arith.negf %add3A_25 : vector<1000x128xf32>
    %logistic3A_26 = math.exp %logistic3A : vector<1000x128xf32>
    %logistic3A_27 = arith.constant 1.000000e+00 : f32
    %logistic3A_28 = vector.broadcast %logistic3A_27 : f32 to vector<1000x128xf32>
    %logistic3A_29 = arith.addf %logistic3A_28, %logistic3A_26 : vector<1000x128xf32>
    %logistic3A_30 = arith.divf %logistic3A_28, %logistic3A_29 : vector<1000x128xf32>
    %slice3A_31 = vector.extract_strided_slice %add3A_18 {offsets = [0, 128], sizes = [1000, 128], strides = [1, 1]} : vector<1000x384xf32> to vector<1000x128xf32>
    %slice3A_32 = vector.extract_strided_slice %add3A_23 {offsets = [0, 128], sizes = [1000, 128], strides = [1, 1]} : vector<1000x384xf32> to vector<1000x128xf32>
    %add3A_33 = arith.addf %slice3A_31, %slice3A_32 : vector<1000x128xf32>
    %logistic3A_34 = arith.negf %add3A_33 : vector<1000x128xf32>
    %logistic3A_35 = math.exp %logistic3A_34 : vector<1000x128xf32>
    %logistic3A_36 = arith.constant 1.000000e+00 : f32
    %logistic3A_37 = vector.broadcast %logistic3A_36 : f32 to vector<1000x128xf32>
    %logistic3A_38 = arith.addf %logistic3A_37, %logistic3A_35 : vector<1000x128xf32>
    %logistic3A_39 = arith.divf %logistic3A_37, %logistic3A_38 : vector<1000x128xf32>
    %slice3A_40 = vector.extract_strided_slice %add3A_18 {offsets = [0, 256], sizes = [1000, 128], strides = [1, 1]} : vector<1000x384xf32> to vector<1000x128xf32>
    %slice3A_41 = vector.extract_strided_slice %add3A_23 {offsets = [0, 256], sizes = [1000, 128], strides = [1, 1]} : vector<1000x384xf32> to vector<1000x128xf32>
    %mul3A = arith.mulf %logistic3A_30, %slice3A_41 : vector<1000x128xf32>
    %add3A_42 = arith.addf %slice3A_40, %mul3A : vector<1000x128xf32>
    %tanh3A = math.tanh %add3A_42 : vector<1000x128xf32>
    %sub3A = arith.constant 1.000000e+00 : f32
    %sub3A_43 = vector.broadcast %sub3A : f32 to vector<1000x128xf32>
    %sub3A_44 = arith.subf %sub3A_43, %logistic3A_39 : vector<1000x128xf32>
    %mul3A_45 = arith.mulf %sub3A_44, %tanh3A : vector<1000x128xf32>
    %mul3A_46 = arith.mulf %logistic3A_39, %broadcast_in_dim3A_12 : vector<1000x128xf32>
    %add3A_47 = arith.addf %mul3A_45, %mul3A_46 : vector<1000x128xf32>
    %get3A_48 = arith.constant 0 : index
    %get3A_49 = arith.constant 0 : index
    %get3A_50 = arith.constant 0 : index
    %get3A_51 = vector.load %arg2[%get3A_48, %get3A_49, %get3A_50] : memref<3x1000x128xf32, #tpu.memory_space<vmem>>, vector<1x1000x128xf32>
    %get3A_52 = vector.shape_cast %get3A_51 : vector<1x1000x128xf32> to vector<1000x128xf32>
    %convert_element_type3A_53 = arith.truncf %get3A_52 : vector<1000x128xf32> to vector<1000x128xbf16>
    %dot_general3A_54 = arith.constant dense<0.000000e+00> : vector<1000x384xf32>
    %dot_general3A_55 = tpu.matmul %convert_element_type3A_53, %convert_element_type3A, %dot_general3A_54 {dimension_numbers = #tpu.dot_dimension_numbers<[1], [0], [0], [1], [0, 0, 1, 1], [], []>, transpose_lhs_hint = false} : vector<1000x128xbf16>, vector<128x384xbf16>, vector<1000x384xf32> -> vector<1000x384xf32>
    %add3A_56 = vector.broadcast %get3A_8 : vector<1x384xf32> to vector<1000x384xf32>
    %add3A_57 = arith.addf %dot_general3A_55, %add3A_56 : vector<1000x384xf32>
    %convert_element_type3A_58 = arith.truncf %add3A_47 : vector<1000x128xf32> to vector<1000x128xbf16>
    %dot_general3A_59 = arith.constant dense<0.000000e+00> : vector<1000x384xf32>
    %dot_general3A_60 = tpu.matmul %convert_element_type3A_58, %convert_element_type3A_5, %dot_general3A_59 {dimension_numbers = #tpu.dot_dimension_numbers<[1], [0], [0], [1], [0, 0, 1, 1], [], []>, transpose_lhs_hint = false} : vector<1000x128xbf16>, vector<128x384xbf16>, vector<1000x384xf32> -> vector<1000x384xf32>
    %add3A_61 = vector.broadcast %get3A_11 : vector<1x384xf32> to vector<1000x384xf32>
    %add3A_62 = arith.addf %dot_general3A_60, %add3A_61 : vector<1000x384xf32>
    %slice3A_63 = vector.extract_strided_slice %add3A_57 {offsets = [0, 0], sizes = [1000, 128], strides = [1, 1]} : vector<1000x384xf32> to vector<1000x128xf32>
    %slice3A_64 = vector.extract_strided_slice %add3A_62 {offsets = [0, 0], sizes = [1000, 128], strides = [1, 1]} : vector<1000x384xf32> to vector<1000x128xf32>
    %add3A_65 = arith.addf %slice3A_63, %slice3A_64 : vector<1000x128xf32>
    %logistic3A_66 = arith.negf %add3A_65 : vector<1000x128xf32>
    %logistic3A_67 = math.exp %logistic3A_66 : vector<1000x128xf32>
    %logistic3A_68 = arith.constant 1.000000e+00 : f32
    %logistic3A_69 = vector.broadcast %logistic3A_68 : f32 to vector<1000x128xf32>
    %logistic3A_70 = arith.addf %logistic3A_69, %logistic3A_67 : vector<1000x128xf32>
    %logistic3A_71 = arith.divf %logistic3A_69, %logistic3A_70 : vector<1000x128xf32>
    %slice3A_72 = vector.extract_strided_slice %add3A_57 {offsets = [0, 128], sizes = [1000, 128], strides = [1, 1]} : vector<1000x384xf32> to vector<1000x128xf32>
    %slice3A_73 = vector.extract_strided_slice %add3A_62 {offsets = [0, 128], sizes = [1000, 128], strides = [1, 1]} : vector<1000x384xf32> to vector<1000x128xf32>
    %add3A_74 = arith.addf %slice3A_72, %slice3A_73 : vector<1000x128xf32>
    %logistic3A_75 = arith.negf %add3A_74 : vector<1000x128xf32>
    %logistic3A_76 = math.exp %logistic3A_75 : vector<1000x128xf32>
    %logistic3A_77 = arith.constant 1.000000e+00 : f32
    %logistic3A_78 = vector.broadcast %logistic3A_77 : f32 to vector<1000x128xf32>
    %logistic3A_79 = arith.addf %logistic3A_78, %logistic3A_76 : vector<1000x128xf32>
    %logistic3A_80 = arith.divf %logistic3A_78, %logistic3A_79 : vector<1000x128xf32>
    %slice3A_81 = vector.extract_strided_slice %add3A_57 {offsets = [0, 256], sizes = [1000, 128], strides = [1, 1]} : vector<1000x384xf32> to vector<1000x128xf32>
    %slice3A_82 = vector.extract_strided_slice %add3A_62 {offsets = [0, 256], sizes = [1000, 128], strides = [1, 1]} : vector<1000x384xf32> to vector<1000x128xf32>
    %mul3A_83 = arith.mulf %logistic3A_71, %slice3A_82 : vector<1000x128xf32>
    %add3A_84 = arith.addf %slice3A_81, %mul3A_83 : vector<1000x128xf32>
    %tanh3A_85 = math.tanh %add3A_84 : vector<1000x128xf32>
    %sub3A_86 = arith.constant 1.000000e+00 : f32
    %sub3A_87 = vector.broadcast %sub3A_86 : f32 to vector<1000x128xf32>
    %sub3A_88 = arith.subf %sub3A_87, %logistic3A_80 : vector<1000x128xf32>
    %mul3A_89 = arith.mulf %sub3A_88, %tanh3A_85 : vector<1000x128xf32>
    %mul3A_90 = arith.mulf %logistic3A_80, %add3A_47 : vector<1000x128xf32>
    %add3A_91 = arith.addf %mul3A_89, %mul3A_90 : vector<1000x128xf32>
    %get3A_92 = arith.constant 1 : index
    %get3A_93 = arith.constant 0 : index
    %get3A_94 = arith.constant 0 : index
    %get3A_95 = vector.load %arg2[%get3A_92, %get3A_93, %get3A_94] : memref<3x1000x128xf32, #tpu.memory_space<vmem>>, vector<1x1000x128xf32>
    %get3A_96 = vector.shape_cast %get3A_95 : vector<1x1000x128xf32> to vector<1000x128xf32>
    %convert_element_type3A_97 = arith.truncf %get3A_96 : vector<1000x128xf32> to vector<1000x128xbf16>
    %dot_general3A_98 = arith.constant dense<0.000000e+00> : vector<1000x384xf32>
    %dot_general3A_99 = tpu.matmul %convert_element_type3A_97, %convert_element_type3A, %dot_general3A_98 {dimension_numbers = #tpu.dot_dimension_numbers<[1], [0], [0], [1], [0, 0, 1, 1], [], []>, transpose_lhs_hint = false} : vector<1000x128xbf16>, vector<128x384xbf16>, vector<1000x384xf32> -> vector<1000x384xf32>
    %add3A_100 = vector.broadcast %get3A_8 : vector<1x384xf32> to vector<1000x384xf32>
    %add3A_101 = arith.addf %dot_general3A_99, %add3A_100 : vector<1000x384xf32>
    %convert_element_type3A_102 = arith.truncf %add3A_91 : vector<1000x128xf32> to vector<1000x128xbf16>
    %dot_general3A_103 = arith.constant dense<0.000000e+00> : vector<1000x384xf32>
    %dot_general3A_104 = tpu.matmul %convert_element_type3A_102, %convert_element_type3A_5, %dot_general3A_103 {dimension_numbers = #tpu.dot_dimension_numbers<[1], [0], [0], [1], [0, 0, 1, 1], [], []>, transpose_lhs_hint = false} : vector<1000x128xbf16>, vector<128x384xbf16>, vector<1000x384xf32> -> vector<1000x384xf32>
    %add3A_105 = vector.broadcast %get3A_11 : vector<1x384xf32> to vector<1000x384xf32>
    %add3A_106 = arith.addf %dot_general3A_104, %add3A_105 : vector<1000x384xf32>
    %slice3A_107 = vector.extract_strided_slice %add3A_101 {offsets = [0, 0], sizes = [1000, 128], strides = [1, 1]} : vector<1000x384xf32> to vector<1000x128xf32>
    %slice3A_108 = vector.extract_strided_slice %add3A_106 {offsets = [0, 0], sizes = [1000, 128], strides = [1, 1]} : vector<1000x384xf32> to vector<1000x128xf32>
    %add3A_109 = arith.addf %slice3A_107, %slice3A_108 : vector<1000x128xf32>
    %logistic3A_110 = arith.negf %add3A_109 : vector<1000x128xf32>
    %logistic3A_111 = math.exp %logistic3A_110 : vector<1000x128xf32>
    %logistic3A_112 = arith.constant 1.000000e+00 : f32
    %logistic3A_113 = vector.broadcast %logistic3A_112 : f32 to vector<1000x128xf32>
    %logistic3A_114 = arith.addf %logistic3A_113, %logistic3A_111 : vector<1000x128xf32>
    %logistic3A_115 = arith.divf %logistic3A_113, %logistic3A_114 : vector<1000x128xf32>
    %slice3A_116 = vector.extract_strided_slice %add3A_101 {offsets = [0, 128], sizes = [1000, 128], strides = [1, 1]} : vector<1000x384xf32> to vector<1000x128xf32>
    %slice3A_117 = vector.extract_strided_slice %add3A_106 {offsets = [0, 128], sizes = [1000, 128], strides = [1, 1]} : vector<1000x384xf32> to vector<1000x128xf32>
    %add3A_118 = arith.addf %slice3A_116, %slice3A_117 : vector<1000x128xf32>
    %logistic3A_119 = arith.negf %add3A_118 : vector<1000x128xf32>
    %logistic3A_120 = math.exp %logistic3A_119 : vector<1000x128xf32>
    %logistic3A_121 = arith.constant 1.000000e+00 : f32
    %logistic3A_122 = vector.broadcast %logistic3A_121 : f32 to vector<1000x128xf32>
    %logistic3A_123 = arith.addf %logistic3A_122, %logistic3A_120 : vector<1000x128xf32>
    %logistic3A_124 = arith.divf %logistic3A_122, %logistic3A_123 : vector<1000x128xf32>
    %slice3A_125 = vector.extract_strided_slice %add3A_101 {offsets = [0, 256], sizes = [1000, 128], strides = [1, 1]} : vector<1000x384xf32> to vector<1000x128xf32>
    %slice3A_126 = vector.extract_strided_slice %add3A_106 {offsets = [0, 256], sizes = [1000, 128], strides = [1, 1]} : vector<1000x384xf32> to vector<1000x128xf32>
    %mul3A_127 = arith.mulf %logistic3A_115, %slice3A_126 : vector<1000x128xf32>
    %add3A_128 = arith.addf %slice3A_125, %mul3A_127 : vector<1000x128xf32>
    %tanh3A_129 = math.tanh %add3A_128 : vector<1000x128xf32>
    %sub3A_130 = arith.constant 1.000000e+00 : f32
    %sub3A_131 = vector.broadcast %sub3A_130 : f32 to vector<1000x128xf32>
    %sub3A_132 = arith.subf %sub3A_131, %logistic3A_124 : vector<1000x128xf32>
    %mul3A_133 = arith.mulf %sub3A_132, %tanh3A_129 : vector<1000x128xf32>
    %mul3A_134 = arith.mulf %logistic3A_124, %add3A_91 : vector<1000x128xf32>
    %add3A_135 = arith.addf %mul3A_133, %mul3A_134 : vector<1000x128xf32>
    %get3A_136 = arith.constant 2 : index
    %get3A_137 = arith.constant 0 : index
    %get3A_138 = arith.constant 0 : index
    %get3A_139 = vector.load %arg2[%get3A_136, %get3A_137, %get3A_138] : memref<3x1000x128xf32, #tpu.memory_space<vmem>>, vector<1x1000x128xf32>
    %get3A_140 = vector.shape_cast %get3A_139 : vector<1x1000x128xf32> to vector<1000x128xf32>
    %convert_element_type3A_141 = arith.truncf %get3A_140 : vector<1000x128xf32> to vector<1000x128xbf16>
    %dot_general3A_142 = arith.constant dense<0.000000e+00> : vector<1000x384xf32>
    %dot_general3A_143 = tpu.matmul %convert_element_type3A_141, %convert_element_type3A, %dot_general3A_142 {dimension_numbers = #tpu.dot_dimension_numbers<[1], [0], [0], [1], [0, 0, 1, 1], [], []>, transpose_lhs_hint = false} : vector<1000x128xbf16>, vector<128x384xbf16>, vector<1000x384xf32> -> vector<1000x384xf32>
    %add3A_144 = vector.broadcast %get3A_8 : vector<1x384xf32> to vector<1000x384xf32>
    %add3A_145 = arith.addf %dot_general3A_143, %add3A_144 : vector<1000x384xf32>
    %convert_element_type3A_146 = arith.truncf %add3A_135 : vector<1000x128xf32> to vector<1000x128xbf16>
    %dot_general3A_147 = arith.constant dense<0.000000e+00> : vector<1000x384xf32>
    %dot_general3A_148 = tpu.matmul %convert_element_type3A_146, %convert_element_type3A_5, %dot_general3A_147 {dimension_numbers = #tpu.dot_dimension_numbers<[1], [0], [0], [1], [0, 0, 1, 1], [], []>, transpose_lhs_hint = false} : vector<1000x128xbf16>, vector<128x384xbf16>, vector<1000x384xf32> -> vector<1000x384xf32>
    %add3A_149 = vector.broadcast %get3A_11 : vector<1x384xf32> to vector<1000x384xf32>
    %add3A_150 = arith.addf %dot_general3A_148, %add3A_149 : vector<1000x384xf32>
    %slice3A_151 = vector.extract_strided_slice %add3A_145 {offsets = [0, 0], sizes = [1000, 128], strides = [1, 1]} : vector<1000x384xf32> to vector<1000x128xf32>
    %slice3A_152 = vector.extract_strided_slice %add3A_150 {offsets = [0, 0], sizes = [1000, 128], strides = [1, 1]} : vector<1000x384xf32> to vector<1000x128xf32>
    %add3A_153 = arith.addf %slice3A_151, %slice3A_152 : vector<1000x128xf32>
    %logistic3A_154 = arith.negf %add3A_153 : vector<1000x128xf32>
    %logistic3A_155 = math.exp %logistic3A_154 : vector<1000x128xf32>
    %logistic3A_156 = arith.constant 1.000000e+00 : f32
    %logistic3A_157 = vector.broadcast %logistic3A_156 : f32 to vector<1000x128xf32>
    %logistic3A_158 = arith.addf %logistic3A_157, %logistic3A_155 : vector<1000x128xf32>
    %logistic3A_159 = arith.divf %logistic3A_157, %logistic3A_158 : vector<1000x128xf32>
    %slice3A_160 = vector.extract_strided_slice %add3A_145 {offsets = [0, 128], sizes = [1000, 128], strides = [1, 1]} : vector<1000x384xf32> to vector<1000x128xf32>
    %slice3A_161 = vector.extract_strided_slice %add3A_150 {offsets = [0, 128], sizes = [1000, 128], strides = [1, 1]} : vector<1000x384xf32> to vector<1000x128xf32>
    %add3A_162 = arith.addf %slice3A_160, %slice3A_161 : vector<1000x128xf32>
    %logistic3A_163 = arith.negf %add3A_162 : vector<1000x128xf32>
    %logistic3A_164 = math.exp %logistic3A_163 : vector<1000x128xf32>
    %logistic3A_165 = arith.constant 1.000000e+00 : f32
    %logistic3A_166 = vector.broadcast %logistic3A_165 : f32 to vector<1000x128xf32>
    %logistic3A_167 = arith.addf %logistic3A_166, %logistic3A_164 : vector<1000x128xf32>
    %logistic3A_168 = arith.divf %logistic3A_166, %logistic3A_167 : vector<1000x128xf32>
    %slice3A_169 = vector.extract_strided_slice %add3A_145 {offsets = [0, 256], sizes = [1000, 128], strides = [1, 1]} : vector<1000x384xf32> to vector<1000x128xf32>
    %slice3A_170 = vector.extract_strided_slice %add3A_150 {offsets = [0, 256], sizes = [1000, 128], strides = [1, 1]} : vector<1000x384xf32> to vector<1000x128xf32>
    %mul3A_171 = arith.mulf %logistic3A_159, %slice3A_170 : vector<1000x128xf32>
    %add3A_172 = arith.addf %slice3A_169, %mul3A_171 : vector<1000x128xf32>
    %tanh3A_173 = math.tanh %add3A_172 : vector<1000x128xf32>
    %sub3A_174 = arith.constant 1.000000e+00 : f32
    %sub3A_175 = vector.broadcast %sub3A_174 : f32 to vector<1000x128xf32>
    %sub3A_176 = arith.subf %sub3A_175, %logistic3A_168 : vector<1000x128xf32>
    %mul3A_177 = arith.mulf %sub3A_176, %tanh3A_173 : vector<1000x128xf32>
    %mul3A_178 = arith.mulf %logistic3A_168, %add3A_135 : vector<1000x128xf32>
    %add3A_179 = arith.addf %mul3A_177, %mul3A_178 : vector<1000x128xf32>
    %convert_element_type3A_180 = arith.truncf %add3A_179 : vector<1000x128xf32> to vector<1000x128xbf16>
    %get3A_181 = arith.constant 0 : index
    %get3A_182 = arith.constant 0 : index
    %get3A_183 = vector.load %arg7[%get3A_181, %get3A_182] : memref<128x128xf32, #tpu.memory_space<vmem>>, vector<128x128xf32>
    %convert_element_type3A_184 = arith.truncf %get3A_183 : vector<128x128xf32> to vector<128x128xbf16>
    %dot_general3A_185 = arith.constant dense<0.000000e+00> : vector<1000x128xf32>
    %dot_general3A_186 = tpu.matmul %convert_element_type3A_180, %convert_element_type3A_184, %dot_general3A_185 {dimension_numbers = #tpu.dot_dimension_numbers<[1], [0], [0], [1], [0, 0, 1, 1], [], []>, transpose_lhs_hint = false} : vector<1000x128xbf16>, vector<128x128xbf16>, vector<1000x128xf32> -> vector<1000x128xf32>
    %get3A_187 = arith.constant 0 : index
    %get3A_188 = arith.constant 0 : index
    %get3A_189 = vector.load %arg8[%get3A_187, %get3A_188] : memref<1x128xf32, #tpu.memory_space<vmem>>, vector<1x128xf32>
    %add3A_190 = vector.broadcast %get3A_189 : vector<1x128xf32> to vector<1000x128xf32>
    %add3A_191 = arith.addf %dot_general3A_186, %add3A_190 : vector<1000x128xf32>
    %swap3A = arith.constant 0 : index
    %swap3A_192 = arith.constant 0 : index
    %swap3A_193 = vector.load %arg9[%swap3A, %swap3A_192] : memref<1000x128xf32, #tpu.memory_space<vmem>>, vector<1000x128xf32>
    tpu.vector_store %arg9[%swap3A, %swap3A_192], %add3A_191 {strides = array<i32>} : memref<1000x128xf32, #tpu.memory_space<vmem>>, vector<1000x128xf32>,
    return
  }
  func.func @transform_0(%arg0: i32) -> (i32, i32) {
    %c0_i32 = arith.constant 0 : i32
    %c0_i32_0 = arith.constant 0 : i32
    return %arg0, %c0_i32 : i32, i32
  }
  func.func @transform_1(%arg0: i32) -> (i32, i32, i32) {
    %c0_i32 = arith.constant 0 : i32
    %c0_i32_0 = arith.constant 0 : i32
    %c0_i32_1 = arith.constant 0 : i32
    return %c0_i32, %arg0, %c0_i32_0 : i32, i32, i32
  }
  func.func @transform_2(%arg0: i32) -> (i32, i32) {
    %c0_i32 = arith.constant 0 : i32
    %c0_i32_0 = arith.constant 0 : i32
    %c0_i32_1 = arith.constant 0 : i32
    return %c0_i32, %c0_i32_0 : i32, i32
  }
  func.func @transform_3(%arg0: i32) -> (i32, i32) {
    %c0_i32 = arith.constant 0 : i32
    %c0_i32_0 = arith.constant 0 : i32
    %c0_i32_1 = arith.constant 0 : i32
    return %c0_i32, %c0_i32_0 : i32, i32
  }
  func.func @transform_4(%arg0: i32) -> (i32, i32) {
    %c0_i32 = arith.constant 0 : i32
    %c0_i32_0 = arith.constant 0 : i32
    %c0_i32_1 = arith.constant 0 : i32
    return %c0_i32, %c0_i32_0 : i32, i32
  }
  func.func @transform_5(%arg0: i32) -> (i32, i32) {
    %c0_i32 = arith.constant 0 : i32
    %c0_i32_0 = arith.constant 0 : i32
    %c0_i32_1 = arith.constant 0 : i32
    return %c0_i32, %c0_i32_0 : i32, i32
  }
  func.func @transform_6(%arg0: i32) -> (i32, i32) {
    %c0_i32 = arith.constant 0 : i32
    %c0_i32_0 = arith.constant 0 : i32
    %c0_i32_1 = arith.constant 0 : i32
    return %c0_i32, %c0_i32_0 : i32, i32
  }
  func.func @transform_7(%arg0: i32) -> (i32, i32) {
    %c0_i32 = arith.constant 0 : i32
    %c0_i32_0 = arith.constant 0 : i32
    %c0_i32_1 = arith.constant 0 : i32
    return %c0_i32, %c0_i32_0 : i32, i32
  }
  func.func @transform_8(%arg0: i32) -> (i32, i32) {
    %c0_i32 = arith.constant 0 : i32
    %c0_i32_0 = arith.constant 0 : i32
    return %arg0, %c0_i32 : i32, i32
  }
}

</mosaic_0001>

<sc_bundles>
// kernel: kernel.11.cloned.1.call-start
scs
__scs_entry_jumppad:
0x0: {  	(pc) =	sbr.rel $0x88, $3  }
0x1: {  	(tag) =	ssettag $0x0;
	lr =	simm.s32 $0x1  }
0x2: {  	[smem:$0x3F95] =	sst lr;
	_ =	strace $0xD0000000  }
0x3: {  	_ = 	snop  }
0x4: {  	_ = 	snop  }
0x5: {  	_ = 	snop  }
0x6: {  	_ = 	snop  }
0x7: {  	_ = 	snop  }
__scs_overlays_trampoline_lowered:
0x8: {  	[smem:$0x3FA4] =	sst s0  }
0x9: {  	[smem:$0x3FA5] =	sst s1  }
0xa: {  	[smem:$0x3FA6] =	sst s2  }
0xb: {  	[smem:$0x3FA7] =	sst s3  }
0xc: {  	[smem:$0x3FA8] =	sst s4  }
0xd: {  	[smem:$0x3FA9] =	sst s5  }
0xe: {  	[smem:$0x3FAA] =	sst s6  }
0xf: {  	[smem:$0x3FAB] =	sst s7  }
0x10: {  	[smem:$0x3FAC] =	sst s8  }
0x11: {  	[smem:$0x3FAD] =	sst s9;
	s0 =	simm.s32 @!p0 $0x0  }
0x12: {  	s1 =	sld [smem:$0x3F93];
	s0 =	simm.s32 @p0 $0x1  }
0x13: {  	[smem:$0x3FAE] =	sst s0;
	s0 =	simm.s32 @!p1 $0x0  }
0x14: {  	s2 =	sld [smem:$0x3F92];
	s0 =	simm.s32 @p1 $0x1  }
0x15: {  	[smem:$0x3FAF] =	sst s0;
	s0 =	simm.s32 @!p2 $0x0  }
0x16: {  	s3 =	sld [smem:$0x3FDB];
	s0 =	simm.s32 @p2 $0x1  }
0x17: {  	s4 =	simm.s32 $0x1BF5;
	[smem:$0x3FB1] =	sst s0  }
0x18: {  	s0 =	sld [smem:$0x3F94];
	_ =	swait.ge [sflag:s4], $0x0  }
0x19: {  	s7 =	sld [smem:$0x3F95]  }
0x1a: {  	s8 =	sadd.s32 $0xFFFFE003, lr  }
0x1b: {  	s9 =	sadd.s32 $0xFFFFFEF7, lr;
	s5 =	simm.s32 $0xFFFFFFFF;
	p2 =	slt.u32 s8, $0xFFFFF086  }
0x1c: {  	p1 =	slt.u32 s9, $0xF7A;
	s5 =	simm.s32 @!p2 $0x0  }
0x1d: {  	s5 =	simm.s32 @p1 $0x1;
	p0 =	seq.s32 s7, s2  }
0x1e: {  	s7 =	smul.u32 @!p0 $0xF7A, s2;
	p2 =	seq.s32 @!p0 s5, $0x0  }
0x1f: {  	s9 =	smul.u32 $0xF7A, s1;
	s8 =	simm.s32 @!p0 $0x1BF5;
	p2 =	por !p2, p0  }
0x20: {  	[sflag:s8] =	ssyncset.s32 @!p0 $0xFFFFF086;
	s6 =	sadd.s32 @!p0 s3, s7;
	s7 =	simm.s32 @!p0 $0x108  }
0x21: {  	s3 =	sadd.s32 s3, s9;
	s6 =	sadd.s32 @!p0 $0x88, s6;
	s7 =	simm.s32 @p2 $0x1082  }
0x22: {  	[simem:s7], [sflag:s8] =	dma.local @!p0 [hbm:s6], $0xF7A  }
0x23: {  	s9 =	sor.u32 $0xD0000000, s2;
	s6 =	simm.s32 $0x108;
	_ =	swait.ge @!p0 [sflag:s8], $0x0  }
0x24: {  	s3 =	sadd.s32 $0x88, s3;
	s6 =	simm.s32 @!p1 $0x1082;
	[sflag:s4] =	ssyncset.s32 $0xFFFFF086  }
0x25: {  	[simem:s6], [sflag:s4] =	dma.local [hbm:s3], $0xF7A  }
0x26: {  	[smem:$0x3F95] =	sst s1;
	(tag) =	ssettag s2;
	_ =	strace s9  }
0x27: {  	s1 =	sld [smem:$0x3FA5]  }
0x28: {  	s2 =	sld [smem:$0x3FA6]  }
0x29: {  	s4 =	sld [smem:$0x3FA8]  }
0x2a: {  	p0 =	seq.s32 s5, $0x0;
	s5 =	sld [smem:$0x3FA9]  }
0x2b: {  	s6 =	sld [smem:$0x3FAA]  }
0x2c: {  	s7 =	sld [smem:$0x3FAB]  }
0x2d: {  	s3 =	simm.s32 $0x108;
	s8 =	sld [smem:$0x3FAC]  }
0x2e: {  	s3 =	simm.s32 @!p0 $0x1082;
	s9 =	sld [smem:$0x3FAD]  }
0x2f: {  	lr =	sadd.s32 s0, s3;
	s0 =	sld [smem:$0x3FA4]  }
0x30: {  	s3 =	sld [smem:$0x3FA7]  }
0x31: {  	[smem:$0x3FB0] =	sst s10  }
0x32: {  	s10 =	sld [smem:$0x3FAE];
	_ =	sdelay $0x3  }
0x33: {  	p0 =	seq.s32 s10, $0x1;
	s10 =	sld [smem:$0x3FB0];
	_ =	sdelay $0x3  }
0x34: {  	[smem:$0x3FB0] =	sst s10  }
0x35: {  	s10 =	sld [smem:$0x3FAF];
	_ =	sdelay $0x3  }
0x36: {  	p1 =	seq.s32 s10, $0x1;
	s10 =	sld [smem:$0x3FB0];
	_ =	sdelay $0x3  }
0x37: {  	[smem:$0x3FB0] =	sst s10  }
0x38: {  	s10 =	sld [smem:$0x3FB1]  }
0x39: {  	_ = 	snop;
	(pc) =	sbr.ind lr, $3  }
0x3a: {  	_ = 	snop  }
0x3b: {  	_ = 	snop  }
0x3c: {  	p2 =	seq.s32 s10, $0x1;
	s10 =	sld [smem:$0x3FB0]  }
0x3d: {  	_ =	shalt  }
0x3e: {  	_ =	shalt  }
0x3f: {  	_ =	shalt  }
0x40: {  	_ =	shalt  }
0x41: {  	_ =	shalt  }
0x42: {  	_ =	shalt  }
0x43: {  	_ =	shalt  }
0x44: {  	_ =	shalt  }
0x45: {  	_ =	shalt  }
0x46: {  	_ =	shalt  }
0x47: {  	_ =	shalt  }
0x48: {  	_ =	shalt  }
0x49: {  	_ =	shalt  }
0x4a: {  	_ =	shalt  }
0x4b: {  	_ =	shalt  }
0x4c: {  	_ =	shalt  }
0x4d: {  	_ =	shalt  }
0x4e: {  	_ =	shalt  }
0x4f: {  	_ =	shalt  }
0x50: {  	_ =	shalt  }
0x51: {  	_ =	shalt  }
0x52: {  	_ =	shalt  }
0x53: {  	_ =	shalt  }
0x54: {  	_ =	shalt  }
0x55: {  	_ =	shalt  }
0x56: {  	_ =	shalt  }
0x57: {  	_ =	shalt  }
0x58: {  	_ =	shalt  }
0x59: {  	_ =	shalt  }
0x5a: {  	_ =	shalt  }
0x5b: {  	_ =	shalt  }
0x5c: {  	_ =	shalt  }
0x5d: {  	_ =	shalt  }
0x5e: {  	_ =	shalt  }
0x5f: {  	_ =	shalt  }
0x60: {  	_ =	shalt  }
0x61: {  	_ =	shalt  }
0x62: {  	_ =	shalt  }
0x63: {  	_ =	shalt  }
0x64: {  	_ =	shalt  }
0x65: {  	_ =	shalt  }
0x66: {  	_ =	shalt  }
0x67: {  	_ =	shalt  }
0x68: {  	_ =	shalt  }
0x69: {  	_ =	shalt  }
0x6a: {  	_ =	shalt  }
0x6b: {  	_ =	shalt  }
0x6c: {  	_ =	shalt  }
0x6d: {  	_ =	shalt  }
0x6e: {  	_ =	shalt  }
0x6f: {  	_ =	shalt  }
0x70: {  	_ =	shalt  }
0x71: {  	_ =	shalt  }
0x72: {  	_ =	shalt  }
0x73: {  	_ =	shalt  }
0x74: {  	_ =	shalt  }
0x75: {  	_ =	shalt  }
0x76: {  	_ =	shalt  }
0x77: {  	_ =	shalt  }
0x78: {  	_ =	shalt  }
0x79: {  	_ =	shalt  }
0x7a: {  	_ =	shalt  }
0x7b: {  	_ =	shalt  }
0x7c: {  	_ =	shalt  }
0x7d: {  	_ =	shalt  }
0x7e: {  	_ =	shalt  }
0x7f: {  	_ =	shalt  }
0x80: {  	_ =	shalt  }
0x81: {  	_ =	shalt  }
0x82: {  	_ =	shalt  }
0x83: {  	_ =	shalt  }
0x84: {  	_ =	shalt  }
0x85: {  	_ =	shalt  }
0x86: {  	_ =	shalt  }
0x87: {  	_ =	shalt  }
.Lfunc_end0:
.L_simem_size_0:
called_computation_lowered:
.L_overlay_start_0:
0x88: {  	s2 =	sld [smem:$0x3FD9]  }
0x89: {  	s3 =	sld [smem:$0x3FFE];
	_ =	sdelay $0x1  }
0x8a: {  	s1 =	srdreg.scid  }
0x8b: {  	s0 =	sand.u32 $0x1, s1  }
0x8c: {  	s17 =	sshll.u32 s0, $0xA;
	s2 =	sadd.s32 s3, s2  }
0x8d: {  	s2 =	sadd.s32 s2, s17  }
0x8e: {  	[smem:$0x3FBC] =	sst s2  }
0x8f: {  	_ = 	snop  }
0x90: {  	s2 =	sld [smem:$0x3FD0];
	(tm) =	ssettm $0x1  }
0x91: {  	s18 =	sld [smem:$0x3FFB];
	_ =	sdelay $0x3  }
0x92: {  	_ =	strace s18  }
0x93: {  	s3 =	sld [smem:$0x3FFC];
	_ =	sdelay $0x3  }
0x94: {  	_ =	strace s3  }
0x95: {  	s3 =	sld [smem:$0x3FFD];
	_ =	sdelay $0x3  }
0x96: {  	_ =	strace s3  }
0x97: {  	_ =	strace $0x8FFFFFFF  }
0x98: {  	s19 =	sld [smem:$0x3FDB];
	_ =	sdelay $0x1  }
0x99: {  	s4 =	simm.s32 $_scs_section_size  }
0x9a: {  	s5 =	simm.s32 $_size__tile_overlayer_lowered;
	s6 =	simm.s32 $_tile_overlayer_lowered  }
0x9b: {  	s22 =	simm.s32 $0x1BFF;
	s21 =	sshll.u32 s6, $0x1;
	s3 =	sadd.s32 s4, s19  }
0x9c: {  	s7 =	simm.s32 $0x0;
	s20 =	sshll.u32 s5, $0x1;
	s5 =	sadd.s32 s21, s3  }
0x9d: {  	[timem:s7], [sflag:s22] =	dma.local [hbm:s5], s20  }
0x9e: {  	_ =	swait.ge [sflag:s22], s20  }
0x9f: {  	s4 =	ssub.s32 $0x0, s20;
	[sflag:s22] =	ssyncset.done $0x0  }
0xa0: {  	[sflag:s22] =	ssyncadd.s32 s4;
	_ =	sdelay $0x1  }
0xa1: {  	s23 =	simm.s32 $0x1B8B  }
0xa2: {  	_ =	swait.ge [sflag:s23], $0x1  }
0xa3: {  	[sflag:s23] =	ssyncset.done $0x0  }
0xa4: {  	s25 =	simm.s32 $0x1B8E;
	s24 =	sld [smem:$0x3FFE];
	[sflag:s23] =	ssyncadd.s32 $0xFFFFFFFF  }
0xa5: {  	s26 =	simm.s32 $execute0_lowered;
	[smem:$0x3FD2] =	sst s25  }
0xa6: {  	s5 =	sshll.u32 s26, $0x1;
	_ =	strace $0x80000046;
	[dreg:$0x1] =	wrdreg $0xFFFFFFFF  }
0xa7: {  	s28 =	simm.s32 $_size_execute0_lowered;
	s3 =	sadd.s32 s3, s5;
	[dreg:$0x0] =	wrdreg $0x0  }
0xa8: {  	s5 =	sshll.u32 s28, $0x1;
	[dreg:$0x2] =	wrdreg s3  }
0xa9: {  	[dreg:$0x3] =	wrdreg s5  }
0xaa: {  	[dreg:$0x4] =	wrdreg $0xC0  }
0xab: {  	_ =	task [dreg:s7], $0x5FFFF  }
0xac: {  	[dreg:$0x1] =	wrdreg $0xFFFFFFFF  }
0xad: {  	[dreg:$0x0] =	wrdreg $0x60  }
0xae: {  	[dreg:$0x2] =	wrdreg s24  }
0xaf: {  	[dreg:$0x3] =	wrdreg s2  }
0xb0: {  	[dreg:$0x4] =	wrdreg $0x9  }
0xb1: {  	_ =	task.clear_ibuf [dreg:s7], $0x5FFFF;
	_ =	strace $0x90000046  }
0xb2: {  	s29 =	simm.s32 $0x9;
	_ =	strace $0x80000048  }
0xb3: {  	_ =	swait.ge [sflag:s29], $0x1  }
0xb4: {  	[sflag:s29] =	ssyncadd.s32 $0xFFFFFFFF  }
0xb5: {  	_ =	strace $0x90000048  }
0xb6: {  	_ =	sfence  }
0xb7: {  	s30 =	sld [smem:$0x0];
	_ =	sdelay $0x2  }
0xb8: {  	s31 =	sshll.u32 s1, $0xD;
	s1 =	sshrl.u32 s1, $0x2  }
0xb9: {  	s3 =	sand.u32 $0x4000, s31;
	s1 =	sadd.s32 s1, s30  }
0xba: {  	s0 =	sor.u32 s3, s0;
	s1 =	sshll.u32 s1, $0x11  }
0xbb: {  	s0 =	sor.u32 s1, s0  }
0xbc: {  	s0 =	sadd.s32 $0x8F2B, s0  }
0xbd: {  	[sflag:s0] =	ssyncadd.remote.s32 $0x1  }
0xbe: {  	_ =	sfence.sel $0xFFFF  }
0xbf: {  	[dreg:$0x0] =	wrdreg $0xFFFFFFFF;
	(pc) =	sbr.abs _section_cstart, $3  }
0xc0: {  	[dreg:$0x1] =	wrdreg $0xFFFFFFFF  }
0xc1: {  	_ =	task.clear_ibuf [dreg:s7], $0x2FFFF;
	_ =	strace $0x9FFFFFFF  }
0xc2: {  	(tm) =	ssettm $0x7FFFFFFF  }
0xc3: {  	_ =	shalt  }
tec
execute0_lowered:
.L_overlay_start_1:
0x0: {  	(tag) =	ssettag $0x1  }
0x1: {  	s1 =	srdreg.scid  }
0x2: {  	s0 =	stileid.u32;
	s5 =	rddreg [dreg:$0x0]  }
0x3: {  	s2 =	rddreg [dreg:$0x1];
	s3 =	simm.s32 $0x0;
	s4 =	smul.u32 $0x280, s0  }
0x4: {  	s13 =	simm.s32 $0x200;
	s14 =	simm.s32 $0x1080;
	s30 =	smul.u32 $0x2800, s0  }
0x5: {  	s15 =	simm.s32 $0x1280;
	s6 =	sand.u32 $0x1, s1;
	s8 =	smul.u32 $0x28000, s0  }
0x6: {  	s16 =	simm.s32 $0x2;
	s1 =	rddreg [dreg:$0x2];
	s7 =	smul.u32 $0x140, s6  }
0x7: {  	s17 =	simm.s32 $0x0;
	[smem:$0x7FF] =	sst s3;
	s11 =	smul.u32 $0x1400, s6  }
0x8: {  	_ =	strace $0x80000047;
	s10 =	ssub.s32 $0x2, s6;
	s6 =	smul.u32 $0x14000, s6  }
0x9: {  	s12 =	sshrl.u32 s10, $0x1;
	s8 =	sadd.s32 s8, s5;
	s4 =	sadd.s32 s7, s4  }
0xa: {  	s7 =	sadd.s32 s30, s5;
	s31 =	ssub.s32 s10, s12;
	s8 =	sadd.s32 s6, s8  }
0xb: {  	s10 =	simm.s32 $0x20;
	s12 =	simm.s32 $0x1;
	s4 =	sshrl.u32 s4, $0x3  }
0xc: {  	s7 =	sadd.s32 s11, s7;
	s11 =	simm.s32 $0x80;
	s9 =	sadd.s32 s4, s5  }
0xd: {  	s4 =	sadd.s32 $0x79E00, s5;
	s5 =	smax.u32 s31, $0x1;
	s6 =	sadd.s32 $0x5000, s7  }
0xe: {  	s7 =	sadd.s32 $0xEF400, s8;
	s8 =	sadd.s32 $0x4A00, s9;
	s9 =	simm.s32 $0x3  }
.LBB2_1:
0xf: {  	s18 =	sadd.s32 $0x0, s8  }
0x10: {  	[tilespmem:s3], [sflag:$0x3] =	stream.linear.gather [hbm4b:s18+s3], $0x20, $0x38;
	[tilespmem:$0x11280] =	vst v63  }
0x11: {  	_ =	swait.ge [sflag:s9], $0x20  }
0x12: {  	[sflag:s9] =	ssyncset.done $0x0  }
0x13: {  	[sflag:s9] =	ssyncadd.s32 $0xFFFFFFE0  }
0x14: {  	[tilespmem:s11], [sflag:$0x1] =	stream.indirect.gather [hbm4b:s2+s10], $0x80, s3, s10, $0xb8;
	[tilespmem:$0x11280] =	vst v63  }
0x15: {  	_ =	swait.ge [sflag:s12], $0x1000  }
0x16: {  	[sflag:s12] =	ssyncset.done $0x0  }
0x17: {  	[sflag:s12] =	ssyncadd.s32 $0xFFFFF000  }
0x18: {  	[hbm4b:s6+s3] =	stream.linear.scatter [tilespmem:s11], [sflag:$0x3], $0x1000, $0x38;
	[tilespmem:$0x11280] =	vst v63  }
0x19: {  	_ =	swait.ge [sflag:s9], $0x1000  }
0x1a: {  	[sflag:s9] =	ssyncset.done $0x0  }
0x1b: {  	[sflag:s9] =	ssyncadd.s32 $0xFFFFF000  }
0x1c: {  	v0 =	vld [tilespmem:$0x1000]  }
0x1d: {  	v1 =	vld [tilespmem:$0xF00]  }
0x1e: {  	v2 =	vld [tilespmem:$0xF80]  }
0x1f: {  	v3 =	vld [tilespmem:$0xE00]  }
0x20: {  	v5 =	vld [tilespmem:$0xE80]  }
0x21: {  	v6 =	vld [tilespmem:$0xD00];
	[tilespmem:$0x1270] =	vst v0  }
0x22: {  	v7 =	vld [tilespmem:$0xD80];
	[tilespmem:$0x1250] =	vst v1  }
0x23: {  	v8 =	vld [tilespmem:$0xC00];
	[tilespmem:$0x1260] =	vst v2  }
0x24: {  	v4 =	vld [tilespmem:$0xC80];
	[tilespmem:$0x1230] =	vst v3  }
0x25: {  	v3 =	vld [tilespmem:$0xB00];
	[tilespmem:$0x1240] =	vst v5  }
0x26: {  	v0 =	vld [tilespmem:$0xB80];
	[tilespmem:$0x1210] =	vst v6  }
0x27: {  	s19 =	simm.s32 $0x4;
	v1 =	vld [tilespmem:$0xA00];
	[tilespmem:$0x1220] =	vst v7  }
0x28: {  	s20 =	smov.u32 s6;
	s21 =	smov.u32 s7;
	s18 =	smov.u32 s7;
	v2 =	vld [tilespmem:$0xA80];
	[tilespmem:$0x11F0] =	vst v8  }
.LBB2_2:
0x29: {  	p0 =	sne.s32 s19, $0x24;
	v5 =	vld [tilespmem:$0x900];
	[tilespmem:$0x1200] =	vst v4;
	s20 =	sadd.s32 $0x200, s20;
	s21 =	sadd.s32 $0x2000, s21  }
0x2a: {  	s22 =	smov.u32 s19;
	s19 =	sadd.s32 $0x4, s19;
	v4 =	vld [tilespmem:$0x980];
	[tilespmem:$0x11D0] =	vst v3  }
0x2b: {  	v3 =	vld [tilespmem:$0x800];
	[tilespmem:$0x11E0] =	vst v0  }
0x2c: {  	v0 =	vld [tilespmem:$0x880];
	[tilespmem:$0x11B0] =	vst v1  }
0x2d: {  	v1 =	vld [tilespmem:$0x780];
	[tilespmem:$0x11C0] =	vst v2  }
0x2e: {  	v2 =	vld [tilespmem:$0x700];
	[tilespmem:$0x1190] =	vst v5  }
0x2f: {  	v5 =	vld [tilespmem:$0x680];
	[tilespmem:$0x11A0] =	vst v4  }
0x30: {  	v4 =	vld [tilespmem:$0x600];
	[tilespmem:$0x1170] =	vst v3  }
0x31: {  	v3 =	vld [tilespmem:$0x580];
	[tilespmem:$0x1180] =	vst v0  }
0x32: {  	v0 =	vld [tilespmem:$0x500];
	[tilespmem:$0x1160] =	vst v1  }
0x33: {  	v1 =	vld [tilespmem:$0x480];
	[tilespmem:$0x1150] =	vst v2  }
0x34: {  	v2 =	vld [tilespmem:$0x400];
	[tilespmem:$0x1140] =	vst v5  }
0x35: {  	v5 =	vld [tilespmem:$0x380];
	[tilespmem:$0x1130] =	vst v4  }
0x36: {  	v4 =	vld [tilespmem:$0x300];
	[tilespmem:$0x1120] =	vst v3  }
0x37: {  	v3 =	vld [tilespmem:$0x200];
	[tilespmem:$0x1110] =	vst v0  }
0x38: {  	v0 =	vld [tilespmem:$0x280];
	[tilespmem:$0x1100] =	vst v1  }
0x39: {  	v1 =	vld [tilespmem:$0x80];
	[tilespmem:$0x10F0] =	vst v2  }
0x3a: {  	v2 =	vld [tilespmem:$0x180];
	[tilespmem:$0x10E0] =	vst v5  }
0x3b: {  	v5 =	vld [tilespmem:$0x100];
	[tilespmem:$0x10D0] =	vst v4  }
0x3c: {  	[tilespmem:$0x10B0] =	vst v3  }
0x3d: {  	[tilespmem:$0x10C0] =	vst v0  }
0x3e: {  	[tilespmem:$0x1080] =	vst v1  }
0x3f: {  	[tilespmem:$0x10A0] =	vst v2  }
0x40: {  	[tilespmem:$0x1090] =	vst v5  }
0x41: {  	[tilespmem:s15], [sflag:$0x2] =	stream.indirect.gather [hbm4b:s4+s13], $0x80, s14, s13, $0xb8;
	[tilespmem:$0x11280] =	vst v63  }
0x42: {  	_ =	swait.ge [sflag:s16], $0x10000  }
0x43: {  	[sflag:s16] =	ssyncset.done $0x0  }
0x44: {  	[sflag:s16] =	ssyncadd.s32 $0xFFFF0000  }
0x45: {  	[hbm4b:s18+s3] =	stream.linear.scatter [tilespmem:s15], [sflag:$0x3], $0x10000, $0x38;
	[tilespmem:$0x11280] =	vst v63  }
0x46: {  	s18 =	smov.u32 s21;
	_ =	swait.ge [sflag:s9], $0x10000  }
0x47: {  	[sflag:s9] =	ssyncset.done $0x0  }
0x48: {  	s22 =	sadd.s32 s22, s8;
	[sflag:s9] =	ssyncadd.s32 $0xFFFF0000  }
0x49: {  	[tilespmem:s3], [sflag:$0x3] =	stream.linear.gather [hbm4b:s22+s3], $0x20, $0x38;
	[tilespmem:$0x11280] =	vst v63  }
0x4a: {  	_ =	swait.ge [sflag:s9], $0x20  }
0x4b: {  	[sflag:s9] =	ssyncset.done $0x0  }
0x4c: {  	[sflag:s9] =	ssyncadd.s32 $0xFFFFFFE0  }
0x4d: {  	[tilespmem:s11], [sflag:$0x1] =	stream.indirect.gather [hbm4b:s2+s10], $0x80, s3, s10, $0xb8;
	[tilespmem:$0x11280] =	vst v63  }
0x4e: {  	_ =	swait.ge [sflag:s12], $0x1000  }
0x4f: {  	[sflag:s12] =	ssyncset.done $0x0  }
0x50: {  	[sflag:s12] =	ssyncadd.s32 $0xFFFFF000  }
0x51: {  	[hbm4b:s20+s3] =	stream.linear.scatter [tilespmem:s11], [sflag:$0x3], $0x1000, $0x38;
	[tilespmem:$0x11280] =	vst v63  }
0x52: {  	_ =	swait.ge [sflag:s9], $0x1000  }
0x53: {  	[sflag:s9] =	ssyncset.done $0x0  }
0x54: {  	[sflag:s9] =	ssyncadd.s32 $0xFFFFF000  }
0x55: {  	v0 =	vld [tilespmem:$0x1000]  }
0x56: {  	v1 =	vld [tilespmem:$0xF00]  }
0x57: {  	v2 =	vld [tilespmem:$0xF80]  }
0x58: {  	v3 =	vld [tilespmem:$0xE00]  }
0x59: {  	v5 =	vld [tilespmem:$0xE80]  }
0x5a: {  	v6 =	vld [tilespmem:$0xD00];
	[tilespmem:$0x1270] =	vst v0  }
0x5b: {  	v7 =	vld [tilespmem:$0xD80];
	[tilespmem:$0x1250] =	vst v1  }
0x5c: {  	v8 =	vld [tilespmem:$0xC00];
	[tilespmem:$0x1260] =	vst v2  }
.Ltmp0:
0x5d: {  	v4 =	vld [tilespmem:$0xC80];
	[tilespmem:$0x1230] =	vst v3;
	(pc) =	sbr.rel @p0 .LBB2_2-.Ltmp0, $4  }
0x5e: {  	v3 =	vld [tilespmem:$0xB00];
	[tilespmem:$0x1240] =	vst v5  }
0x5f: {  	v0 =	vld [tilespmem:$0xB80];
	[tilespmem:$0x1210] =	vst v6  }
0x60: {  	v1 =	vld [tilespmem:$0xA00];
	[tilespmem:$0x1220] =	vst v7  }
0x61: {  	v2 =	vld [tilespmem:$0xA80];
	[tilespmem:$0x11F0] =	vst v8  }
0x62: {  	v5 =	vld [tilespmem:$0x900];
	[tilespmem:$0x1200] =	vst v4  }
0x63: {  	v46 =	vld [tilespmem:$0x980];
	[tilespmem:$0x11D0] =	vst v3  }
0x64: {  	v47 =	vld [tilespmem:$0x800];
	[tilespmem:$0x11E0] =	vst v0  }
0x65: {  	v48 =	vld [tilespmem:$0x880];
	[tilespmem:$0x11B0] =	vst v1  }
0x66: {  	v49 =	vld [tilespmem:$0x780];
	[tilespmem:$0x11C0] =	vst v2  }
0x67: {  	v50 =	vld [tilespmem:$0x700];
	[tilespmem:$0x1190] =	vst v5  }
0x68: {  	v51 =	vld [tilespmem:$0x680];
	[tilespmem:$0x11A0] =	vst v46  }
0x69: {  	v52 =	vld [tilespmem:$0x600];
	[tilespmem:$0x1170] =	vst v47  }
0x6a: {  	v53 =	vld [tilespmem:$0x580];
	[tilespmem:$0x1180] =	vst v48  }
0x6b: {  	v54 =	vld [tilespmem:$0x500];
	[tilespmem:$0x1160] =	vst v49  }
0x6c: {  	v55 =	vld [tilespmem:$0x480];
	[tilespmem:$0x1150] =	vst v50  }
0x6d: {  	v56 =	vld [tilespmem:$0x400];
	[tilespmem:$0x1140] =	vst v51  }
0x6e: {  	v57 =	vld [tilespmem:$0x380];
	[tilespmem:$0x1130] =	vst v52  }
0x6f: {  	v58 =	vld [tilespmem:$0x300];
	[tilespmem:$0x1120] =	vst v53  }
0x70: {  	v59 =	vld [tilespmem:$0x200];
	[tilespmem:$0x1110] =	vst v54  }
0x71: {  	v60 =	vld [tilespmem:$0x280];
	[tilespmem:$0x1100] =	vst v55  }
0x72: {  	v61 =	vld [tilespmem:$0x80];
	[tilespmem:$0x10F0] =	vst v56  }
0x73: {  	v62 =	vld [tilespmem:$0x180];
	[tilespmem:$0x10E0] =	vst v57  }
0x74: {  	v63 =	vld [tilespmem:$0x100];
	[tilespmem:$0x10D0] =	vst v58  }
0x75: {  	[tilespmem:$0x10B0] =	vst v59  }
0x76: {  	[tilespmem:$0x10C0] =	vst v60  }
0x77: {  	[tilespmem:$0x1080] =	vst v61  }
0x78: {  	[tilespmem:$0x10A0] =	vst v62  }
0x79: {  	[tilespmem:$0x1090] =	vst v63  }
0x7a: {  	[tilespmem:s15], [sflag:$0x2] =	stream.indirect.gather [hbm4b:s4+s13], $0x80, s14, s13, $0xb8;
	[tilespmem:$0x11280] =	vst v63  }
0x7b: {  	s17 =	sadd.s32 $0x1, s17;
	_ =	swait.ge [sflag:s16], $0x10000  }
0x7c: {  	p0 =	sne.s32 s17, s5;
	[sflag:s16] =	ssyncset.done $0x0  }
.Ltmp1:
0x7d: {  	[sflag:s16] =	ssyncadd.s32 $0xFFFF0000;
	(pc) =	sbr.rel @p0 .LBB2_1-.Ltmp1, $4  }
0x7e: {  	[hbm4b:s18+s3] =	stream.linear.scatter [tilespmem:s15], [sflag:$0x3], $0x10000, $0x38;
	[tilespmem:$0x11280] =	vst v63  }
0x7f: {  	_ =	swait.ge [sflag:s9], $0x10000  }
0x80: {  	[sflag:s9] =	ssyncset.done $0x0  }
0x81: {  	[sflag:s9] =	ssyncadd.s32 $0xFFFF0000  }
0x82: {  	_ =	sfence.sel $0x180000  }
0x83: {  	[bflag:$0x0] =	sbarrier.arrive $0xFFFF  }
0x84: {  	p0 =	sne.s32 s0, $0x0;
	_ =	strace $0x90000047  }
0x85: {  	s0 =	sadd.s32 @!p0 $0x100000, s1;
	[bflag:$0x2] =	sbarrier.arrive $0xFFFF  }
0x86: {  	[sflag:s0] =	ssyncadd.tile.s32 @!p0 $0x1;
	_ =	shalt  }
.Lfunc_end2:
_tile_overlayer_lowered:
.L_overlay_start_2:
0x87: {  	(tag) =	ssettag $0x2  }
0x88: {  	s0 =	rddreg [dreg:$0x0];
	s2 =	stileid.u32  }
0x89: {  	s1 =	rddreg [dreg:$0x1];
	p0 =	sne.s32 s2, $0x0  }
0x8a: {  	s3 =	rddreg [dreg:$0x2];
	[bflag:$0x3] =	sbarrier.arrive $0xFFFF;
	s2 =	simm.s32 @!p0 $0x1C03  }
0x8b: {  	[timem:s3], [sflag:s2] =	dma.local @!p0 [hbm:s0], s1  }
0x8c: {  	s0 =	simm.s32 @!p0 $0x3  }
0x8d: {  	_ =	swait.ge @!p0 [sflag:s0], s1  }
0x8e: {  	s1 =	ssub.s32 @!p0 $0x0, s1;
	[sflag:s0] =	ssyncset.done @!p0 $0x0  }
0x8f: {  	[sflag:s0] =	ssyncadd.s32 @!p0 s1  }
0x90: {  	[bflag:$0x3] =	sbarrier.arrive $0xFFFF  }
0x91: {  	_ =	shalt  }

// kernel: kernel.16.cloned.1.call-start
scs
__scs_entry_jumppad:
0x0: {  	(pc) =	sbr.rel $0x88, $3  }
0x1: {  	(tag) =	ssettag $0x0;
	lr =	simm.s32 $0x1  }
0x2: {  	[smem:$0x3F95] =	sst lr;
	_ =	strace $0xD0000000  }
0x3: {  	_ = 	snop  }
0x4: {  	_ = 	snop  }
0x5: {  	_ = 	snop  }
0x6: {  	_ = 	snop  }
0x7: {  	_ = 	snop  }
__scs_overlays_trampoline_lowered:
0x8: {  	[smem:$0x3FA4] =	sst s0  }
0x9: {  	[smem:$0x3FA5] =	sst s1  }
0xa: {  	[smem:$0x3FA6] =	sst s2  }
0xb: {  	[smem:$0x3FA7] =	sst s3  }
0xc: {  	[smem:$0x3FA8] =	sst s4  }
0xd: {  	[smem:$0x3FA9] =	sst s5  }
0xe: {  	[smem:$0x3FAA] =	sst s6  }
0xf: {  	[smem:$0x3FAB] =	sst s7  }
0x10: {  	[smem:$0x3FAC] =	sst s8  }
0x11: {  	[smem:$0x3FAD] =	sst s9;
	s0 =	simm.s32 @!p0 $0x0  }
0x12: {  	s1 =	sld [smem:$0x3F93];
	s0 =	simm.s32 @p0 $0x1  }
0x13: {  	[smem:$0x3FAE] =	sst s0;
	s0 =	simm.s32 @!p1 $0x0  }
0x14: {  	s2 =	sld [smem:$0x3F92];
	s0 =	simm.s32 @p1 $0x1  }
0x15: {  	[smem:$0x3FAF] =	sst s0;
	s0 =	simm.s32 @!p2 $0x0  }
0x16: {  	s3 =	sld [smem:$0x3FDB];
	s0 =	simm.s32 @p2 $0x1  }
0x17: {  	s4 =	simm.s32 $0x1BF5;
	[smem:$0x3FB1] =	sst s0  }
0x18: {  	s0 =	sld [smem:$0x3F94];
	_ =	swait.ge [sflag:s4], $0x0  }
0x19: {  	s7 =	sld [smem:$0x3F95]  }
0x1a: {  	s8 =	sadd.s32 $0xFFFFE003, lr  }
0x1b: {  	s9 =	sadd.s32 $0xFFFFFEF7, lr;
	s5 =	simm.s32 $0xFFFFFFFF;
	p2 =	slt.u32 s8, $0xFFFFF086  }
0x1c: {  	p1 =	slt.u32 s9, $0xF7A;
	s5 =	simm.s32 @!p2 $0x0  }
0x1d: {  	s5 =	simm.s32 @p1 $0x1;
	p0 =	seq.s32 s7, s2  }
0x1e: {  	s7 =	smul.u32 @!p0 $0xF7A, s2;
	p2 =	seq.s32 @!p0 s5, $0x0  }
0x1f: {  	s9 =	smul.u32 $0xF7A, s1;
	s8 =	simm.s32 @!p0 $0x1BF5;
	p2 =	por !p2, p0  }
0x20: {  	[sflag:s8] =	ssyncset.s32 @!p0 $0xFFFFF086;
	s6 =	sadd.s32 @!p0 s3, s7;
	s7 =	simm.s32 @!p0 $0x108  }
0x21: {  	s3 =	sadd.s32 s3, s9;
	s6 =	sadd.s32 @!p0 $0x88, s6;
	s7 =	simm.s32 @p2 $0x1082  }
0x22: {  	[simem:s7], [sflag:s8] =	dma.local @!p0 [hbm:s6], $0xF7A  }
0x23: {  	s9 =	sor.u32 $0xD0000000, s2;
	s6 =	simm.s32 $0x108;
	_ =	swait.ge @!p0 [sflag:s8], $0x0  }
0x24: {  	s3 =	sadd.s32 $0x88, s3;
	s6 =	simm.s32 @!p1 $0x1082;
	[sflag:s4] =	ssyncset.s32 $0xFFFFF086  }
0x25: {  	[simem:s6], [sflag:s4] =	dma.local [hbm:s3], $0xF7A  }
0x26: {  	[smem:$0x3F95] =	sst s1;
	(tag) =	ssettag s2;
	_ =	strace s9  }
0x27: {  	s1 =	sld [smem:$0x3FA5]  }
0x28: {  	s2 =	sld [smem:$0x3FA6]  }
0x29: {  	s4 =	sld [smem:$0x3FA8]  }
0x2a: {  	p0 =	seq.s32 s5, $0x0;
	s5 =	sld [smem:$0x3FA9]  }
0x2b: {  	s6 =	sld [smem:$0x3FAA]  }
0x2c: {  	s7 =	sld [smem:$0x3FAB]  }
0x2d: {  	s3 =	simm.s32 $0x108;
	s8 =	sld [smem:$0x3FAC]  }
0x2e: {  	s3 =	simm.s32 @!p0 $0x1082;
	s9 =	sld [smem:$0x3FAD]  }
0x2f: {  	lr =	sadd.s32 s0, s3;
	s0 =	sld [smem:$0x3FA4]  }
0x30: {  	s3 =	sld [smem:$0x3FA7]  }
0x31: {  	[smem:$0x3FB0] =	sst s10  }
0x32: {  	s10 =	sld [smem:$0x3FAE];
	_ =	sdelay $0x3  }
0x33: {  	p0 =	seq.s32 s10, $0x1;
	s10 =	sld [smem:$0x3FB0];
	_ =	sdelay $0x3  }
0x34: {  	[smem:$0x3FB0] =	sst s10  }
0x35: {  	s10 =	sld [smem:$0x3FAF];
	_ =	sdelay $0x3  }
0x36: {  	p1 =	seq.s32 s10, $0x1;
	s10 =	sld [smem:$0x3FB0];
	_ =	sdelay $0x3  }
0x37: {  	[smem:$0x3FB0] =	sst s10  }
0x38: {  	s10 =	sld [smem:$0x3FB1]  }
0x39: {  	_ = 	snop;
	(pc) =	sbr.ind lr, $3  }
0x3a: {  	_ = 	snop  }
0x3b: {  	_ = 	snop  }
0x3c: {  	p2 =	seq.s32 s10, $0x1;
	s10 =	sld [smem:$0x3FB0]  }
0x3d: {  	_ =	shalt  }
0x3e: {  	_ =	shalt  }
0x3f: {  	_ =	shalt  }
0x40: {  	_ =	shalt  }
0x41: {  	_ =	shalt  }
0x42: {  	_ =	shalt  }
0x43: {  	_ =	shalt  }
0x44: {  	_ =	shalt  }
0x45: {  	_ =	shalt  }
0x46: {  	_ =	shalt  }
0x47: {  	_ =	shalt  }
0x48: {  	_ =	shalt  }
0x49: {  	_ =	shalt  }
0x4a: {  	_ =	shalt  }
0x4b: {  	_ =	shalt  }
0x4c: {  	_ =	shalt  }
0x4d: {  	_ =	shalt  }
0x4e: {  	_ =	shalt  }
0x4f: {  	_ =	shalt  }
0x50: {  	_ =	shalt  }
0x51: {  	_ =	shalt  }
0x52: {  	_ =	shalt  }
0x53: {  	_ =	shalt  }
0x54: {  	_ =	shalt  }
0x55: {  	_ =	shalt  }
0x56: {  	_ =	shalt  }
0x57: {  	_ =	shalt  }
0x58: {  	_ =	shalt  }
0x59: {  	_ =	shalt  }
0x5a: {  	_ =	shalt  }
0x5b: {  	_ =	shalt  }
0x5c: {  	_ =	shalt  }
0x5d: {  	_ =	shalt  }
0x5e: {  	_ =	shalt  }
0x5f: {  	_ =	shalt  }
0x60: {  	_ =	shalt  }
0x61: {  	_ =	shalt  }
0x62: {  	_ =	shalt  }
0x63: {  	_ =	shalt  }
0x64: {  	_ =	shalt  }
0x65: {  	_ =	shalt  }
0x66: {  	_ =	shalt  }
0x67: {  	_ =	shalt  }
0x68: {  	_ =	shalt  }
0x69: {  	_ =	shalt  }
0x6a: {  	_ =	shalt  }
0x6b: {  	_ =	shalt  }
0x6c: {  	_ =	shalt  }
0x6d: {  	_ =	shalt  }
0x6e: {  	_ =	shalt  }
0x6f: {  	_ =	shalt  }
0x70: {  	_ =	shalt  }
0x71: {  	_ =	shalt  }
0x72: {  	_ =	shalt  }
0x73: {  	_ =	shalt  }
0x74: {  	_ =	shalt  }
0x75: {  	_ =	shalt  }
0x76: {  	_ =	shalt  }
0x77: {  	_ =	shalt  }
0x78: {  	_ =	shalt  }
0x79: {  	_ =	shalt  }
0x7a: {  	_ =	shalt  }
0x7b: {  	_ =	shalt  }
0x7c: {  	_ =	shalt  }
0x7d: {  	_ =	shalt  }
0x7e: {  	_ =	shalt  }
0x7f: {  	_ =	shalt  }
0x80: {  	_ =	shalt  }
0x81: {  	_ =	shalt  }
0x82: {  	_ =	shalt  }
0x83: {  	_ =	shalt  }
0x84: {  	_ =	shalt  }
0x85: {  	_ =	shalt  }
0x86: {  	_ =	shalt  }
0x87: {  	_ =	shalt  }
.Lfunc_end0:
.L_simem_size_0:
called_computation.1_lowered:
.L_overlay_start_0:
0x88: {  	s2 =	sld [smem:$0x3FD9]  }
0x89: {  	s3 =	sld [smem:$0x3FFE];
	_ =	sdelay $0x1  }
0x8a: {  	s1 =	srdreg.scid  }
0x8b: {  	s0 =	sand.u32 $0x1, s1  }
0x8c: {  	s17 =	sshll.u32 s0, $0xA;
	s2 =	sadd.s32 s3, s2  }
0x8d: {  	s2 =	sadd.s32 s2, s17  }
0x8e: {  	[smem:$0x3FBC] =	sst s2  }
0x8f: {  	_ = 	snop  }
0x90: {  	s2 =	sld [smem:$0x3FD0];
	(tm) =	ssettm $0x1  }
0x91: {  	s18 =	sld [smem:$0x3FFB];
	_ =	sdelay $0x3  }
0x92: {  	_ =	strace s18  }
0x93: {  	s3 =	sld [smem:$0x3FFC];
	_ =	sdelay $0x3  }
0x94: {  	_ =	strace s3  }
0x95: {  	s3 =	sld [smem:$0x3FFD];
	_ =	sdelay $0x3  }
0x96: {  	_ =	strace s3  }
0x97: {  	_ =	strace $0x8FFFFFFF  }
0x98: {  	s19 =	sld [smem:$0x3FDB];
	_ =	sdelay $0x1  }
0x99: {  	s4 =	simm.s32 $_scs_section_size  }
0x9a: {  	s5 =	simm.s32 $_size__tile_overlayer_lowered;
	s6 =	simm.s32 $_tile_overlayer_lowered  }
0x9b: {  	s22 =	simm.s32 $0x1BFF;
	s21 =	sshll.u32 s6, $0x1;
	s3 =	sadd.s32 s4, s19  }
0x9c: {  	s7 =	simm.s32 $0x0;
	s20 =	sshll.u32 s5, $0x1;
	s5 =	sadd.s32 s21, s3  }
0x9d: {  	[timem:s7], [sflag:s22] =	dma.local [hbm:s5], s20  }
0x9e: {  	_ =	swait.ge [sflag:s22], s20  }
0x9f: {  	s4 =	ssub.s32 $0x0, s20;
	[sflag:s22] =	ssyncset.done $0x0  }
0xa0: {  	[sflag:s22] =	ssyncadd.s32 s4;
	_ =	sdelay $0x1  }
0xa1: {  	s23 =	simm.s32 $0x1B8B  }
0xa2: {  	_ =	swait.ge [sflag:s23], $0x1  }
0xa3: {  	[sflag:s23] =	ssyncset.done $0x0  }
0xa4: {  	s25 =	simm.s32 $0x1B8E;
	s24 =	sld [smem:$0x3FFE];
	[sflag:s23] =	ssyncadd.s32 $0xFFFFFFFF  }
0xa5: {  	s26 =	simm.s32 $execute0_lowered;
	[smem:$0x3FD2] =	sst s25  }
0xa6: {  	s5 =	sshll.u32 s26, $0x1;
	_ =	strace $0x80000049;
	[dreg:$0x1] =	wrdreg $0xFFFFFFFF  }
0xa7: {  	s28 =	simm.s32 $_size_execute0_lowered;
	s3 =	sadd.s32 s3, s5;
	[dreg:$0x0] =	wrdreg $0x0  }
0xa8: {  	s5 =	sshll.u32 s28, $0x1;
	[dreg:$0x2] =	wrdreg s3  }
0xa9: {  	[dreg:$0x3] =	wrdreg s5  }
0xaa: {  	[dreg:$0x4] =	wrdreg $0xC0  }
0xab: {  	_ =	task [dreg:s7], $0x5FFFF  }
0xac: {  	[dreg:$0x1] =	wrdreg $0xFFFFFFFF  }
0xad: {  	[dreg:$0x0] =	wrdreg $0x60  }
0xae: {  	[dreg:$0x2] =	wrdreg s24  }
0xaf: {  	[dreg:$0x3] =	wrdreg s2  }
0xb0: {  	[dreg:$0x4] =	wrdreg $0x9  }
0xb1: {  	_ =	task.clear_ibuf [dreg:s7], $0x5FFFF;
	_ =	strace $0x90000049  }
0xb2: {  	s29 =	simm.s32 $0x9;
	_ =	strace $0x8000004B  }
0xb3: {  	_ =	swait.ge [sflag:s29], $0x1  }
0xb4: {  	[sflag:s29] =	ssyncadd.s32 $0xFFFFFFFF  }
0xb5: {  	_ =	strace $0x9000004B  }
0xb6: {  	_ =	sfence  }
0xb7: {  	s30 =	sld [smem:$0x0];
	_ =	sdelay $0x2  }
0xb8: {  	s31 =	sshll.u32 s1, $0xD;
	s1 =	sshrl.u32 s1, $0x2  }
0xb9: {  	s3 =	sand.u32 $0x4000, s31;
	s1 =	sadd.s32 s1, s30  }
0xba: {  	s0 =	sor.u32 s3, s0;
	s1 =	sshll.u32 s1, $0x11  }
0xbb: {  	s0 =	sor.u32 s1, s0  }
0xbc: {  	s0 =	sadd.s32 $0x8F2B, s0  }
0xbd: {  	[sflag:s0] =	ssyncadd.remote.s32 $0x1  }
0xbe: {  	_ =	sfence.sel $0xFFFF  }
0xbf: {  	[dreg:$0x0] =	wrdreg $0xFFFFFFFF;
	(pc) =	sbr.abs _section_cstart, $3  }
0xc0: {  	[dreg:$0x1] =	wrdreg $0xFFFFFFFF  }
0xc1: {  	_ =	task.clear_ibuf [dreg:s7], $0x2FFFF;
	_ =	strace $0x9FFFFFFF  }
0xc2: {  	(tm) =	ssettm $0x7FFFFFFF  }
0xc3: {  	_ =	shalt  }
tec
execute0_lowered:
.L_overlay_start_1:
0x0: {  	(tag) =	ssettag $0x1  }
0x1: {  	s1 =	srdreg.scid  }
0x2: {  	s0 =	stileid.u32;
	s5 =	rddreg [dreg:$0x0]  }
0x3: {  	s2 =	rddreg [dreg:$0x1];
	s3 =	simm.s32 $0x0;
	s4 =	smul.u32 $0x280, s0  }
0x4: {  	s13 =	simm.s32 $0x200;
	s14 =	simm.s32 $0x1080;
	s30 =	smul.u32 $0x2800, s0  }
0x5: {  	s15 =	simm.s32 $0x1280;
	s6 =	sand.u32 $0x1, s1;
	s8 =	smul.u32 $0x28000, s0  }
0x6: {  	s16 =	simm.s32 $0x2;
	s1 =	rddreg [dreg:$0x2];
	s7 =	smul.u32 $0x140, s6  }
0x7: {  	s17 =	simm.s32 $0x0;
	[smem:$0x7FF] =	sst s3;
	s11 =	smul.u32 $0x1400, s6  }
0x8: {  	_ =	strace $0x8000004A;
	s10 =	ssub.s32 $0x2, s6;
	s6 =	smul.u32 $0x14000, s6  }
0x9: {  	s12 =	sshrl.u32 s10, $0x1;
	s8 =	sadd.s32 s8, s5;
	s4 =	sadd.s32 s7, s4  }
0xa: {  	s7 =	sadd.s32 s30, s5;
	s31 =	ssub.s32 s10, s12;
	s8 =	sadd.s32 s6, s8  }
0xb: {  	s10 =	simm.s32 $0x20;
	s12 =	simm.s32 $0x1;
	s4 =	sshrl.u32 s4, $0x3  }
0xc: {  	s7 =	sadd.s32 s11, s7;
	s11 =	simm.s32 $0x80;
	s9 =	sadd.s32 s4, s5  }
0xd: {  	s4 =	sadd.s32 $0xA1000, s5;
	s5 =	smax.u32 s31, $0x1;
	s6 =	sadd.s32 $0x5000, s7  }
0xe: {  	s7 =	sadd.s32 $0xEF400, s8;
	s8 =	sadd.s32 $0x4A00, s9;
	s9 =	simm.s32 $0x3  }
.LBB2_1:
0xf: {  	s18 =	sadd.s32 $0x0, s8  }
0x10: {  	[tilespmem:s3], [sflag:$0x3] =	stream.linear.gather [hbm4b:s18+s3], $0x20, $0x38;
	[tilespmem:$0x11280] =	vst v63  }
0x11: {  	_ =	swait.ge [sflag:s9], $0x20  }
0x12: {  	[sflag:s9] =	ssyncset.done $0x0  }
0x13: {  	[sflag:s9] =	ssyncadd.s32 $0xFFFFFFE0  }
0x14: {  	[tilespmem:s11], [sflag:$0x1] =	stream.indirect.gather [hbm4b:s2+s10], $0x80, s3, s10, $0xb8;
	[tilespmem:$0x11280] =	vst v63  }
0x15: {  	_ =	swait.ge [sflag:s12], $0x1000  }
0x16: {  	[sflag:s12] =	ssyncset.done $0x0  }
0x17: {  	[sflag:s12] =	ssyncadd.s32 $0xFFFFF000  }
0x18: {  	[hbm4b:s6+s3] =	stream.linear.scatter [tilespmem:s11], [sflag:$0x3], $0x1000, $0x38;
	[tilespmem:$0x11280] =	vst v63  }
0x19: {  	_ =	swait.ge [sflag:s9], $0x1000  }
0x1a: {  	[sflag:s9] =	ssyncset.done $0x0  }
0x1b: {  	[sflag:s9] =	ssyncadd.s32 $0xFFFFF000  }
0x1c: {  	v0 =	vld [tilespmem:$0x1000]  }
0x1d: {  	v1 =	vld [tilespmem:$0xF00]  }
0x1e: {  	v2 =	vld [tilespmem:$0xF80]  }
0x1f: {  	v3 =	vld [tilespmem:$0xE00]  }
0x20: {  	v5 =	vld [tilespmem:$0xE80]  }
0x21: {  	v6 =	vld [tilespmem:$0xD00];
	[tilespmem:$0x1270] =	vst v0  }
0x22: {  	v7 =	vld [tilespmem:$0xD80];
	[tilespmem:$0x1250] =	vst v1  }
0x23: {  	v8 =	vld [tilespmem:$0xC00];
	[tilespmem:$0x1260] =	vst v2  }
0x24: {  	v4 =	vld [tilespmem:$0xC80];
	[tilespmem:$0x1230] =	vst v3  }
0x25: {  	v3 =	vld [tilespmem:$0xB00];
	[tilespmem:$0x1240] =	vst v5  }
0x26: {  	v0 =	vld [tilespmem:$0xB80];
	[tilespmem:$0x1210] =	vst v6  }
0x27: {  	s19 =	simm.s32 $0x4;
	v1 =	vld [tilespmem:$0xA00];
	[tilespmem:$0x1220] =	vst v7  }
0x28: {  	s20 =	smov.u32 s6;
	s21 =	smov.u32 s7;
	s18 =	smov.u32 s7;
	v2 =	vld [tilespmem:$0xA80];
	[tilespmem:$0x11F0] =	vst v8  }
.LBB2_2:
0x29: {  	p0 =	sne.s32 s19, $0x24;
	v5 =	vld [tilespmem:$0x900];
	[tilespmem:$0x1200] =	vst v4;
	s20 =	sadd.s32 $0x200, s20;
	s21 =	sadd.s32 $0x2000, s21  }
0x2a: {  	s22 =	smov.u32 s19;
	s19 =	sadd.s32 $0x4, s19;
	v4 =	vld [tilespmem:$0x980];
	[tilespmem:$0x11D0] =	vst v3  }
0x2b: {  	v3 =	vld [tilespmem:$0x800];
	[tilespmem:$0x11E0] =	vst v0  }
0x2c: {  	v0 =	vld [tilespmem:$0x880];
	[tilespmem:$0x11B0] =	vst v1  }
0x2d: {  	v1 =	vld [tilespmem:$0x780];
	[tilespmem:$0x11C0] =	vst v2  }
0x2e: {  	v2 =	vld [tilespmem:$0x700];
	[tilespmem:$0x1190] =	vst v5  }
0x2f: {  	v5 =	vld [tilespmem:$0x680];
	[tilespmem:$0x11A0] =	vst v4  }
0x30: {  	v4 =	vld [tilespmem:$0x600];
	[tilespmem:$0x1170] =	vst v3  }
0x31: {  	v3 =	vld [tilespmem:$0x580];
	[tilespmem:$0x1180] =	vst v0  }
0x32: {  	v0 =	vld [tilespmem:$0x500];
	[tilespmem:$0x1160] =	vst v1  }
0x33: {  	v1 =	vld [tilespmem:$0x480];
	[tilespmem:$0x1150] =	vst v2  }
0x34: {  	v2 =	vld [tilespmem:$0x400];
	[tilespmem:$0x1140] =	vst v5  }
0x35: {  	v5 =	vld [tilespmem:$0x380];
	[tilespmem:$0x1130] =	vst v4  }
0x36: {  	v4 =	vld [tilespmem:$0x300];
	[tilespmem:$0x1120] =	vst v3  }
0x37: {  	v3 =	vld [tilespmem:$0x200];
	[tilespmem:$0x1110] =	vst v0  }
0x38: {  	v0 =	vld [tilespmem:$0x280];
	[tilespmem:$0x1100] =	vst v1  }
0x39: {  	v1 =	vld [tilespmem:$0x80];
	[tilespmem:$0x10F0] =	vst v2  }
0x3a: {  	v2 =	vld [tilespmem:$0x180];
	[tilespmem:$0x10E0] =	vst v5  }
0x3b: {  	v5 =	vld [tilespmem:$0x100];
	[tilespmem:$0x10D0] =	vst v4  }
0x3c: {  	[tilespmem:$0x10B0] =	vst v3  }
0x3d: {  	[tilespmem:$0x10C0] =	vst v0  }
0x3e: {  	[tilespmem:$0x1080] =	vst v1  }
0x3f: {  	[tilespmem:$0x10A0] =	vst v2  }
0x40: {  	[tilespmem:$0x1090] =	vst v5  }
0x41: {  	[tilespmem:s15], [sflag:$0x2] =	stream.indirect.gather [hbm4b:s4+s13], $0x80, s14, s13, $0xb8;
	[tilespmem:$0x11280] =	vst v63  }
0x42: {  	_ =	swait.ge [sflag:s16], $0x10000  }
0x43: {  	[sflag:s16] =	ssyncset.done $0x0  }
0x44: {  	[sflag:s16] =	ssyncadd.s32 $0xFFFF0000  }
0x45: {  	[hbm4b:s18+s3] =	stream.linear.scatter [tilespmem:s15], [sflag:$0x3], $0x10000, $0x38;
	[tilespmem:$0x11280] =	vst v63  }
0x46: {  	s18 =	smov.u32 s21;
	_ =	swait.ge [sflag:s9], $0x10000  }
0x47: {  	[sflag:s9] =	ssyncset.done $0x0  }
0x48: {  	s22 =	sadd.s32 s22, s8;
	[sflag:s9] =	ssyncadd.s32 $0xFFFF0000  }
0x49: {  	[tilespmem:s3], [sflag:$0x3] =	stream.linear.gather [hbm4b:s22+s3], $0x20, $0x38;
	[tilespmem:$0x11280] =	vst v63  }
0x4a: {  	_ =	swait.ge [sflag:s9], $0x20  }
0x4b: {  	[sflag:s9] =	ssyncset.done $0x0  }
0x4c: {  	[sflag:s9] =	ssyncadd.s32 $0xFFFFFFE0  }
0x4d: {  	[tilespmem:s11], [sflag:$0x1] =	stream.indirect.gather [hbm4b:s2+s10], $0x80, s3, s10, $0xb8;
	[tilespmem:$0x11280] =	vst v63  }
0x4e: {  	_ =	swait.ge [sflag:s12], $0x1000  }
0x4f: {  	[sflag:s12] =	ssyncset.done $0x0  }
0x50: {  	[sflag:s12] =	ssyncadd.s32 $0xFFFFF000  }
0x51: {  	[hbm4b:s20+s3] =	stream.linear.scatter [tilespmem:s11], [sflag:$0x3], $0x1000, $0x38;
	[tilespmem:$0x11280] =	vst v63  }
0x52: {  	_ =	swait.ge [sflag:s9], $0x1000  }
0x53: {  	[sflag:s9] =	ssyncset.done $0x0  }
0x54: {  	[sflag:s9] =	ssyncadd.s32 $0xFFFFF000  }
0x55: {  	v0 =	vld [tilespmem:$0x1000]  }
0x56: {  	v1 =	vld [tilespmem:$0xF00]  }
0x57: {  	v2 =	vld [tilespmem:$0xF80]  }
0x58: {  	v3 =	vld [tilespmem:$0xE00]  }
0x59: {  	v5 =	vld [tilespmem:$0xE80]  }
0x5a: {  	v6 =	vld [tilespmem:$0xD00];
	[tilespmem:$0x1270] =	vst v0  }
0x5b: {  	v7 =	vld [tilespmem:$0xD80];
	[tilespmem:$0x1250] =	vst v1  }
0x5c: {  	v8 =	vld [tilespmem:$0xC00];
	[tilespmem:$0x1260] =	vst v2  }
.Ltmp0:
0x5d: {  	v4 =	vld [tilespmem:$0xC80];
	[tilespmem:$0x1230] =	vst v3;
	(pc) =	sbr.rel @p0 .LBB2_2-.Ltmp0, $4  }
0x5e: {  	v3 =	vld [tilespmem:$0xB00];
	[tilespmem:$0x1240] =	vst v5  }
0x5f: {  	v0 =	vld [tilespmem:$0xB80];
	[tilespmem:$0x1210] =	vst v6  }
0x60: {  	v1 =	vld [tilespmem:$0xA00];
	[tilespmem:$0x1220] =	vst v7  }
0x61: {  	v2 =	vld [tilespmem:$0xA80];
	[tilespmem:$0x11F0] =	vst v8  }
0x62: {  	v5 =	vld [tilespmem:$0x900];
	[tilespmem:$0x1200] =	vst v4  }
0x63: {  	v46 =	vld [tilespmem:$0x980];
	[tilespmem:$0x11D0] =	vst v3  }
0x64: {  	v47 =	vld [tilespmem:$0x800];
	[tilespmem:$0x11E0] =	vst v0  }
0x65: {  	v48 =	vld [tilespmem:$0x880];
	[tilespmem:$0x11B0] =	vst v1  }
0x66: {  	v49 =	vld [tilespmem:$0x780];
	[tilespmem:$0x11C0] =	vst v2  }
0x67: {  	v50 =	vld [tilespmem:$0x700];
	[tilespmem:$0x1190] =	vst v5  }
0x68: {  	v51 =	vld [tilespmem:$0x680];
	[tilespmem:$0x11A0] =	vst v46  }
0x69: {  	v52 =	vld [tilespmem:$0x600];
	[tilespmem:$0x1170] =	vst v47  }
0x6a: {  	v53 =	vld [tilespmem:$0x580];
	[tilespmem:$0x1180] =	vst v48  }
0x6b: {  	v54 =	vld [tilespmem:$0x500];
	[tilespmem:$0x1160] =	vst v49  }
0x6c: {  	v55 =	vld [tilespmem:$0x480];
	[tilespmem:$0x1150] =	vst v50  }
0x6d: {  	v56 =	vld [tilespmem:$0x400];
	[tilespmem:$0x1140] =	vst v51  }
0x6e: {  	v57 =	vld [tilespmem:$0x380];
	[tilespmem:$0x1130] =	vst v52  }
0x6f: {  	v58 =	vld [tilespmem:$0x300];
	[tilespmem:$0x1120] =	vst v53  }
0x70: {  	v59 =	vld [tilespmem:$0x200];
	[tilespmem:$0x1110] =	vst v54  }
0x71: {  	v60 =	vld [tilespmem:$0x280];
	[tilespmem:$0x1100] =	vst v55  }
0x72: {  	v61 =	vld [tilespmem:$0x80];
	[tilespmem:$0x10F0] =	vst v56  }
0x73: {  	v62 =	vld [tilespmem:$0x180];
	[tilespmem:$0x10E0] =	vst v57  }
0x74: {  	v63 =	vld [tilespmem:$0x100];
	[tilespmem:$0x10D0] =	vst v58  }
0x75: {  	[tilespmem:$0x10B0] =	vst v59  }
0x76: {  	[tilespmem:$0x10C0] =	vst v60  }
0x77: {  	[tilespmem:$0x1080] =	vst v61  }
0x78: {  	[tilespmem:$0x10A0] =	vst v62  }
0x79: {  	[tilespmem:$0x1090] =	vst v63  }
0x7a: {  	[tilespmem:s15], [sflag:$0x2] =	stream.indirect.gather [hbm4b:s4+s13], $0x80, s14, s13, $0xb8;
	[tilespmem:$0x11280] =	vst v63  }
0x7b: {  	s17 =	sadd.s32 $0x1, s17;
	_ =	swait.ge [sflag:s16], $0x10000  }
0x7c: {  	p0 =	sne.s32 s17, s5;
	[sflag:s16] =	ssyncset.done $0x0  }
.Ltmp1:
0x7d: {  	[sflag:s16] =	ssyncadd.s32 $0xFFFF0000;
	(pc) =	sbr.rel @p0 .LBB2_1-.Ltmp1, $4  }
0x7e: {  	[hbm4b:s18+s3] =	stream.linear.scatter [tilespmem:s15], [sflag:$0x3], $0x10000, $0x38;
	[tilespmem:$0x11280] =	vst v63  }
0x7f: {  	_ =	swait.ge [sflag:s9], $0x10000  }
0x80: {  	[sflag:s9] =	ssyncset.done $0x0  }
0x81: {  	[sflag:s9] =	ssyncadd.s32 $0xFFFF0000  }
0x82: {  	_ =	sfence.sel $0x180000  }
0x83: {  	[bflag:$0x0] =	sbarrier.arrive $0xFFFF  }
0x84: {  	p0 =	sne.s32 s0, $0x0;
	_ =	strace $0x9000004A  }
0x85: {  	s0 =	sadd.s32 @!p0 $0x100000, s1;
	[bflag:$0x2] =	sbarrier.arrive $0xFFFF  }
0x86: {  	[sflag:s0] =	ssyncadd.tile.s32 @!p0 $0x1;
	_ =	shalt  }
.Lfunc_end2:
_tile_overlayer_lowered:
.L_overlay_start_2:
0x87: {  	(tag) =	ssettag $0x2  }
0x88: {  	s0 =	rddreg [dreg:$0x0];
	s2 =	stileid.u32  }
0x89: {  	s1 =	rddreg [dreg:$0x1];
	p0 =	sne.s32 s2, $0x0  }
0x8a: {  	s3 =	rddreg [dreg:$0x2];
	[bflag:$0x3] =	sbarrier.arrive $0xFFFF;
	s2 =	simm.s32 @!p0 $0x1C03  }
0x8b: {  	[timem:s3], [sflag:s2] =	dma.local @!p0 [hbm:s0], s1  }
0x8c: {  	s0 =	simm.s32 @!p0 $0x3  }
0x8d: {  	_ =	swait.ge @!p0 [sflag:s0], s1  }
0x8e: {  	s1 =	ssub.s32 @!p0 $0x0, s1;
	[sflag:s0] =	ssyncset.done @!p0 $0x0  }
0x8f: {  	[sflag:s0] =	ssyncadd.s32 @!p0 s1  }
0x90: {  	[bflag:$0x3] =	sbarrier.arrive $0xFFFF  }
0x91: {  	_ =	shalt  }

// kernel: kernel.19.cloned.1.call-start
scs
__scs_entry_jumppad:
0x0: {  	(pc) =	sbr.rel $0x88, $3  }
0x1: {  	(tag) =	ssettag $0x0;
	lr =	simm.s32 $0x1  }
0x2: {  	[smem:$0x3F95] =	sst lr;
	_ =	strace $0xD0000000  }
0x3: {  	_ = 	snop  }
0x4: {  	_ = 	snop  }
0x5: {  	_ = 	snop  }
0x6: {  	_ = 	snop  }
0x7: {  	_ = 	snop  }
__scs_overlays_trampoline_lowered:
0x8: {  	[smem:$0x3FA4] =	sst s0  }
0x9: {  	[smem:$0x3FA5] =	sst s1  }
0xa: {  	[smem:$0x3FA6] =	sst s2  }
0xb: {  	[smem:$0x3FA7] =	sst s3  }
0xc: {  	[smem:$0x3FA8] =	sst s4  }
0xd: {  	[smem:$0x3FA9] =	sst s5  }
0xe: {  	[smem:$0x3FAA] =	sst s6  }
0xf: {  	[smem:$0x3FAB] =	sst s7  }
0x10: {  	[smem:$0x3FAC] =	sst s8  }
0x11: {  	[smem:$0x3FAD] =	sst s9;
	s0 =	simm.s32 @!p0 $0x0  }
0x12: {  	s1 =	sld [smem:$0x3F93];
	s0 =	simm.s32 @p0 $0x1  }
0x13: {  	[smem:$0x3FAE] =	sst s0;
	s0 =	simm.s32 @!p1 $0x0  }
0x14: {  	s2 =	sld [smem:$0x3F92];
	s0 =	simm.s32 @p1 $0x1  }
0x15: {  	[smem:$0x3FAF] =	sst s0;
	s0 =	simm.s32 @!p2 $0x0  }
0x16: {  	s3 =	sld [smem:$0x3FDB];
	s0 =	simm.s32 @p2 $0x1  }
0x17: {  	s4 =	simm.s32 $0x1BF5;
	[smem:$0x3FB1] =	sst s0  }
0x18: {  	s0 =	sld [smem:$0x3F94];
	_ =	swait.ge [sflag:s4], $0x0  }
0x19: {  	s7 =	sld [smem:$0x3F95]  }
0x1a: {  	s8 =	sadd.s32 $0xFFFFE003, lr  }
0x1b: {  	s9 =	sadd.s32 $0xFFFFFEF7, lr;
	s5 =	simm.s32 $0xFFFFFFFF;
	p2 =	slt.u32 s8, $0xFFFFF086  }
0x1c: {  	p1 =	slt.u32 s9, $0xF7A;
	s5 =	simm.s32 @!p2 $0x0  }
0x1d: {  	s5 =	simm.s32 @p1 $0x1;
	p0 =	seq.s32 s7, s2  }
0x1e: {  	s7 =	smul.u32 @!p0 $0xF7A, s2;
	p2 =	seq.s32 @!p0 s5, $0x0  }
0x1f: {  	s9 =	smul.u32 $0xF7A, s1;
	s8 =	simm.s32 @!p0 $0x1BF5;
	p2 =	por !p2, p0  }
0x20: {  	[sflag:s8] =	ssyncset.s32 @!p0 $0xFFFFF086;
	s6 =	sadd.s32 @!p0 s3, s7;
	s7 =	simm.s32 @!p0 $0x108  }
0x21: {  	s3 =	sadd.s32 s3, s9;
	s6 =	sadd.s32 @!p0 $0x88, s6;
	s7 =	simm.s32 @p2 $0x1082  }
0x22: {  	[simem:s7], [sflag:s8] =	dma.local @!p0 [hbm:s6], $0xF7A  }
0x23: {  	s9 =	sor.u32 $0xD0000000, s2;
	s6 =	simm.s32 $0x108;
	_ =	swait.ge @!p0 [sflag:s8], $0x0  }
0x24: {  	s3 =	sadd.s32 $0x88, s3;
	s6 =	simm.s32 @!p1 $0x1082;
	[sflag:s4] =	ssyncset.s32 $0xFFFFF086  }
0x25: {  	[simem:s6], [sflag:s4] =	dma.local [hbm:s3], $0xF7A  }
0x26: {  	[smem:$0x3F95] =	sst s1;
	(tag) =	ssettag s2;
	_ =	strace s9  }
0x27: {  	s1 =	sld [smem:$0x3FA5]  }
0x28: {  	s2 =	sld [smem:$0x3FA6]  }
0x29: {  	s4 =	sld [smem:$0x3FA8]  }
0x2a: {  	p0 =	seq.s32 s5, $0x0;
	s5 =	sld [smem:$0x3FA9]  }
0x2b: {  	s6 =	sld [smem:$0x3FAA]  }
0x2c: {  	s7 =	sld [smem:$0x3FAB]  }
0x2d: {  	s3 =	simm.s32 $0x108;
	s8 =	sld [smem:$0x3FAC]  }
0x2e: {  	s3 =	simm.s32 @!p0 $0x1082;
	s9 =	sld [smem:$0x3FAD]  }
0x2f: {  	lr =	sadd.s32 s0, s3;
	s0 =	sld [smem:$0x3FA4]  }
0x30: {  	s3 =	sld [smem:$0x3FA7]  }
0x31: {  	[smem:$0x3FB0] =	sst s10  }
0x32: {  	s10 =	sld [smem:$0x3FAE];
	_ =	sdelay $0x3  }
0x33: {  	p0 =	seq.s32 s10, $0x1;
	s10 =	sld [smem:$0x3FB0];
	_ =	sdelay $0x3  }
0x34: {  	[smem:$0x3FB0] =	sst s10  }
0x35: {  	s10 =	sld [smem:$0x3FAF];
	_ =	sdelay $0x3  }
0x36: {  	p1 =	seq.s32 s10, $0x1;
	s10 =	sld [smem:$0x3FB0];
	_ =	sdelay $0x3  }
0x37: {  	[smem:$0x3FB0] =	sst s10  }
0x38: {  	s10 =	sld [smem:$0x3FB1]  }
0x39: {  	_ = 	snop;
	(pc) =	sbr.ind lr, $3  }
0x3a: {  	_ = 	snop  }
0x3b: {  	_ = 	snop  }
0x3c: {  	p2 =	seq.s32 s10, $0x1;
	s10 =	sld [smem:$0x3FB0]  }
0x3d: {  	_ =	shalt  }
0x3e: {  	_ =	shalt  }
0x3f: {  	_ =	shalt  }
0x40: {  	_ =	shalt  }
0x41: {  	_ =	shalt  }
0x42: {  	_ =	shalt  }
0x43: {  	_ =	shalt  }
0x44: {  	_ =	shalt  }
0x45: {  	_ =	shalt  }
0x46: {  	_ =	shalt  }
0x47: {  	_ =	shalt  }
0x48: {  	_ =	shalt  }
0x49: {  	_ =	shalt  }
0x4a: {  	_ =	shalt  }
0x4b: {  	_ =	shalt  }
0x4c: {  	_ =	shalt  }
0x4d: {  	_ =	shalt  }
0x4e: {  	_ =	shalt  }
0x4f: {  	_ =	shalt  }
0x50: {  	_ =	shalt  }
0x51: {  	_ =	shalt  }
0x52: {  	_ =	shalt  }
0x53: {  	_ =	shalt  }
0x54: {  	_ =	shalt  }
0x55: {  	_ =	shalt  }
0x56: {  	_ =	shalt  }
0x57: {  	_ =	shalt  }
0x58: {  	_ =	shalt  }
0x59: {  	_ =	shalt  }
0x5a: {  	_ =	shalt  }
0x5b: {  	_ =	shalt  }
0x5c: {  	_ =	shalt  }
0x5d: {  	_ =	shalt  }
0x5e: {  	_ =	shalt  }
0x5f: {  	_ =	shalt  }
0x60: {  	_ =	shalt  }
0x61: {  	_ =	shalt  }
0x62: {  	_ =	shalt  }
0x63: {  	_ =	shalt  }
0x64: {  	_ =	shalt  }
0x65: {  	_ =	shalt  }
0x66: {  	_ =	shalt  }
0x67: {  	_ =	shalt  }
0x68: {  	_ =	shalt  }
0x69: {  	_ =	shalt  }
0x6a: {  	_ =	shalt  }
0x6b: {  	_ =	shalt  }
0x6c: {  	_ =	shalt  }
0x6d: {  	_ =	shalt  }
0x6e: {  	_ =	shalt  }
0x6f: {  	_ =	shalt  }
0x70: {  	_ =	shalt  }
0x71: {  	_ =	shalt  }
0x72: {  	_ =	shalt  }
0x73: {  	_ =	shalt  }
0x74: {  	_ =	shalt  }
0x75: {  	_ =	shalt  }
0x76: {  	_ =	shalt  }
0x77: {  	_ =	shalt  }
0x78: {  	_ =	shalt  }
0x79: {  	_ =	shalt  }
0x7a: {  	_ =	shalt  }
0x7b: {  	_ =	shalt  }
0x7c: {  	_ =	shalt  }
0x7d: {  	_ =	shalt  }
0x7e: {  	_ =	shalt  }
0x7f: {  	_ =	shalt  }
0x80: {  	_ =	shalt  }
0x81: {  	_ =	shalt  }
0x82: {  	_ =	shalt  }
0x83: {  	_ =	shalt  }
0x84: {  	_ =	shalt  }
0x85: {  	_ =	shalt  }
0x86: {  	_ =	shalt  }
0x87: {  	_ =	shalt  }
.Lfunc_end0:
.L_simem_size_0:
called_computation.2_lowered:
.L_overlay_start_0:
0x88: {  	s2 =	sld [smem:$0x3FD9]  }
0x89: {  	s3 =	sld [smem:$0x3FFE];
	_ =	sdelay $0x1  }
0x8a: {  	s1 =	srdreg.scid  }
0x8b: {  	s0 =	sand.u32 $0x1, s1  }
0x8c: {  	s17 =	sshll.u32 s0, $0xA;
	s2 =	sadd.s32 s3, s2  }
0x8d: {  	s2 =	sadd.s32 s2, s17  }
0x8e: {  	[smem:$0x3FBC] =	sst s2  }
0x8f: {  	_ = 	snop  }
0x90: {  	s2 =	sld [smem:$0x3FD0];
	(tm) =	ssettm $0x1  }
0x91: {  	s18 =	sld [smem:$0x3FFB];
	_ =	sdelay $0x3  }
0x92: {  	_ =	strace s18  }
0x93: {  	s3 =	sld [smem:$0x3FFC];
	_ =	sdelay $0x3  }
0x94: {  	_ =	strace s3  }
0x95: {  	s3 =	sld [smem:$0x3FFD];
	_ =	sdelay $0x3  }
0x96: {  	_ =	strace s3  }
0x97: {  	_ =	strace $0x8FFFFFFF  }
0x98: {  	s19 =	sld [smem:$0x3FDB];
	_ =	sdelay $0x1  }
0x99: {  	s4 =	simm.s32 $_scs_section_size  }
0x9a: {  	s5 =	simm.s32 $_size__tile_overlayer_lowered;
	s6 =	simm.s32 $_tile_overlayer_lowered  }
0x9b: {  	s22 =	simm.s32 $0x1BFF;
	s21 =	sshll.u32 s6, $0x1;
	s3 =	sadd.s32 s4, s19  }
0x9c: {  	s7 =	simm.s32 $0x0;
	s20 =	sshll.u32 s5, $0x1;
	s5 =	sadd.s32 s21, s3  }
0x9d: {  	[timem:s7], [sflag:s22] =	dma.local [hbm:s5], s20  }
0x9e: {  	_ =	swait.ge [sflag:s22], s20  }
0x9f: {  	s4 =	ssub.s32 $0x0, s20;
	[sflag:s22] =	ssyncset.done $0x0  }
0xa0: {  	[sflag:s22] =	ssyncadd.s32 s4;
	_ =	sdelay $0x1  }
0xa1: {  	s23 =	simm.s32 $0x1B8B  }
0xa2: {  	_ =	swait.ge [sflag:s23], $0x1  }
0xa3: {  	[sflag:s23] =	ssyncset.done $0x0  }
0xa4: {  	s25 =	simm.s32 $0x1B8E;
	s24 =	sld [smem:$0x3FFE];
	[sflag:s23] =	ssyncadd.s32 $0xFFFFFFFF  }
0xa5: {  	s26 =	simm.s32 $execute0_lowered;
	[smem:$0x3FD2] =	sst s25  }
0xa6: {  	s5 =	sshll.u32 s26, $0x1;
	_ =	strace $0x8000004C;
	[dreg:$0x1] =	wrdreg $0xFFFFFFFF  }
0xa7: {  	s28 =	simm.s32 $_size_execute0_lowered;
	s3 =	sadd.s32 s3, s5;
	[dreg:$0x0] =	wrdreg $0x0  }
0xa8: {  	s5 =	sshll.u32 s28, $0x1;
	[dreg:$0x2] =	wrdreg s3  }
0xa9: {  	[dreg:$0x3] =	wrdreg s5  }
0xaa: {  	[dreg:$0x4] =	wrdreg $0xC0  }
0xab: {  	_ =	task [dreg:s7], $0x5FFFF  }
0xac: {  	[dreg:$0x1] =	wrdreg $0xFFFFFFFF  }
0xad: {  	[dreg:$0x0] =	wrdreg $0x60  }
0xae: {  	[dreg:$0x2] =	wrdreg s24  }
0xaf: {  	[dreg:$0x3] =	wrdreg s2  }
0xb0: {  	[dreg:$0x4] =	wrdreg $0x9  }
0xb1: {  	_ =	task.clear_ibuf [dreg:s7], $0x5FFFF;
	_ =	strace $0x9000004C  }
0xb2: {  	s29 =	simm.s32 $0x9;
	_ =	strace $0x8000004E  }
0xb3: {  	_ =	swait.ge [sflag:s29], $0x1  }
0xb4: {  	[sflag:s29] =	ssyncadd.s32 $0xFFFFFFFF  }
0xb5: {  	_ =	strace $0x9000004E  }
0xb6: {  	_ =	sfence  }
0xb7: {  	s30 =	sld [smem:$0x0];
	_ =	sdelay $0x2  }
0xb8: {  	s31 =	sshll.u32 s1, $0xD;
	s1 =	sshrl.u32 s1, $0x2  }
0xb9: {  	s3 =	sand.u32 $0x4000, s31;
	s1 =	sadd.s32 s1, s30  }
0xba: {  	s0 =	sor.u32 s3, s0;
	s1 =	sshll.u32 s1, $0x11  }
0xbb: {  	s0 =	sor.u32 s1, s0  }
0xbc: {  	s0 =	sadd.s32 $0x8F2B, s0  }
0xbd: {  	[sflag:s0] =	ssyncadd.remote.s32 $0x1  }
0xbe: {  	_ =	sfence.sel $0xFFFF  }
0xbf: {  	[dreg:$0x0] =	wrdreg $0xFFFFFFFF;
	(pc) =	sbr.abs _section_cstart, $3  }
0xc0: {  	[dreg:$0x1] =	wrdreg $0xFFFFFFFF  }
0xc1: {  	_ =	task.clear_ibuf [dreg:s7], $0x2FFFF;
	_ =	strace $0x9FFFFFFF  }
0xc2: {  	(tm) =	ssettm $0x7FFFFFFF  }
0xc3: {  	_ =	shalt  }
tec
execute0_lowered:
.L_overlay_start_1:
0x0: {  	(tag) =	ssettag $0x1  }
0x1: {  	s1 =	srdreg.scid  }
0x2: {  	s0 =	stileid.u32;
	s5 =	rddreg [dreg:$0x0]  }
0x3: {  	s2 =	rddreg [dreg:$0x1];
	s3 =	simm.s32 $0x0;
	s4 =	smul.u32 $0x280, s0  }
0x4: {  	s13 =	simm.s32 $0x200;
	s14 =	simm.s32 $0x1080;
	s30 =	smul.u32 $0x2800, s0  }
0x5: {  	s15 =	simm.s32 $0x1280;
	s6 =	sand.u32 $0x1, s1;
	s8 =	smul.u32 $0x28000, s0  }
0x6: {  	s16 =	simm.s32 $0x2;
	s1 =	rddreg [dreg:$0x2];
	s7 =	smul.u32 $0x140, s6  }
0x7: {  	s17 =	simm.s32 $0x0;
	[smem:$0x7FF] =	sst s3;
	s11 =	smul.u32 $0x1400, s6  }
0x8: {  	_ =	strace $0x8000004D;
	s10 =	ssub.s32 $0x2, s6;
	s6 =	smul.u32 $0x14000, s6  }
0x9: {  	s12 =	sshrl.u32 s10, $0x1;
	s8 =	sadd.s32 s8, s5;
	s4 =	sadd.s32 s7, s4  }
0xa: {  	s7 =	sadd.s32 s30, s5;
	s31 =	ssub.s32 s10, s12;
	s8 =	sadd.s32 s6, s8  }
0xb: {  	s10 =	simm.s32 $0x20;
	s12 =	simm.s32 $0x1;
	s4 =	sshrl.u32 s4, $0x3  }
0xc: {  	s7 =	sadd.s32 s11, s7;
	s11 =	simm.s32 $0x80;
	s9 =	sadd.s32 s4, s5  }
0xd: {  	s4 =	sadd.s32 $0xC8200, s5;
	s5 =	smax.u32 s31, $0x1;
	s6 =	sadd.s32 $0x5600, s7  }
0xe: {  	s7 =	sadd.s32 $0xEF400, s8;
	s8 =	sadd.s32 $0x5000, s9;
	s9 =	simm.s32 $0x3  }
.LBB2_1:
0xf: {  	s18 =	sadd.s32 $0x0, s8  }
0x10: {  	[tilespmem:s3], [sflag:$0x3] =	stream.linear.gather [hbm4b:s18+s3], $0x20, $0x38;
	[tilespmem:$0x11280] =	vst v63  }
0x11: {  	_ =	swait.ge [sflag:s9], $0x20  }
0x12: {  	[sflag:s9] =	ssyncset.done $0x0  }
0x13: {  	[sflag:s9] =	ssyncadd.s32 $0xFFFFFFE0  }
0x14: {  	[tilespmem:s11], [sflag:$0x1] =	stream.indirect.gather [hbm4b:s2+s10], $0x80, s3, s10, $0xb8;
	[tilespmem:$0x11280] =	vst v63  }
0x15: {  	_ =	swait.ge [sflag:s12], $0x1000  }
0x16: {  	[sflag:s12] =	ssyncset.done $0x0  }
0x17: {  	[sflag:s12] =	ssyncadd.s32 $0xFFFFF000  }
0x18: {  	[hbm4b:s6+s3] =	stream.linear.scatter [tilespmem:s11], [sflag:$0x3], $0x1000, $0x38;
	[tilespmem:$0x11280] =	vst v63  }
0x19: {  	_ =	swait.ge [sflag:s9], $0x1000  }
0x1a: {  	[sflag:s9] =	ssyncset.done $0x0  }
0x1b: {  	[sflag:s9] =	ssyncadd.s32 $0xFFFFF000  }
0x1c: {  	v0 =	vld [tilespmem:$0x1000]  }
0x1d: {  	v1 =	vld [tilespmem:$0xF00]  }
0x1e: {  	v2 =	vld [tilespmem:$0xF80]  }
0x1f: {  	v3 =	vld [tilespmem:$0xE00]  }
0x20: {  	v5 =	vld [tilespmem:$0xE80]  }
0x21: {  	v6 =	vld [tilespmem:$0xD00];
	[tilespmem:$0x1270] =	vst v0  }
0x22: {  	v7 =	vld [tilespmem:$0xD80];
	[tilespmem:$0x1250] =	vst v1  }
0x23: {  	v8 =	vld [tilespmem:$0xC00];
	[tilespmem:$0x1260] =	vst v2  }
0x24: {  	v4 =	vld [tilespmem:$0xC80];
	[tilespmem:$0x1230] =	vst v3  }
0x25: {  	v3 =	vld [tilespmem:$0xB00];
	[tilespmem:$0x1240] =	vst v5  }
0x26: {  	v0 =	vld [tilespmem:$0xB80];
	[tilespmem:$0x1210] =	vst v6  }
0x27: {  	s19 =	simm.s32 $0x4;
	v1 =	vld [tilespmem:$0xA00];
	[tilespmem:$0x1220] =	vst v7  }
0x28: {  	s20 =	smov.u32 s6;
	s21 =	smov.u32 s7;
	s18 =	smov.u32 s7;
	v2 =	vld [tilespmem:$0xA80];
	[tilespmem:$0x11F0] =	vst v8  }
.LBB2_2:
0x29: {  	p0 =	sne.s32 s19, $0x24;
	v5 =	vld [tilespmem:$0x900];
	[tilespmem:$0x1200] =	vst v4;
	s20 =	sadd.s32 $0x200, s20;
	s21 =	sadd.s32 $0x2000, s21  }
0x2a: {  	s22 =	smov.u32 s19;
	s19 =	sadd.s32 $0x4, s19;
	v4 =	vld [tilespmem:$0x980];
	[tilespmem:$0x11D0] =	vst v3  }
0x2b: {  	v3 =	vld [tilespmem:$0x800];
	[tilespmem:$0x11E0] =	vst v0  }
0x2c: {  	v0 =	vld [tilespmem:$0x880];
	[tilespmem:$0x11B0] =	vst v1  }
0x2d: {  	v1 =	vld [tilespmem:$0x780];
	[tilespmem:$0x11C0] =	vst v2  }
0x2e: {  	v2 =	vld [tilespmem:$0x700];
	[tilespmem:$0x1190] =	vst v5  }
0x2f: {  	v5 =	vld [tilespmem:$0x680];
	[tilespmem:$0x11A0] =	vst v4  }
0x30: {  	v4 =	vld [tilespmem:$0x600];
	[tilespmem:$0x1170] =	vst v3  }
0x31: {  	v3 =	vld [tilespmem:$0x580];
	[tilespmem:$0x1180] =	vst v0  }
0x32: {  	v0 =	vld [tilespmem:$0x500];
	[tilespmem:$0x1160] =	vst v1  }
0x33: {  	v1 =	vld [tilespmem:$0x480];
	[tilespmem:$0x1150] =	vst v2  }
0x34: {  	v2 =	vld [tilespmem:$0x400];
	[tilespmem:$0x1140] =	vst v5  }
0x35: {  	v5 =	vld [tilespmem:$0x380];
	[tilespmem:$0x1130] =	vst v4  }
0x36: {  	v4 =	vld [tilespmem:$0x300];
	[tilespmem:$0x1120] =	vst v3  }
0x37: {  	v3 =	vld [tilespmem:$0x200];
	[tilespmem:$0x1110] =	vst v0  }
0x38: {  	v0 =	vld [tilespmem:$0x280];
	[tilespmem:$0x1100] =	vst v1  }
0x39: {  	v1 =	vld [tilespmem:$0x80];
	[tilespmem:$0x10F0] =	vst v2  }
0x3a: {  	v2 =	vld [tilespmem:$0x180];
	[tilespmem:$0x10E0] =	vst v5  }
0x3b: {  	v5 =	vld [tilespmem:$0x100];
	[tilespmem:$0x10D0] =	vst v4  }
0x3c: {  	[tilespmem:$0x10B0] =	vst v3  }
0x3d: {  	[tilespmem:$0x10C0] =	vst v0  }
0x3e: {  	[tilespmem:$0x1080] =	vst v1  }
0x3f: {  	[tilespmem:$0x10A0] =	vst v2  }
0x40: {  	[tilespmem:$0x1090] =	vst v5  }
0x41: {  	[tilespmem:s15], [sflag:$0x2] =	stream.indirect.gather [hbm4b:s4+s13], $0x80, s14, s13, $0xb8;
	[tilespmem:$0x11280] =	vst v63  }
0x42: {  	_ =	swait.ge [sflag:s16], $0x10000  }
0x43: {  	[sflag:s16] =	ssyncset.done $0x0  }
0x44: {  	[sflag:s16] =	ssyncadd.s32 $0xFFFF0000  }
0x45: {  	[hbm4b:s18+s3] =	stream.linear.scatter [tilespmem:s15], [sflag:$0x3], $0x10000, $0x38;
	[tilespmem:$0x11280] =	vst v63  }
0x46: {  	s18 =	smov.u32 s21;
	_ =	swait.ge [sflag:s9], $0x10000  }
0x47: {  	[sflag:s9] =	ssyncset.done $0x0  }
0x48: {  	s22 =	sadd.s32 s22, s8;
	[sflag:s9] =	ssyncadd.s32 $0xFFFF0000  }
0x49: {  	[tilespmem:s3], [sflag:$0x3] =	stream.linear.gather [hbm4b:s22+s3], $0x20, $0x38;
	[tilespmem:$0x11280] =	vst v63  }
0x4a: {  	_ =	swait.ge [sflag:s9], $0x20  }
0x4b: {  	[sflag:s9] =	ssyncset.done $0x0  }
0x4c: {  	[sflag:s9] =	ssyncadd.s32 $0xFFFFFFE0  }
0x4d: {  	[tilespmem:s11], [sflag:$0x1] =	stream.indirect.gather [hbm4b:s2+s10], $0x80, s3, s10, $0xb8;
	[tilespmem:$0x11280] =	vst v63  }
0x4e: {  	_ =	swait.ge [sflag:s12], $0x1000  }
0x4f: {  	[sflag:s12] =	ssyncset.done $0x0  }
0x50: {  	[sflag:s12] =	ssyncadd.s32 $0xFFFFF000  }
0x51: {  	[hbm4b:s20+s3] =	stream.linear.scatter [tilespmem:s11], [sflag:$0x3], $0x1000, $0x38;
	[tilespmem:$0x11280] =	vst v63  }
0x52: {  	_ =	swait.ge [sflag:s9], $0x1000  }
0x53: {  	[sflag:s9] =	ssyncset.done $0x0  }
0x54: {  	[sflag:s9] =	ssyncadd.s32 $0xFFFFF000  }
0x55: {  	v0 =	vld [tilespmem:$0x1000]  }
0x56: {  	v1 =	vld [tilespmem:$0xF00]  }
0x57: {  	v2 =	vld [tilespmem:$0xF80]  }
0x58: {  	v3 =	vld [tilespmem:$0xE00]  }
0x59: {  	v5 =	vld [tilespmem:$0xE80]  }
0x5a: {  	v6 =	vld [tilespmem:$0xD00];
	[tilespmem:$0x1270] =	vst v0  }
0x5b: {  	v7 =	vld [tilespmem:$0xD80];
	[tilespmem:$0x1250] =	vst v1  }
0x5c: {  	v8 =	vld [tilespmem:$0xC00];
	[tilespmem:$0x1260] =	vst v2  }
.Ltmp0:
0x5d: {  	v4 =	vld [tilespmem:$0xC80];
	[tilespmem:$0x1230] =	vst v3;
	(pc) =	sbr.rel @p0 .LBB2_2-.Ltmp0, $4  }
0x5e: {  	v3 =	vld [tilespmem:$0xB00];
	[tilespmem:$0x1240] =	vst v5  }
0x5f: {  	v0 =	vld [tilespmem:$0xB80];
	[tilespmem:$0x1210] =	vst v6  }
0x60: {  	v1 =	vld [tilespmem:$0xA00];
	[tilespmem:$0x1220] =	vst v7  }
0x61: {  	v2 =	vld [tilespmem:$0xA80];
	[tilespmem:$0x11F0] =	vst v8  }
0x62: {  	v5 =	vld [tilespmem:$0x900];
	[tilespmem:$0x1200] =	vst v4  }
0x63: {  	v46 =	vld [tilespmem:$0x980];
	[tilespmem:$0x11D0] =	vst v3  }
0x64: {  	v47 =	vld [tilespmem:$0x800];
	[tilespmem:$0x11E0] =	vst v0  }
0x65: {  	v48 =	vld [tilespmem:$0x880];
	[tilespmem:$0x11B0] =	vst v1  }
0x66: {  	v49 =	vld [tilespmem:$0x780];
	[tilespmem:$0x11C0] =	vst v2  }
0x67: {  	v50 =	vld [tilespmem:$0x700];
	[tilespmem:$0x1190] =	vst v5  }
0x68: {  	v51 =	vld [tilespmem:$0x680];
	[tilespmem:$0x11A0] =	vst v46  }
0x69: {  	v52 =	vld [tilespmem:$0x600];
	[tilespmem:$0x1170] =	vst v47  }
0x6a: {  	v53 =	vld [tilespmem:$0x580];
	[tilespmem:$0x1180] =	vst v48  }
0x6b: {  	v54 =	vld [tilespmem:$0x500];
	[tilespmem:$0x1160] =	vst v49  }
0x6c: {  	v55 =	vld [tilespmem:$0x480];
	[tilespmem:$0x1150] =	vst v50  }
0x6d: {  	v56 =	vld [tilespmem:$0x400];
	[tilespmem:$0x1140] =	vst v51  }
0x6e: {  	v57 =	vld [tilespmem:$0x380];
	[tilespmem:$0x1130] =	vst v52  }
0x6f: {  	v58 =	vld [tilespmem:$0x300];
	[tilespmem:$0x1120] =	vst v53  }
0x70: {  	v59 =	vld [tilespmem:$0x200];
	[tilespmem:$0x1110] =	vst v54  }
0x71: {  	v60 =	vld [tilespmem:$0x280];
	[tilespmem:$0x1100] =	vst v55  }
0x72: {  	v61 =	vld [tilespmem:$0x80];
	[tilespmem:$0x10F0] =	vst v56  }
0x73: {  	v62 =	vld [tilespmem:$0x180];
	[tilespmem:$0x10E0] =	vst v57  }
0x74: {  	v63 =	vld [tilespmem:$0x100];
	[tilespmem:$0x10D0] =	vst v58  }
0x75: {  	[tilespmem:$0x10B0] =	vst v59  }
0x76: {  	[tilespmem:$0x10C0] =	vst v60  }
0x77: {  	[tilespmem:$0x1080] =	vst v61  }
0x78: {  	[tilespmem:$0x10A0] =	vst v62  }
0x79: {  	[tilespmem:$0x1090] =	vst v63  }
0x7a: {  	[tilespmem:s15], [sflag:$0x2] =	stream.indirect.gather [hbm4b:s4+s13], $0x80, s14, s13, $0xb8;
	[tilespmem:$0x11280] =	vst v63  }
0x7b: {  	s17 =	sadd.s32 $0x1, s17;
	_ =	swait.ge [sflag:s16], $0x10000  }
0x7c: {  	p0 =	sne.s32 s17, s5;
	[sflag:s16] =	ssyncset.done $0x0  }
.Ltmp1:
0x7d: {  	[sflag:s16] =	ssyncadd.s32 $0xFFFF0000;
	(pc) =	sbr.rel @p0 .LBB2_1-.Ltmp1, $4  }
0x7e: {  	[hbm4b:s18+s3] =	stream.linear.scatter [tilespmem:s15], [sflag:$0x3], $0x10000, $0x38;
	[tilespmem:$0x11280] =	vst v63  }
0x7f: {  	_ =	swait.ge [sflag:s9], $0x10000  }
0x80: {  	[sflag:s9] =	ssyncset.done $0x0  }
0x81: {  	[sflag:s9] =	ssyncadd.s32 $0xFFFF0000  }
0x82: {  	_ =	sfence.sel $0x180000  }
0x83: {  	[bflag:$0x0] =	sbarrier.arrive $0xFFFF  }
0x84: {  	p0 =	sne.s32 s0, $0x0;
	_ =	strace $0x9000004D  }
0x85: {  	s0 =	sadd.s32 @!p0 $0x100000, s1;
	[bflag:$0x2] =	sbarrier.arrive $0xFFFF  }
0x86: {  	[sflag:s0] =	ssyncadd.tile.s32 @!p0 $0x1;
	_ =	shalt  }
.Lfunc_end2:
_tile_overlayer_lowered:
.L_overlay_start_2:
0x87: {  	(tag) =	ssettag $0x2  }
0x88: {  	s0 =	rddreg [dreg:$0x0];
	s2 =	stileid.u32  }
0x89: {  	s1 =	rddreg [dreg:$0x1];
	p0 =	sne.s32 s2, $0x0  }
0x8a: {  	s3 =	rddreg [dreg:$0x2];
	[bflag:$0x3] =	sbarrier.arrive $0xFFFF;
	s2 =	simm.s32 @!p0 $0x1C03  }
0x8b: {  	[timem:s3], [sflag:s2] =	dma.local @!p0 [hbm:s0], s1  }
0x8c: {  	s0 =	simm.s32 @!p0 $0x3  }
0x8d: {  	_ =	swait.ge @!p0 [sflag:s0], s1  }
0x8e: {  	s1 =	ssub.s32 @!p0 $0x0, s1;
	[sflag:s0] =	ssyncset.done @!p0 $0x0  }
0x8f: {  	[sflag:s0] =	ssyncadd.s32 @!p0 s1  }
0x90: {  	[bflag:$0x3] =	sbarrier.arrive $0xFFFF  }
0x91: {  	_ =	shalt  }

// kernel: kernel.22.cloned.1.call-start
scs
__scs_entry_jumppad:
0x0: {  	(pc) =	sbr.rel $0x88, $3  }
0x1: {  	(tag) =	ssettag $0x0;
	lr =	simm.s32 $0x1  }
0x2: {  	[smem:$0x3F95] =	sst lr;
	_ =	strace $0xD0000000  }
0x3: {  	_ = 	snop  }
0x4: {  	_ = 	snop  }
0x5: {  	_ = 	snop  }
0x6: {  	_ = 	snop  }
0x7: {  	_ = 	snop  }
__scs_overlays_trampoline_lowered:
0x8: {  	[smem:$0x3FA4] =	sst s0  }
0x9: {  	[smem:$0x3FA5] =	sst s1  }
0xa: {  	[smem:$0x3FA6] =	sst s2  }
0xb: {  	[smem:$0x3FA7] =	sst s3  }
0xc: {  	[smem:$0x3FA8] =	sst s4  }
0xd: {  	[smem:$0x3FA9] =	sst s5  }
0xe: {  	[smem:$0x3FAA] =	sst s6  }
0xf: {  	[smem:$0x3FAB] =	sst s7  }
0x10: {  	[smem:$0x3FAC] =	sst s8  }
0x11: {  	[smem:$0x3FAD] =	sst s9;
	s0 =	simm.s32 @!p0 $0x0  }
0x12: {  	s1 =	sld [smem:$0x3F93];
	s0 =	simm.s32 @p0 $0x1  }
0x13: {  	[smem:$0x3FAE] =	sst s0;
	s0 =	simm.s32 @!p1 $0x0  }
0x14: {  	s2 =	sld [smem:$0x3F92];
	s0 =	simm.s32 @p1 $0x1  }
0x15: {  	[smem:$0x3FAF] =	sst s0;
	s0 =	simm.s32 @!p2 $0x0  }
0x16: {  	s3 =	sld [smem:$0x3FDB];
	s0 =	simm.s32 @p2 $0x1  }
0x17: {  	s4 =	simm.s32 $0x1BF5;
	[smem:$0x3FB1] =	sst s0  }
0x18: {  	s0 =	sld [smem:$0x3F94];
	_ =	swait.ge [sflag:s4], $0x0  }
0x19: {  	s7 =	sld [smem:$0x3F95]  }
0x1a: {  	s8 =	sadd.s32 $0xFFFFE003, lr  }
0x1b: {  	s9 =	sadd.s32 $0xFFFFFEF7, lr;
	s5 =	simm.s32 $0xFFFFFFFF;
	p2 =	slt.u32 s8, $0xFFFFF086  }
0x1c: {  	p1 =	slt.u32 s9, $0xF7A;
	s5 =	simm.s32 @!p2 $0x0  }
0x1d: {  	s5 =	simm.s32 @p1 $0x1;
	p0 =	seq.s32 s7, s2  }
0x1e: {  	s7 =	smul.u32 @!p0 $0xF7A, s2;
	p2 =	seq.s32 @!p0 s5, $0x0  }
0x1f: {  	s9 =	smul.u32 $0xF7A, s1;
	s8 =	simm.s32 @!p0 $0x1BF5;
	p2 =	por !p2, p0  }
0x20: {  	[sflag:s8] =	ssyncset.s32 @!p0 $0xFFFFF086;
	s6 =	sadd.s32 @!p0 s3, s7;
	s7 =	simm.s32 @!p0 $0x108  }
0x21: {  	s3 =	sadd.s32 s3, s9;
	s6 =	sadd.s32 @!p0 $0x88, s6;
	s7 =	simm.s32 @p2 $0x1082  }
0x22: {  	[simem:s7], [sflag:s8] =	dma.local @!p0 [hbm:s6], $0xF7A  }
0x23: {  	s9 =	sor.u32 $0xD0000000, s2;
	s6 =	simm.s32 $0x108;
	_ =	swait.ge @!p0 [sflag:s8], $0x0  }
0x24: {  	s3 =	sadd.s32 $0x88, s3;
	s6 =	simm.s32 @!p1 $0x1082;
	[sflag:s4] =	ssyncset.s32 $0xFFFFF086  }
0x25: {  	[simem:s6], [sflag:s4] =	dma.local [hbm:s3], $0xF7A  }
0x26: {  	[smem:$0x3F95] =	sst s1;
	(tag) =	ssettag s2;
	_ =	strace s9  }
0x27: {  	s1 =	sld [smem:$0x3FA5]  }
0x28: {  	s2 =	sld [smem:$0x3FA6]  }
0x29: {  	s4 =	sld [smem:$0x3FA8]  }
0x2a: {  	p0 =	seq.s32 s5, $0x0;
	s5 =	sld [smem:$0x3FA9]  }
0x2b: {  	s6 =	sld [smem:$0x3FAA]  }
0x2c: {  	s7 =	sld [smem:$0x3FAB]  }
0x2d: {  	s3 =	simm.s32 $0x108;
	s8 =	sld [smem:$0x3FAC]  }
0x2e: {  	s3 =	simm.s32 @!p0 $0x1082;
	s9 =	sld [smem:$0x3FAD]  }
0x2f: {  	lr =	sadd.s32 s0, s3;
	s0 =	sld [smem:$0x3FA4]  }
0x30: {  	s3 =	sld [smem:$0x3FA7]  }
0x31: {  	[smem:$0x3FB0] =	sst s10  }
0x32: {  	s10 =	sld [smem:$0x3FAE];
	_ =	sdelay $0x3  }
0x33: {  	p0 =	seq.s32 s10, $0x1;
	s10 =	sld [smem:$0x3FB0];
	_ =	sdelay $0x3  }
0x34: {  	[smem:$0x3FB0] =	sst s10  }
0x35: {  	s10 =	sld [smem:$0x3FAF];
	_ =	sdelay $0x3  }
0x36: {  	p1 =	seq.s32 s10, $0x1;
	s10 =	sld [smem:$0x3FB0];
	_ =	sdelay $0x3  }
0x37: {  	[smem:$0x3FB0] =	sst s10  }
0x38: {  	s10 =	sld [smem:$0x3FB1]  }
0x39: {  	_ = 	snop;
	(pc) =	sbr.ind lr, $3  }
0x3a: {  	_ = 	snop  }
0x3b: {  	_ = 	snop  }
0x3c: {  	p2 =	seq.s32 s10, $0x1;
	s10 =	sld [smem:$0x3FB0]  }
0x3d: {  	_ =	shalt  }
0x3e: {  	_ =	shalt  }
0x3f: {  	_ =	shalt  }
0x40: {  	_ =	shalt  }
0x41: {  	_ =	shalt  }
0x42: {  	_ =	shalt  }
0x43: {  	_ =	shalt  }
0x44: {  	_ =	shalt  }
0x45: {  	_ =	shalt  }
0x46: {  	_ =	shalt  }
0x47: {  	_ =	shalt  }
0x48: {  	_ =	shalt  }
0x49: {  	_ =	shalt  }
0x4a: {  	_ =	shalt  }
0x4b: {  	_ =	shalt  }
0x4c: {  	_ =	shalt  }
0x4d: {  	_ =	shalt  }
0x4e: {  	_ =	shalt  }
0x4f: {  	_ =	shalt  }
0x50: {  	_ =	shalt  }
0x51: {  	_ =	shalt  }
0x52: {  	_ =	shalt  }
0x53: {  	_ =	shalt  }
0x54: {  	_ =	shalt  }
0x55: {  	_ =	shalt  }
0x56: {  	_ =	shalt  }
0x57: {  	_ =	shalt  }
0x58: {  	_ =	shalt  }
0x59: {  	_ =	shalt  }
0x5a: {  	_ =	shalt  }
0x5b: {  	_ =	shalt  }
0x5c: {  	_ =	shalt  }
0x5d: {  	_ =	shalt  }
0x5e: {  	_ =	shalt  }
0x5f: {  	_ =	shalt  }
0x60: {  	_ =	shalt  }
0x61: {  	_ =	shalt  }
0x62: {  	_ =	shalt  }
0x63: {  	_ =	shalt  }
0x64: {  	_ =	shalt  }
0x65: {  	_ =	shalt  }
0x66: {  	_ =	shalt  }
0x67: {  	_ =	shalt  }
0x68: {  	_ =	shalt  }
0x69: {  	_ =	shalt  }
0x6a: {  	_ =	shalt  }
0x6b: {  	_ =	shalt  }
0x6c: {  	_ =	shalt  }
0x6d: {  	_ =	shalt  }
0x6e: {  	_ =	shalt  }
0x6f: {  	_ =	shalt  }
0x70: {  	_ =	shalt  }
0x71: {  	_ =	shalt  }
0x72: {  	_ =	shalt  }
0x73: {  	_ =	shalt  }
0x74: {  	_ =	shalt  }
0x75: {  	_ =	shalt  }
0x76: {  	_ =	shalt  }
0x77: {  	_ =	shalt  }
0x78: {  	_ =	shalt  }
0x79: {  	_ =	shalt  }
0x7a: {  	_ =	shalt  }
0x7b: {  	_ =	shalt  }
0x7c: {  	_ =	shalt  }
0x7d: {  	_ =	shalt  }
0x7e: {  	_ =	shalt  }
0x7f: {  	_ =	shalt  }
0x80: {  	_ =	shalt  }
0x81: {  	_ =	shalt  }
0x82: {  	_ =	shalt  }
0x83: {  	_ =	shalt  }
0x84: {  	_ =	shalt  }
0x85: {  	_ =	shalt  }
0x86: {  	_ =	shalt  }
0x87: {  	_ =	shalt  }
.Lfunc_end0:
.L_simem_size_0:
called_computation.3_lowered:
.L_overlay_start_0:
0x88: {  	s2 =	sld [smem:$0x3FD9]  }
0x89: {  	s3 =	sld [smem:$0x3FFE];
	_ =	sdelay $0x1  }
0x8a: {  	s1 =	srdreg.scid  }
0x8b: {  	s0 =	sand.u32 $0x1, s1  }
0x8c: {  	s17 =	sshll.u32 s0, $0xA;
	s2 =	sadd.s32 s3, s2  }
0x8d: {  	s2 =	sadd.s32 s2, s17  }
0x8e: {  	[smem:$0x3FBC] =	sst s2  }
0x8f: {  	_ = 	snop  }
0x90: {  	s2 =	sld [smem:$0x3FC9]  }
0x91: {  	s18 =	sld [smem:$0x3FD0];
	(tm) =	ssettm $0x1  }
0x92: {  	s4 =	sld [smem:$0x3FFB];
	_ =	sdelay $0x3  }
0x93: {  	_ =	strace s4  }
0x94: {  	s4 =	sld [smem:$0x3FFC];
	_ =	sdelay $0x3  }
0x95: {  	_ =	strace s4  }
0x96: {  	s4 =	sld [smem:$0x3FFD];
	_ =	sdelay $0x3  }
0x97: {  	_ =	strace s4  }
0x98: {  	_ =	strace $0x8FFFFFFF  }
0x99: {  	s19 =	sld [smem:$0x3FDB];
	_ =	sdelay $0x1  }
0x9a: {  	s5 =	simm.s32 $_scs_section_size  }
0x9b: {  	s6 =	simm.s32 $_size__tile_overlayer_lowered;
	s7 =	simm.s32 $_tile_overlayer_lowered  }
0x9c: {  	s22 =	simm.s32 $0x1BFF;
	s21 =	sshll.u32 s7, $0x1;
	s4 =	sadd.s32 s5, s19  }
0x9d: {  	s8 =	simm.s32 $0x0;
	s20 =	sshll.u32 s6, $0x1;
	s6 =	sadd.s32 s21, s4  }
0x9e: {  	[timem:s8], [sflag:s22] =	dma.local [hbm:s6], s20  }
0x9f: {  	_ =	swait.ge [sflag:s22], s20  }
0xa0: {  	s5 =	ssub.s32 $0x0, s20;
	[sflag:s22] =	ssyncset.done $0x0  }
0xa1: {  	[sflag:s22] =	ssyncadd.s32 s5;
	_ =	sdelay $0x1  }
0xa2: {  	s23 =	simm.s32 $0x1B8B  }
0xa3: {  	_ =	swait.ge [sflag:s23], $0x1  }
0xa4: {  	[sflag:s23] =	ssyncset.done $0x0  }
0xa5: {  	s25 =	simm.s32 $0x1B8E;
	s24 =	sld [smem:$0x3FFE];
	[sflag:s23] =	ssyncadd.s32 $0xFFFFFFFF  }
0xa6: {  	s26 =	simm.s32 $execute0_lowered;
	[smem:$0x3FD2] =	sst s25  }
0xa7: {  	s6 =	sshll.u32 s26, $0x1;
	_ =	strace $0x8000004F;
	[dreg:$0x1] =	wrdreg $0xFFFFFFFF  }
0xa8: {  	s28 =	simm.s32 $_size_execute0_lowered;
	s4 =	sadd.s32 s4, s6;
	[dreg:$0x0] =	wrdreg $0x0  }
0xa9: {  	s6 =	sshll.u32 s28, $0x1;
	[dreg:$0x2] =	wrdreg s4  }
0xaa: {  	[dreg:$0x3] =	wrdreg s6  }
0xab: {  	[dreg:$0x4] =	wrdreg $0xC0  }
0xac: {  	_ =	task [dreg:s8], $0x5FFFF  }
0xad: {  	[dreg:$0x1] =	wrdreg $0xFFFFFFFF  }
0xae: {  	[dreg:$0x0] =	wrdreg $0x60  }
0xaf: {  	[dreg:$0x2] =	wrdreg s18  }
0xb0: {  	[dreg:$0x3] =	wrdreg s2  }
0xb1: {  	[dreg:$0x4] =	wrdreg s24  }
0xb2: {  	[dreg:$0x5] =	wrdreg $0x9  }
0xb3: {  	_ =	task.clear_ibuf [dreg:s8], $0x6FFFF;
	_ =	strace $0x9000004F  }
0xb4: {  	s29 =	simm.s32 $0x9;
	_ =	strace $0x80000051  }
0xb5: {  	_ =	swait.ge [sflag:s29], $0x1  }
0xb6: {  	[sflag:s29] =	ssyncadd.s32 $0xFFFFFFFF  }
0xb7: {  	_ =	strace $0x90000051  }
0xb8: {  	_ =	sfence  }
0xb9: {  	s30 =	sld [smem:$0x0];
	_ =	sdelay $0x2  }
0xba: {  	s31 =	sshll.u32 s1, $0xD;
	s1 =	sshrl.u32 s1, $0x2  }
0xbb: {  	s3 =	sand.u32 $0x4000, s31;
	s1 =	sadd.s32 s1, s30  }
0xbc: {  	s0 =	sor.u32 s3, s0;
	s1 =	sshll.u32 s1, $0x11  }
0xbd: {  	s0 =	sor.u32 s1, s0  }
0xbe: {  	s0 =	sadd.s32 $0x8F2B, s0  }
0xbf: {  	[sflag:s0] =	ssyncadd.remote.s32 $0x1  }
0xc0: {  	_ =	sfence.sel $0xFFFF  }
0xc1: {  	[dreg:$0x0] =	wrdreg $0xFFFFFFFF;
	(pc) =	sbr.abs _section_cstart, $3  }
0xc2: {  	[dreg:$0x1] =	wrdreg $0xFFFFFFFF  }
0xc3: {  	_ =	task.clear_ibuf [dreg:s8], $0x2FFFF;
	_ =	strace $0x9FFFFFFF  }
0xc4: {  	(tm) =	ssettm $0x7FFFFFFF  }
0xc5: {  	_ =	shalt  }
tec
execute0_lowered:
.L_overlay_start_1:
0x0: {  	(tag) =	ssettag $0x1  }
0x1: {  	s1 =	srdreg.scid;
	s0 =	stileid.u32  }
0x2: {  	s14 =	rddreg [dreg:$0x0];
	s15 =	sand.u32 $0x1, s1;
	s26 =	sshll.u32 s0, $0x1  }
0x3: {  	s2 =	rddreg [dreg:$0x1];
	s9 =	sor.u32 s15, s26  }
0x4: {  	s10 =	rddreg [dreg:$0x2];
	s16 =	smul.u32 $0x3C0, s9  }
0x5: {  	s3 =	simm.s32 $0x0;
	s1 =	rddreg [dreg:$0x3]  }
0x6: {  	[smem:$0x7FF] =	sst s3;
	s4 =	sshrl.u32 s16, $0x3  }
0x7: {  	_ =	strace $0x80000050;
	s5 =	sadd.s32 s14, s4;
	s4 =	simm.s32 $0x2  }
0x8: {  	[tilespmem:s3], [sflag:$0x2] =	stream.linear.gather [hbm4b:s5+s3], $0xF0, $0x38;
	[tilespmem:$0x7900] =	vst v63  }
0x9: {  	_ =	swait.ge [sflag:s4], $0xF0  }
0xa: {  	s6 =	simm.s32 $0xF0;
	[sflag:s4] =	ssyncset.done $0x0  }
0xb: {  	s7 =	simm.s32 $0x100;
	s8 =	simm.s32 $0x1;
	[sflag:s4] =	ssyncadd.s32 $0xFFFFFF10  }
0xc: {  	[tilespmem:s7], [sflag:$0x1] =	stream.indirect.gather [hbm4b:s2+s6], $0x80, s3, s6, $0xb8;
	[tilespmem:$0x7900] =	vst v63  }
0xd: {  	s9 =	smul.u32 $0x3C00, s9;
	_ =	swait.ge [sflag:s8], $0x7800  }
0xe: {  	s17 =	sadd.s32 $0x4A00, s10;
	[sflag:s8] =	ssyncset.done $0x0  }
0xf: {  	s9 =	sadd.s32 s17, s9;
	[sflag:s8] =	ssyncadd.s32 $0xFFFF8800  }
0x10: {  	[hbm4b:s9+s3] =	stream.linear.scatter [tilespmem:s7], [sflag:$0x2], $0x7800, $0x38;
	[tilespmem:$0x7900] =	vst v63  }
0x11: {  	s11 =	sadd.s32 $0xF0, s16;
	_ =	swait.ge [sflag:s4], $0x7800  }
0x12: {  	s28 =	sshrl.u32 s11, $0x3;
	[sflag:s4] =	ssyncset.done $0x0  }
0x13: {  	s10 =	sadd.s32 s14, s28;
	[sflag:s4] =	ssyncadd.s32 $0xFFFF8800  }
0x14: {  	[tilespmem:s3], [sflag:$0x2] =	stream.linear.gather [hbm4b:s10+s3], $0xF0, $0x38;
	[tilespmem:$0x7900] =	vst v63  }
0x15: {  	_ =	swait.ge [sflag:s4], $0xF0  }
0x16: {  	[sflag:s4] =	ssyncset.done $0x0  }
0x17: {  	[sflag:s4] =	ssyncadd.s32 $0xFFFFFF10  }
0x18: {  	[tilespmem:s7], [sflag:$0x1] =	stream.indirect.gather [hbm4b:s2+s6], $0x80, s3, s6, $0xb8;
	[tilespmem:$0x7900] =	vst v63  }
0x19: {  	_ =	swait.ge [sflag:s8], $0x7800  }
0x1a: {  	s11 =	sshll.u32 s11, $0x4;
	[sflag:s8] =	ssyncset.done $0x0  }
0x1b: {  	s11 =	sadd.s32 s17, s11;
	[sflag:s8] =	ssyncadd.s32 $0xFFFF8800  }
0x1c: {  	[hbm4b:s11+s3] =	stream.linear.scatter [tilespmem:s7], [sflag:$0x2], $0x7800, $0x38;
	[tilespmem:$0x7900] =	vst v63  }
0x1d: {  	s13 =	sadd.s32 $0x1E0, s16;
	_ =	swait.ge [sflag:s4], $0x7800  }
0x1e: {  	s12 =	sshrl.u32 s13, $0x3;
	[sflag:s4] =	ssyncset.done $0x0  }
0x1f: {  	s12 =	sadd.s32 s14, s12;
	[sflag:s4] =	ssyncadd.s32 $0xFFFF8800  }
0x20: {  	[tilespmem:s3], [sflag:$0x2] =	stream.linear.gather [hbm4b:s12+s3], $0xF0, $0x38;
	[tilespmem:$0x7900] =	vst v63  }
0x21: {  	_ =	swait.ge [sflag:s4], $0xF0  }
0x22: {  	[sflag:s4] =	ssyncset.done $0x0  }
0x23: {  	[sflag:s4] =	ssyncadd.s32 $0xFFFFFF10  }
0x24: {  	[tilespmem:s7], [sflag:$0x1] =	stream.indirect.gather [hbm4b:s2+s6], $0x80, s3, s6, $0xb8;
	[tilespmem:$0x7900] =	vst v63  }
0x25: {  	_ =	swait.ge [sflag:s8], $0x7800  }
0x26: {  	s13 =	sshll.u32 s13, $0x4;
	[sflag:s8] =	ssyncset.done $0x0  }
0x27: {  	s13 =	sadd.s32 s17, s13;
	[sflag:s8] =	ssyncadd.s32 $0xFFFF8800  }
0x28: {  	[hbm4b:s13+s3] =	stream.linear.scatter [tilespmem:s7], [sflag:$0x2], $0x7800, $0x38;
	[tilespmem:$0x7900] =	vst v63  }
0x29: {  	s16 =	sadd.s32 $0x2D0, s16;
	_ =	swait.ge [sflag:s4], $0x7800  }
0x2a: {  	s18 =	sshrl.u32 s16, $0x3;
	[sflag:s4] =	ssyncset.done $0x0  }
0x2b: {  	s15 =	ssub.s32 $0x2, s15;
	s14 =	sadd.s32 s14, s18;
	[sflag:s4] =	ssyncadd.s32 $0xFFFF8800  }
0x2c: {  	[tilespmem:s3], [sflag:$0x2] =	stream.linear.gather [hbm4b:s14+s3], $0xF0, $0x38;
	[tilespmem:$0x7900] =	vst v63  }
0x2d: {  	s29 =	sshrl.u32 s15, $0x1;
	_ =	swait.ge [sflag:s4], $0xF0  }
0x2e: {  	s18 =	ssub.s32 s15, s29;
	[sflag:s4] =	ssyncset.done $0x0  }
0x2f: {  	s31 =	smax.u32 s18, $0x1;
	[sflag:s4] =	ssyncadd.s32 $0xFFFFFF10  }
0x30: {  	[tilespmem:s7], [sflag:$0x1] =	stream.indirect.gather [hbm4b:s2+s6], $0x80, s3, s6, $0xb8;
	[tilespmem:$0x7900] =	vst v63  }
0x31: {  	p0 =	sne.s32 s31, $0x1;
	_ =	swait.ge [sflag:s8], $0x7800  }
.Ltmp0:
0x32: {  	s30 =	sshll.u32 s16, $0x4;
	[sflag:s8] =	ssyncset.done $0x0;
	(pc) =	sbr.rel @!p0 .LBB2_2-.Ltmp0, $4  }
0x33: {  	s15 =	sadd.s32 s17, s30;
	[sflag:s8] =	ssyncadd.s32 $0xFFFF8800  }
0x34: {  	[hbm4b:s15+s3] =	stream.linear.scatter [tilespmem:s7], [sflag:$0x2], $0x7800, $0x38;
	[tilespmem:$0x7900] =	vst v63  }
0x35: {  	_ =	swait.ge [sflag:s4], $0x7800  }
0x36: {  	s16 =	sadd.s32 $0xFFFFFFFF, s31;
	[sflag:s4] =	ssyncset.done $0x0  }
.LBB2_1:
0x37: {  	p0 =	sne.s32 s16, $0x1;
	s16 =	sadd.s32 $0xFFFFFFFF, s16;
	[sflag:s4] =	ssyncadd.s32 $0xFFFF8800  }
0x38: {  	[tilespmem:s3], [sflag:$0x2] =	stream.linear.gather [hbm4b:s5+s3], $0xF0, $0x38;
	[tilespmem:$0x7900] =	vst v63  }
0x39: {  	_ =	swait.ge [sflag:s4], $0xF0  }
0x3a: {  	[sflag:s4] =	ssyncset.done $0x0  }
0x3b: {  	[sflag:s4] =	ssyncadd.s32 $0xFFFFFF10  }
0x3c: {  	[tilespmem:s7], [sflag:$0x1] =	stream.indirect.gather [hbm4b:s2+s6], $0x80, s3, s6, $0xb8;
	[tilespmem:$0x7900] =	vst v63  }
0x3d: {  	_ =	swait.ge [sflag:s8], $0x7800  }
0x3e: {  	[sflag:s8] =	ssyncset.done $0x0  }
0x3f: {  	[sflag:s8] =	ssyncadd.s32 $0xFFFF8800  }
0x40: {  	[hbm4b:s9+s3] =	stream.linear.scatter [tilespmem:s7], [sflag:$0x2], $0x7800, $0x38;
	[tilespmem:$0x7900] =	vst v63  }
0x41: {  	_ =	swait.ge [sflag:s4], $0x7800  }
0x42: {  	[sflag:s4] =	ssyncset.done $0x0  }
0x43: {  	[sflag:s4] =	ssyncadd.s32 $0xFFFF8800  }
0x44: {  	[tilespmem:s3], [sflag:$0x2] =	stream.linear.gather [hbm4b:s10+s3], $0xF0, $0x38;
	[tilespmem:$0x7900] =	vst v63  }
0x45: {  	_ =	swait.ge [sflag:s4], $0xF0  }
0x46: {  	[sflag:s4] =	ssyncset.done $0x0  }
0x47: {  	[sflag:s4] =	ssyncadd.s32 $0xFFFFFF10  }
0x48: {  	[tilespmem:s7], [sflag:$0x1] =	stream.indirect.gather [hbm4b:s2+s6], $0x80, s3, s6, $0xb8;
	[tilespmem:$0x7900] =	vst v63  }
0x49: {  	_ =	swait.ge [sflag:s8], $0x7800  }
0x4a: {  	[sflag:s8] =	ssyncset.done $0x0  }
0x4b: {  	[sflag:s8] =	ssyncadd.s32 $0xFFFF8800  }
0x4c: {  	[hbm4b:s11+s3] =	stream.linear.scatter [tilespmem:s7], [sflag:$0x2], $0x7800, $0x38;
	[tilespmem:$0x7900] =	vst v63  }
0x4d: {  	_ =	swait.ge [sflag:s4], $0x7800  }
0x4e: {  	[sflag:s4] =	ssyncset.done $0x0  }
0x4f: {  	[sflag:s4] =	ssyncadd.s32 $0xFFFF8800  }
0x50: {  	[tilespmem:s3], [sflag:$0x2] =	stream.linear.gather [hbm4b:s12+s3], $0xF0, $0x38;
	[tilespmem:$0x7900] =	vst v63  }
0x51: {  	_ =	swait.ge [sflag:s4], $0xF0  }
0x52: {  	[sflag:s4] =	ssyncset.done $0x0  }
0x53: {  	[sflag:s4] =	ssyncadd.s32 $0xFFFFFF10  }
0x54: {  	[tilespmem:s7], [sflag:$0x1] =	stream.indirect.gather [hbm4b:s2+s6], $0x80, s3, s6, $0xb8;
	[tilespmem:$0x7900] =	vst v63  }
0x55: {  	_ =	swait.ge [sflag:s8], $0x7800  }
0x56: {  	[sflag:s8] =	ssyncset.done $0x0  }
0x57: {  	[sflag:s8] =	ssyncadd.s32 $0xFFFF8800  }
0x58: {  	[hbm4b:s13+s3] =	stream.linear.scatter [tilespmem:s7], [sflag:$0x2], $0x7800, $0x38;
	[tilespmem:$0x7900] =	vst v63  }
0x59: {  	_ =	swait.ge [sflag:s4], $0x7800  }
0x5a: {  	[sflag:s4] =	ssyncset.done $0x0  }
0x5b: {  	[sflag:s4] =	ssyncadd.s32 $0xFFFF8800  }
0x5c: {  	[tilespmem:s3], [sflag:$0x2] =	stream.linear.gather [hbm4b:s14+s3], $0xF0, $0x38;
	[tilespmem:$0x7900] =	vst v63  }
0x5d: {  	_ =	swait.ge [sflag:s4], $0xF0  }
0x5e: {  	[sflag:s4] =	ssyncset.done $0x0  }
0x5f: {  	[sflag:s4] =	ssyncadd.s32 $0xFFFFFF10  }
0x60: {  	[tilespmem:s7], [sflag:$0x1] =	stream.indirect.gather [hbm4b:s2+s6], $0x80, s3, s6, $0xb8;
	[tilespmem:$0x7900] =	vst v63  }
0x61: {  	_ =	swait.ge [sflag:s8], $0x7800  }
.Ltmp1:
0x62: {  	[sflag:s8] =	ssyncset.done $0x0;
	(pc) =	sbr.rel @p0 .LBB2_1-.Ltmp1, $4  }
0x63: {  	[sflag:s8] =	ssyncadd.s32 $0xFFFF8800  }
0x64: {  	[hbm4b:s15+s3] =	stream.linear.scatter [tilespmem:s7], [sflag:$0x2], $0x7800, $0x38;
	[tilespmem:$0x7900] =	vst v63  }
0x65: {  	_ =	swait.ge [sflag:s4], $0x7800  }
0x66: {  	[sflag:s4] =	ssyncset.done $0x0  }
.LBB2_2:
0x67: {  	[sflag:s4] =	ssyncadd.s32 $0xFFFF8800  }
0x68: {  	_ =	sfence.sel $0x180000  }
0x69: {  	[bflag:$0x0] =	sbarrier.arrive $0xFFFF  }
0x6a: {  	p0 =	sne.s32 s0, $0x0;
	_ =	strace $0x90000050  }
0x6b: {  	s0 =	sadd.s32 @!p0 $0x100000, s1;
	[bflag:$0x2] =	sbarrier.arrive $0xFFFF  }
0x6c: {  	[sflag:s0] =	ssyncadd.tile.s32 @!p0 $0x1;
	_ =	shalt  }
.Lfunc_end2:
_tile_overlayer_lowered:
.L_overlay_start_2:
0x6d: {  	(tag) =	ssettag $0x2  }
0x6e: {  	s0 =	rddreg [dreg:$0x0];
	s2 =	stileid.u32  }
0x6f: {  	s1 =	rddreg [dreg:$0x1];
	p0 =	sne.s32 s2, $0x0  }
0x70: {  	s3 =	rddreg [dreg:$0x2];
	[bflag:$0x3] =	sbarrier.arrive $0xFFFF;
	s2 =	simm.s32 @!p0 $0x1C02  }
0x71: {  	[timem:s3], [sflag:s2] =	dma.local @!p0 [hbm:s0], s1  }
0x72: {  	s0 =	simm.s32 @!p0 $0x2  }
0x73: {  	_ =	swait.ge @!p0 [sflag:s0], s1  }
0x74: {  	s1 =	ssub.s32 @!p0 $0x0, s1;
	[sflag:s0] =	ssyncset.done @!p0 $0x0  }
0x75: {  	[sflag:s0] =	ssyncadd.s32 @!p0 s1  }
0x76: {  	[bflag:$0x3] =	sbarrier.arrive $0xFFFF  }
0x77: {  	_ =	shalt  }

</sc_bundles>
